<compile_context>
chip_gen: v7x
topology: tpu7x:2x2x1
jax: 0.10.2.dev20260603
libtpu: 0.0.44.dev20260713+nightly
codegen_flags: <defaults>
</compile_context>

<pallas_src>
import functools

import jax
import jax.numpy as jnp
from jax import lax
from jax.experimental import pallas as pl
from jax.experimental.pallas import tpu as pltpu
from jax.experimental.pallas import tpu_sc as plsc

N_NODES = 50000
D = 128
S = 10
BATCH = 50000

NC = 2
NS = 16
NW = NC * NS

CH = 128
CPW = 13
PER_W = CH * CPW
PAD = NW * PER_W

PLAN = ((0, 4, 0), (4, 2, 1), (6, 4, 0), (10, 2, 1), (12, 1, 1))

TB = 2000


def _worker_id():
    return lax.axis_index("s") * NC + lax.axis_index("c")


def _zero_rows(acc, nrows):
    zero = jnp.zeros((16,), jnp.float32)

    def body(r, _):
        for c in range(D // 16):
            acc[r, pl.ds(c * 16, 16)] = zero
        return 0

    lax.fori_loop(0, nrows, body, 0)


def _s1_body(nidx_hbm, feat_hbm, nsum_hbm, idx_v, acc0_v, acc1_v,
             gsem0, gsem1, ssem0, ssem1):
    wid = _worker_id()
    base_c = wid * CPW

    pltpu.sync_copy(nidx_hbm.at[wid], idx_v)

    accs = (acc0_v, acc1_v)
    gsems = (gsem0, gsem1)
    ssems = (ssem0, ssem1)
    store = [None, None]
    for g0, ck, b in PLAN:
        if store[b] is not None:
            store[b].wait()
        acc = accs[b]
        _zero_rows(acc, ck * CH)
        drains = []
        for c in range(ck):
            dst = acc.at[pl.ds(c * CH, CH)]
            for s in range(S):
                drains.append(pltpu.async_copy(
                    feat_hbm.at[idx_v.at[s * CPW + g0 + c]], dst, gsems[b],
                    add=True))
        for d in drains:
            d.wait()
        store[b] = pltpu.async_copy(
            acc.at[pl.ds(0, ck * CH)],
            nsum_hbm.at[pl.ds((base_c + g0) * CH, ck * CH)], ssems[b])
    for d in store:
        if d is not None:
            d.wait()


@functools.partial(
    pl.kernel,
    out_type=jax.ShapeDtypeStruct((PAD, D), jnp.float32),
    mesh=plsc.VectorSubcoreMesh(core_axis_name="c", subcore_axis_name="s"),
    scratch_types=[
        pltpu.VMEM((S * CPW, CH), jnp.int32),
        pltpu.VMEM((4 * CH, D), jnp.float32),
        pltpu.VMEM((2 * CH, D), jnp.float32),
        pltpu.SemaphoreType.DMA,
        pltpu.SemaphoreType.DMA,
        pltpu.SemaphoreType.DMA,
        pltpu.SemaphoreType.DMA,
    ],
)
def _stage1(nidx_hbm, feat_hbm, nsum_hbm, idx_v, acc0_v, acc1_v,
            gsem0, gsem1, ssem0, ssem1):
    _s1_body(nidx_hbm, feat_hbm, nsum_hbm, idx_v, acc0_v, acc1_v,
             gsem0, gsem1, ssem0, ssem1)


def _s2_body(nodes_hbm, pw_hbm, out_hbm, nodes_v, buf0, buf1,
             gsem0, gsem1, ssem0, ssem1):
    wid = _worker_id()
    base_c = wid * CPW

    pltpu.sync_copy(nodes_hbm.at[wid], nodes_v)

    bufs = (buf0, buf1)
    gsems = (gsem0, gsem1)
    ssems = (ssem0, ssem1)
    store = [None, None]
    for g0, ck, b in PLAN:
        if store[b] is not None:
            store[b].wait()
        buf = bufs[b]
        drains = []
        for c in range(ck):
            drains.append(pltpu.async_copy(
                pw_hbm.at[nodes_v.at[g0 + c]],
                buf.at[pl.ds(c * CH, CH)], gsems[b]))
        for d in drains:
            d.wait()
        store[b] = pltpu.async_copy(
            buf.at[pl.ds(0, ck * CH)],
            out_hbm.at[pl.ds((base_c + g0) * CH, ck * CH)], ssems[b])
    for d in store:
        if d is not None:
            d.wait()


@functools.partial(
    pl.kernel,
    out_type=jax.ShapeDtypeStruct((PAD, D), jnp.float32),
    mesh=plsc.VectorSubcoreMesh(core_axis_name="c", subcore_axis_name="s"),
    scratch_types=[
        pltpu.VMEM((CPW, CH), jnp.int32),
        pltpu.VMEM((4 * CH, D), jnp.float32),
        pltpu.VMEM((2 * CH, D), jnp.float32),
        pltpu.SemaphoreType.DMA,
        pltpu.SemaphoreType.DMA,
        pltpu.SemaphoreType.DMA,
        pltpu.SemaphoreType.DMA,
    ],
)
def _stage2(nodes_hbm, pw_hbm, out_hbm, nodes_v, buf0, buf1,
            gsem0, gsem1, ssem0, ssem1):
    _s2_body(nodes_hbm, pw_hbm, out_hbm, nodes_v, buf0, buf1,
             gsem0, gsem1, ssem0, ssem1)


def _prep_body(wi_ref, wf_ref, bi_ref, bf_ref, a_ref, c_ref, c0_ref):
    wi = wi_ref[...]
    wf1 = wf_ref[:D, :]
    wf2 = wf_ref[D:, :]
    a_ref[...] = jnp.dot(wi, wf1, preferred_element_type=jnp.float32)
    c_ref[...] = jnp.dot(wi, wf2, preferred_element_type=jnp.float32) * (
        1.0 / S)
    c0_ref[...] = (jnp.dot(bi_ref[...], wf1 + wf2,
                           preferred_element_type=jnp.float32) + bf_ref[...])


def _mm_body(feat_ref, nsum_ref, a_ref, c_ref, c0_ref, o_ref):
    x = jnp.dot(feat_ref[...], a_ref[...], preferred_element_type=jnp.float32)
    x = x + jnp.dot(nsum_ref[...], c_ref[...],
                    preferred_element_type=jnp.float32)
    x = x + c0_ref[...]
    o_ref[...] = x * (1.0 / (1.0 + jnp.exp(-x)))


def _fold_weights(w_init, w_final, b_init, b_final):
    return pl.pallas_call(
        _prep_body,
        out_shape=(jax.ShapeDtypeStruct((D, D), jnp.float32),
                   jax.ShapeDtypeStruct((D, D), jnp.float32),
                   jax.ShapeDtypeStruct((1, D), jnp.float32)),
    )(w_init, w_final, b_init.reshape(1, D), b_final.reshape(1, D))


def _matmul_swish(features, nsum, a, c, c0):
    grid = (N_NODES // TB,)
    return pl.pallas_call(
        _mm_body,
        grid=grid,
        in_specs=[
            pl.BlockSpec((TB, D), lambda i: (i, 0)),
            pl.BlockSpec((TB, D), lambda i: (i, 0)),
            pl.BlockSpec((D, D), lambda i: (0, 0)),
            pl.BlockSpec((D, D), lambda i: (0, 0)),
            pl.BlockSpec((1, D), lambda i: (0, 0)),
        ],
        out_specs=pl.BlockSpec((TB, D), lambda i: (i, 0)),
        out_shape=jax.ShapeDtypeStruct((N_NODES, D), jnp.float32),
    )(features, nsum, a, c, c0)


@jax.jit
def kernel(nodes, neigh_idx, features, W_init, b_init, W_final, b_final):
    nodes_p = jnp.pad(nodes.astype(jnp.int32), (0, PAD - BATCH))
    nidx_t = jnp.pad(neigh_idx.astype(jnp.int32),
                     ((0, PAD - N_NODES), (0, 0))).T
    nidx_w = nidx_t.reshape(S, NW, CPW * CH).transpose(1, 0, 2).reshape(
        NW, S * CPW, CH)
    nodes3 = nodes_p.reshape(NW, CPW, CH)

    nsum = _stage1(nidx_w, features)
    a, c, c0 = _fold_weights(W_init, W_final, b_init, b_final)
    pw = _matmul_swish(features, nsum, a, c, c0)
    out = _stage2(nodes3, pw)
    return out[:BATCH]

# --- scband reference (transcript-rebuilt; emitter-appended) ---
"""Pipeline reference for scband-graph-encoder-61899068670274 (READ-ONLY COPY).

The authoritative reference and input builder live on the scoring server;
editing this copy changes nothing except your own understanding.
"""

import jax, jax.numpy as jnp
import numpy as np

N_NODES = 50000
FEATURE_DIM = 128
EMBED_DIM = 128
NUM_SAMPLE = 10
BATCH = 50000


def swish(x):
    return x * jax.nn.sigmoid(x)


def setup_inputs(seed: int = 0) -> dict:
    key = jax.random.key(seed)
    k1, k2, k3, k4, k5 = jax.random.split(key, 5)
    nodes = jax.random.randint(k1, (BATCH,), 0, N_NODES, dtype=jnp.int64 if jax.config.jax_enable_x64 else jnp.int32)
    neigh_idx = jax.random.randint(k2, (N_NODES, NUM_SAMPLE), 0, N_NODES, dtype=jnp.int64 if jax.config.jax_enable_x64 else jnp.int32)
    features = jax.random.normal(k3, (N_NODES, FEATURE_DIM), dtype=jnp.float32)
    W_init = jax.random.normal(k4, (FEATURE_DIM, EMBED_DIM), dtype=jnp.float32) / np.sqrt(FEATURE_DIM)
    b_init = jnp.zeros((EMBED_DIM,), dtype=jnp.float32)
    W_final = jax.random.normal(k5, (2 * FEATURE_DIM, EMBED_DIM), dtype=jnp.float32) / np.sqrt(2 * FEATURE_DIM)
    b_final = jnp.zeros((EMBED_DIM,), dtype=jnp.float32)
    return {
        "nodes": nodes,
        "neigh_idx": neigh_idx,
        "features": features,
        "W_init": W_init,
        "b_init": b_init,
        "W_final": W_final,
        "b_final": b_final,
    }


def reference(nodes, neigh_idx, features, W_init, b_init, W_final, b_final):
    # MeanAggregator: sample NUM_SAMPLE neighbors per node (pre-sampled as
    # fixed-size neigh_idx to make sampling deterministic), transform each
    # neighbor's features with init_transform, then mean over neighbors.
    samp = jnp.take(neigh_idx, nodes, axis=0)            # [B, S]
    neigh_raw = jnp.take(features, samp, axis=0)         # [B, S, d] gather
    neigh_emb = neigh_raw @ W_init + b_init              # [B, S, e]
    neigh_feats = jnp.mean(neigh_emb, axis=1)            # [B, e] mean-aggregate
    # gcn=False branch: self features, concatenation GraphSAGE-style
    self_raw = jnp.take(features, nodes, axis=0)         # [B, d]
    self_feats = self_raw @ W_init + b_init              # [B, e]
    combined = jnp.concatenate([self_feats, neigh_feats], axis=1)  # [B, 2e]
    out = combined @ W_final + b_final                   # [B, embed_dim]
    return swish(out)

if __name__ == "__main__":
    import jax
    _d = setup_inputs()
    print(jax.jit(kernel)(*tuple(_d.values())))

</pallas_src>

<mosaic_0001>
#map = affine_map<(d0, d1) -> (0, 0, 0)>
#map1 = affine_map<(d0, d1) -> (0, 0)>
module attributes {stable_mosaic.version = 14 : i64} {
  func.func @_stage1(%arg0: i32, %arg1: i32, %arg2: memref<32x130x128xi32, #tpu.memory_space<hbm>>, %arg3: memref<50000x128xf32, #tpu.memory_space<hbm>>, %arg4: memref<53248x128xf32, #tpu.memory_space<hbm>>, %arg5: memref<130x128xi32, #tpu.memory_space<vmem>>, %arg6: memref<512x128xf32, #tpu.memory_space<vmem>>, %arg7: memref<256x128xf32, #tpu.memory_space<vmem>>, %arg8: memref<!tpu.dma_semaphore, #tpu.memory_space<semaphore_mem>>, %arg9: memref<!tpu.dma_semaphore, #tpu.memory_space<semaphore_mem>>, %arg10: memref<!tpu.dma_semaphore, #tpu.memory_space<semaphore_mem>>, %arg11: memref<!tpu.dma_semaphore, #tpu.memory_space<semaphore_mem>>) attributes {dimension_semantics = [#tpu.dimension_semantics<core_parallel>, #tpu.dimension_semantics<subcore_parallel>], iteration_bounds = array<i64: 2, 16>, scalar_prefetch = 0 : i64, scratch_operands = 7 : i64, tpu.core_type = #tpu.core_type<sc_vector_subcore>, window_params = [{transform_indices = #map}, {transform_indices = #map1}, {transform_indices = #map1}]} {
    %mul3A = arith.constant 2 : i32
    %mul3A_0 = arith.muli %arg1, %mul3A : i32
    %add3A = arith.addi %mul3A_0, %arg0 : i32
    %mul3A_1 = arith.constant 13 : i32
    %mul3A_2 = arith.muli %add3A, %mul3A_1 : i32
    "tpu.region"() ({
      %run_scoped3A = tpu.sem_alloc : memref<!tpu.dma_semaphore, #tpu.memory_space<semaphore_mem>>
      %dma_start3A_2764 = arith.constant 0 : i32
      %dma_start3A_2765 = arith.constant 0 : i32
      %dma_start3A_2766 = tpu.memref_slice %arg2[%add3A, %dma_start3A_2764, %dma_start3A_2765] : memref<32x130x128xi32, #tpu.memory_space<hbm>> -> memref<1x130x128xi32, #tpu.memory_space<hbm>>
      %dma_start3A_2767 = tpu.memref_squeeze %dma_start3A_2766 : memref<1x130x128xi32, #tpu.memory_space<hbm>> -> memref<130x128xi32, #tpu.memory_space<hbm>>
      %dma_start3A_2768 = arith.constant 0 : i32
      %dma_start3A_2769 = arith.constant 0 : i32
      %dma_start3A_2770 = tpu.memref_slice %arg2[%add3A, %dma_start3A_2768, %dma_start3A_2769] : memref<32x130x128xi32, #tpu.memory_space<hbm>> -> memref<1x130x128xi32, #tpu.memory_space<hbm>>
      %dma_start3A_2771 = tpu.memref_squeeze %dma_start3A_2770 : memref<1x130x128xi32, #tpu.memory_space<hbm>> -> memref<130x128xi32, #tpu.memory_space<hbm>>
      tpu.enqueue_dma source(%dma_start3A_2771 : memref<130x128xi32, #tpu.memory_space<hbm>>) target(%arg5 : memref<130x128xi32, #tpu.memory_space<vmem>>) target_semaphore(%run_scoped3A : memref<!tpu.dma_semaphore, #tpu.memory_space<semaphore_mem>>)
      %dma_wait3A_2772 = arith.constant 0 : i32
      %dma_wait3A_2773 = arith.constant 0 : i32
      %dma_wait3A_2774 = tpu.memref_slice %arg2[%add3A, %dma_wait3A_2772, %dma_wait3A_2773] : memref<32x130x128xi32, #tpu.memory_space<hbm>> -> memref<1x130x128xi32, #tpu.memory_space<hbm>>
      %dma_wait3A_2775 = tpu.memref_squeeze %dma_wait3A_2774 : memref<1x130x128xi32, #tpu.memory_space<hbm>> -> memref<130x128xi32, #tpu.memory_space<hbm>>
      %dma_wait3A_2776 = arith.constant 0 : i32
      %dma_wait3A_2777 = arith.constant 0 : i32
      %dma_wait3A_2778 = tpu.memref_slice %arg2[%add3A, %dma_wait3A_2776, %dma_wait3A_2777] : memref<32x130x128xi32, #tpu.memory_space<hbm>> -> memref<1x130x128xi32, #tpu.memory_space<hbm>>
      %dma_wait3A_2779 = tpu.memref_squeeze %dma_wait3A_2778 : memref<1x130x128xi32, #tpu.memory_space<hbm>> -> memref<130x128xi32, #tpu.memory_space<hbm>>
      tpu.wait_dma2 semaphore(%run_scoped3A : memref<!tpu.dma_semaphore, #tpu.memory_space<semaphore_mem>>) src(%dma_wait3A_2779 : memref<130x128xi32, #tpu.memory_space<hbm>>) dst(%arg5 : memref<130x128xi32, #tpu.memory_space<vmem>>)
      tpu.yield
    }) : () -> ()
    %broadcast_in_dim3A = arith.constant 0.000000e+00 : f32
    %broadcast_in_dim3A_3 = vector.broadcast %broadcast_in_dim3A : f32 to vector<16xf32>
    %scan3A = arith.constant 0 : i32
    %scan3A_4 = arith.constant 0 : i32
    %scan3A_5 = arith.constant 512 : i32
    %scan3A_6 = arith.addi %scan3A_4, %scan3A_5 : i32
    %scan3A_7 = arith.constant 1 : i32
    %scan3A_8 = scf.for %scan3A_2764 = %scan3A_4 to %scan3A_6 step %scan3A_7 iter_args(%scan3A_2765 = %scan3A) -> (i32)  : i32 {
      %swap3A = arith.index_cast %scan3A_2764 : i32 to index
      %swap3A_2766 = arith.constant 0 : index
      %swap3A_2767 = tpu.vector_load %arg6[%swap3A, %swap3A_2766] {strides = array<i32>} : memref<512x128xf32, #tpu.memory_space<vmem>>, vector<1x16xf32>,
      %swap3A_2768 = vector.shape_cast %swap3A_2767 : vector<1x16xf32> to vector<16xf32>
      %swap3A_2769 = vector.shape_cast %broadcast_in_dim3A_3 : vector<16xf32> to vector<1x16xf32>
      tpu.vector_store %arg6[%swap3A, %swap3A_2766], %swap3A_2769 {strides = array<i32>} : memref<512x128xf32, #tpu.memory_space<vmem>>, vector<1x16xf32>,
      %swap3A_2770 = arith.index_cast %scan3A_2764 : i32 to index
      %swap3A_2771 = arith.constant 16 : index
      %swap3A_2772 = tpu.vector_load %arg6[%swap3A_2770, %swap3A_2771] {strides = array<i32>} : memref<512x128xf32, #tpu.memory_space<vmem>>, vector<1x16xf32>,
      %swap3A_2773 = vector.shape_cast %swap3A_2772 : vector<1x16xf32> to vector<16xf32>
      %swap3A_2774 = vector.shape_cast %broadcast_in_dim3A_3 : vector<16xf32> to vector<1x16xf32>
      tpu.vector_store %arg6[%swap3A_2770, %swap3A_2771], %swap3A_2774 {strides = array<i32>} : memref<512x128xf32, #tpu.memory_space<vmem>>, vector<1x16xf32>,
      %swap3A_2775 = arith.index_cast %scan3A_2764 : i32 to index
      %swap3A_2776 = arith.constant 32 : index
      %swap3A_2777 = tpu.vector_load %arg6[%swap3A_2775, %swap3A_2776] {strides = array<i32>} : memref<512x128xf32, #tpu.memory_space<vmem>>, vector<1x16xf32>,
      %swap3A_2778 = vector.shape_cast %swap3A_2777 : vector<1x16xf32> to vector<16xf32>
      %swap3A_2779 = vector.shape_cast %broadcast_in_dim3A_3 : vector<16xf32> to vector<1x16xf32>
      tpu.vector_store %arg6[%swap3A_2775, %swap3A_2776], %swap3A_2779 {strides = array<i32>} : memref<512x128xf32, #tpu.memory_space<vmem>>, vector<1x16xf32>,
      %swap3A_2780 = arith.index_cast %scan3A_2764 : i32 to index
      %swap3A_2781 = arith.constant 48 : index
      %swap3A_2782 = tpu.vector_load %arg6[%swap3A_2780, %swap3A_2781] {strides = array<i32>} : memref<512x128xf32, #tpu.memory_space<vmem>>, vector<1x16xf32>,
      %swap3A_2783 = vector.shape_cast %swap3A_2782 : vector<1x16xf32> to vector<16xf32>
      %swap3A_2784 = vector.shape_cast %broadcast_in_dim3A_3 : vector<16xf32> to vector<1x16xf32>
      tpu.vector_store %arg6[%swap3A_2780, %swap3A_2781], %swap3A_2784 {strides = array<i32>} : memref<512x128xf32, #tpu.memory_space<vmem>>, vector<1x16xf32>,
      %swap3A_2785 = arith.index_cast %scan3A_2764 : i32 to index
      %swap3A_2786 = arith.constant 64 : index
      %swap3A_2787 = tpu.vector_load %arg6[%swap3A_2785, %swap3A_2786] {strides = array<i32>} : memref<512x128xf32, #tpu.memory_space<vmem>>, vector<1x16xf32>,
      %swap3A_2788 = vector.shape_cast %swap3A_2787 : vector<1x16xf32> to vector<16xf32>
      %swap3A_2789 = vector.shape_cast %broadcast_in_dim3A_3 : vector<16xf32> to vector<1x16xf32>
      tpu.vector_store %arg6[%swap3A_2785, %swap3A_2786], %swap3A_2789 {strides = array<i32>} : memref<512x128xf32, #tpu.memory_space<vmem>>, vector<1x16xf32>,
      %swap3A_2790 = arith.index_cast %scan3A_2764 : i32 to index
      %swap3A_2791 = arith.constant 80 : index
      %swap3A_2792 = tpu.vector_load %arg6[%swap3A_2790, %swap3A_2791] {strides = array<i32>} : memref<512x128xf32, #tpu.memory_space<vmem>>, vector<1x16xf32>,
      %swap3A_2793 = vector.shape_cast %swap3A_2792 : vector<1x16xf32> to vector<16xf32>
      %swap3A_2794 = vector.shape_cast %broadcast_in_dim3A_3 : vector<16xf32> to vector<1x16xf32>
      tpu.vector_store %arg6[%swap3A_2790, %swap3A_2791], %swap3A_2794 {strides = array<i32>} : memref<512x128xf32, #tpu.memory_space<vmem>>, vector<1x16xf32>,
      %swap3A_2795 = arith.index_cast %scan3A_2764 : i32 to index
      %swap3A_2796 = arith.constant 96 : index
      %swap3A_2797 = tpu.vector_load %arg6[%swap3A_2795, %swap3A_2796] {strides = array<i32>} : memref<512x128xf32, #tpu.memory_space<vmem>>, vector<1x16xf32>,
      %swap3A_2798 = vector.shape_cast %swap3A_2797 : vector<1x16xf32> to vector<16xf32>
      %swap3A_2799 = vector.shape_cast %broadcast_in_dim3A_3 : vector<16xf32> to vector<1x16xf32>
      tpu.vector_store %arg6[%swap3A_2795, %swap3A_2796], %swap3A_2799 {strides = array<i32>} : memref<512x128xf32, #tpu.memory_space<vmem>>, vector<1x16xf32>,
      %swap3A_2800 = arith.index_cast %scan3A_2764 : i32 to index
      %swap3A_2801 = arith.constant 112 : index
      %swap3A_2802 = tpu.vector_load %arg6[%swap3A_2800, %swap3A_2801] {strides = array<i32>} : memref<512x128xf32, #tpu.memory_space<vmem>>, vector<1x16xf32>,
      %swap3A_2803 = vector.shape_cast %swap3A_2802 : vector<1x16xf32> to vector<16xf32>
      %swap3A_2804 = vector.shape_cast %broadcast_in_dim3A_3 : vector<16xf32> to vector<1x16xf32>
      tpu.vector_store %arg6[%swap3A_2800, %swap3A_2801], %swap3A_2804 {strides = array<i32>} : memref<512x128xf32, #tpu.memory_space<vmem>>, vector<1x16xf32>,
      %scan3A_2805 = arith.constant 0 : i32
      scf.yield %scan3A_2805 : i32
    }
    %scan3A_9 = arith.constant 512 : i32
    %dma_start3A = arith.constant 0 : i32
    %dma_start3A_10 = arith.constant 0 : i32
    %dma_start3A_11 = arith.constant 0 : i32
    %dma_start3A_12 = tpu.memref_slice %arg6[%dma_start3A_10, %dma_start3A_11] : memref<512x128xf32, #tpu.memory_space<vmem>> -> memref<128x128xf32, #tpu.memory_space<vmem>>
    %dma_start3A_13 = arith.constant 0 : i32
    %dma_start3A_14 = tpu.memref_slice %arg5[%dma_start3A, %dma_start3A_13] : memref<130x128xi32, #tpu.memory_space<vmem>> -> memref<1x128xi32, #tpu.memory_space<vmem>>
    %dma_start3A_15 = tpu.memref_squeeze %dma_start3A_14 : memref<1x128xi32, #tpu.memory_space<vmem>> -> memref<128xi32, #tpu.memory_space<vmem>>
    %dma_start3A_16 = arith.constant 0 : i32
    %dma_start3A_17 = arith.constant 0 : i32
    %dma_start3A_18 = tpu.memref_slice %arg3[%dma_start3A_16, %dma_start3A_17] : memref<50000x128xf32, #tpu.memory_space<hbm>> -> memref<50000x128xf32, #tpu.memory_space<hbm>>
    tpu.enqueue_indirect_dma source(%dma_start3A_18 : memref<50000x128xf32, #tpu.memory_space<hbm>>) target(%dma_start3A_12 : memref<128x128xf32, #tpu.memory_space<vmem>>) offsets(%dma_start3A_15 : memref<128xi32, #tpu.memory_space<vmem>>) semaphore(%arg8 : memref<!tpu.dma_semaphore, #tpu.memory_space<semaphore_mem>>) {add = true}
    %dma_start3A_19 = arith.constant 13 : i32
    %dma_start3A_20 = arith.constant 0 : i32
    %dma_start3A_21 = arith.constant 0 : i32
    %dma_start3A_22 = tpu.memref_slice %arg6[%dma_start3A_20, %dma_start3A_21] : memref<512x128xf32, #tpu.memory_space<vmem>> -> memref<128x128xf32, #tpu.memory_space<vmem>>
    %dma_start3A_23 = arith.constant 0 : i32
    %dma_start3A_24 = tpu.memref_slice %arg5[%dma_start3A_19, %dma_start3A_23] : memref<130x128xi32, #tpu.memory_space<vmem>> -> memref<1x128xi32, #tpu.memory_space<vmem>>
    %dma_start3A_25 = tpu.memref_squeeze %dma_start3A_24 : memref<1x128xi32, #tpu.memory_space<vmem>> -> memref<128xi32, #tpu.memory_space<vmem>>
    %dma_start3A_26 = arith.constant 0 : i32
    %dma_start3A_27 = arith.constant 0 : i32
    %dma_start3A_28 = tpu.memref_slice %arg3[%dma_start3A_26, %dma_start3A_27] : memref<50000x128xf32, #tpu.memory_space<hbm>> -> memref<50000x128xf32, #tpu.memory_space<hbm>>
    tpu.enqueue_indirect_dma source(%dma_start3A_28 : memref<50000x128xf32, #tpu.memory_space<hbm>>) target(%dma_start3A_22 : memref<128x128xf32, #tpu.memory_space<vmem>>) offsets(%dma_start3A_25 : memref<128xi32, #tpu.memory_space<vmem>>) semaphore(%arg8 : memref<!tpu.dma_semaphore, #tpu.memory_space<semaphore_mem>>) {add = true}
    %dma_start3A_29 = arith.constant 26 : i32
    %dma_start3A_30 = arith.constant 0 : i32
    %dma_start3A_31 = arith.constant 0 : i32
    %dma_start3A_32 = tpu.memref_slice %arg6[%dma_start3A_30, %dma_start3A_31] : memref<512x128xf32, #tpu.memory_space<vmem>> -> memref<128x128xf32, #tpu.memory_space<vmem>>
    %dma_start3A_33 = arith.constant 0 : i32
    %dma_start3A_34 = tpu.memref_slice %arg5[%dma_start3A_29, %dma_start3A_33] : memref<130x128xi32, #tpu.memory_space<vmem>> -> memref<1x128xi32, #tpu.memory_space<vmem>>
    %dma_start3A_35 = tpu.memref_squeeze %dma_start3A_34 : memref<1x128xi32, #tpu.memory_space<vmem>> -> memref<128xi32, #tpu.memory_space<vmem>>
    %dma_start3A_36 = arith.constant 0 : i32
    %dma_start3A_37 = arith.constant 0 : i32
    %dma_start3A_38 = tpu.memref_slice %arg3[%dma_start3A_36, %dma_start3A_37] : memref<50000x128xf32, #tpu.memory_space<hbm>> -> memref<50000x128xf32, #tpu.memory_space<hbm>>
    tpu.enqueue_indirect_dma source(%dma_start3A_38 : memref<50000x128xf32, #tpu.memory_space<hbm>>) target(%dma_start3A_32 : memref<128x128xf32, #tpu.memory_space<vmem>>) offsets(%dma_start3A_35 : memref<128xi32, #tpu.memory_space<vmem>>) semaphore(%arg8 : memref<!tpu.dma_semaphore, #tpu.memory_space<semaphore_mem>>) {add = true}
    %dma_start3A_39 = arith.constant 39 : i32
    %dma_start3A_40 = arith.constant 0 : i32
    %dma_start3A_41 = arith.constant 0 : i32
    %dma_start3A_42 = tpu.memref_slice %arg6[%dma_start3A_40, %dma_start3A_41] : memref<512x128xf32, #tpu.memory_space<vmem>> -> memref<128x128xf32, #tpu.memory_space<vmem>>
    %dma_start3A_43 = arith.constant 0 : i32
    %dma_start3A_44 = tpu.memref_slice %arg5[%dma_start3A_39, %dma_start3A_43] : memref<130x128xi32, #tpu.memory_space<vmem>> -> memref<1x128xi32, #tpu.memory_space<vmem>>
    %dma_start3A_45 = tpu.memref_squeeze %dma_start3A_44 : memref<1x128xi32, #tpu.memory_space<vmem>> -> memref<128xi32, #tpu.memory_space<vmem>>
    %dma_start3A_46 = arith.constant 0 : i32
    %dma_start3A_47 = arith.constant 0 : i32
    %dma_start3A_48 = tpu.memref_slice %arg3[%dma_start3A_46, %dma_start3A_47] : memref<50000x128xf32, #tpu.memory_space<hbm>> -> memref<50000x128xf32, #tpu.memory_space<hbm>>
    tpu.enqueue_indirect_dma source(%dma_start3A_48 : memref<50000x128xf32, #tpu.memory_space<hbm>>) target(%dma_start3A_42 : memref<128x128xf32, #tpu.memory_space<vmem>>) offsets(%dma_start3A_45 : memref<128xi32, #tpu.memory_space<vmem>>) semaphore(%arg8 : memref<!tpu.dma_semaphore, #tpu.memory_space<semaphore_mem>>) {add = true}
    %dma_start3A_49 = arith.constant 52 : i32
    %dma_start3A_50 = arith.constant 0 : i32
    %dma_start3A_51 = arith.constant 0 : i32
    %dma_start3A_52 = tpu.memref_slice %arg6[%dma_start3A_50, %dma_start3A_51] : memref<512x128xf32, #tpu.memory_space<vmem>> -> memref<128x128xf32, #tpu.memory_space<vmem>>
    %dma_start3A_53 = arith.constant 0 : i32
    %dma_start3A_54 = tpu.memref_slice %arg5[%dma_start3A_49, %dma_start3A_53] : memref<130x128xi32, #tpu.memory_space<vmem>> -> memref<1x128xi32, #tpu.memory_space<vmem>>
    %dma_start3A_55 = tpu.memref_squeeze %dma_start3A_54 : memref<1x128xi32, #tpu.memory_space<vmem>> -> memref<128xi32, #tpu.memory_space<vmem>>
    %dma_start3A_56 = arith.constant 0 : i32
    %dma_start3A_57 = arith.constant 0 : i32
    %dma_start3A_58 = tpu.memref_slice %arg3[%dma_start3A_56, %dma_start3A_57] : memref<50000x128xf32, #tpu.memory_space<hbm>> -> memref<50000x128xf32, #tpu.memory_space<hbm>>
    tpu.enqueue_indirect_dma source(%dma_start3A_58 : memref<50000x128xf32, #tpu.memory_space<hbm>>) target(%dma_start3A_52 : memref<128x128xf32, #tpu.memory_space<vmem>>) offsets(%dma_start3A_55 : memref<128xi32, #tpu.memory_space<vmem>>) semaphore(%arg8 : memref<!tpu.dma_semaphore, #tpu.memory_space<semaphore_mem>>) {add = true}
    %dma_start3A_59 = arith.constant 65 : i32
    %dma_start3A_60 = arith.constant 0 : i32
    %dma_start3A_61 = arith.constant 0 : i32
    %dma_start3A_62 = tpu.memref_slice %arg6[%dma_start3A_60, %dma_start3A_61] : memref<512x128xf32, #tpu.memory_space<vmem>> -> memref<128x128xf32, #tpu.memory_space<vmem>>
    %dma_start3A_63 = arith.constant 0 : i32
    %dma_start3A_64 = tpu.memref_slice %arg5[%dma_start3A_59, %dma_start3A_63] : memref<130x128xi32, #tpu.memory_space<vmem>> -> memref<1x128xi32, #tpu.memory_space<vmem>>
    %dma_start3A_65 = tpu.memref_squeeze %dma_start3A_64 : memref<1x128xi32, #tpu.memory_space<vmem>> -> memref<128xi32, #tpu.memory_space<vmem>>
    %dma_start3A_66 = arith.constant 0 : i32
    %dma_start3A_67 = arith.constant 0 : i32
    %dma_start3A_68 = tpu.memref_slice %arg3[%dma_start3A_66, %dma_start3A_67] : memref<50000x128xf32, #tpu.memory_space<hbm>> -> memref<50000x128xf32, #tpu.memory_space<hbm>>
    tpu.enqueue_indirect_dma source(%dma_start3A_68 : memref<50000x128xf32, #tpu.memory_space<hbm>>) target(%dma_start3A_62 : memref<128x128xf32, #tpu.memory_space<vmem>>) offsets(%dma_start3A_65 : memref<128xi32, #tpu.memory_space<vmem>>) semaphore(%arg8 : memref<!tpu.dma_semaphore, #tpu.memory_space<semaphore_mem>>) {add = true}
    %dma_start3A_69 = arith.constant 78 : i32
    %dma_start3A_70 = arith.constant 0 : i32
    %dma_start3A_71 = arith.constant 0 : i32
    %dma_start3A_72 = tpu.memref_slice %arg6[%dma_start3A_70, %dma_start3A_71] : memref<512x128xf32, #tpu.memory_space<vmem>> -> memref<128x128xf32, #tpu.memory_space<vmem>>
    %dma_start3A_73 = arith.constant 0 : i32
    %dma_start3A_74 = tpu.memref_slice %arg5[%dma_start3A_69, %dma_start3A_73] : memref<130x128xi32, #tpu.memory_space<vmem>> -> memref<1x128xi32, #tpu.memory_space<vmem>>
    %dma_start3A_75 = tpu.memref_squeeze %dma_start3A_74 : memref<1x128xi32, #tpu.memory_space<vmem>> -> memref<128xi32, #tpu.memory_space<vmem>>
    %dma_start3A_76 = arith.constant 0 : i32
    %dma_start3A_77 = arith.constant 0 : i32
    %dma_start3A_78 = tpu.memref_slice %arg3[%dma_start3A_76, %dma_start3A_77] : memref<50000x128xf32, #tpu.memory_space<hbm>> -> memref<50000x128xf32, #tpu.memory_space<hbm>>
    tpu.enqueue_indirect_dma source(%dma_start3A_78 : memref<50000x128xf32, #tpu.memory_space<hbm>>) target(%dma_start3A_72 : memref<128x128xf32, #tpu.memory_space<vmem>>) offsets(%dma_start3A_75 : memref<128xi32, #tpu.memory_space<vmem>>) semaphore(%arg8 : memref<!tpu.dma_semaphore, #tpu.memory_space<semaphore_mem>>) {add = true}
    %dma_start3A_79 = arith.constant 91 : i32
    %dma_start3A_80 = arith.constant 0 : i32
    %dma_start3A_81 = arith.constant 0 : i32
    %dma_start3A_82 = tpu.memref_slice %arg6[%dma_start3A_80, %dma_start3A_81] : memref<512x128xf32, #tpu.memory_space<vmem>> -> memref<128x128xf32, #tpu.memory_space<vmem>>
    %dma_start3A_83 = arith.constant 0 : i32
    %dma_start3A_84 = tpu.memref_slice %arg5[%dma_start3A_79, %dma_start3A_83] : memref<130x128xi32, #tpu.memory_space<vmem>> -> memref<1x128xi32, #tpu.memory_space<vmem>>
    %dma_start3A_85 = tpu.memref_squeeze %dma_start3A_84 : memref<1x128xi32, #tpu.memory_space<vmem>> -> memref<128xi32, #tpu.memory_space<vmem>>
    %dma_start3A_86 = arith.constant 0 : i32
    %dma_start3A_87 = arith.constant 0 : i32
    %dma_start3A_88 = tpu.memref_slice %arg3[%dma_start3A_86, %dma_start3A_87] : memref<50000x128xf32, #tpu.memory_space<hbm>> -> memref<50000x128xf32, #tpu.memory_space<hbm>>
    tpu.enqueue_indirect_dma source(%dma_start3A_88 : memref<50000x128xf32, #tpu.memory_space<hbm>>) target(%dma_start3A_82 : memref<128x128xf32, #tpu.memory_space<vmem>>) offsets(%dma_start3A_85 : memref<128xi32, #tpu.memory_space<vmem>>) semaphore(%arg8 : memref<!tpu.dma_semaphore, #tpu.memory_space<semaphore_mem>>) {add = true}
    %dma_start3A_89 = arith.constant 104 : i32
    %dma_start3A_90 = arith.constant 0 : i32
    %dma_start3A_91 = arith.constant 0 : i32
    %dma_start3A_92 = tpu.memref_slice %arg6[%dma_start3A_90, %dma_start3A_91] : memref<512x128xf32, #tpu.memory_space<vmem>> -> memref<128x128xf32, #tpu.memory_space<vmem>>
    %dma_start3A_93 = arith.constant 0 : i32
    %dma_start3A_94 = tpu.memref_slice %arg5[%dma_start3A_89, %dma_start3A_93] : memref<130x128xi32, #tpu.memory_space<vmem>> -> memref<1x128xi32, #tpu.memory_space<vmem>>
    %dma_start3A_95 = tpu.memref_squeeze %dma_start3A_94 : memref<1x128xi32, #tpu.memory_space<vmem>> -> memref<128xi32, #tpu.memory_space<vmem>>
    %dma_start3A_96 = arith.constant 0 : i32
    %dma_start3A_97 = arith.constant 0 : i32
    %dma_start3A_98 = tpu.memref_slice %arg3[%dma_start3A_96, %dma_start3A_97] : memref<50000x128xf32, #tpu.memory_space<hbm>> -> memref<50000x128xf32, #tpu.memory_space<hbm>>
    tpu.enqueue_indirect_dma source(%dma_start3A_98 : memref<50000x128xf32, #tpu.memory_space<hbm>>) target(%dma_start3A_92 : memref<128x128xf32, #tpu.memory_space<vmem>>) offsets(%dma_start3A_95 : memref<128xi32, #tpu.memory_space<vmem>>) semaphore(%arg8 : memref<!tpu.dma_semaphore, #tpu.memory_space<semaphore_mem>>) {add = true}
    %dma_start3A_99 = arith.constant 117 : i32
    %dma_start3A_100 = arith.constant 0 : i32
    %dma_start3A_101 = arith.constant 0 : i32
    %dma_start3A_102 = tpu.memref_slice %arg6[%dma_start3A_100, %dma_start3A_101] : memref<512x128xf32, #tpu.memory_space<vmem>> -> memref<128x128xf32, #tpu.memory_space<vmem>>
    %dma_start3A_103 = arith.constant 0 : i32
    %dma_start3A_104 = tpu.memref_slice %arg5[%dma_start3A_99, %dma_start3A_103] : memref<130x128xi32, #tpu.memory_space<vmem>> -> memref<1x128xi32, #tpu.memory_space<vmem>>
    %dma_start3A_105 = tpu.memref_squeeze %dma_start3A_104 : memref<1x128xi32, #tpu.memory_space<vmem>> -> memref<128xi32, #tpu.memory_space<vmem>>
    %dma_start3A_106 = arith.constant 0 : i32
    %dma_start3A_107 = arith.constant 0 : i32
    %dma_start3A_108 = tpu.memref_slice %arg3[%dma_start3A_106, %dma_start3A_107] : memref<50000x128xf32, #tpu.memory_space<hbm>> -> memref<50000x128xf32, #tpu.memory_space<hbm>>
    tpu.enqueue_indirect_dma source(%dma_start3A_108 : memref<50000x128xf32, #tpu.memory_space<hbm>>) target(%dma_start3A_102 : memref<128x128xf32, #tpu.memory_space<vmem>>) offsets(%dma_start3A_105 : memref<128xi32, #tpu.memory_space<vmem>>) semaphore(%arg8 : memref<!tpu.dma_semaphore, #tpu.memory_space<semaphore_mem>>) {add = true}
    %dma_start3A_109 = arith.constant 1 : i32
    %dma_start3A_110 = arith.constant 128 : i32
    %dma_start3A_111 = arith.constant 0 : i32
    %dma_start3A_112 = tpu.memref_slice %arg6[%dma_start3A_110, %dma_start3A_111] : memref<512x128xf32, #tpu.memory_space<vmem>> -> memref<128x128xf32, #tpu.memory_space<vmem>>
    %dma_start3A_113 = arith.constant 0 : i32
    %dma_start3A_114 = tpu.memref_slice %arg5[%dma_start3A_109, %dma_start3A_113] : memref<130x128xi32, #tpu.memory_space<vmem>> -> memref<1x128xi32, #tpu.memory_space<vmem>>
    %dma_start3A_115 = tpu.memref_squeeze %dma_start3A_114 : memref<1x128xi32, #tpu.memory_space<vmem>> -> memref<128xi32, #tpu.memory_space<vmem>>
    %dma_start3A_116 = arith.constant 0 : i32
    %dma_start3A_117 = arith.constant 0 : i32
    %dma_start3A_118 = tpu.memref_slice %arg3[%dma_start3A_116, %dma_start3A_117] : memref<50000x128xf32, #tpu.memory_space<hbm>> -> memref<50000x128xf32, #tpu.memory_space<hbm>>
    tpu.enqueue_indirect_dma source(%dma_start3A_118 : memref<50000x128xf32, #tpu.memory_space<hbm>>) target(%dma_start3A_112 : memref<128x128xf32, #tpu.memory_space<vmem>>) offsets(%dma_start3A_115 : memref<128xi32, #tpu.memory_space<vmem>>) semaphore(%arg8 : memref<!tpu.dma_semaphore, #tpu.memory_space<semaphore_mem>>) {add = true}
    %dma_start3A_119 = arith.constant 14 : i32
    %dma_start3A_120 = arith.constant 128 : i32
    %dma_start3A_121 = arith.constant 0 : i32
    %dma_start3A_122 = tpu.memref_slice %arg6[%dma_start3A_120, %dma_start3A_121] : memref<512x128xf32, #tpu.memory_space<vmem>> -> memref<128x128xf32, #tpu.memory_space<vmem>>
    %dma_start3A_123 = arith.constant 0 : i32
    %dma_start3A_124 = tpu.memref_slice %arg5[%dma_start3A_119, %dma_start3A_123] : memref<130x128xi32, #tpu.memory_space<vmem>> -> memref<1x128xi32, #tpu.memory_space<vmem>>
    %dma_start3A_125 = tpu.memref_squeeze %dma_start3A_124 : memref<1x128xi32, #tpu.memory_space<vmem>> -> memref<128xi32, #tpu.memory_space<vmem>>
    %dma_start3A_126 = arith.constant 0 : i32
    %dma_start3A_127 = arith.constant 0 : i32
    %dma_start3A_128 = tpu.memref_slice %arg3[%dma_start3A_126, %dma_start3A_127] : memref<50000x128xf32, #tpu.memory_space<hbm>> -> memref<50000x128xf32, #tpu.memory_space<hbm>>
    tpu.enqueue_indirect_dma source(%dma_start3A_128 : memref<50000x128xf32, #tpu.memory_space<hbm>>) target(%dma_start3A_122 : memref<128x128xf32, #tpu.memory_space<vmem>>) offsets(%dma_start3A_125 : memref<128xi32, #tpu.memory_space<vmem>>) semaphore(%arg8 : memref<!tpu.dma_semaphore, #tpu.memory_space<semaphore_mem>>) {add = true}
    %dma_start3A_129 = arith.constant 27 : i32
    %dma_start3A_130 = arith.constant 128 : i32
    %dma_start3A_131 = arith.constant 0 : i32
    %dma_start3A_132 = tpu.memref_slice %arg6[%dma_start3A_130, %dma_start3A_131] : memref<512x128xf32, #tpu.memory_space<vmem>> -> memref<128x128xf32, #tpu.memory_space<vmem>>
    %dma_start3A_133 = arith.constant 0 : i32
    %dma_start3A_134 = tpu.memref_slice %arg5[%dma_start3A_129, %dma_start3A_133] : memref<130x128xi32, #tpu.memory_space<vmem>> -> memref<1x128xi32, #tpu.memory_space<vmem>>
    %dma_start3A_135 = tpu.memref_squeeze %dma_start3A_134 : memref<1x128xi32, #tpu.memory_space<vmem>> -> memref<128xi32, #tpu.memory_space<vmem>>
    %dma_start3A_136 = arith.constant 0 : i32
    %dma_start3A_137 = arith.constant 0 : i32
    %dma_start3A_138 = tpu.memref_slice %arg3[%dma_start3A_136, %dma_start3A_137] : memref<50000x128xf32, #tpu.memory_space<hbm>> -> memref<50000x128xf32, #tpu.memory_space<hbm>>
    tpu.enqueue_indirect_dma source(%dma_start3A_138 : memref<50000x128xf32, #tpu.memory_space<hbm>>) target(%dma_start3A_132 : memref<128x128xf32, #tpu.memory_space<vmem>>) offsets(%dma_start3A_135 : memref<128xi32, #tpu.memory_space<vmem>>) semaphore(%arg8 : memref<!tpu.dma_semaphore, #tpu.memory_space<semaphore_mem>>) {add = true}
    %dma_start3A_139 = arith.constant 40 : i32
    %dma_start3A_140 = arith.constant 128 : i32
    %dma_start3A_141 = arith.constant 0 : i32
    %dma_start3A_142 = tpu.memref_slice %arg6[%dma_start3A_140, %dma_start3A_141] : memref<512x128xf32, #tpu.memory_space<vmem>> -> memref<128x128xf32, #tpu.memory_space<vmem>>
    %dma_start3A_143 = arith.constant 0 : i32
    %dma_start3A_144 = tpu.memref_slice %arg5[%dma_start3A_139, %dma_start3A_143] : memref<130x128xi32, #tpu.memory_space<vmem>> -> memref<1x128xi32, #tpu.memory_space<vmem>>
    %dma_start3A_145 = tpu.memref_squeeze %dma_start3A_144 : memref<1x128xi32, #tpu.memory_space<vmem>> -> memref<128xi32, #tpu.memory_space<vmem>>
    %dma_start3A_146 = arith.constant 0 : i32
    %dma_start3A_147 = arith.constant 0 : i32
    %dma_start3A_148 = tpu.memref_slice %arg3[%dma_start3A_146, %dma_start3A_147] : memref<50000x128xf32, #tpu.memory_space<hbm>> -> memref<50000x128xf32, #tpu.memory_space<hbm>>
    tpu.enqueue_indirect_dma source(%dma_start3A_148 : memref<50000x128xf32, #tpu.memory_space<hbm>>) target(%dma_start3A_142 : memref<128x128xf32, #tpu.memory_space<vmem>>) offsets(%dma_start3A_145 : memref<128xi32, #tpu.memory_space<vmem>>) semaphore(%arg8 : memref<!tpu.dma_semaphore, #tpu.memory_space<semaphore_mem>>) {add = true}
    %dma_start3A_149 = arith.constant 53 : i32
    %dma_start3A_150 = arith.constant 128 : i32
    %dma_start3A_151 = arith.constant 0 : i32
    %dma_start3A_152 = tpu.memref_slice %arg6[%dma_start3A_150, %dma_start3A_151] : memref<512x128xf32, #tpu.memory_space<vmem>> -> memref<128x128xf32, #tpu.memory_space<vmem>>
    %dma_start3A_153 = arith.constant 0 : i32
    %dma_start3A_154 = tpu.memref_slice %arg5[%dma_start3A_149, %dma_start3A_153] : memref<130x128xi32, #tpu.memory_space<vmem>> -> memref<1x128xi32, #tpu.memory_space<vmem>>
    %dma_start3A_155 = tpu.memref_squeeze %dma_start3A_154 : memref<1x128xi32, #tpu.memory_space<vmem>> -> memref<128xi32, #tpu.memory_space<vmem>>
    %dma_start3A_156 = arith.constant 0 : i32
    %dma_start3A_157 = arith.constant 0 : i32
    %dma_start3A_158 = tpu.memref_slice %arg3[%dma_start3A_156, %dma_start3A_157] : memref<50000x128xf32, #tpu.memory_space<hbm>> -> memref<50000x128xf32, #tpu.memory_space<hbm>>
    tpu.enqueue_indirect_dma source(%dma_start3A_158 : memref<50000x128xf32, #tpu.memory_space<hbm>>) target(%dma_start3A_152 : memref<128x128xf32, #tpu.memory_space<vmem>>) offsets(%dma_start3A_155 : memref<128xi32, #tpu.memory_space<vmem>>) semaphore(%arg8 : memref<!tpu.dma_semaphore, #tpu.memory_space<semaphore_mem>>) {add = true}
    %dma_start3A_159 = arith.constant 66 : i32
    %dma_start3A_160 = arith.constant 128 : i32
    %dma_start3A_161 = arith.constant 0 : i32
    %dma_start3A_162 = tpu.memref_slice %arg6[%dma_start3A_160, %dma_start3A_161] : memref<512x128xf32, #tpu.memory_space<vmem>> -> memref<128x128xf32, #tpu.memory_space<vmem>>
    %dma_start3A_163 = arith.constant 0 : i32
    %dma_start3A_164 = tpu.memref_slice %arg5[%dma_start3A_159, %dma_start3A_163] : memref<130x128xi32, #tpu.memory_space<vmem>> -> memref<1x128xi32, #tpu.memory_space<vmem>>
    %dma_start3A_165 = tpu.memref_squeeze %dma_start3A_164 : memref<1x128xi32, #tpu.memory_space<vmem>> -> memref<128xi32, #tpu.memory_space<vmem>>
    %dma_start3A_166 = arith.constant 0 : i32
    %dma_start3A_167 = arith.constant 0 : i32
    %dma_start3A_168 = tpu.memref_slice %arg3[%dma_start3A_166, %dma_start3A_167] : memref<50000x128xf32, #tpu.memory_space<hbm>> -> memref<50000x128xf32, #tpu.memory_space<hbm>>
    tpu.enqueue_indirect_dma source(%dma_start3A_168 : memref<50000x128xf32, #tpu.memory_space<hbm>>) target(%dma_start3A_162 : memref<128x128xf32, #tpu.memory_space<vmem>>) offsets(%dma_start3A_165 : memref<128xi32, #tpu.memory_space<vmem>>) semaphore(%arg8 : memref<!tpu.dma_semaphore, #tpu.memory_space<semaphore_mem>>) {add = true}
    %dma_start3A_169 = arith.constant 79 : i32
    %dma_start3A_170 = arith.constant 128 : i32
    %dma_start3A_171 = arith.constant 0 : i32
    %dma_start3A_172 = tpu.memref_slice %arg6[%dma_start3A_170, %dma_start3A_171] : memref<512x128xf32, #tpu.memory_space<vmem>> -> memref<128x128xf32, #tpu.memory_space<vmem>>
    %dma_start3A_173 = arith.constant 0 : i32
    %dma_start3A_174 = tpu.memref_slice %arg5[%dma_start3A_169, %dma_start3A_173] : memref<130x128xi32, #tpu.memory_space<vmem>> -> memref<1x128xi32, #tpu.memory_space<vmem>>
    %dma_start3A_175 = tpu.memref_squeeze %dma_start3A_174 : memref<1x128xi32, #tpu.memory_space<vmem>> -> memref<128xi32, #tpu.memory_space<vmem>>
    %dma_start3A_176 = arith.constant 0 : i32
    %dma_start3A_177 = arith.constant 0 : i32
    %dma_start3A_178 = tpu.memref_slice %arg3[%dma_start3A_176, %dma_start3A_177] : memref<50000x128xf32, #tpu.memory_space<hbm>> -> memref<50000x128xf32, #tpu.memory_space<hbm>>
    tpu.enqueue_indirect_dma source(%dma_start3A_178 : memref<50000x128xf32, #tpu.memory_space<hbm>>) target(%dma_start3A_172 : memref<128x128xf32, #tpu.memory_space<vmem>>) offsets(%dma_start3A_175 : memref<128xi32, #tpu.memory_space<vmem>>) semaphore(%arg8 : memref<!tpu.dma_semaphore, #tpu.memory_space<semaphore_mem>>) {add = true}
    %dma_start3A_179 = arith.constant 92 : i32
    %dma_start3A_180 = arith.constant 128 : i32
    %dma_start3A_181 = arith.constant 0 : i32
    %dma_start3A_182 = tpu.memref_slice %arg6[%dma_start3A_180, %dma_start3A_181] : memref<512x128xf32, #tpu.memory_space<vmem>> -> memref<128x128xf32, #tpu.memory_space<vmem>>
    %dma_start3A_183 = arith.constant 0 : i32
    %dma_start3A_184 = tpu.memref_slice %arg5[%dma_start3A_179, %dma_start3A_183] : memref<130x128xi32, #tpu.memory_space<vmem>> -> memref<1x128xi32, #tpu.memory_space<vmem>>
    %dma_start3A_185 = tpu.memref_squeeze %dma_start3A_184 : memref<1x128xi32, #tpu.memory_space<vmem>> -> memref<128xi32, #tpu.memory_space<vmem>>
    %dma_start3A_186 = arith.constant 0 : i32
    %dma_start3A_187 = arith.constant 0 : i32
    %dma_start3A_188 = tpu.memref_slice %arg3[%dma_start3A_186, %dma_start3A_187] : memref<50000x128xf32, #tpu.memory_space<hbm>> -> memref<50000x128xf32, #tpu.memory_space<hbm>>
    tpu.enqueue_indirect_dma source(%dma_start3A_188 : memref<50000x128xf32, #tpu.memory_space<hbm>>) target(%dma_start3A_182 : memref<128x128xf32, #tpu.memory_space<vmem>>) offsets(%dma_start3A_185 : memref<128xi32, #tpu.memory_space<vmem>>) semaphore(%arg8 : memref<!tpu.dma_semaphore, #tpu.memory_space<semaphore_mem>>) {add = true}
    %dma_start3A_189 = arith.constant 105 : i32
    %dma_start3A_190 = arith.constant 128 : i32
    %dma_start3A_191 = arith.constant 0 : i32
    %dma_start3A_192 = tpu.memref_slice %arg6[%dma_start3A_190, %dma_start3A_191] : memref<512x128xf32, #tpu.memory_space<vmem>> -> memref<128x128xf32, #tpu.memory_space<vmem>>
    %dma_start3A_193 = arith.constant 0 : i32
    %dma_start3A_194 = tpu.memref_slice %arg5[%dma_start3A_189, %dma_start3A_193] : memref<130x128xi32, #tpu.memory_space<vmem>> -> memref<1x128xi32, #tpu.memory_space<vmem>>
    %dma_start3A_195 = tpu.memref_squeeze %dma_start3A_194 : memref<1x128xi32, #tpu.memory_space<vmem>> -> memref<128xi32, #tpu.memory_space<vmem>>
    %dma_start3A_196 = arith.constant 0 : i32
    %dma_start3A_197 = arith.constant 0 : i32
    %dma_start3A_198 = tpu.memref_slice %arg3[%dma_start3A_196, %dma_start3A_197] : memref<50000x128xf32, #tpu.memory_space<hbm>> -> memref<50000x128xf32, #tpu.memory_space<hbm>>
    tpu.enqueue_indirect_dma source(%dma_start3A_198 : memref<50000x128xf32, #tpu.memory_space<hbm>>) target(%dma_start3A_192 : memref<128x128xf32, #tpu.memory_space<vmem>>) offsets(%dma_start3A_195 : memref<128xi32, #tpu.memory_space<vmem>>) semaphore(%arg8 : memref<!tpu.dma_semaphore, #tpu.memory_space<semaphore_mem>>) {add = true}
    %dma_start3A_199 = arith.constant 118 : i32
    %dma_start3A_200 = arith.constant 128 : i32
    %dma_start3A_201 = arith.constant 0 : i32
    %dma_start3A_202 = tpu.memref_slice %arg6[%dma_start3A_200, %dma_start3A_201] : memref<512x128xf32, #tpu.memory_space<vmem>> -> memref<128x128xf32, #tpu.memory_space<vmem>>
    %dma_start3A_203 = arith.constant 0 : i32
    %dma_start3A_204 = tpu.memref_slice %arg5[%dma_start3A_199, %dma_start3A_203] : memref<130x128xi32, #tpu.memory_space<vmem>> -> memref<1x128xi32, #tpu.memory_space<vmem>>
    %dma_start3A_205 = tpu.memref_squeeze %dma_start3A_204 : memref<1x128xi32, #tpu.memory_space<vmem>> -> memref<128xi32, #tpu.memory_space<vmem>>
    %dma_start3A_206 = arith.constant 0 : i32
    %dma_start3A_207 = arith.constant 0 : i32
    %dma_start3A_208 = tpu.memref_slice %arg3[%dma_start3A_206, %dma_start3A_207] : memref<50000x128xf32, #tpu.memory_space<hbm>> -> memref<50000x128xf32, #tpu.memory_space<hbm>>
    tpu.enqueue_indirect_dma source(%dma_start3A_208 : memref<50000x128xf32, #tpu.memory_space<hbm>>) target(%dma_start3A_202 : memref<128x128xf32, #tpu.memory_space<vmem>>) offsets(%dma_start3A_205 : memref<128xi32, #tpu.memory_space<vmem>>) semaphore(%arg8 : memref<!tpu.dma_semaphore, #tpu.memory_space<semaphore_mem>>) {add = true}
    %dma_start3A_209 = arith.constant 2 : i32
    %dma_start3A_210 = arith.constant 256 : i32
    %dma_start3A_211 = arith.constant 0 : i32
    %dma_start3A_212 = tpu.memref_slice %arg6[%dma_start3A_210, %dma_start3A_211] : memref<512x128xf32, #tpu.memory_space<vmem>> -> memref<128x128xf32, #tpu.memory_space<vmem>>
    %dma_start3A_213 = arith.constant 0 : i32
    %dma_start3A_214 = tpu.memref_slice %arg5[%dma_start3A_209, %dma_start3A_213] : memref<130x128xi32, #tpu.memory_space<vmem>> -> memref<1x128xi32, #tpu.memory_space<vmem>>
    %dma_start3A_215 = tpu.memref_squeeze %dma_start3A_214 : memref<1x128xi32, #tpu.memory_space<vmem>> -> memref<128xi32, #tpu.memory_space<vmem>>
    %dma_start3A_216 = arith.constant 0 : i32
    %dma_start3A_217 = arith.constant 0 : i32
    %dma_start3A_218 = tpu.memref_slice %arg3[%dma_start3A_216, %dma_start3A_217] : memref<50000x128xf32, #tpu.memory_space<hbm>> -> memref<50000x128xf32, #tpu.memory_space<hbm>>
    tpu.enqueue_indirect_dma source(%dma_start3A_218 : memref<50000x128xf32, #tpu.memory_space<hbm>>) target(%dma_start3A_212 : memref<128x128xf32, #tpu.memory_space<vmem>>) offsets(%dma_start3A_215 : memref<128xi32, #tpu.memory_space<vmem>>) semaphore(%arg8 : memref<!tpu.dma_semaphore, #tpu.memory_space<semaphore_mem>>) {add = true}
    %dma_start3A_219 = arith.constant 15 : i32
    %dma_start3A_220 = arith.constant 256 : i32
    %dma_start3A_221 = arith.constant 0 : i32
    %dma_start3A_222 = tpu.memref_slice %arg6[%dma_start3A_220, %dma_start3A_221] : memref<512x128xf32, #tpu.memory_space<vmem>> -> memref<128x128xf32, #tpu.memory_space<vmem>>
    %dma_start3A_223 = arith.constant 0 : i32
    %dma_start3A_224 = tpu.memref_slice %arg5[%dma_start3A_219, %dma_start3A_223] : memref<130x128xi32, #tpu.memory_space<vmem>> -> memref<1x128xi32, #tpu.memory_space<vmem>>
    %dma_start3A_225 = tpu.memref_squeeze %dma_start3A_224 : memref<1x128xi32, #tpu.memory_space<vmem>> -> memref<128xi32, #tpu.memory_space<vmem>>
    %dma_start3A_226 = arith.constant 0 : i32
    %dma_start3A_227 = arith.constant 0 : i32
    %dma_start3A_228 = tpu.memref_slice %arg3[%dma_start3A_226, %dma_start3A_227] : memref<50000x128xf32, #tpu.memory_space<hbm>> -> memref<50000x128xf32, #tpu.memory_space<hbm>>
    tpu.enqueue_indirect_dma source(%dma_start3A_228 : memref<50000x128xf32, #tpu.memory_space<hbm>>) target(%dma_start3A_222 : memref<128x128xf32, #tpu.memory_space<vmem>>) offsets(%dma_start3A_225 : memref<128xi32, #tpu.memory_space<vmem>>) semaphore(%arg8 : memref<!tpu.dma_semaphore, #tpu.memory_space<semaphore_mem>>) {add = true}
    %dma_start3A_229 = arith.constant 28 : i32
    %dma_start3A_230 = arith.constant 256 : i32
    %dma_start3A_231 = arith.constant 0 : i32
    %dma_start3A_232 = tpu.memref_slice %arg6[%dma_start3A_230, %dma_start3A_231] : memref<512x128xf32, #tpu.memory_space<vmem>> -> memref<128x128xf32, #tpu.memory_space<vmem>>
    %dma_start3A_233 = arith.constant 0 : i32
    %dma_start3A_234 = tpu.memref_slice %arg5[%dma_start3A_229, %dma_start3A_233] : memref<130x128xi32, #tpu.memory_space<vmem>> -> memref<1x128xi32, #tpu.memory_space<vmem>>
    %dma_start3A_235 = tpu.memref_squeeze %dma_start3A_234 : memref<1x128xi32, #tpu.memory_space<vmem>> -> memref<128xi32, #tpu.memory_space<vmem>>
    %dma_start3A_236 = arith.constant 0 : i32
    %dma_start3A_237 = arith.constant 0 : i32
    %dma_start3A_238 = tpu.memref_slice %arg3[%dma_start3A_236, %dma_start3A_237] : memref<50000x128xf32, #tpu.memory_space<hbm>> -> memref<50000x128xf32, #tpu.memory_space<hbm>>
    tpu.enqueue_indirect_dma source(%dma_start3A_238 : memref<50000x128xf32, #tpu.memory_space<hbm>>) target(%dma_start3A_232 : memref<128x128xf32, #tpu.memory_space<vmem>>) offsets(%dma_start3A_235 : memref<128xi32, #tpu.memory_space<vmem>>) semaphore(%arg8 : memref<!tpu.dma_semaphore, #tpu.memory_space<semaphore_mem>>) {add = true}
    %dma_start3A_239 = arith.constant 41 : i32
    %dma_start3A_240 = arith.constant 256 : i32
    %dma_start3A_241 = arith.constant 0 : i32
    %dma_start3A_242 = tpu.memref_slice %arg6[%dma_start3A_240, %dma_start3A_241] : memref<512x128xf32, #tpu.memory_space<vmem>> -> memref<128x128xf32, #tpu.memory_space<vmem>>
    %dma_start3A_243 = arith.constant 0 : i32
    %dma_start3A_244 = tpu.memref_slice %arg5[%dma_start3A_239, %dma_start3A_243] : memref<130x128xi32, #tpu.memory_space<vmem>> -> memref<1x128xi32, #tpu.memory_space<vmem>>
    %dma_start3A_245 = tpu.memref_squeeze %dma_start3A_244 : memref<1x128xi32, #tpu.memory_space<vmem>> -> memref<128xi32, #tpu.memory_space<vmem>>
    %dma_start3A_246 = arith.constant 0 : i32
    %dma_start3A_247 = arith.constant 0 : i32
    %dma_start3A_248 = tpu.memref_slice %arg3[%dma_start3A_246, %dma_start3A_247] : memref<50000x128xf32, #tpu.memory_space<hbm>> -> memref<50000x128xf32, #tpu.memory_space<hbm>>
    tpu.enqueue_indirect_dma source(%dma_start3A_248 : memref<50000x128xf32, #tpu.memory_space<hbm>>) target(%dma_start3A_242 : memref<128x128xf32, #tpu.memory_space<vmem>>) offsets(%dma_start3A_245 : memref<128xi32, #tpu.memory_space<vmem>>) semaphore(%arg8 : memref<!tpu.dma_semaphore, #tpu.memory_space<semaphore_mem>>) {add = true}
    %dma_start3A_249 = arith.constant 54 : i32
    %dma_start3A_250 = arith.constant 256 : i32
    %dma_start3A_251 = arith.constant 0 : i32
    %dma_start3A_252 = tpu.memref_slice %arg6[%dma_start3A_250, %dma_start3A_251] : memref<512x128xf32, #tpu.memory_space<vmem>> -> memref<128x128xf32, #tpu.memory_space<vmem>>
    %dma_start3A_253 = arith.constant 0 : i32
    %dma_start3A_254 = tpu.memref_slice %arg5[%dma_start3A_249, %dma_start3A_253] : memref<130x128xi32, #tpu.memory_space<vmem>> -> memref<1x128xi32, #tpu.memory_space<vmem>>
    %dma_start3A_255 = tpu.memref_squeeze %dma_start3A_254 : memref<1x128xi32, #tpu.memory_space<vmem>> -> memref<128xi32, #tpu.memory_space<vmem>>
    %dma_start3A_256 = arith.constant 0 : i32
    %dma_start3A_257 = arith.constant 0 : i32
    %dma_start3A_258 = tpu.memref_slice %arg3[%dma_start3A_256, %dma_start3A_257] : memref<50000x128xf32, #tpu.memory_space<hbm>> -> memref<50000x128xf32, #tpu.memory_space<hbm>>
    tpu.enqueue_indirect_dma source(%dma_start3A_258 : memref<50000x128xf32, #tpu.memory_space<hbm>>) target(%dma_start3A_252 : memref<128x128xf32, #tpu.memory_space<vmem>>) offsets(%dma_start3A_255 : memref<128xi32, #tpu.memory_space<vmem>>) semaphore(%arg8 : memref<!tpu.dma_semaphore, #tpu.memory_space<semaphore_mem>>) {add = true}
    %dma_start3A_259 = arith.constant 67 : i32
    %dma_start3A_260 = arith.constant 256 : i32
    %dma_start3A_261 = arith.constant 0 : i32
    %dma_start3A_262 = tpu.memref_slice %arg6[%dma_start3A_260, %dma_start3A_261] : memref<512x128xf32, #tpu.memory_space<vmem>> -> memref<128x128xf32, #tpu.memory_space<vmem>>
    %dma_start3A_263 = arith.constant 0 : i32
    %dma_start3A_264 = tpu.memref_slice %arg5[%dma_start3A_259, %dma_start3A_263] : memref<130x128xi32, #tpu.memory_space<vmem>> -> memref<1x128xi32, #tpu.memory_space<vmem>>
    %dma_start3A_265 = tpu.memref_squeeze %dma_start3A_264 : memref<1x128xi32, #tpu.memory_space<vmem>> -> memref<128xi32, #tpu.memory_space<vmem>>
    %dma_start3A_266 = arith.constant 0 : i32
    %dma_start3A_267 = arith.constant 0 : i32
    %dma_start3A_268 = tpu.memref_slice %arg3[%dma_start3A_266, %dma_start3A_267] : memref<50000x128xf32, #tpu.memory_space<hbm>> -> memref<50000x128xf32, #tpu.memory_space<hbm>>
    tpu.enqueue_indirect_dma source(%dma_start3A_268 : memref<50000x128xf32, #tpu.memory_space<hbm>>) target(%dma_start3A_262 : memref<128x128xf32, #tpu.memory_space<vmem>>) offsets(%dma_start3A_265 : memref<128xi32, #tpu.memory_space<vmem>>) semaphore(%arg8 : memref<!tpu.dma_semaphore, #tpu.memory_space<semaphore_mem>>) {add = true}
    %dma_start3A_269 = arith.constant 80 : i32
    %dma_start3A_270 = arith.constant 256 : i32
    %dma_start3A_271 = arith.constant 0 : i32
    %dma_start3A_272 = tpu.memref_slice %arg6[%dma_start3A_270, %dma_start3A_271] : memref<512x128xf32, #tpu.memory_space<vmem>> -> memref<128x128xf32, #tpu.memory_space<vmem>>
    %dma_start3A_273 = arith.constant 0 : i32
    %dma_start3A_274 = tpu.memref_slice %arg5[%dma_start3A_269, %dma_start3A_273] : memref<130x128xi32, #tpu.memory_space<vmem>> -> memref<1x128xi32, #tpu.memory_space<vmem>>
    %dma_start3A_275 = tpu.memref_squeeze %dma_start3A_274 : memref<1x128xi32, #tpu.memory_space<vmem>> -> memref<128xi32, #tpu.memory_space<vmem>>
    %dma_start3A_276 = arith.constant 0 : i32
    %dma_start3A_277 = arith.constant 0 : i32
    %dma_start3A_278 = tpu.memref_slice %arg3[%dma_start3A_276, %dma_start3A_277] : memref<50000x128xf32, #tpu.memory_space<hbm>> -> memref<50000x128xf32, #tpu.memory_space<hbm>>
    tpu.enqueue_indirect_dma source(%dma_start3A_278 : memref<50000x128xf32, #tpu.memory_space<hbm>>) target(%dma_start3A_272 : memref<128x128xf32, #tpu.memory_space<vmem>>) offsets(%dma_start3A_275 : memref<128xi32, #tpu.memory_space<vmem>>) semaphore(%arg8 : memref<!tpu.dma_semaphore, #tpu.memory_space<semaphore_mem>>) {add = true}
    %dma_start3A_279 = arith.constant 93 : i32
    %dma_start3A_280 = arith.constant 256 : i32
    %dma_start3A_281 = arith.constant 0 : i32
    %dma_start3A_282 = tpu.memref_slice %arg6[%dma_start3A_280, %dma_start3A_281] : memref<512x128xf32, #tpu.memory_space<vmem>> -> memref<128x128xf32, #tpu.memory_space<vmem>>
    %dma_start3A_283 = arith.constant 0 : i32
    %dma_start3A_284 = tpu.memref_slice %arg5[%dma_start3A_279, %dma_start3A_283] : memref<130x128xi32, #tpu.memory_space<vmem>> -> memref<1x128xi32, #tpu.memory_space<vmem>>
    %dma_start3A_285 = tpu.memref_squeeze %dma_start3A_284 : memref<1x128xi32, #tpu.memory_space<vmem>> -> memref<128xi32, #tpu.memory_space<vmem>>
    %dma_start3A_286 = arith.constant 0 : i32
    %dma_start3A_287 = arith.constant 0 : i32
    %dma_start3A_288 = tpu.memref_slice %arg3[%dma_start3A_286, %dma_start3A_287] : memref<50000x128xf32, #tpu.memory_space<hbm>> -> memref<50000x128xf32, #tpu.memory_space<hbm>>
    tpu.enqueue_indirect_dma source(%dma_start3A_288 : memref<50000x128xf32, #tpu.memory_space<hbm>>) target(%dma_start3A_282 : memref<128x128xf32, #tpu.memory_space<vmem>>) offsets(%dma_start3A_285 : memref<128xi32, #tpu.memory_space<vmem>>) semaphore(%arg8 : memref<!tpu.dma_semaphore, #tpu.memory_space<semaphore_mem>>) {add = true}
    %dma_start3A_289 = arith.constant 106 : i32
    %dma_start3A_290 = arith.constant 256 : i32
    %dma_start3A_291 = arith.constant 0 : i32
    %dma_start3A_292 = tpu.memref_slice %arg6[%dma_start3A_290, %dma_start3A_291] : memref<512x128xf32, #tpu.memory_space<vmem>> -> memref<128x128xf32, #tpu.memory_space<vmem>>
    %dma_start3A_293 = arith.constant 0 : i32
    %dma_start3A_294 = tpu.memref_slice %arg5[%dma_start3A_289, %dma_start3A_293] : memref<130x128xi32, #tpu.memory_space<vmem>> -> memref<1x128xi32, #tpu.memory_space<vmem>>
    %dma_start3A_295 = tpu.memref_squeeze %dma_start3A_294 : memref<1x128xi32, #tpu.memory_space<vmem>> -> memref<128xi32, #tpu.memory_space<vmem>>
    %dma_start3A_296 = arith.constant 0 : i32
    %dma_start3A_297 = arith.constant 0 : i32
    %dma_start3A_298 = tpu.memref_slice %arg3[%dma_start3A_296, %dma_start3A_297] : memref<50000x128xf32, #tpu.memory_space<hbm>> -> memref<50000x128xf32, #tpu.memory_space<hbm>>
    tpu.enqueue_indirect_dma source(%dma_start3A_298 : memref<50000x128xf32, #tpu.memory_space<hbm>>) target(%dma_start3A_292 : memref<128x128xf32, #tpu.memory_space<vmem>>) offsets(%dma_start3A_295 : memref<128xi32, #tpu.memory_space<vmem>>) semaphore(%arg8 : memref<!tpu.dma_semaphore, #tpu.memory_space<semaphore_mem>>) {add = true}
    %dma_start3A_299 = arith.constant 119 : i32
    %dma_start3A_300 = arith.constant 256 : i32
    %dma_start3A_301 = arith.constant 0 : i32
    %dma_start3A_302 = tpu.memref_slice %arg6[%dma_start3A_300, %dma_start3A_301] : memref<512x128xf32, #tpu.memory_space<vmem>> -> memref<128x128xf32, #tpu.memory_space<vmem>>
    %dma_start3A_303 = arith.constant 0 : i32
    %dma_start3A_304 = tpu.memref_slice %arg5[%dma_start3A_299, %dma_start3A_303] : memref<130x128xi32, #tpu.memory_space<vmem>> -> memref<1x128xi32, #tpu.memory_space<vmem>>
    %dma_start3A_305 = tpu.memref_squeeze %dma_start3A_304 : memref<1x128xi32, #tpu.memory_space<vmem>> -> memref<128xi32, #tpu.memory_space<vmem>>
    %dma_start3A_306 = arith.constant 0 : i32
    %dma_start3A_307 = arith.constant 0 : i32
    %dma_start3A_308 = tpu.memref_slice %arg3[%dma_start3A_306, %dma_start3A_307] : memref<50000x128xf32, #tpu.memory_space<hbm>> -> memref<50000x128xf32, #tpu.memory_space<hbm>>
    tpu.enqueue_indirect_dma source(%dma_start3A_308 : memref<50000x128xf32, #tpu.memory_space<hbm>>) target(%dma_start3A_302 : memref<128x128xf32, #tpu.memory_space<vmem>>) offsets(%dma_start3A_305 : memref<128xi32, #tpu.memory_space<vmem>>) semaphore(%arg8 : memref<!tpu.dma_semaphore, #tpu.memory_space<semaphore_mem>>) {add = true}
    %dma_start3A_309 = arith.constant 3 : i32
    %dma_start3A_310 = arith.constant 384 : i32
    %dma_start3A_311 = arith.constant 0 : i32
    %dma_start3A_312 = tpu.memref_slice %arg6[%dma_start3A_310, %dma_start3A_311] : memref<512x128xf32, #tpu.memory_space<vmem>> -> memref<128x128xf32, #tpu.memory_space<vmem>>
    %dma_start3A_313 = arith.constant 0 : i32
    %dma_start3A_314 = tpu.memref_slice %arg5[%dma_start3A_309, %dma_start3A_313] : memref<130x128xi32, #tpu.memory_space<vmem>> -> memref<1x128xi32, #tpu.memory_space<vmem>>
    %dma_start3A_315 = tpu.memref_squeeze %dma_start3A_314 : memref<1x128xi32, #tpu.memory_space<vmem>> -> memref<128xi32, #tpu.memory_space<vmem>>
    %dma_start3A_316 = arith.constant 0 : i32
    %dma_start3A_317 = arith.constant 0 : i32
    %dma_start3A_318 = tpu.memref_slice %arg3[%dma_start3A_316, %dma_start3A_317] : memref<50000x128xf32, #tpu.memory_space<hbm>> -> memref<50000x128xf32, #tpu.memory_space<hbm>>
    tpu.enqueue_indirect_dma source(%dma_start3A_318 : memref<50000x128xf32, #tpu.memory_space<hbm>>) target(%dma_start3A_312 : memref<128x128xf32, #tpu.memory_space<vmem>>) offsets(%dma_start3A_315 : memref<128xi32, #tpu.memory_space<vmem>>) semaphore(%arg8 : memref<!tpu.dma_semaphore, #tpu.memory_space<semaphore_mem>>) {add = true}
    %dma_start3A_319 = arith.constant 16 : i32
    %dma_start3A_320 = arith.constant 384 : i32
    %dma_start3A_321 = arith.constant 0 : i32
    %dma_start3A_322 = tpu.memref_slice %arg6[%dma_start3A_320, %dma_start3A_321] : memref<512x128xf32, #tpu.memory_space<vmem>> -> memref<128x128xf32, #tpu.memory_space<vmem>>
    %dma_start3A_323 = arith.constant 0 : i32
    %dma_start3A_324 = tpu.memref_slice %arg5[%dma_start3A_319, %dma_start3A_323] : memref<130x128xi32, #tpu.memory_space<vmem>> -> memref<1x128xi32, #tpu.memory_space<vmem>>
    %dma_start3A_325 = tpu.memref_squeeze %dma_start3A_324 : memref<1x128xi32, #tpu.memory_space<vmem>> -> memref<128xi32, #tpu.memory_space<vmem>>
    %dma_start3A_326 = arith.constant 0 : i32
    %dma_start3A_327 = arith.constant 0 : i32
    %dma_start3A_328 = tpu.memref_slice %arg3[%dma_start3A_326, %dma_start3A_327] : memref<50000x128xf32, #tpu.memory_space<hbm>> -> memref<50000x128xf32, #tpu.memory_space<hbm>>
    tpu.enqueue_indirect_dma source(%dma_start3A_328 : memref<50000x128xf32, #tpu.memory_space<hbm>>) target(%dma_start3A_322 : memref<128x128xf32, #tpu.memory_space<vmem>>) offsets(%dma_start3A_325 : memref<128xi32, #tpu.memory_space<vmem>>) semaphore(%arg8 : memref<!tpu.dma_semaphore, #tpu.memory_space<semaphore_mem>>) {add = true}
    %dma_start3A_329 = arith.constant 29 : i32
    %dma_start3A_330 = arith.constant 384 : i32
    %dma_start3A_331 = arith.constant 0 : i32
    %dma_start3A_332 = tpu.memref_slice %arg6[%dma_start3A_330, %dma_start3A_331] : memref<512x128xf32, #tpu.memory_space<vmem>> -> memref<128x128xf32, #tpu.memory_space<vmem>>
    %dma_start3A_333 = arith.constant 0 : i32
    %dma_start3A_334 = tpu.memref_slice %arg5[%dma_start3A_329, %dma_start3A_333] : memref<130x128xi32, #tpu.memory_space<vmem>> -> memref<1x128xi32, #tpu.memory_space<vmem>>
    %dma_start3A_335 = tpu.memref_squeeze %dma_start3A_334 : memref<1x128xi32, #tpu.memory_space<vmem>> -> memref<128xi32, #tpu.memory_space<vmem>>
    %dma_start3A_336 = arith.constant 0 : i32
    %dma_start3A_337 = arith.constant 0 : i32
    %dma_start3A_338 = tpu.memref_slice %arg3[%dma_start3A_336, %dma_start3A_337] : memref<50000x128xf32, #tpu.memory_space<hbm>> -> memref<50000x128xf32, #tpu.memory_space<hbm>>
    tpu.enqueue_indirect_dma source(%dma_start3A_338 : memref<50000x128xf32, #tpu.memory_space<hbm>>) target(%dma_start3A_332 : memref<128x128xf32, #tpu.memory_space<vmem>>) offsets(%dma_start3A_335 : memref<128xi32, #tpu.memory_space<vmem>>) semaphore(%arg8 : memref<!tpu.dma_semaphore, #tpu.memory_space<semaphore_mem>>) {add = true}
    %dma_start3A_339 = arith.constant 42 : i32
    %dma_start3A_340 = arith.constant 384 : i32
    %dma_start3A_341 = arith.constant 0 : i32
    %dma_start3A_342 = tpu.memref_slice %arg6[%dma_start3A_340, %dma_start3A_341] : memref<512x128xf32, #tpu.memory_space<vmem>> -> memref<128x128xf32, #tpu.memory_space<vmem>>
    %dma_start3A_343 = arith.constant 0 : i32
    %dma_start3A_344 = tpu.memref_slice %arg5[%dma_start3A_339, %dma_start3A_343] : memref<130x128xi32, #tpu.memory_space<vmem>> -> memref<1x128xi32, #tpu.memory_space<vmem>>
    %dma_start3A_345 = tpu.memref_squeeze %dma_start3A_344 : memref<1x128xi32, #tpu.memory_space<vmem>> -> memref<128xi32, #tpu.memory_space<vmem>>
    %dma_start3A_346 = arith.constant 0 : i32
    %dma_start3A_347 = arith.constant 0 : i32
    %dma_start3A_348 = tpu.memref_slice %arg3[%dma_start3A_346, %dma_start3A_347] : memref<50000x128xf32, #tpu.memory_space<hbm>> -> memref<50000x128xf32, #tpu.memory_space<hbm>>
    tpu.enqueue_indirect_dma source(%dma_start3A_348 : memref<50000x128xf32, #tpu.memory_space<hbm>>) target(%dma_start3A_342 : memref<128x128xf32, #tpu.memory_space<vmem>>) offsets(%dma_start3A_345 : memref<128xi32, #tpu.memory_space<vmem>>) semaphore(%arg8 : memref<!tpu.dma_semaphore, #tpu.memory_space<semaphore_mem>>) {add = true}
    %dma_start3A_349 = arith.constant 55 : i32
    %dma_start3A_350 = arith.constant 384 : i32
    %dma_start3A_351 = arith.constant 0 : i32
    %dma_start3A_352 = tpu.memref_slice %arg6[%dma_start3A_350, %dma_start3A_351] : memref<512x128xf32, #tpu.memory_space<vmem>> -> memref<128x128xf32, #tpu.memory_space<vmem>>
    %dma_start3A_353 = arith.constant 0 : i32
    %dma_start3A_354 = tpu.memref_slice %arg5[%dma_start3A_349, %dma_start3A_353] : memref<130x128xi32, #tpu.memory_space<vmem>> -> memref<1x128xi32, #tpu.memory_space<vmem>>
    %dma_start3A_355 = tpu.memref_squeeze %dma_start3A_354 : memref<1x128xi32, #tpu.memory_space<vmem>> -> memref<128xi32, #tpu.memory_space<vmem>>
    %dma_start3A_356 = arith.constant 0 : i32
    %dma_start3A_357 = arith.constant 0 : i32
    %dma_start3A_358 = tpu.memref_slice %arg3[%dma_start3A_356, %dma_start3A_357] : memref<50000x128xf32, #tpu.memory_space<hbm>> -> memref<50000x128xf32, #tpu.memory_space<hbm>>
    tpu.enqueue_indirect_dma source(%dma_start3A_358 : memref<50000x128xf32, #tpu.memory_space<hbm>>) target(%dma_start3A_352 : memref<128x128xf32, #tpu.memory_space<vmem>>) offsets(%dma_start3A_355 : memref<128xi32, #tpu.memory_space<vmem>>) semaphore(%arg8 : memref<!tpu.dma_semaphore, #tpu.memory_space<semaphore_mem>>) {add = true}
    %dma_start3A_359 = arith.constant 68 : i32
    %dma_start3A_360 = arith.constant 384 : i32
    %dma_start3A_361 = arith.constant 0 : i32
    %dma_start3A_362 = tpu.memref_slice %arg6[%dma_start3A_360, %dma_start3A_361] : memref<512x128xf32, #tpu.memory_space<vmem>> -> memref<128x128xf32, #tpu.memory_space<vmem>>
    %dma_start3A_363 = arith.constant 0 : i32
    %dma_start3A_364 = tpu.memref_slice %arg5[%dma_start3A_359, %dma_start3A_363] : memref<130x128xi32, #tpu.memory_space<vmem>> -> memref<1x128xi32, #tpu.memory_space<vmem>>
    %dma_start3A_365 = tpu.memref_squeeze %dma_start3A_364 : memref<1x128xi32, #tpu.memory_space<vmem>> -> memref<128xi32, #tpu.memory_space<vmem>>
    %dma_start3A_366 = arith.constant 0 : i32
    %dma_start3A_367 = arith.constant 0 : i32
    %dma_start3A_368 = tpu.memref_slice %arg3[%dma_start3A_366, %dma_start3A_367] : memref<50000x128xf32, #tpu.memory_space<hbm>> -> memref<50000x128xf32, #tpu.memory_space<hbm>>
    tpu.enqueue_indirect_dma source(%dma_start3A_368 : memref<50000x128xf32, #tpu.memory_space<hbm>>) target(%dma_start3A_362 : memref<128x128xf32, #tpu.memory_space<vmem>>) offsets(%dma_start3A_365 : memref<128xi32, #tpu.memory_space<vmem>>) semaphore(%arg8 : memref<!tpu.dma_semaphore, #tpu.memory_space<semaphore_mem>>) {add = true}
    %dma_start3A_369 = arith.constant 81 : i32
    %dma_start3A_370 = arith.constant 384 : i32
    %dma_start3A_371 = arith.constant 0 : i32
    %dma_start3A_372 = tpu.memref_slice %arg6[%dma_start3A_370, %dma_start3A_371] : memref<512x128xf32, #tpu.memory_space<vmem>> -> memref<128x128xf32, #tpu.memory_space<vmem>>
    %dma_start3A_373 = arith.constant 0 : i32
    %dma_start3A_374 = tpu.memref_slice %arg5[%dma_start3A_369, %dma_start3A_373] : memref<130x128xi32, #tpu.memory_space<vmem>> -> memref<1x128xi32, #tpu.memory_space<vmem>>
    %dma_start3A_375 = tpu.memref_squeeze %dma_start3A_374 : memref<1x128xi32, #tpu.memory_space<vmem>> -> memref<128xi32, #tpu.memory_space<vmem>>
    %dma_start3A_376 = arith.constant 0 : i32
    %dma_start3A_377 = arith.constant 0 : i32
    %dma_start3A_378 = tpu.memref_slice %arg3[%dma_start3A_376, %dma_start3A_377] : memref<50000x128xf32, #tpu.memory_space<hbm>> -> memref<50000x128xf32, #tpu.memory_space<hbm>>
    tpu.enqueue_indirect_dma source(%dma_start3A_378 : memref<50000x128xf32, #tpu.memory_space<hbm>>) target(%dma_start3A_372 : memref<128x128xf32, #tpu.memory_space<vmem>>) offsets(%dma_start3A_375 : memref<128xi32, #tpu.memory_space<vmem>>) semaphore(%arg8 : memref<!tpu.dma_semaphore, #tpu.memory_space<semaphore_mem>>) {add = true}
    %dma_start3A_379 = arith.constant 94 : i32
    %dma_start3A_380 = arith.constant 384 : i32
    %dma_start3A_381 = arith.constant 0 : i32
    %dma_start3A_382 = tpu.memref_slice %arg6[%dma_start3A_380, %dma_start3A_381] : memref<512x128xf32, #tpu.memory_space<vmem>> -> memref<128x128xf32, #tpu.memory_space<vmem>>
    %dma_start3A_383 = arith.constant 0 : i32
    %dma_start3A_384 = tpu.memref_slice %arg5[%dma_start3A_379, %dma_start3A_383] : memref<130x128xi32, #tpu.memory_space<vmem>> -> memref<1x128xi32, #tpu.memory_space<vmem>>
    %dma_start3A_385 = tpu.memref_squeeze %dma_start3A_384 : memref<1x128xi32, #tpu.memory_space<vmem>> -> memref<128xi32, #tpu.memory_space<vmem>>
    %dma_start3A_386 = arith.constant 0 : i32
    %dma_start3A_387 = arith.constant 0 : i32
    %dma_start3A_388 = tpu.memref_slice %arg3[%dma_start3A_386, %dma_start3A_387] : memref<50000x128xf32, #tpu.memory_space<hbm>> -> memref<50000x128xf32, #tpu.memory_space<hbm>>
    tpu.enqueue_indirect_dma source(%dma_start3A_388 : memref<50000x128xf32, #tpu.memory_space<hbm>>) target(%dma_start3A_382 : memref<128x128xf32, #tpu.memory_space<vmem>>) offsets(%dma_start3A_385 : memref<128xi32, #tpu.memory_space<vmem>>) semaphore(%arg8 : memref<!tpu.dma_semaphore, #tpu.memory_space<semaphore_mem>>) {add = true}
    %dma_start3A_389 = arith.constant 107 : i32
    %dma_start3A_390 = arith.constant 384 : i32
    %dma_start3A_391 = arith.constant 0 : i32
    %dma_start3A_392 = tpu.memref_slice %arg6[%dma_start3A_390, %dma_start3A_391] : memref<512x128xf32, #tpu.memory_space<vmem>> -> memref<128x128xf32, #tpu.memory_space<vmem>>
    %dma_start3A_393 = arith.constant 0 : i32
    %dma_start3A_394 = tpu.memref_slice %arg5[%dma_start3A_389, %dma_start3A_393] : memref<130x128xi32, #tpu.memory_space<vmem>> -> memref<1x128xi32, #tpu.memory_space<vmem>>
    %dma_start3A_395 = tpu.memref_squeeze %dma_start3A_394 : memref<1x128xi32, #tpu.memory_space<vmem>> -> memref<128xi32, #tpu.memory_space<vmem>>
    %dma_start3A_396 = arith.constant 0 : i32
    %dma_start3A_397 = arith.constant 0 : i32
    %dma_start3A_398 = tpu.memref_slice %arg3[%dma_start3A_396, %dma_start3A_397] : memref<50000x128xf32, #tpu.memory_space<hbm>> -> memref<50000x128xf32, #tpu.memory_space<hbm>>
    tpu.enqueue_indirect_dma source(%dma_start3A_398 : memref<50000x128xf32, #tpu.memory_space<hbm>>) target(%dma_start3A_392 : memref<128x128xf32, #tpu.memory_space<vmem>>) offsets(%dma_start3A_395 : memref<128xi32, #tpu.memory_space<vmem>>) semaphore(%arg8 : memref<!tpu.dma_semaphore, #tpu.memory_space<semaphore_mem>>) {add = true}
    %dma_start3A_399 = arith.constant 120 : i32
    %dma_start3A_400 = arith.constant 384 : i32
    %dma_start3A_401 = arith.constant 0 : i32
    %dma_start3A_402 = tpu.memref_slice %arg6[%dma_start3A_400, %dma_start3A_401] : memref<512x128xf32, #tpu.memory_space<vmem>> -> memref<128x128xf32, #tpu.memory_space<vmem>>
    %dma_start3A_403 = arith.constant 0 : i32
    %dma_start3A_404 = tpu.memref_slice %arg5[%dma_start3A_399, %dma_start3A_403] : memref<130x128xi32, #tpu.memory_space<vmem>> -> memref<1x128xi32, #tpu.memory_space<vmem>>
    %dma_start3A_405 = tpu.memref_squeeze %dma_start3A_404 : memref<1x128xi32, #tpu.memory_space<vmem>> -> memref<128xi32, #tpu.memory_space<vmem>>
    %dma_start3A_406 = arith.constant 0 : i32
    %dma_start3A_407 = arith.constant 0 : i32
    %dma_start3A_408 = tpu.memref_slice %arg3[%dma_start3A_406, %dma_start3A_407] : memref<50000x128xf32, #tpu.memory_space<hbm>> -> memref<50000x128xf32, #tpu.memory_space<hbm>>
    tpu.enqueue_indirect_dma source(%dma_start3A_408 : memref<50000x128xf32, #tpu.memory_space<hbm>>) target(%dma_start3A_402 : memref<128x128xf32, #tpu.memory_space<vmem>>) offsets(%dma_start3A_405 : memref<128xi32, #tpu.memory_space<vmem>>) semaphore(%arg8 : memref<!tpu.dma_semaphore, #tpu.memory_space<semaphore_mem>>) {add = true}
    %dma_wait3A = arith.constant 0 : i32
    %dma_wait3A_409 = arith.constant 0 : i32
    %dma_wait3A_410 = arith.constant 0 : i32
    %dma_wait3A_411 = tpu.memref_slice %arg6[%dma_wait3A_409, %dma_wait3A_410] : memref<512x128xf32, #tpu.memory_space<vmem>> -> memref<128x128xf32, #tpu.memory_space<vmem>>
    %dma_wait3A_412 = arith.constant 0 : i32
    %dma_wait3A_413 = tpu.memref_slice %arg5[%dma_wait3A, %dma_wait3A_412] : memref<130x128xi32, #tpu.memory_space<vmem>> -> memref<1x128xi32, #tpu.memory_space<vmem>>
    %dma_wait3A_414 = tpu.memref_squeeze %dma_wait3A_413 : memref<1x128xi32, #tpu.memory_space<vmem>> -> memref<128xi32, #tpu.memory_space<vmem>>
    %dma_wait3A_415 = arith.constant 0 : i32
    %dma_wait3A_416 = arith.constant 0 : i32
    %dma_wait3A_417 = tpu.memref_slice %arg3[%dma_wait3A_415, %dma_wait3A_416] : memref<50000x128xf32, #tpu.memory_space<hbm>> -> memref<50000x128xf32, #tpu.memory_space<hbm>>
    tpu.wait_indirect_dma semaphore(%arg8 : memref<!tpu.dma_semaphore, #tpu.memory_space<semaphore_mem>>) src(%dma_wait3A_417 : memref<50000x128xf32, #tpu.memory_space<hbm>>) dst(%dma_wait3A_411 : memref<128x128xf32, #tpu.memory_space<vmem>>)
    %dma_wait3A_418 = arith.constant 13 : i32
    %dma_wait3A_419 = arith.constant 0 : i32
    %dma_wait3A_420 = arith.constant 0 : i32
    %dma_wait3A_421 = tpu.memref_slice %arg6[%dma_wait3A_419, %dma_wait3A_420] : memref<512x128xf32, #tpu.memory_space<vmem>> -> memref<128x128xf32, #tpu.memory_space<vmem>>
    %dma_wait3A_422 = arith.constant 0 : i32
    %dma_wait3A_423 = tpu.memref_slice %arg5[%dma_wait3A_418, %dma_wait3A_422] : memref<130x128xi32, #tpu.memory_space<vmem>> -> memref<1x128xi32, #tpu.memory_space<vmem>>
    %dma_wait3A_424 = tpu.memref_squeeze %dma_wait3A_423 : memref<1x128xi32, #tpu.memory_space<vmem>> -> memref<128xi32, #tpu.memory_space<vmem>>
    %dma_wait3A_425 = arith.constant 0 : i32
    %dma_wait3A_426 = arith.constant 0 : i32
    %dma_wait3A_427 = tpu.memref_slice %arg3[%dma_wait3A_425, %dma_wait3A_426] : memref<50000x128xf32, #tpu.memory_space<hbm>> -> memref<50000x128xf32, #tpu.memory_space<hbm>>
    tpu.wait_indirect_dma semaphore(%arg8 : memref<!tpu.dma_semaphore, #tpu.memory_space<semaphore_mem>>) src(%dma_wait3A_427 : memref<50000x128xf32, #tpu.memory_space<hbm>>) dst(%dma_wait3A_421 : memref<128x128xf32, #tpu.memory_space<vmem>>)
    %dma_wait3A_428 = arith.constant 26 : i32
    %dma_wait3A_429 = arith.constant 0 : i32
    %dma_wait3A_430 = arith.constant 0 : i32
    %dma_wait3A_431 = tpu.memref_slice %arg6[%dma_wait3A_429, %dma_wait3A_430] : memref<512x128xf32, #tpu.memory_space<vmem>> -> memref<128x128xf32, #tpu.memory_space<vmem>>
    %dma_wait3A_432 = arith.constant 0 : i32
    %dma_wait3A_433 = tpu.memref_slice %arg5[%dma_wait3A_428, %dma_wait3A_432] : memref<130x128xi32, #tpu.memory_space<vmem>> -> memref<1x128xi32, #tpu.memory_space<vmem>>
    %dma_wait3A_434 = tpu.memref_squeeze %dma_wait3A_433 : memref<1x128xi32, #tpu.memory_space<vmem>> -> memref<128xi32, #tpu.memory_space<vmem>>
    %dma_wait3A_435 = arith.constant 0 : i32
    %dma_wait3A_436 = arith.constant 0 : i32
    %dma_wait3A_437 = tpu.memref_slice %arg3[%dma_wait3A_435, %dma_wait3A_436] : memref<50000x128xf32, #tpu.memory_space<hbm>> -> memref<50000x128xf32, #tpu.memory_space<hbm>>
    tpu.wait_indirect_dma semaphore(%arg8 : memref<!tpu.dma_semaphore, #tpu.memory_space<semaphore_mem>>) src(%dma_wait3A_437 : memref<50000x128xf32, #tpu.memory_space<hbm>>) dst(%dma_wait3A_431 : memref<128x128xf32, #tpu.memory_space<vmem>>)
    %dma_wait3A_438 = arith.constant 39 : i32
    %dma_wait3A_439 = arith.constant 0 : i32
    %dma_wait3A_440 = arith.constant 0 : i32
    %dma_wait3A_441 = tpu.memref_slice %arg6[%dma_wait3A_439, %dma_wait3A_440] : memref<512x128xf32, #tpu.memory_space<vmem>> -> memref<128x128xf32, #tpu.memory_space<vmem>>
    %dma_wait3A_442 = arith.constant 0 : i32
    %dma_wait3A_443 = tpu.memref_slice %arg5[%dma_wait3A_438, %dma_wait3A_442] : memref<130x128xi32, #tpu.memory_space<vmem>> -> memref<1x128xi32, #tpu.memory_space<vmem>>
    %dma_wait3A_444 = tpu.memref_squeeze %dma_wait3A_443 : memref<1x128xi32, #tpu.memory_space<vmem>> -> memref<128xi32, #tpu.memory_space<vmem>>
    %dma_wait3A_445 = arith.constant 0 : i32
    %dma_wait3A_446 = arith.constant 0 : i32
    %dma_wait3A_447 = tpu.memref_slice %arg3[%dma_wait3A_445, %dma_wait3A_446] : memref<50000x128xf32, #tpu.memory_space<hbm>> -> memref<50000x128xf32, #tpu.memory_space<hbm>>
    tpu.wait_indirect_dma semaphore(%arg8 : memref<!tpu.dma_semaphore, #tpu.memory_space<semaphore_mem>>) src(%dma_wait3A_447 : memref<50000x128xf32, #tpu.memory_space<hbm>>) dst(%dma_wait3A_441 : memref<128x128xf32, #tpu.memory_space<vmem>>)
    %dma_wait3A_448 = arith.constant 52 : i32
    %dma_wait3A_449 = arith.constant 0 : i32
    %dma_wait3A_450 = arith.constant 0 : i32
    %dma_wait3A_451 = tpu.memref_slice %arg6[%dma_wait3A_449, %dma_wait3A_450] : memref<512x128xf32, #tpu.memory_space<vmem>> -> memref<128x128xf32, #tpu.memory_space<vmem>>
    %dma_wait3A_452 = arith.constant 0 : i32
    %dma_wait3A_453 = tpu.memref_slice %arg5[%dma_wait3A_448, %dma_wait3A_452] : memref<130x128xi32, #tpu.memory_space<vmem>> -> memref<1x128xi32, #tpu.memory_space<vmem>>
    %dma_wait3A_454 = tpu.memref_squeeze %dma_wait3A_453 : memref<1x128xi32, #tpu.memory_space<vmem>> -> memref<128xi32, #tpu.memory_space<vmem>>
    %dma_wait3A_455 = arith.constant 0 : i32
    %dma_wait3A_456 = arith.constant 0 : i32
    %dma_wait3A_457 = tpu.memref_slice %arg3[%dma_wait3A_455, %dma_wait3A_456] : memref<50000x128xf32, #tpu.memory_space<hbm>> -> memref<50000x128xf32, #tpu.memory_space<hbm>>
    tpu.wait_indirect_dma semaphore(%arg8 : memref<!tpu.dma_semaphore, #tpu.memory_space<semaphore_mem>>) src(%dma_wait3A_457 : memref<50000x128xf32, #tpu.memory_space<hbm>>) dst(%dma_wait3A_451 : memref<128x128xf32, #tpu.memory_space<vmem>>)
    %dma_wait3A_458 = arith.constant 65 : i32
    %dma_wait3A_459 = arith.constant 0 : i32
    %dma_wait3A_460 = arith.constant 0 : i32
    %dma_wait3A_461 = tpu.memref_slice %arg6[%dma_wait3A_459, %dma_wait3A_460] : memref<512x128xf32, #tpu.memory_space<vmem>> -> memref<128x128xf32, #tpu.memory_space<vmem>>
    %dma_wait3A_462 = arith.constant 0 : i32
    %dma_wait3A_463 = tpu.memref_slice %arg5[%dma_wait3A_458, %dma_wait3A_462] : memref<130x128xi32, #tpu.memory_space<vmem>> -> memref<1x128xi32, #tpu.memory_space<vmem>>
    %dma_wait3A_464 = tpu.memref_squeeze %dma_wait3A_463 : memref<1x128xi32, #tpu.memory_space<vmem>> -> memref<128xi32, #tpu.memory_space<vmem>>
    %dma_wait3A_465 = arith.constant 0 : i32
    %dma_wait3A_466 = arith.constant 0 : i32
    %dma_wait3A_467 = tpu.memref_slice %arg3[%dma_wait3A_465, %dma_wait3A_466] : memref<50000x128xf32, #tpu.memory_space<hbm>> -> memref<50000x128xf32, #tpu.memory_space<hbm>>
    tpu.wait_indirect_dma semaphore(%arg8 : memref<!tpu.dma_semaphore, #tpu.memory_space<semaphore_mem>>) src(%dma_wait3A_467 : memref<50000x128xf32, #tpu.memory_space<hbm>>) dst(%dma_wait3A_461 : memref<128x128xf32, #tpu.memory_space<vmem>>)
    %dma_wait3A_468 = arith.constant 78 : i32
    %dma_wait3A_469 = arith.constant 0 : i32
    %dma_wait3A_470 = arith.constant 0 : i32
    %dma_wait3A_471 = tpu.memref_slice %arg6[%dma_wait3A_469, %dma_wait3A_470] : memref<512x128xf32, #tpu.memory_space<vmem>> -> memref<128x128xf32, #tpu.memory_space<vmem>>
    %dma_wait3A_472 = arith.constant 0 : i32
    %dma_wait3A_473 = tpu.memref_slice %arg5[%dma_wait3A_468, %dma_wait3A_472] : memref<130x128xi32, #tpu.memory_space<vmem>> -> memref<1x128xi32, #tpu.memory_space<vmem>>
    %dma_wait3A_474 = tpu.memref_squeeze %dma_wait3A_473 : memref<1x128xi32, #tpu.memory_space<vmem>> -> memref<128xi32, #tpu.memory_space<vmem>>
    %dma_wait3A_475 = arith.constant 0 : i32
    %dma_wait3A_476 = arith.constant 0 : i32
    %dma_wait3A_477 = tpu.memref_slice %arg3[%dma_wait3A_475, %dma_wait3A_476] : memref<50000x128xf32, #tpu.memory_space<hbm>> -> memref<50000x128xf32, #tpu.memory_space<hbm>>
    tpu.wait_indirect_dma semaphore(%arg8 : memref<!tpu.dma_semaphore, #tpu.memory_space<semaphore_mem>>) src(%dma_wait3A_477 : memref<50000x128xf32, #tpu.memory_space<hbm>>) dst(%dma_wait3A_471 : memref<128x128xf32, #tpu.memory_space<vmem>>)
    %dma_wait3A_478 = arith.constant 91 : i32
    %dma_wait3A_479 = arith.constant 0 : i32
    %dma_wait3A_480 = arith.constant 0 : i32
    %dma_wait3A_481 = tpu.memref_slice %arg6[%dma_wait3A_479, %dma_wait3A_480] : memref<512x128xf32, #tpu.memory_space<vmem>> -> memref<128x128xf32, #tpu.memory_space<vmem>>
    %dma_wait3A_482 = arith.constant 0 : i32
    %dma_wait3A_483 = tpu.memref_slice %arg5[%dma_wait3A_478, %dma_wait3A_482] : memref<130x128xi32, #tpu.memory_space<vmem>> -> memref<1x128xi32, #tpu.memory_space<vmem>>
    %dma_wait3A_484 = tpu.memref_squeeze %dma_wait3A_483 : memref<1x128xi32, #tpu.memory_space<vmem>> -> memref<128xi32, #tpu.memory_space<vmem>>
    %dma_wait3A_485 = arith.constant 0 : i32
    %dma_wait3A_486 = arith.constant 0 : i32
    %dma_wait3A_487 = tpu.memref_slice %arg3[%dma_wait3A_485, %dma_wait3A_486] : memref<50000x128xf32, #tpu.memory_space<hbm>> -> memref<50000x128xf32, #tpu.memory_space<hbm>>
    tpu.wait_indirect_dma semaphore(%arg8 : memref<!tpu.dma_semaphore, #tpu.memory_space<semaphore_mem>>) src(%dma_wait3A_487 : memref<50000x128xf32, #tpu.memory_space<hbm>>) dst(%dma_wait3A_481 : memref<128x128xf32, #tpu.memory_space<vmem>>)
    %dma_wait3A_488 = arith.constant 104 : i32
    %dma_wait3A_489 = arith.constant 0 : i32
    %dma_wait3A_490 = arith.constant 0 : i32
    %dma_wait3A_491 = tpu.memref_slice %arg6[%dma_wait3A_489, %dma_wait3A_490] : memref<512x128xf32, #tpu.memory_space<vmem>> -> memref<128x128xf32, #tpu.memory_space<vmem>>
    %dma_wait3A_492 = arith.constant 0 : i32
    %dma_wait3A_493 = tpu.memref_slice %arg5[%dma_wait3A_488, %dma_wait3A_492] : memref<130x128xi32, #tpu.memory_space<vmem>> -> memref<1x128xi32, #tpu.memory_space<vmem>>
    %dma_wait3A_494 = tpu.memref_squeeze %dma_wait3A_493 : memref<1x128xi32, #tpu.memory_space<vmem>> -> memref<128xi32, #tpu.memory_space<vmem>>
    %dma_wait3A_495 = arith.constant 0 : i32
    %dma_wait3A_496 = arith.constant 0 : i32
    %dma_wait3A_497 = tpu.memref_slice %arg3[%dma_wait3A_495, %dma_wait3A_496] : memref<50000x128xf32, #tpu.memory_space<hbm>> -> memref<50000x128xf32, #tpu.memory_space<hbm>>
    tpu.wait_indirect_dma semaphore(%arg8 : memref<!tpu.dma_semaphore, #tpu.memory_space<semaphore_mem>>) src(%dma_wait3A_497 : memref<50000x128xf32, #tpu.memory_space<hbm>>) dst(%dma_wait3A_491 : memref<128x128xf32, #tpu.memory_space<vmem>>)
    %dma_wait3A_498 = arith.constant 117 : i32
    %dma_wait3A_499 = arith.constant 0 : i32
    %dma_wait3A_500 = arith.constant 0 : i32
    %dma_wait3A_501 = tpu.memref_slice %arg6[%dma_wait3A_499, %dma_wait3A_500] : memref<512x128xf32, #tpu.memory_space<vmem>> -> memref<128x128xf32, #tpu.memory_space<vmem>>
    %dma_wait3A_502 = arith.constant 0 : i32
    %dma_wait3A_503 = tpu.memref_slice %arg5[%dma_wait3A_498, %dma_wait3A_502] : memref<130x128xi32, #tpu.memory_space<vmem>> -> memref<1x128xi32, #tpu.memory_space<vmem>>
    %dma_wait3A_504 = tpu.memref_squeeze %dma_wait3A_503 : memref<1x128xi32, #tpu.memory_space<vmem>> -> memref<128xi32, #tpu.memory_space<vmem>>
    %dma_wait3A_505 = arith.constant 0 : i32
    %dma_wait3A_506 = arith.constant 0 : i32
    %dma_wait3A_507 = tpu.memref_slice %arg3[%dma_wait3A_505, %dma_wait3A_506] : memref<50000x128xf32, #tpu.memory_space<hbm>> -> memref<50000x128xf32, #tpu.memory_space<hbm>>
    tpu.wait_indirect_dma semaphore(%arg8 : memref<!tpu.dma_semaphore, #tpu.memory_space<semaphore_mem>>) src(%dma_wait3A_507 : memref<50000x128xf32, #tpu.memory_space<hbm>>) dst(%dma_wait3A_501 : memref<128x128xf32, #tpu.memory_space<vmem>>)
    %dma_wait3A_508 = arith.constant 1 : i32
    %dma_wait3A_509 = arith.constant 128 : i32
    %dma_wait3A_510 = arith.constant 0 : i32
    %dma_wait3A_511 = tpu.memref_slice %arg6[%dma_wait3A_509, %dma_wait3A_510] : memref<512x128xf32, #tpu.memory_space<vmem>> -> memref<128x128xf32, #tpu.memory_space<vmem>>
    %dma_wait3A_512 = arith.constant 0 : i32
    %dma_wait3A_513 = tpu.memref_slice %arg5[%dma_wait3A_508, %dma_wait3A_512] : memref<130x128xi32, #tpu.memory_space<vmem>> -> memref<1x128xi32, #tpu.memory_space<vmem>>
    %dma_wait3A_514 = tpu.memref_squeeze %dma_wait3A_513 : memref<1x128xi32, #tpu.memory_space<vmem>> -> memref<128xi32, #tpu.memory_space<vmem>>
    %dma_wait3A_515 = arith.constant 0 : i32
    %dma_wait3A_516 = arith.constant 0 : i32
    %dma_wait3A_517 = tpu.memref_slice %arg3[%dma_wait3A_515, %dma_wait3A_516] : memref<50000x128xf32, #tpu.memory_space<hbm>> -> memref<50000x128xf32, #tpu.memory_space<hbm>>
    tpu.wait_indirect_dma semaphore(%arg8 : memref<!tpu.dma_semaphore, #tpu.memory_space<semaphore_mem>>) src(%dma_wait3A_517 : memref<50000x128xf32, #tpu.memory_space<hbm>>) dst(%dma_wait3A_511 : memref<128x128xf32, #tpu.memory_space<vmem>>)
    %dma_wait3A_518 = arith.constant 14 : i32
    %dma_wait3A_519 = arith.constant 128 : i32
    %dma_wait3A_520 = arith.constant 0 : i32
    %dma_wait3A_521 = tpu.memref_slice %arg6[%dma_wait3A_519, %dma_wait3A_520] : memref<512x128xf32, #tpu.memory_space<vmem>> -> memref<128x128xf32, #tpu.memory_space<vmem>>
    %dma_wait3A_522 = arith.constant 0 : i32
    %dma_wait3A_523 = tpu.memref_slice %arg5[%dma_wait3A_518, %dma_wait3A_522] : memref<130x128xi32, #tpu.memory_space<vmem>> -> memref<1x128xi32, #tpu.memory_space<vmem>>
    %dma_wait3A_524 = tpu.memref_squeeze %dma_wait3A_523 : memref<1x128xi32, #tpu.memory_space<vmem>> -> memref<128xi32, #tpu.memory_space<vmem>>
    %dma_wait3A_525 = arith.constant 0 : i32
    %dma_wait3A_526 = arith.constant 0 : i32
    %dma_wait3A_527 = tpu.memref_slice %arg3[%dma_wait3A_525, %dma_wait3A_526] : memref<50000x128xf32, #tpu.memory_space<hbm>> -> memref<50000x128xf32, #tpu.memory_space<hbm>>
    tpu.wait_indirect_dma semaphore(%arg8 : memref<!tpu.dma_semaphore, #tpu.memory_space<semaphore_mem>>) src(%dma_wait3A_527 : memref<50000x128xf32, #tpu.memory_space<hbm>>) dst(%dma_wait3A_521 : memref<128x128xf32, #tpu.memory_space<vmem>>)
    %dma_wait3A_528 = arith.constant 27 : i32
    %dma_wait3A_529 = arith.constant 128 : i32
    %dma_wait3A_530 = arith.constant 0 : i32
    %dma_wait3A_531 = tpu.memref_slice %arg6[%dma_wait3A_529, %dma_wait3A_530] : memref<512x128xf32, #tpu.memory_space<vmem>> -> memref<128x128xf32, #tpu.memory_space<vmem>>
    %dma_wait3A_532 = arith.constant 0 : i32
    %dma_wait3A_533 = tpu.memref_slice %arg5[%dma_wait3A_528, %dma_wait3A_532] : memref<130x128xi32, #tpu.memory_space<vmem>> -> memref<1x128xi32, #tpu.memory_space<vmem>>
    %dma_wait3A_534 = tpu.memref_squeeze %dma_wait3A_533 : memref<1x128xi32, #tpu.memory_space<vmem>> -> memref<128xi32, #tpu.memory_space<vmem>>
    %dma_wait3A_535 = arith.constant 0 : i32
    %dma_wait3A_536 = arith.constant 0 : i32
    %dma_wait3A_537 = tpu.memref_slice %arg3[%dma_wait3A_535, %dma_wait3A_536] : memref<50000x128xf32, #tpu.memory_space<hbm>> -> memref<50000x128xf32, #tpu.memory_space<hbm>>
    tpu.wait_indirect_dma semaphore(%arg8 : memref<!tpu.dma_semaphore, #tpu.memory_space<semaphore_mem>>) src(%dma_wait3A_537 : memref<50000x128xf32, #tpu.memory_space<hbm>>) dst(%dma_wait3A_531 : memref<128x128xf32, #tpu.memory_space<vmem>>)
    %dma_wait3A_538 = arith.constant 40 : i32
    %dma_wait3A_539 = arith.constant 128 : i32
    %dma_wait3A_540 = arith.constant 0 : i32
    %dma_wait3A_541 = tpu.memref_slice %arg6[%dma_wait3A_539, %dma_wait3A_540] : memref<512x128xf32, #tpu.memory_space<vmem>> -> memref<128x128xf32, #tpu.memory_space<vmem>>
    %dma_wait3A_542 = arith.constant 0 : i32
    %dma_wait3A_543 = tpu.memref_slice %arg5[%dma_wait3A_538, %dma_wait3A_542] : memref<130x128xi32, #tpu.memory_space<vmem>> -> memref<1x128xi32, #tpu.memory_space<vmem>>
    %dma_wait3A_544 = tpu.memref_squeeze %dma_wait3A_543 : memref<1x128xi32, #tpu.memory_space<vmem>> -> memref<128xi32, #tpu.memory_space<vmem>>
    %dma_wait3A_545 = arith.constant 0 : i32
    %dma_wait3A_546 = arith.constant 0 : i32
    %dma_wait3A_547 = tpu.memref_slice %arg3[%dma_wait3A_545, %dma_wait3A_546] : memref<50000x128xf32, #tpu.memory_space<hbm>> -> memref<50000x128xf32, #tpu.memory_space<hbm>>
    tpu.wait_indirect_dma semaphore(%arg8 : memref<!tpu.dma_semaphore, #tpu.memory_space<semaphore_mem>>) src(%dma_wait3A_547 : memref<50000x128xf32, #tpu.memory_space<hbm>>) dst(%dma_wait3A_541 : memref<128x128xf32, #tpu.memory_space<vmem>>)
    %dma_wait3A_548 = arith.constant 53 : i32
    %dma_wait3A_549 = arith.constant 128 : i32
    %dma_wait3A_550 = arith.constant 0 : i32
    %dma_wait3A_551 = tpu.memref_slice %arg6[%dma_wait3A_549, %dma_wait3A_550] : memref<512x128xf32, #tpu.memory_space<vmem>> -> memref<128x128xf32, #tpu.memory_space<vmem>>
    %dma_wait3A_552 = arith.constant 0 : i32
    %dma_wait3A_553 = tpu.memref_slice %arg5[%dma_wait3A_548, %dma_wait3A_552] : memref<130x128xi32, #tpu.memory_space<vmem>> -> memref<1x128xi32, #tpu.memory_space<vmem>>
    %dma_wait3A_554 = tpu.memref_squeeze %dma_wait3A_553 : memref<1x128xi32, #tpu.memory_space<vmem>> -> memref<128xi32, #tpu.memory_space<vmem>>
    %dma_wait3A_555 = arith.constant 0 : i32
    %dma_wait3A_556 = arith.constant 0 : i32
    %dma_wait3A_557 = tpu.memref_slice %arg3[%dma_wait3A_555, %dma_wait3A_556] : memref<50000x128xf32, #tpu.memory_space<hbm>> -> memref<50000x128xf32, #tpu.memory_space<hbm>>
    tpu.wait_indirect_dma semaphore(%arg8 : memref<!tpu.dma_semaphore, #tpu.memory_space<semaphore_mem>>) src(%dma_wait3A_557 : memref<50000x128xf32, #tpu.memory_space<hbm>>) dst(%dma_wait3A_551 : memref<128x128xf32, #tpu.memory_space<vmem>>)
    %dma_wait3A_558 = arith.constant 66 : i32
    %dma_wait3A_559 = arith.constant 128 : i32
    %dma_wait3A_560 = arith.constant 0 : i32
    %dma_wait3A_561 = tpu.memref_slice %arg6[%dma_wait3A_559, %dma_wait3A_560] : memref<512x128xf32, #tpu.memory_space<vmem>> -> memref<128x128xf32, #tpu.memory_space<vmem>>
    %dma_wait3A_562 = arith.constant 0 : i32
    %dma_wait3A_563 = tpu.memref_slice %arg5[%dma_wait3A_558, %dma_wait3A_562] : memref<130x128xi32, #tpu.memory_space<vmem>> -> memref<1x128xi32, #tpu.memory_space<vmem>>
    %dma_wait3A_564 = tpu.memref_squeeze %dma_wait3A_563 : memref<1x128xi32, #tpu.memory_space<vmem>> -> memref<128xi32, #tpu.memory_space<vmem>>
    %dma_wait3A_565 = arith.constant 0 : i32
    %dma_wait3A_566 = arith.constant 0 : i32
    %dma_wait3A_567 = tpu.memref_slice %arg3[%dma_wait3A_565, %dma_wait3A_566] : memref<50000x128xf32, #tpu.memory_space<hbm>> -> memref<50000x128xf32, #tpu.memory_space<hbm>>
    tpu.wait_indirect_dma semaphore(%arg8 : memref<!tpu.dma_semaphore, #tpu.memory_space<semaphore_mem>>) src(%dma_wait3A_567 : memref<50000x128xf32, #tpu.memory_space<hbm>>) dst(%dma_wait3A_561 : memref<128x128xf32, #tpu.memory_space<vmem>>)
    %dma_wait3A_568 = arith.constant 79 : i32
    %dma_wait3A_569 = arith.constant 128 : i32
    %dma_wait3A_570 = arith.constant 0 : i32
    %dma_wait3A_571 = tpu.memref_slice %arg6[%dma_wait3A_569, %dma_wait3A_570] : memref<512x128xf32, #tpu.memory_space<vmem>> -> memref<128x128xf32, #tpu.memory_space<vmem>>
    %dma_wait3A_572 = arith.constant 0 : i32
    %dma_wait3A_573 = tpu.memref_slice %arg5[%dma_wait3A_568, %dma_wait3A_572] : memref<130x128xi32, #tpu.memory_space<vmem>> -> memref<1x128xi32, #tpu.memory_space<vmem>>
    %dma_wait3A_574 = tpu.memref_squeeze %dma_wait3A_573 : memref<1x128xi32, #tpu.memory_space<vmem>> -> memref<128xi32, #tpu.memory_space<vmem>>
    %dma_wait3A_575 = arith.constant 0 : i32
    %dma_wait3A_576 = arith.constant 0 : i32
    %dma_wait3A_577 = tpu.memref_slice %arg3[%dma_wait3A_575, %dma_wait3A_576] : memref<50000x128xf32, #tpu.memory_space<hbm>> -> memref<50000x128xf32, #tpu.memory_space<hbm>>
    tpu.wait_indirect_dma semaphore(%arg8 : memref<!tpu.dma_semaphore, #tpu.memory_space<semaphore_mem>>) src(%dma_wait3A_577 : memref<50000x128xf32, #tpu.memory_space<hbm>>) dst(%dma_wait3A_571 : memref<128x128xf32, #tpu.memory_space<vmem>>)
    %dma_wait3A_578 = arith.constant 92 : i32
    %dma_wait3A_579 = arith.constant 128 : i32
    %dma_wait3A_580 = arith.constant 0 : i32
    %dma_wait3A_581 = tpu.memref_slice %arg6[%dma_wait3A_579, %dma_wait3A_580] : memref<512x128xf32, #tpu.memory_space<vmem>> -> memref<128x128xf32, #tpu.memory_space<vmem>>
    %dma_wait3A_582 = arith.constant 0 : i32
    %dma_wait3A_583 = tpu.memref_slice %arg5[%dma_wait3A_578, %dma_wait3A_582] : memref<130x128xi32, #tpu.memory_space<vmem>> -> memref<1x128xi32, #tpu.memory_space<vmem>>
    %dma_wait3A_584 = tpu.memref_squeeze %dma_wait3A_583 : memref<1x128xi32, #tpu.memory_space<vmem>> -> memref<128xi32, #tpu.memory_space<vmem>>
    %dma_wait3A_585 = arith.constant 0 : i32
    %dma_wait3A_586 = arith.constant 0 : i32
    %dma_wait3A_587 = tpu.memref_slice %arg3[%dma_wait3A_585, %dma_wait3A_586] : memref<50000x128xf32, #tpu.memory_space<hbm>> -> memref<50000x128xf32, #tpu.memory_space<hbm>>
    tpu.wait_indirect_dma semaphore(%arg8 : memref<!tpu.dma_semaphore, #tpu.memory_space<semaphore_mem>>) src(%dma_wait3A_587 : memref<50000x128xf32, #tpu.memory_space<hbm>>) dst(%dma_wait3A_581 : memref<128x128xf32, #tpu.memory_space<vmem>>)
    %dma_wait3A_588 = arith.constant 105 : i32
    %dma_wait3A_589 = arith.constant 128 : i32
    %dma_wait3A_590 = arith.constant 0 : i32
    %dma_wait3A_591 = tpu.memref_slice %arg6[%dma_wait3A_589, %dma_wait3A_590] : memref<512x128xf32, #tpu.memory_space<vmem>> -> memref<128x128xf32, #tpu.memory_space<vmem>>
    %dma_wait3A_592 = arith.constant 0 : i32
    %dma_wait3A_593 = tpu.memref_slice %arg5[%dma_wait3A_588, %dma_wait3A_592] : memref<130x128xi32, #tpu.memory_space<vmem>> -> memref<1x128xi32, #tpu.memory_space<vmem>>
    %dma_wait3A_594 = tpu.memref_squeeze %dma_wait3A_593 : memref<1x128xi32, #tpu.memory_space<vmem>> -> memref<128xi32, #tpu.memory_space<vmem>>
    %dma_wait3A_595 = arith.constant 0 : i32
    %dma_wait3A_596 = arith.constant 0 : i32
    %dma_wait3A_597 = tpu.memref_slice %arg3[%dma_wait3A_595, %dma_wait3A_596] : memref<50000x128xf32, #tpu.memory_space<hbm>> -> memref<50000x128xf32, #tpu.memory_space<hbm>>
    tpu.wait_indirect_dma semaphore(%arg8 : memref<!tpu.dma_semaphore, #tpu.memory_space<semaphore_mem>>) src(%dma_wait3A_597 : memref<50000x128xf32, #tpu.memory_space<hbm>>) dst(%dma_wait3A_591 : memref<128x128xf32, #tpu.memory_space<vmem>>)
    %dma_wait3A_598 = arith.constant 118 : i32
    %dma_wait3A_599 = arith.constant 128 : i32
    %dma_wait3A_600 = arith.constant 0 : i32
    %dma_wait3A_601 = tpu.memref_slice %arg6[%dma_wait3A_599, %dma_wait3A_600] : memref<512x128xf32, #tpu.memory_space<vmem>> -> memref<128x128xf32, #tpu.memory_space<vmem>>
    %dma_wait3A_602 = arith.constant 0 : i32
    %dma_wait3A_603 = tpu.memref_slice %arg5[%dma_wait3A_598, %dma_wait3A_602] : memref<130x128xi32, #tpu.memory_space<vmem>> -> memref<1x128xi32, #tpu.memory_space<vmem>>
    %dma_wait3A_604 = tpu.memref_squeeze %dma_wait3A_603 : memref<1x128xi32, #tpu.memory_space<vmem>> -> memref<128xi32, #tpu.memory_space<vmem>>
    %dma_wait3A_605 = arith.constant 0 : i32
    %dma_wait3A_606 = arith.constant 0 : i32
    %dma_wait3A_607 = tpu.memref_slice %arg3[%dma_wait3A_605, %dma_wait3A_606] : memref<50000x128xf32, #tpu.memory_space<hbm>> -> memref<50000x128xf32, #tpu.memory_space<hbm>>
    tpu.wait_indirect_dma semaphore(%arg8 : memref<!tpu.dma_semaphore, #tpu.memory_space<semaphore_mem>>) src(%dma_wait3A_607 : memref<50000x128xf32, #tpu.memory_space<hbm>>) dst(%dma_wait3A_601 : memref<128x128xf32, #tpu.memory_space<vmem>>)
    %dma_wait3A_608 = arith.constant 2 : i32
    %dma_wait3A_609 = arith.constant 256 : i32
    %dma_wait3A_610 = arith.constant 0 : i32
    %dma_wait3A_611 = tpu.memref_slice %arg6[%dma_wait3A_609, %dma_wait3A_610] : memref<512x128xf32, #tpu.memory_space<vmem>> -> memref<128x128xf32, #tpu.memory_space<vmem>>
    %dma_wait3A_612 = arith.constant 0 : i32
    %dma_wait3A_613 = tpu.memref_slice %arg5[%dma_wait3A_608, %dma_wait3A_612] : memref<130x128xi32, #tpu.memory_space<vmem>> -> memref<1x128xi32, #tpu.memory_space<vmem>>
    %dma_wait3A_614 = tpu.memref_squeeze %dma_wait3A_613 : memref<1x128xi32, #tpu.memory_space<vmem>> -> memref<128xi32, #tpu.memory_space<vmem>>
    %dma_wait3A_615 = arith.constant 0 : i32
    %dma_wait3A_616 = arith.constant 0 : i32
    %dma_wait3A_617 = tpu.memref_slice %arg3[%dma_wait3A_615, %dma_wait3A_616] : memref<50000x128xf32, #tpu.memory_space<hbm>> -> memref<50000x128xf32, #tpu.memory_space<hbm>>
    tpu.wait_indirect_dma semaphore(%arg8 : memref<!tpu.dma_semaphore, #tpu.memory_space<semaphore_mem>>) src(%dma_wait3A_617 : memref<50000x128xf32, #tpu.memory_space<hbm>>) dst(%dma_wait3A_611 : memref<128x128xf32, #tpu.memory_space<vmem>>)
    %dma_wait3A_618 = arith.constant 15 : i32
    %dma_wait3A_619 = arith.constant 256 : i32
    %dma_wait3A_620 = arith.constant 0 : i32
    %dma_wait3A_621 = tpu.memref_slice %arg6[%dma_wait3A_619, %dma_wait3A_620] : memref<512x128xf32, #tpu.memory_space<vmem>> -> memref<128x128xf32, #tpu.memory_space<vmem>>
    %dma_wait3A_622 = arith.constant 0 : i32
    %dma_wait3A_623 = tpu.memref_slice %arg5[%dma_wait3A_618, %dma_wait3A_622] : memref<130x128xi32, #tpu.memory_space<vmem>> -> memref<1x128xi32, #tpu.memory_space<vmem>>
    %dma_wait3A_624 = tpu.memref_squeeze %dma_wait3A_623 : memref<1x128xi32, #tpu.memory_space<vmem>> -> memref<128xi32, #tpu.memory_space<vmem>>
    %dma_wait3A_625 = arith.constant 0 : i32
    %dma_wait3A_626 = arith.constant 0 : i32
    %dma_wait3A_627 = tpu.memref_slice %arg3[%dma_wait3A_625, %dma_wait3A_626] : memref<50000x128xf32, #tpu.memory_space<hbm>> -> memref<50000x128xf32, #tpu.memory_space<hbm>>
    tpu.wait_indirect_dma semaphore(%arg8 : memref<!tpu.dma_semaphore, #tpu.memory_space<semaphore_mem>>) src(%dma_wait3A_627 : memref<50000x128xf32, #tpu.memory_space<hbm>>) dst(%dma_wait3A_621 : memref<128x128xf32, #tpu.memory_space<vmem>>)
    %dma_wait3A_628 = arith.constant 28 : i32
    %dma_wait3A_629 = arith.constant 256 : i32
    %dma_wait3A_630 = arith.constant 0 : i32
    %dma_wait3A_631 = tpu.memref_slice %arg6[%dma_wait3A_629, %dma_wait3A_630] : memref<512x128xf32, #tpu.memory_space<vmem>> -> memref<128x128xf32, #tpu.memory_space<vmem>>
    %dma_wait3A_632 = arith.constant 0 : i32
    %dma_wait3A_633 = tpu.memref_slice %arg5[%dma_wait3A_628, %dma_wait3A_632] : memref<130x128xi32, #tpu.memory_space<vmem>> -> memref<1x128xi32, #tpu.memory_space<vmem>>
    %dma_wait3A_634 = tpu.memref_squeeze %dma_wait3A_633 : memref<1x128xi32, #tpu.memory_space<vmem>> -> memref<128xi32, #tpu.memory_space<vmem>>
    %dma_wait3A_635 = arith.constant 0 : i32
    %dma_wait3A_636 = arith.constant 0 : i32
    %dma_wait3A_637 = tpu.memref_slice %arg3[%dma_wait3A_635, %dma_wait3A_636] : memref<50000x128xf32, #tpu.memory_space<hbm>> -> memref<50000x128xf32, #tpu.memory_space<hbm>>
    tpu.wait_indirect_dma semaphore(%arg8 : memref<!tpu.dma_semaphore, #tpu.memory_space<semaphore_mem>>) src(%dma_wait3A_637 : memref<50000x128xf32, #tpu.memory_space<hbm>>) dst(%dma_wait3A_631 : memref<128x128xf32, #tpu.memory_space<vmem>>)
    %dma_wait3A_638 = arith.constant 41 : i32
    %dma_wait3A_639 = arith.constant 256 : i32
    %dma_wait3A_640 = arith.constant 0 : i32
    %dma_wait3A_641 = tpu.memref_slice %arg6[%dma_wait3A_639, %dma_wait3A_640] : memref<512x128xf32, #tpu.memory_space<vmem>> -> memref<128x128xf32, #tpu.memory_space<vmem>>
    %dma_wait3A_642 = arith.constant 0 : i32
    %dma_wait3A_643 = tpu.memref_slice %arg5[%dma_wait3A_638, %dma_wait3A_642] : memref<130x128xi32, #tpu.memory_space<vmem>> -> memref<1x128xi32, #tpu.memory_space<vmem>>
    %dma_wait3A_644 = tpu.memref_squeeze %dma_wait3A_643 : memref<1x128xi32, #tpu.memory_space<vmem>> -> memref<128xi32, #tpu.memory_space<vmem>>
    %dma_wait3A_645 = arith.constant 0 : i32
    %dma_wait3A_646 = arith.constant 0 : i32
    %dma_wait3A_647 = tpu.memref_slice %arg3[%dma_wait3A_645, %dma_wait3A_646] : memref<50000x128xf32, #tpu.memory_space<hbm>> -> memref<50000x128xf32, #tpu.memory_space<hbm>>
    tpu.wait_indirect_dma semaphore(%arg8 : memref<!tpu.dma_semaphore, #tpu.memory_space<semaphore_mem>>) src(%dma_wait3A_647 : memref<50000x128xf32, #tpu.memory_space<hbm>>) dst(%dma_wait3A_641 : memref<128x128xf32, #tpu.memory_space<vmem>>)
    %dma_wait3A_648 = arith.constant 54 : i32
    %dma_wait3A_649 = arith.constant 256 : i32
    %dma_wait3A_650 = arith.constant 0 : i32
    %dma_wait3A_651 = tpu.memref_slice %arg6[%dma_wait3A_649, %dma_wait3A_650] : memref<512x128xf32, #tpu.memory_space<vmem>> -> memref<128x128xf32, #tpu.memory_space<vmem>>
    %dma_wait3A_652 = arith.constant 0 : i32
    %dma_wait3A_653 = tpu.memref_slice %arg5[%dma_wait3A_648, %dma_wait3A_652] : memref<130x128xi32, #tpu.memory_space<vmem>> -> memref<1x128xi32, #tpu.memory_space<vmem>>
    %dma_wait3A_654 = tpu.memref_squeeze %dma_wait3A_653 : memref<1x128xi32, #tpu.memory_space<vmem>> -> memref<128xi32, #tpu.memory_space<vmem>>
    %dma_wait3A_655 = arith.constant 0 : i32
    %dma_wait3A_656 = arith.constant 0 : i32
    %dma_wait3A_657 = tpu.memref_slice %arg3[%dma_wait3A_655, %dma_wait3A_656] : memref<50000x128xf32, #tpu.memory_space<hbm>> -> memref<50000x128xf32, #tpu.memory_space<hbm>>
    tpu.wait_indirect_dma semaphore(%arg8 : memref<!tpu.dma_semaphore, #tpu.memory_space<semaphore_mem>>) src(%dma_wait3A_657 : memref<50000x128xf32, #tpu.memory_space<hbm>>) dst(%dma_wait3A_651 : memref<128x128xf32, #tpu.memory_space<vmem>>)
    %dma_wait3A_658 = arith.constant 67 : i32
    %dma_wait3A_659 = arith.constant 256 : i32
    %dma_wait3A_660 = arith.constant 0 : i32
    %dma_wait3A_661 = tpu.memref_slice %arg6[%dma_wait3A_659, %dma_wait3A_660] : memref<512x128xf32, #tpu.memory_space<vmem>> -> memref<128x128xf32, #tpu.memory_space<vmem>>
    %dma_wait3A_662 = arith.constant 0 : i32
    %dma_wait3A_663 = tpu.memref_slice %arg5[%dma_wait3A_658, %dma_wait3A_662] : memref<130x128xi32, #tpu.memory_space<vmem>> -> memref<1x128xi32, #tpu.memory_space<vmem>>
    %dma_wait3A_664 = tpu.memref_squeeze %dma_wait3A_663 : memref<1x128xi32, #tpu.memory_space<vmem>> -> memref<128xi32, #tpu.memory_space<vmem>>
    %dma_wait3A_665 = arith.constant 0 : i32
    %dma_wait3A_666 = arith.constant 0 : i32
    %dma_wait3A_667 = tpu.memref_slice %arg3[%dma_wait3A_665, %dma_wait3A_666] : memref<50000x128xf32, #tpu.memory_space<hbm>> -> memref<50000x128xf32, #tpu.memory_space<hbm>>
    tpu.wait_indirect_dma semaphore(%arg8 : memref<!tpu.dma_semaphore, #tpu.memory_space<semaphore_mem>>) src(%dma_wait3A_667 : memref<50000x128xf32, #tpu.memory_space<hbm>>) dst(%dma_wait3A_661 : memref<128x128xf32, #tpu.memory_space<vmem>>)
    %dma_wait3A_668 = arith.constant 80 : i32
    %dma_wait3A_669 = arith.constant 256 : i32
    %dma_wait3A_670 = arith.constant 0 : i32
    %dma_wait3A_671 = tpu.memref_slice %arg6[%dma_wait3A_669, %dma_wait3A_670] : memref<512x128xf32, #tpu.memory_space<vmem>> -> memref<128x128xf32, #tpu.memory_space<vmem>>
    %dma_wait3A_672 = arith.constant 0 : i32
    %dma_wait3A_673 = tpu.memref_slice %arg5[%dma_wait3A_668, %dma_wait3A_672] : memref<130x128xi32, #tpu.memory_space<vmem>> -> memref<1x128xi32, #tpu.memory_space<vmem>>
    %dma_wait3A_674 = tpu.memref_squeeze %dma_wait3A_673 : memref<1x128xi32, #tpu.memory_space<vmem>> -> memref<128xi32, #tpu.memory_space<vmem>>
    %dma_wait3A_675 = arith.constant 0 : i32
    %dma_wait3A_676 = arith.constant 0 : i32
    %dma_wait3A_677 = tpu.memref_slice %arg3[%dma_wait3A_675, %dma_wait3A_676] : memref<50000x128xf32, #tpu.memory_space<hbm>> -> memref<50000x128xf32, #tpu.memory_space<hbm>>
    tpu.wait_indirect_dma semaphore(%arg8 : memref<!tpu.dma_semaphore, #tpu.memory_space<semaphore_mem>>) src(%dma_wait3A_677 : memref<50000x128xf32, #tpu.memory_space<hbm>>) dst(%dma_wait3A_671 : memref<128x128xf32, #tpu.memory_space<vmem>>)
    %dma_wait3A_678 = arith.constant 93 : i32
    %dma_wait3A_679 = arith.constant 256 : i32
    %dma_wait3A_680 = arith.constant 0 : i32
    %dma_wait3A_681 = tpu.memref_slice %arg6[%dma_wait3A_679, %dma_wait3A_680] : memref<512x128xf32, #tpu.memory_space<vmem>> -> memref<128x128xf32, #tpu.memory_space<vmem>>
    %dma_wait3A_682 = arith.constant 0 : i32
    %dma_wait3A_683 = tpu.memref_slice %arg5[%dma_wait3A_678, %dma_wait3A_682] : memref<130x128xi32, #tpu.memory_space<vmem>> -> memref<1x128xi32, #tpu.memory_space<vmem>>
    %dma_wait3A_684 = tpu.memref_squeeze %dma_wait3A_683 : memref<1x128xi32, #tpu.memory_space<vmem>> -> memref<128xi32, #tpu.memory_space<vmem>>
    %dma_wait3A_685 = arith.constant 0 : i32
    %dma_wait3A_686 = arith.constant 0 : i32
    %dma_wait3A_687 = tpu.memref_slice %arg3[%dma_wait3A_685, %dma_wait3A_686] : memref<50000x128xf32, #tpu.memory_space<hbm>> -> memref<50000x128xf32, #tpu.memory_space<hbm>>
    tpu.wait_indirect_dma semaphore(%arg8 : memref<!tpu.dma_semaphore, #tpu.memory_space<semaphore_mem>>) src(%dma_wait3A_687 : memref<50000x128xf32, #tpu.memory_space<hbm>>) dst(%dma_wait3A_681 : memref<128x128xf32, #tpu.memory_space<vmem>>)
    %dma_wait3A_688 = arith.constant 106 : i32
    %dma_wait3A_689 = arith.constant 256 : i32
    %dma_wait3A_690 = arith.constant 0 : i32
    %dma_wait3A_691 = tpu.memref_slice %arg6[%dma_wait3A_689, %dma_wait3A_690] : memref<512x128xf32, #tpu.memory_space<vmem>> -> memref<128x128xf32, #tpu.memory_space<vmem>>
    %dma_wait3A_692 = arith.constant 0 : i32
    %dma_wait3A_693 = tpu.memref_slice %arg5[%dma_wait3A_688, %dma_wait3A_692] : memref<130x128xi32, #tpu.memory_space<vmem>> -> memref<1x128xi32, #tpu.memory_space<vmem>>
    %dma_wait3A_694 = tpu.memref_squeeze %dma_wait3A_693 : memref<1x128xi32, #tpu.memory_space<vmem>> -> memref<128xi32, #tpu.memory_space<vmem>>
    %dma_wait3A_695 = arith.constant 0 : i32
    %dma_wait3A_696 = arith.constant 0 : i32
    %dma_wait3A_697 = tpu.memref_slice %arg3[%dma_wait3A_695, %dma_wait3A_696] : memref<50000x128xf32, #tpu.memory_space<hbm>> -> memref<50000x128xf32, #tpu.memory_space<hbm>>
    tpu.wait_indirect_dma semaphore(%arg8 : memref<!tpu.dma_semaphore, #tpu.memory_space<semaphore_mem>>) src(%dma_wait3A_697 : memref<50000x128xf32, #tpu.memory_space<hbm>>) dst(%dma_wait3A_691 : memref<128x128xf32, #tpu.memory_space<vmem>>)
    %dma_wait3A_698 = arith.constant 119 : i32
    %dma_wait3A_699 = arith.constant 256 : i32
    %dma_wait3A_700 = arith.constant 0 : i32
    %dma_wait3A_701 = tpu.memref_slice %arg6[%dma_wait3A_699, %dma_wait3A_700] : memref<512x128xf32, #tpu.memory_space<vmem>> -> memref<128x128xf32, #tpu.memory_space<vmem>>
    %dma_wait3A_702 = arith.constant 0 : i32
    %dma_wait3A_703 = tpu.memref_slice %arg5[%dma_wait3A_698, %dma_wait3A_702] : memref<130x128xi32, #tpu.memory_space<vmem>> -> memref<1x128xi32, #tpu.memory_space<vmem>>
    %dma_wait3A_704 = tpu.memref_squeeze %dma_wait3A_703 : memref<1x128xi32, #tpu.memory_space<vmem>> -> memref<128xi32, #tpu.memory_space<vmem>>
    %dma_wait3A_705 = arith.constant 0 : i32
    %dma_wait3A_706 = arith.constant 0 : i32
    %dma_wait3A_707 = tpu.memref_slice %arg3[%dma_wait3A_705, %dma_wait3A_706] : memref<50000x128xf32, #tpu.memory_space<hbm>> -> memref<50000x128xf32, #tpu.memory_space<hbm>>
    tpu.wait_indirect_dma semaphore(%arg8 : memref<!tpu.dma_semaphore, #tpu.memory_space<semaphore_mem>>) src(%dma_wait3A_707 : memref<50000x128xf32, #tpu.memory_space<hbm>>) dst(%dma_wait3A_701 : memref<128x128xf32, #tpu.memory_space<vmem>>)
    %dma_wait3A_708 = arith.constant 3 : i32
    %dma_wait3A_709 = arith.constant 384 : i32
    %dma_wait3A_710 = arith.constant 0 : i32
    %dma_wait3A_711 = tpu.memref_slice %arg6[%dma_wait3A_709, %dma_wait3A_710] : memref<512x128xf32, #tpu.memory_space<vmem>> -> memref<128x128xf32, #tpu.memory_space<vmem>>
    %dma_wait3A_712 = arith.constant 0 : i32
    %dma_wait3A_713 = tpu.memref_slice %arg5[%dma_wait3A_708, %dma_wait3A_712] : memref<130x128xi32, #tpu.memory_space<vmem>> -> memref<1x128xi32, #tpu.memory_space<vmem>>
    %dma_wait3A_714 = tpu.memref_squeeze %dma_wait3A_713 : memref<1x128xi32, #tpu.memory_space<vmem>> -> memref<128xi32, #tpu.memory_space<vmem>>
    %dma_wait3A_715 = arith.constant 0 : i32
    %dma_wait3A_716 = arith.constant 0 : i32
    %dma_wait3A_717 = tpu.memref_slice %arg3[%dma_wait3A_715, %dma_wait3A_716] : memref<50000x128xf32, #tpu.memory_space<hbm>> -> memref<50000x128xf32, #tpu.memory_space<hbm>>
    tpu.wait_indirect_dma semaphore(%arg8 : memref<!tpu.dma_semaphore, #tpu.memory_space<semaphore_mem>>) src(%dma_wait3A_717 : memref<50000x128xf32, #tpu.memory_space<hbm>>) dst(%dma_wait3A_711 : memref<128x128xf32, #tpu.memory_space<vmem>>)
    %dma_wait3A_718 = arith.constant 16 : i32
    %dma_wait3A_719 = arith.constant 384 : i32
    %dma_wait3A_720 = arith.constant 0 : i32
    %dma_wait3A_721 = tpu.memref_slice %arg6[%dma_wait3A_719, %dma_wait3A_720] : memref<512x128xf32, #tpu.memory_space<vmem>> -> memref<128x128xf32, #tpu.memory_space<vmem>>
    %dma_wait3A_722 = arith.constant 0 : i32
    %dma_wait3A_723 = tpu.memref_slice %arg5[%dma_wait3A_718, %dma_wait3A_722] : memref<130x128xi32, #tpu.memory_space<vmem>> -> memref<1x128xi32, #tpu.memory_space<vmem>>
    %dma_wait3A_724 = tpu.memref_squeeze %dma_wait3A_723 : memref<1x128xi32, #tpu.memory_space<vmem>> -> memref<128xi32, #tpu.memory_space<vmem>>
    %dma_wait3A_725 = arith.constant 0 : i32
    %dma_wait3A_726 = arith.constant 0 : i32
    %dma_wait3A_727 = tpu.memref_slice %arg3[%dma_wait3A_725, %dma_wait3A_726] : memref<50000x128xf32, #tpu.memory_space<hbm>> -> memref<50000x128xf32, #tpu.memory_space<hbm>>
    tpu.wait_indirect_dma semaphore(%arg8 : memref<!tpu.dma_semaphore, #tpu.memory_space<semaphore_mem>>) src(%dma_wait3A_727 : memref<50000x128xf32, #tpu.memory_space<hbm>>) dst(%dma_wait3A_721 : memref<128x128xf32, #tpu.memory_space<vmem>>)
    %dma_wait3A_728 = arith.constant 29 : i32
    %dma_wait3A_729 = arith.constant 384 : i32
    %dma_wait3A_730 = arith.constant 0 : i32
    %dma_wait3A_731 = tpu.memref_slice %arg6[%dma_wait3A_729, %dma_wait3A_730] : memref<512x128xf32, #tpu.memory_space<vmem>> -> memref<128x128xf32, #tpu.memory_space<vmem>>
    %dma_wait3A_732 = arith.constant 0 : i32
    %dma_wait3A_733 = tpu.memref_slice %arg5[%dma_wait3A_728, %dma_wait3A_732] : memref<130x128xi32, #tpu.memory_space<vmem>> -> memref<1x128xi32, #tpu.memory_space<vmem>>
    %dma_wait3A_734 = tpu.memref_squeeze %dma_wait3A_733 : memref<1x128xi32, #tpu.memory_space<vmem>> -> memref<128xi32, #tpu.memory_space<vmem>>
    %dma_wait3A_735 = arith.constant 0 : i32
    %dma_wait3A_736 = arith.constant 0 : i32
    %dma_wait3A_737 = tpu.memref_slice %arg3[%dma_wait3A_735, %dma_wait3A_736] : memref<50000x128xf32, #tpu.memory_space<hbm>> -> memref<50000x128xf32, #tpu.memory_space<hbm>>
    tpu.wait_indirect_dma semaphore(%arg8 : memref<!tpu.dma_semaphore, #tpu.memory_space<semaphore_mem>>) src(%dma_wait3A_737 : memref<50000x128xf32, #tpu.memory_space<hbm>>) dst(%dma_wait3A_731 : memref<128x128xf32, #tpu.memory_space<vmem>>)
    %dma_wait3A_738 = arith.constant 42 : i32
    %dma_wait3A_739 = arith.constant 384 : i32
    %dma_wait3A_740 = arith.constant 0 : i32
    %dma_wait3A_741 = tpu.memref_slice %arg6[%dma_wait3A_739, %dma_wait3A_740] : memref<512x128xf32, #tpu.memory_space<vmem>> -> memref<128x128xf32, #tpu.memory_space<vmem>>
    %dma_wait3A_742 = arith.constant 0 : i32
    %dma_wait3A_743 = tpu.memref_slice %arg5[%dma_wait3A_738, %dma_wait3A_742] : memref<130x128xi32, #tpu.memory_space<vmem>> -> memref<1x128xi32, #tpu.memory_space<vmem>>
    %dma_wait3A_744 = tpu.memref_squeeze %dma_wait3A_743 : memref<1x128xi32, #tpu.memory_space<vmem>> -> memref<128xi32, #tpu.memory_space<vmem>>
    %dma_wait3A_745 = arith.constant 0 : i32
    %dma_wait3A_746 = arith.constant 0 : i32
    %dma_wait3A_747 = tpu.memref_slice %arg3[%dma_wait3A_745, %dma_wait3A_746] : memref<50000x128xf32, #tpu.memory_space<hbm>> -> memref<50000x128xf32, #tpu.memory_space<hbm>>
    tpu.wait_indirect_dma semaphore(%arg8 : memref<!tpu.dma_semaphore, #tpu.memory_space<semaphore_mem>>) src(%dma_wait3A_747 : memref<50000x128xf32, #tpu.memory_space<hbm>>) dst(%dma_wait3A_741 : memref<128x128xf32, #tpu.memory_space<vmem>>)
    %dma_wait3A_748 = arith.constant 55 : i32
    %dma_wait3A_749 = arith.constant 384 : i32
    %dma_wait3A_750 = arith.constant 0 : i32
    %dma_wait3A_751 = tpu.memref_slice %arg6[%dma_wait3A_749, %dma_wait3A_750] : memref<512x128xf32, #tpu.memory_space<vmem>> -> memref<128x128xf32, #tpu.memory_space<vmem>>
    %dma_wait3A_752 = arith.constant 0 : i32
    %dma_wait3A_753 = tpu.memref_slice %arg5[%dma_wait3A_748, %dma_wait3A_752] : memref<130x128xi32, #tpu.memory_space<vmem>> -> memref<1x128xi32, #tpu.memory_space<vmem>>
    %dma_wait3A_754 = tpu.memref_squeeze %dma_wait3A_753 : memref<1x128xi32, #tpu.memory_space<vmem>> -> memref<128xi32, #tpu.memory_space<vmem>>
    %dma_wait3A_755 = arith.constant 0 : i32
    %dma_wait3A_756 = arith.constant 0 : i32
    %dma_wait3A_757 = tpu.memref_slice %arg3[%dma_wait3A_755, %dma_wait3A_756] : memref<50000x128xf32, #tpu.memory_space<hbm>> -> memref<50000x128xf32, #tpu.memory_space<hbm>>
    tpu.wait_indirect_dma semaphore(%arg8 : memref<!tpu.dma_semaphore, #tpu.memory_space<semaphore_mem>>) src(%dma_wait3A_757 : memref<50000x128xf32, #tpu.memory_space<hbm>>) dst(%dma_wait3A_751 : memref<128x128xf32, #tpu.memory_space<vmem>>)
    %dma_wait3A_758 = arith.constant 68 : i32
    %dma_wait3A_759 = arith.constant 384 : i32
    %dma_wait3A_760 = arith.constant 0 : i32
    %dma_wait3A_761 = tpu.memref_slice %arg6[%dma_wait3A_759, %dma_wait3A_760] : memref<512x128xf32, #tpu.memory_space<vmem>> -> memref<128x128xf32, #tpu.memory_space<vmem>>
    %dma_wait3A_762 = arith.constant 0 : i32
    %dma_wait3A_763 = tpu.memref_slice %arg5[%dma_wait3A_758, %dma_wait3A_762] : memref<130x128xi32, #tpu.memory_space<vmem>> -> memref<1x128xi32, #tpu.memory_space<vmem>>
    %dma_wait3A_764 = tpu.memref_squeeze %dma_wait3A_763 : memref<1x128xi32, #tpu.memory_space<vmem>> -> memref<128xi32, #tpu.memory_space<vmem>>
    %dma_wait3A_765 = arith.constant 0 : i32
    %dma_wait3A_766 = arith.constant 0 : i32
    %dma_wait3A_767 = tpu.memref_slice %arg3[%dma_wait3A_765, %dma_wait3A_766] : memref<50000x128xf32, #tpu.memory_space<hbm>> -> memref<50000x128xf32, #tpu.memory_space<hbm>>
    tpu.wait_indirect_dma semaphore(%arg8 : memref<!tpu.dma_semaphore, #tpu.memory_space<semaphore_mem>>) src(%dma_wait3A_767 : memref<50000x128xf32, #tpu.memory_space<hbm>>) dst(%dma_wait3A_761 : memref<128x128xf32, #tpu.memory_space<vmem>>)
    %dma_wait3A_768 = arith.constant 81 : i32
    %dma_wait3A_769 = arith.constant 384 : i32
    %dma_wait3A_770 = arith.constant 0 : i32
    %dma_wait3A_771 = tpu.memref_slice %arg6[%dma_wait3A_769, %dma_wait3A_770] : memref<512x128xf32, #tpu.memory_space<vmem>> -> memref<128x128xf32, #tpu.memory_space<vmem>>
    %dma_wait3A_772 = arith.constant 0 : i32
    %dma_wait3A_773 = tpu.memref_slice %arg5[%dma_wait3A_768, %dma_wait3A_772] : memref<130x128xi32, #tpu.memory_space<vmem>> -> memref<1x128xi32, #tpu.memory_space<vmem>>
    %dma_wait3A_774 = tpu.memref_squeeze %dma_wait3A_773 : memref<1x128xi32, #tpu.memory_space<vmem>> -> memref<128xi32, #tpu.memory_space<vmem>>
    %dma_wait3A_775 = arith.constant 0 : i32
    %dma_wait3A_776 = arith.constant 0 : i32
    %dma_wait3A_777 = tpu.memref_slice %arg3[%dma_wait3A_775, %dma_wait3A_776] : memref<50000x128xf32, #tpu.memory_space<hbm>> -> memref<50000x128xf32, #tpu.memory_space<hbm>>
    tpu.wait_indirect_dma semaphore(%arg8 : memref<!tpu.dma_semaphore, #tpu.memory_space<semaphore_mem>>) src(%dma_wait3A_777 : memref<50000x128xf32, #tpu.memory_space<hbm>>) dst(%dma_wait3A_771 : memref<128x128xf32, #tpu.memory_space<vmem>>)
    %dma_wait3A_778 = arith.constant 94 : i32
    %dma_wait3A_779 = arith.constant 384 : i32
    %dma_wait3A_780 = arith.constant 0 : i32
    %dma_wait3A_781 = tpu.memref_slice %arg6[%dma_wait3A_779, %dma_wait3A_780] : memref<512x128xf32, #tpu.memory_space<vmem>> -> memref<128x128xf32, #tpu.memory_space<vmem>>
    %dma_wait3A_782 = arith.constant 0 : i32
    %dma_wait3A_783 = tpu.memref_slice %arg5[%dma_wait3A_778, %dma_wait3A_782] : memref<130x128xi32, #tpu.memory_space<vmem>> -> memref<1x128xi32, #tpu.memory_space<vmem>>
    %dma_wait3A_784 = tpu.memref_squeeze %dma_wait3A_783 : memref<1x128xi32, #tpu.memory_space<vmem>> -> memref<128xi32, #tpu.memory_space<vmem>>
    %dma_wait3A_785 = arith.constant 0 : i32
    %dma_wait3A_786 = arith.constant 0 : i32
    %dma_wait3A_787 = tpu.memref_slice %arg3[%dma_wait3A_785, %dma_wait3A_786] : memref<50000x128xf32, #tpu.memory_space<hbm>> -> memref<50000x128xf32, #tpu.memory_space<hbm>>
    tpu.wait_indirect_dma semaphore(%arg8 : memref<!tpu.dma_semaphore, #tpu.memory_space<semaphore_mem>>) src(%dma_wait3A_787 : memref<50000x128xf32, #tpu.memory_space<hbm>>) dst(%dma_wait3A_781 : memref<128x128xf32, #tpu.memory_space<vmem>>)
    %dma_wait3A_788 = arith.constant 107 : i32
    %dma_wait3A_789 = arith.constant 384 : i32
    %dma_wait3A_790 = arith.constant 0 : i32
    %dma_wait3A_791 = tpu.memref_slice %arg6[%dma_wait3A_789, %dma_wait3A_790] : memref<512x128xf32, #tpu.memory_space<vmem>> -> memref<128x128xf32, #tpu.memory_space<vmem>>
    %dma_wait3A_792 = arith.constant 0 : i32
    %dma_wait3A_793 = tpu.memref_slice %arg5[%dma_wait3A_788, %dma_wait3A_792] : memref<130x128xi32, #tpu.memory_space<vmem>> -> memref<1x128xi32, #tpu.memory_space<vmem>>
    %dma_wait3A_794 = tpu.memref_squeeze %dma_wait3A_793 : memref<1x128xi32, #tpu.memory_space<vmem>> -> memref<128xi32, #tpu.memory_space<vmem>>
    %dma_wait3A_795 = arith.constant 0 : i32
    %dma_wait3A_796 = arith.constant 0 : i32
    %dma_wait3A_797 = tpu.memref_slice %arg3[%dma_wait3A_795, %dma_wait3A_796] : memref<50000x128xf32, #tpu.memory_space<hbm>> -> memref<50000x128xf32, #tpu.memory_space<hbm>>
    tpu.wait_indirect_dma semaphore(%arg8 : memref<!tpu.dma_semaphore, #tpu.memory_space<semaphore_mem>>) src(%dma_wait3A_797 : memref<50000x128xf32, #tpu.memory_space<hbm>>) dst(%dma_wait3A_791 : memref<128x128xf32, #tpu.memory_space<vmem>>)
    %dma_wait3A_798 = arith.constant 120 : i32
    %dma_wait3A_799 = arith.constant 384 : i32
    %dma_wait3A_800 = arith.constant 0 : i32
    %dma_wait3A_801 = tpu.memref_slice %arg6[%dma_wait3A_799, %dma_wait3A_800] : memref<512x128xf32, #tpu.memory_space<vmem>> -> memref<128x128xf32, #tpu.memory_space<vmem>>
    %dma_wait3A_802 = arith.constant 0 : i32
    %dma_wait3A_803 = tpu.memref_slice %arg5[%dma_wait3A_798, %dma_wait3A_802] : memref<130x128xi32, #tpu.memory_space<vmem>> -> memref<1x128xi32, #tpu.memory_space<vmem>>
    %dma_wait3A_804 = tpu.memref_squeeze %dma_wait3A_803 : memref<1x128xi32, #tpu.memory_space<vmem>> -> memref<128xi32, #tpu.memory_space<vmem>>
    %dma_wait3A_805 = arith.constant 0 : i32
    %dma_wait3A_806 = arith.constant 0 : i32
    %dma_wait3A_807 = tpu.memref_slice %arg3[%dma_wait3A_805, %dma_wait3A_806] : memref<50000x128xf32, #tpu.memory_space<hbm>> -> memref<50000x128xf32, #tpu.memory_space<hbm>>
    tpu.wait_indirect_dma semaphore(%arg8 : memref<!tpu.dma_semaphore, #tpu.memory_space<semaphore_mem>>) src(%dma_wait3A_807 : memref<50000x128xf32, #tpu.memory_space<hbm>>) dst(%dma_wait3A_801 : memref<128x128xf32, #tpu.memory_space<vmem>>)
    %add3A_808 = arith.constant 0 : i32
    %add3A_809 = arith.addi %mul3A_2, %add3A_808 : i32
    %mul3A_810 = arith.constant 128 : i32
    %mul3A_811 = arith.muli %add3A_809, %mul3A_810 : i32
    %dma_start3A_812 = arith.constant 0 : i32
    %dma_start3A_813 = arith.constant 0 : i32
    %dma_start3A_814 = tpu.memref_slice %arg6[%dma_start3A_812, %dma_start3A_813] : memref<512x128xf32, #tpu.memory_space<vmem>> -> memref<512x128xf32, #tpu.memory_space<vmem>>
    %dma_start3A_815 = arith.constant 0 : i32
    %dma_start3A_816 = tpu.memref_slice %arg4[%mul3A_811, %dma_start3A_815] : memref<53248x128xf32, #tpu.memory_space<hbm>> -> memref<512x128xf32, #tpu.memory_space<hbm>>
    %dma_start3A_817 = arith.constant 0 : i32
    %dma_start3A_818 = tpu.memref_slice %arg4[%mul3A_811, %dma_start3A_817] : memref<53248x128xf32, #tpu.memory_space<hbm>> -> memref<512x128xf32, #tpu.memory_space<hbm>>
    %dma_start3A_819 = arith.constant 0 : i32
    %dma_start3A_820 = arith.constant 0 : i32
    %dma_start3A_821 = tpu.memref_slice %arg6[%dma_start3A_819, %dma_start3A_820] : memref<512x128xf32, #tpu.memory_space<vmem>> -> memref<512x128xf32, #tpu.memory_space<vmem>>
    tpu.enqueue_dma source(%dma_start3A_821 : memref<512x128xf32, #tpu.memory_space<vmem>>) target(%dma_start3A_818 : memref<512x128xf32, #tpu.memory_space<hbm>>) target_semaphore(%arg10 : memref<!tpu.dma_semaphore, #tpu.memory_space<semaphore_mem>>)
    %broadcast_in_dim3A_822 = arith.constant 0.000000e+00 : f32
    %broadcast_in_dim3A_823 = vector.broadcast %broadcast_in_dim3A_822 : f32 to vector<16xf32>
    %scan3A_824 = arith.constant 0 : i32
    %scan3A_825 = arith.constant 0 : i32
    %scan3A_826 = arith.constant 256 : i32
    %scan3A_827 = arith.addi %scan3A_825, %scan3A_826 : i32
    %scan3A_828 = arith.constant 1 : i32
    %scan3A_829 = scf.for %scan3A_2764 = %scan3A_825 to %scan3A_827 step %scan3A_828 iter_args(%scan3A_2765 = %scan3A_824) -> (i32)  : i32 {
      %swap3A = arith.index_cast %scan3A_2764 : i32 to index
      %swap3A_2766 = arith.constant 0 : index
      %swap3A_2767 = tpu.vector_load %arg7[%swap3A, %swap3A_2766] {strides = array<i32>} : memref<256x128xf32, #tpu.memory_space<vmem>>, vector<1x16xf32>,
      %swap3A_2768 = vector.shape_cast %swap3A_2767 : vector<1x16xf32> to vector<16xf32>
      %swap3A_2769 = vector.shape_cast %broadcast_in_dim3A_823 : vector<16xf32> to vector<1x16xf32>
      tpu.vector_store %arg7[%swap3A, %swap3A_2766], %swap3A_2769 {strides = array<i32>} : memref<256x128xf32, #tpu.memory_space<vmem>>, vector<1x16xf32>,
      %swap3A_2770 = arith.index_cast %scan3A_2764 : i32 to index
      %swap3A_2771 = arith.constant 16 : index
      %swap3A_2772 = tpu.vector_load %arg7[%swap3A_2770, %swap3A_2771] {strides = array<i32>} : memref<256x128xf32, #tpu.memory_space<vmem>>, vector<1x16xf32>,
      %swap3A_2773 = vector.shape_cast %swap3A_2772 : vector<1x16xf32> to vector<16xf32>
      %swap3A_2774 = vector.shape_cast %broadcast_in_dim3A_823 : vector<16xf32> to vector<1x16xf32>
      tpu.vector_store %arg7[%swap3A_2770, %swap3A_2771], %swap3A_2774 {strides = array<i32>} : memref<256x128xf32, #tpu.memory_space<vmem>>, vector<1x16xf32>,
      %swap3A_2775 = arith.index_cast %scan3A_2764 : i32 to index
      %swap3A_2776 = arith.constant 32 : index
      %swap3A_2777 = tpu.vector_load %arg7[%swap3A_2775, %swap3A_2776] {strides = array<i32>} : memref<256x128xf32, #tpu.memory_space<vmem>>, vector<1x16xf32>,
      %swap3A_2778 = vector.shape_cast %swap3A_2777 : vector<1x16xf32> to vector<16xf32>
      %swap3A_2779 = vector.shape_cast %broadcast_in_dim3A_823 : vector<16xf32> to vector<1x16xf32>
      tpu.vector_store %arg7[%swap3A_2775, %swap3A_2776], %swap3A_2779 {strides = array<i32>} : memref<256x128xf32, #tpu.memory_space<vmem>>, vector<1x16xf32>,
      %swap3A_2780 = arith.index_cast %scan3A_2764 : i32 to index
      %swap3A_2781 = arith.constant 48 : index
      %swap3A_2782 = tpu.vector_load %arg7[%swap3A_2780, %swap3A_2781] {strides = array<i32>} : memref<256x128xf32, #tpu.memory_space<vmem>>, vector<1x16xf32>,
      %swap3A_2783 = vector.shape_cast %swap3A_2782 : vector<1x16xf32> to vector<16xf32>
      %swap3A_2784 = vector.shape_cast %broadcast_in_dim3A_823 : vector<16xf32> to vector<1x16xf32>
      tpu.vector_store %arg7[%swap3A_2780, %swap3A_2781], %swap3A_2784 {strides = array<i32>} : memref<256x128xf32, #tpu.memory_space<vmem>>, vector<1x16xf32>,
      %swap3A_2785 = arith.index_cast %scan3A_2764 : i32 to index
      %swap3A_2786 = arith.constant 64 : index
      %swap3A_2787 = tpu.vector_load %arg7[%swap3A_2785, %swap3A_2786] {strides = array<i32>} : memref<256x128xf32, #tpu.memory_space<vmem>>, vector<1x16xf32>,
      %swap3A_2788 = vector.shape_cast %swap3A_2787 : vector<1x16xf32> to vector<16xf32>
      %swap3A_2789 = vector.shape_cast %broadcast_in_dim3A_823 : vector<16xf32> to vector<1x16xf32>
      tpu.vector_store %arg7[%swap3A_2785, %swap3A_2786], %swap3A_2789 {strides = array<i32>} : memref<256x128xf32, #tpu.memory_space<vmem>>, vector<1x16xf32>,
      %swap3A_2790 = arith.index_cast %scan3A_2764 : i32 to index
      %swap3A_2791 = arith.constant 80 : index
      %swap3A_2792 = tpu.vector_load %arg7[%swap3A_2790, %swap3A_2791] {strides = array<i32>} : memref<256x128xf32, #tpu.memory_space<vmem>>, vector<1x16xf32>,
      %swap3A_2793 = vector.shape_cast %swap3A_2792 : vector<1x16xf32> to vector<16xf32>
      %swap3A_2794 = vector.shape_cast %broadcast_in_dim3A_823 : vector<16xf32> to vector<1x16xf32>
      tpu.vector_store %arg7[%swap3A_2790, %swap3A_2791], %swap3A_2794 {strides = array<i32>} : memref<256x128xf32, #tpu.memory_space<vmem>>, vector<1x16xf32>,
      %swap3A_2795 = arith.index_cast %scan3A_2764 : i32 to index
      %swap3A_2796 = arith.constant 96 : index
      %swap3A_2797 = tpu.vector_load %arg7[%swap3A_2795, %swap3A_2796] {strides = array<i32>} : memref<256x128xf32, #tpu.memory_space<vmem>>, vector<1x16xf32>,
      %swap3A_2798 = vector.shape_cast %swap3A_2797 : vector<1x16xf32> to vector<16xf32>
      %swap3A_2799 = vector.shape_cast %broadcast_in_dim3A_823 : vector<16xf32> to vector<1x16xf32>
      tpu.vector_store %arg7[%swap3A_2795, %swap3A_2796], %swap3A_2799 {strides = array<i32>} : memref<256x128xf32, #tpu.memory_space<vmem>>, vector<1x16xf32>,
      %swap3A_2800 = arith.index_cast %scan3A_2764 : i32 to index
      %swap3A_2801 = arith.constant 112 : index
      %swap3A_2802 = tpu.vector_load %arg7[%swap3A_2800, %swap3A_2801] {strides = array<i32>} : memref<256x128xf32, #tpu.memory_space<vmem>>, vector<1x16xf32>,
      %swap3A_2803 = vector.shape_cast %swap3A_2802 : vector<1x16xf32> to vector<16xf32>
      %swap3A_2804 = vector.shape_cast %broadcast_in_dim3A_823 : vector<16xf32> to vector<1x16xf32>
      tpu.vector_store %arg7[%swap3A_2800, %swap3A_2801], %swap3A_2804 {strides = array<i32>} : memref<256x128xf32, #tpu.memory_space<vmem>>, vector<1x16xf32>,
      %scan3A_2805 = arith.constant 0 : i32
      scf.yield %scan3A_2805 : i32
    }
    %scan3A_830 = arith.constant 256 : i32
    %dma_start3A_831 = arith.constant 4 : i32
    %dma_start3A_832 = arith.constant 0 : i32
    %dma_start3A_833 = arith.constant 0 : i32
    %dma_start3A_834 = tpu.memref_slice %arg7[%dma_start3A_832, %dma_start3A_833] : memref<256x128xf32, #tpu.memory_space<vmem>> -> memref<128x128xf32, #tpu.memory_space<vmem>>
    %dma_start3A_835 = arith.constant 0 : i32
    %dma_start3A_836 = tpu.memref_slice %arg5[%dma_start3A_831, %dma_start3A_835] : memref<130x128xi32, #tpu.memory_space<vmem>> -> memref<1x128xi32, #tpu.memory_space<vmem>>
    %dma_start3A_837 = tpu.memref_squeeze %dma_start3A_836 : memref<1x128xi32, #tpu.memory_space<vmem>> -> memref<128xi32, #tpu.memory_space<vmem>>
    %dma_start3A_838 = arith.constant 0 : i32
    %dma_start3A_839 = arith.constant 0 : i32
    %dma_start3A_840 = tpu.memref_slice %arg3[%dma_start3A_838, %dma_start3A_839] : memref<50000x128xf32, #tpu.memory_space<hbm>> -> memref<50000x128xf32, #tpu.memory_space<hbm>>
    tpu.enqueue_indirect_dma source(%dma_start3A_840 : memref<50000x128xf32, #tpu.memory_space<hbm>>) target(%dma_start3A_834 : memref<128x128xf32, #tpu.memory_space<vmem>>) offsets(%dma_start3A_837 : memref<128xi32, #tpu.memory_space<vmem>>) semaphore(%arg9 : memref<!tpu.dma_semaphore, #tpu.memory_space<semaphore_mem>>) {add = true}
    %dma_start3A_841 = arith.constant 17 : i32
    %dma_start3A_842 = arith.constant 0 : i32
    %dma_start3A_843 = arith.constant 0 : i32
    %dma_start3A_844 = tpu.memref_slice %arg7[%dma_start3A_842, %dma_start3A_843] : memref<256x128xf32, #tpu.memory_space<vmem>> -> memref<128x128xf32, #tpu.memory_space<vmem>>
    %dma_start3A_845 = arith.constant 0 : i32
    %dma_start3A_846 = tpu.memref_slice %arg5[%dma_start3A_841, %dma_start3A_845] : memref<130x128xi32, #tpu.memory_space<vmem>> -> memref<1x128xi32, #tpu.memory_space<vmem>>
    %dma_start3A_847 = tpu.memref_squeeze %dma_start3A_846 : memref<1x128xi32, #tpu.memory_space<vmem>> -> memref<128xi32, #tpu.memory_space<vmem>>
    %dma_start3A_848 = arith.constant 0 : i32
    %dma_start3A_849 = arith.constant 0 : i32
    %dma_start3A_850 = tpu.memref_slice %arg3[%dma_start3A_848, %dma_start3A_849] : memref<50000x128xf32, #tpu.memory_space<hbm>> -> memref<50000x128xf32, #tpu.memory_space<hbm>>
    tpu.enqueue_indirect_dma source(%dma_start3A_850 : memref<50000x128xf32, #tpu.memory_space<hbm>>) target(%dma_start3A_844 : memref<128x128xf32, #tpu.memory_space<vmem>>) offsets(%dma_start3A_847 : memref<128xi32, #tpu.memory_space<vmem>>) semaphore(%arg9 : memref<!tpu.dma_semaphore, #tpu.memory_space<semaphore_mem>>) {add = true}
    %dma_start3A_851 = arith.constant 30 : i32
    %dma_start3A_852 = arith.constant 0 : i32
    %dma_start3A_853 = arith.constant 0 : i32
    %dma_start3A_854 = tpu.memref_slice %arg7[%dma_start3A_852, %dma_start3A_853] : memref<256x128xf32, #tpu.memory_space<vmem>> -> memref<128x128xf32, #tpu.memory_space<vmem>>
    %dma_start3A_855 = arith.constant 0 : i32
    %dma_start3A_856 = tpu.memref_slice %arg5[%dma_start3A_851, %dma_start3A_855] : memref<130x128xi32, #tpu.memory_space<vmem>> -> memref<1x128xi32, #tpu.memory_space<vmem>>
    %dma_start3A_857 = tpu.memref_squeeze %dma_start3A_856 : memref<1x128xi32, #tpu.memory_space<vmem>> -> memref<128xi32, #tpu.memory_space<vmem>>
    %dma_start3A_858 = arith.constant 0 : i32
    %dma_start3A_859 = arith.constant 0 : i32
    %dma_start3A_860 = tpu.memref_slice %arg3[%dma_start3A_858, %dma_start3A_859] : memref<50000x128xf32, #tpu.memory_space<hbm>> -> memref<50000x128xf32, #tpu.memory_space<hbm>>
    tpu.enqueue_indirect_dma source(%dma_start3A_860 : memref<50000x128xf32, #tpu.memory_space<hbm>>) target(%dma_start3A_854 : memref<128x128xf32, #tpu.memory_space<vmem>>) offsets(%dma_start3A_857 : memref<128xi32, #tpu.memory_space<vmem>>) semaphore(%arg9 : memref<!tpu.dma_semaphore, #tpu.memory_space<semaphore_mem>>) {add = true}
    %dma_start3A_861 = arith.constant 43 : i32
    %dma_start3A_862 = arith.constant 0 : i32
    %dma_start3A_863 = arith.constant 0 : i32
    %dma_start3A_864 = tpu.memref_slice %arg7[%dma_start3A_862, %dma_start3A_863] : memref<256x128xf32, #tpu.memory_space<vmem>> -> memref<128x128xf32, #tpu.memory_space<vmem>>
    %dma_start3A_865 = arith.constant 0 : i32
    %dma_start3A_866 = tpu.memref_slice %arg5[%dma_start3A_861, %dma_start3A_865] : memref<130x128xi32, #tpu.memory_space<vmem>> -> memref<1x128xi32, #tpu.memory_space<vmem>>
    %dma_start3A_867 = tpu.memref_squeeze %dma_start3A_866 : memref<1x128xi32, #tpu.memory_space<vmem>> -> memref<128xi32, #tpu.memory_space<vmem>>
    %dma_start3A_868 = arith.constant 0 : i32
    %dma_start3A_869 = arith.constant 0 : i32
    %dma_start3A_870 = tpu.memref_slice %arg3[%dma_start3A_868, %dma_start3A_869] : memref<50000x128xf32, #tpu.memory_space<hbm>> -> memref<50000x128xf32, #tpu.memory_space<hbm>>
    tpu.enqueue_indirect_dma source(%dma_start3A_870 : memref<50000x128xf32, #tpu.memory_space<hbm>>) target(%dma_start3A_864 : memref<128x128xf32, #tpu.memory_space<vmem>>) offsets(%dma_start3A_867 : memref<128xi32, #tpu.memory_space<vmem>>) semaphore(%arg9 : memref<!tpu.dma_semaphore, #tpu.memory_space<semaphore_mem>>) {add = true}
    %dma_start3A_871 = arith.constant 56 : i32
    %dma_start3A_872 = arith.constant 0 : i32
    %dma_start3A_873 = arith.constant 0 : i32
    %dma_start3A_874 = tpu.memref_slice %arg7[%dma_start3A_872, %dma_start3A_873] : memref<256x128xf32, #tpu.memory_space<vmem>> -> memref<128x128xf32, #tpu.memory_space<vmem>>
    %dma_start3A_875 = arith.constant 0 : i32
    %dma_start3A_876 = tpu.memref_slice %arg5[%dma_start3A_871, %dma_start3A_875] : memref<130x128xi32, #tpu.memory_space<vmem>> -> memref<1x128xi32, #tpu.memory_space<vmem>>
    %dma_start3A_877 = tpu.memref_squeeze %dma_start3A_876 : memref<1x128xi32, #tpu.memory_space<vmem>> -> memref<128xi32, #tpu.memory_space<vmem>>
    %dma_start3A_878 = arith.constant 0 : i32
    %dma_start3A_879 = arith.constant 0 : i32
    %dma_start3A_880 = tpu.memref_slice %arg3[%dma_start3A_878, %dma_start3A_879] : memref<50000x128xf32, #tpu.memory_space<hbm>> -> memref<50000x128xf32, #tpu.memory_space<hbm>>
    tpu.enqueue_indirect_dma source(%dma_start3A_880 : memref<50000x128xf32, #tpu.memory_space<hbm>>) target(%dma_start3A_874 : memref<128x128xf32, #tpu.memory_space<vmem>>) offsets(%dma_start3A_877 : memref<128xi32, #tpu.memory_space<vmem>>) semaphore(%arg9 : memref<!tpu.dma_semaphore, #tpu.memory_space<semaphore_mem>>) {add = true}
    %dma_start3A_881 = arith.constant 69 : i32
    %dma_start3A_882 = arith.constant 0 : i32
    %dma_start3A_883 = arith.constant 0 : i32
    %dma_start3A_884 = tpu.memref_slice %arg7[%dma_start3A_882, %dma_start3A_883] : memref<256x128xf32, #tpu.memory_space<vmem>> -> memref<128x128xf32, #tpu.memory_space<vmem>>
    %dma_start3A_885 = arith.constant 0 : i32
    %dma_start3A_886 = tpu.memref_slice %arg5[%dma_start3A_881, %dma_start3A_885] : memref<130x128xi32, #tpu.memory_space<vmem>> -> memref<1x128xi32, #tpu.memory_space<vmem>>
    %dma_start3A_887 = tpu.memref_squeeze %dma_start3A_886 : memref<1x128xi32, #tpu.memory_space<vmem>> -> memref<128xi32, #tpu.memory_space<vmem>>
    %dma_start3A_888 = arith.constant 0 : i32
    %dma_start3A_889 = arith.constant 0 : i32
    %dma_start3A_890 = tpu.memref_slice %arg3[%dma_start3A_888, %dma_start3A_889] : memref<50000x128xf32, #tpu.memory_space<hbm>> -> memref<50000x128xf32, #tpu.memory_space<hbm>>
    tpu.enqueue_indirect_dma source(%dma_start3A_890 : memref<50000x128xf32, #tpu.memory_space<hbm>>) target(%dma_start3A_884 : memref<128x128xf32, #tpu.memory_space<vmem>>) offsets(%dma_start3A_887 : memref<128xi32, #tpu.memory_space<vmem>>) semaphore(%arg9 : memref<!tpu.dma_semaphore, #tpu.memory_space<semaphore_mem>>) {add = true}
    %dma_start3A_891 = arith.constant 82 : i32
    %dma_start3A_892 = arith.constant 0 : i32
    %dma_start3A_893 = arith.constant 0 : i32
    %dma_start3A_894 = tpu.memref_slice %arg7[%dma_start3A_892, %dma_start3A_893] : memref<256x128xf32, #tpu.memory_space<vmem>> -> memref<128x128xf32, #tpu.memory_space<vmem>>
    %dma_start3A_895 = arith.constant 0 : i32
    %dma_start3A_896 = tpu.memref_slice %arg5[%dma_start3A_891, %dma_start3A_895] : memref<130x128xi32, #tpu.memory_space<vmem>> -> memref<1x128xi32, #tpu.memory_space<vmem>>
    %dma_start3A_897 = tpu.memref_squeeze %dma_start3A_896 : memref<1x128xi32, #tpu.memory_space<vmem>> -> memref<128xi32, #tpu.memory_space<vmem>>
    %dma_start3A_898 = arith.constant 0 : i32
    %dma_start3A_899 = arith.constant 0 : i32
    %dma_start3A_900 = tpu.memref_slice %arg3[%dma_start3A_898, %dma_start3A_899] : memref<50000x128xf32, #tpu.memory_space<hbm>> -> memref<50000x128xf32, #tpu.memory_space<hbm>>
    tpu.enqueue_indirect_dma source(%dma_start3A_900 : memref<50000x128xf32, #tpu.memory_space<hbm>>) target(%dma_start3A_894 : memref<128x128xf32, #tpu.memory_space<vmem>>) offsets(%dma_start3A_897 : memref<128xi32, #tpu.memory_space<vmem>>) semaphore(%arg9 : memref<!tpu.dma_semaphore, #tpu.memory_space<semaphore_mem>>) {add = true}
    %dma_start3A_901 = arith.constant 95 : i32
    %dma_start3A_902 = arith.constant 0 : i32
    %dma_start3A_903 = arith.constant 0 : i32
    %dma_start3A_904 = tpu.memref_slice %arg7[%dma_start3A_902, %dma_start3A_903] : memref<256x128xf32, #tpu.memory_space<vmem>> -> memref<128x128xf32, #tpu.memory_space<vmem>>
    %dma_start3A_905 = arith.constant 0 : i32
    %dma_start3A_906 = tpu.memref_slice %arg5[%dma_start3A_901, %dma_start3A_905] : memref<130x128xi32, #tpu.memory_space<vmem>> -> memref<1x128xi32, #tpu.memory_space<vmem>>
    %dma_start3A_907 = tpu.memref_squeeze %dma_start3A_906 : memref<1x128xi32, #tpu.memory_space<vmem>> -> memref<128xi32, #tpu.memory_space<vmem>>
    %dma_start3A_908 = arith.constant 0 : i32
    %dma_start3A_909 = arith.constant 0 : i32
    %dma_start3A_910 = tpu.memref_slice %arg3[%dma_start3A_908, %dma_start3A_909] : memref<50000x128xf32, #tpu.memory_space<hbm>> -> memref<50000x128xf32, #tpu.memory_space<hbm>>
    tpu.enqueue_indirect_dma source(%dma_start3A_910 : memref<50000x128xf32, #tpu.memory_space<hbm>>) target(%dma_start3A_904 : memref<128x128xf32, #tpu.memory_space<vmem>>) offsets(%dma_start3A_907 : memref<128xi32, #tpu.memory_space<vmem>>) semaphore(%arg9 : memref<!tpu.dma_semaphore, #tpu.memory_space<semaphore_mem>>) {add = true}
    %dma_start3A_911 = arith.constant 108 : i32
    %dma_start3A_912 = arith.constant 0 : i32
    %dma_start3A_913 = arith.constant 0 : i32
    %dma_start3A_914 = tpu.memref_slice %arg7[%dma_start3A_912, %dma_start3A_913] : memref<256x128xf32, #tpu.memory_space<vmem>> -> memref<128x128xf32, #tpu.memory_space<vmem>>
    %dma_start3A_915 = arith.constant 0 : i32
    %dma_start3A_916 = tpu.memref_slice %arg5[%dma_start3A_911, %dma_start3A_915] : memref<130x128xi32, #tpu.memory_space<vmem>> -> memref<1x128xi32, #tpu.memory_space<vmem>>
    %dma_start3A_917 = tpu.memref_squeeze %dma_start3A_916 : memref<1x128xi32, #tpu.memory_space<vmem>> -> memref<128xi32, #tpu.memory_space<vmem>>
    %dma_start3A_918 = arith.constant 0 : i32
    %dma_start3A_919 = arith.constant 0 : i32
    %dma_start3A_920 = tpu.memref_slice %arg3[%dma_start3A_918, %dma_start3A_919] : memref<50000x128xf32, #tpu.memory_space<hbm>> -> memref<50000x128xf32, #tpu.memory_space<hbm>>
    tpu.enqueue_indirect_dma source(%dma_start3A_920 : memref<50000x128xf32, #tpu.memory_space<hbm>>) target(%dma_start3A_914 : memref<128x128xf32, #tpu.memory_space<vmem>>) offsets(%dma_start3A_917 : memref<128xi32, #tpu.memory_space<vmem>>) semaphore(%arg9 : memref<!tpu.dma_semaphore, #tpu.memory_space<semaphore_mem>>) {add = true}
    %dma_start3A_921 = arith.constant 121 : i32
    %dma_start3A_922 = arith.constant 0 : i32
    %dma_start3A_923 = arith.constant 0 : i32
    %dma_start3A_924 = tpu.memref_slice %arg7[%dma_start3A_922, %dma_start3A_923] : memref<256x128xf32, #tpu.memory_space<vmem>> -> memref<128x128xf32, #tpu.memory_space<vmem>>
    %dma_start3A_925 = arith.constant 0 : i32
    %dma_start3A_926 = tpu.memref_slice %arg5[%dma_start3A_921, %dma_start3A_925] : memref<130x128xi32, #tpu.memory_space<vmem>> -> memref<1x128xi32, #tpu.memory_space<vmem>>
    %dma_start3A_927 = tpu.memref_squeeze %dma_start3A_926 : memref<1x128xi32, #tpu.memory_space<vmem>> -> memref<128xi32, #tpu.memory_space<vmem>>
    %dma_start3A_928 = arith.constant 0 : i32
    %dma_start3A_929 = arith.constant 0 : i32
    %dma_start3A_930 = tpu.memref_slice %arg3[%dma_start3A_928, %dma_start3A_929] : memref<50000x128xf32, #tpu.memory_space<hbm>> -> memref<50000x128xf32, #tpu.memory_space<hbm>>
    tpu.enqueue_indirect_dma source(%dma_start3A_930 : memref<50000x128xf32, #tpu.memory_space<hbm>>) target(%dma_start3A_924 : memref<128x128xf32, #tpu.memory_space<vmem>>) offsets(%dma_start3A_927 : memref<128xi32, #tpu.memory_space<vmem>>) semaphore(%arg9 : memref<!tpu.dma_semaphore, #tpu.memory_space<semaphore_mem>>) {add = true}
    %dma_start3A_931 = arith.constant 5 : i32
    %dma_start3A_932 = arith.constant 128 : i32
    %dma_start3A_933 = arith.constant 0 : i32
    %dma_start3A_934 = tpu.memref_slice %arg7[%dma_start3A_932, %dma_start3A_933] : memref<256x128xf32, #tpu.memory_space<vmem>> -> memref<128x128xf32, #tpu.memory_space<vmem>>
    %dma_start3A_935 = arith.constant 0 : i32
    %dma_start3A_936 = tpu.memref_slice %arg5[%dma_start3A_931, %dma_start3A_935] : memref<130x128xi32, #tpu.memory_space<vmem>> -> memref<1x128xi32, #tpu.memory_space<vmem>>
    %dma_start3A_937 = tpu.memref_squeeze %dma_start3A_936 : memref<1x128xi32, #tpu.memory_space<vmem>> -> memref<128xi32, #tpu.memory_space<vmem>>
    %dma_start3A_938 = arith.constant 0 : i32
    %dma_start3A_939 = arith.constant 0 : i32
    %dma_start3A_940 = tpu.memref_slice %arg3[%dma_start3A_938, %dma_start3A_939] : memref<50000x128xf32, #tpu.memory_space<hbm>> -> memref<50000x128xf32, #tpu.memory_space<hbm>>
    tpu.enqueue_indirect_dma source(%dma_start3A_940 : memref<50000x128xf32, #tpu.memory_space<hbm>>) target(%dma_start3A_934 : memref<128x128xf32, #tpu.memory_space<vmem>>) offsets(%dma_start3A_937 : memref<128xi32, #tpu.memory_space<vmem>>) semaphore(%arg9 : memref<!tpu.dma_semaphore, #tpu.memory_space<semaphore_mem>>) {add = true}
    %dma_start3A_941 = arith.constant 18 : i32
    %dma_start3A_942 = arith.constant 128 : i32
    %dma_start3A_943 = arith.constant 0 : i32
    %dma_start3A_944 = tpu.memref_slice %arg7[%dma_start3A_942, %dma_start3A_943] : memref<256x128xf32, #tpu.memory_space<vmem>> -> memref<128x128xf32, #tpu.memory_space<vmem>>
    %dma_start3A_945 = arith.constant 0 : i32
    %dma_start3A_946 = tpu.memref_slice %arg5[%dma_start3A_941, %dma_start3A_945] : memref<130x128xi32, #tpu.memory_space<vmem>> -> memref<1x128xi32, #tpu.memory_space<vmem>>
    %dma_start3A_947 = tpu.memref_squeeze %dma_start3A_946 : memref<1x128xi32, #tpu.memory_space<vmem>> -> memref<128xi32, #tpu.memory_space<vmem>>
    %dma_start3A_948 = arith.constant 0 : i32
    %dma_start3A_949 = arith.constant 0 : i32
    %dma_start3A_950 = tpu.memref_slice %arg3[%dma_start3A_948, %dma_start3A_949] : memref<50000x128xf32, #tpu.memory_space<hbm>> -> memref<50000x128xf32, #tpu.memory_space<hbm>>
    tpu.enqueue_indirect_dma source(%dma_start3A_950 : memref<50000x128xf32, #tpu.memory_space<hbm>>) target(%dma_start3A_944 : memref<128x128xf32, #tpu.memory_space<vmem>>) offsets(%dma_start3A_947 : memref<128xi32, #tpu.memory_space<vmem>>) semaphore(%arg9 : memref<!tpu.dma_semaphore, #tpu.memory_space<semaphore_mem>>) {add = true}
    %dma_start3A_951 = arith.constant 31 : i32
    %dma_start3A_952 = arith.constant 128 : i32
    %dma_start3A_953 = arith.constant 0 : i32
    %dma_start3A_954 = tpu.memref_slice %arg7[%dma_start3A_952, %dma_start3A_953] : memref<256x128xf32, #tpu.memory_space<vmem>> -> memref<128x128xf32, #tpu.memory_space<vmem>>
    %dma_start3A_955 = arith.constant 0 : i32
    %dma_start3A_956 = tpu.memref_slice %arg5[%dma_start3A_951, %dma_start3A_955] : memref<130x128xi32, #tpu.memory_space<vmem>> -> memref<1x128xi32, #tpu.memory_space<vmem>>
    %dma_start3A_957 = tpu.memref_squeeze %dma_start3A_956 : memref<1x128xi32, #tpu.memory_space<vmem>> -> memref<128xi32, #tpu.memory_space<vmem>>
    %dma_start3A_958 = arith.constant 0 : i32
    %dma_start3A_959 = arith.constant 0 : i32
    %dma_start3A_960 = tpu.memref_slice %arg3[%dma_start3A_958, %dma_start3A_959] : memref<50000x128xf32, #tpu.memory_space<hbm>> -> memref<50000x128xf32, #tpu.memory_space<hbm>>
    tpu.enqueue_indirect_dma source(%dma_start3A_960 : memref<50000x128xf32, #tpu.memory_space<hbm>>) target(%dma_start3A_954 : memref<128x128xf32, #tpu.memory_space<vmem>>) offsets(%dma_start3A_957 : memref<128xi32, #tpu.memory_space<vmem>>) semaphore(%arg9 : memref<!tpu.dma_semaphore, #tpu.memory_space<semaphore_mem>>) {add = true}
    %dma_start3A_961 = arith.constant 44 : i32
    %dma_start3A_962 = arith.constant 128 : i32
    %dma_start3A_963 = arith.constant 0 : i32
    %dma_start3A_964 = tpu.memref_slice %arg7[%dma_start3A_962, %dma_start3A_963] : memref<256x128xf32, #tpu.memory_space<vmem>> -> memref<128x128xf32, #tpu.memory_space<vmem>>
    %dma_start3A_965 = arith.constant 0 : i32
    %dma_start3A_966 = tpu.memref_slice %arg5[%dma_start3A_961, %dma_start3A_965] : memref<130x128xi32, #tpu.memory_space<vmem>> -> memref<1x128xi32, #tpu.memory_space<vmem>>
    %dma_start3A_967 = tpu.memref_squeeze %dma_start3A_966 : memref<1x128xi32, #tpu.memory_space<vmem>> -> memref<128xi32, #tpu.memory_space<vmem>>
    %dma_start3A_968 = arith.constant 0 : i32
    %dma_start3A_969 = arith.constant 0 : i32
    %dma_start3A_970 = tpu.memref_slice %arg3[%dma_start3A_968, %dma_start3A_969] : memref<50000x128xf32, #tpu.memory_space<hbm>> -> memref<50000x128xf32, #tpu.memory_space<hbm>>
    tpu.enqueue_indirect_dma source(%dma_start3A_970 : memref<50000x128xf32, #tpu.memory_space<hbm>>) target(%dma_start3A_964 : memref<128x128xf32, #tpu.memory_space<vmem>>) offsets(%dma_start3A_967 : memref<128xi32, #tpu.memory_space<vmem>>) semaphore(%arg9 : memref<!tpu.dma_semaphore, #tpu.memory_space<semaphore_mem>>) {add = true}
    %dma_start3A_971 = arith.constant 57 : i32
    %dma_start3A_972 = arith.constant 128 : i32
    %dma_start3A_973 = arith.constant 0 : i32
    %dma_start3A_974 = tpu.memref_slice %arg7[%dma_start3A_972, %dma_start3A_973] : memref<256x128xf32, #tpu.memory_space<vmem>> -> memref<128x128xf32, #tpu.memory_space<vmem>>
    %dma_start3A_975 = arith.constant 0 : i32
    %dma_start3A_976 = tpu.memref_slice %arg5[%dma_start3A_971, %dma_start3A_975] : memref<130x128xi32, #tpu.memory_space<vmem>> -> memref<1x128xi32, #tpu.memory_space<vmem>>
    %dma_start3A_977 = tpu.memref_squeeze %dma_start3A_976 : memref<1x128xi32, #tpu.memory_space<vmem>> -> memref<128xi32, #tpu.memory_space<vmem>>
    %dma_start3A_978 = arith.constant 0 : i32
    %dma_start3A_979 = arith.constant 0 : i32
    %dma_start3A_980 = tpu.memref_slice %arg3[%dma_start3A_978, %dma_start3A_979] : memref<50000x128xf32, #tpu.memory_space<hbm>> -> memref<50000x128xf32, #tpu.memory_space<hbm>>
    tpu.enqueue_indirect_dma source(%dma_start3A_980 : memref<50000x128xf32, #tpu.memory_space<hbm>>) target(%dma_start3A_974 : memref<128x128xf32, #tpu.memory_space<vmem>>) offsets(%dma_start3A_977 : memref<128xi32, #tpu.memory_space<vmem>>) semaphore(%arg9 : memref<!tpu.dma_semaphore, #tpu.memory_space<semaphore_mem>>) {add = true}
    %dma_start3A_981 = arith.constant 70 : i32
    %dma_start3A_982 = arith.constant 128 : i32
    %dma_start3A_983 = arith.constant 0 : i32
    %dma_start3A_984 = tpu.memref_slice %arg7[%dma_start3A_982, %dma_start3A_983] : memref<256x128xf32, #tpu.memory_space<vmem>> -> memref<128x128xf32, #tpu.memory_space<vmem>>
    %dma_start3A_985 = arith.constant 0 : i32
    %dma_start3A_986 = tpu.memref_slice %arg5[%dma_start3A_981, %dma_start3A_985] : memref<130x128xi32, #tpu.memory_space<vmem>> -> memref<1x128xi32, #tpu.memory_space<vmem>>
    %dma_start3A_987 = tpu.memref_squeeze %dma_start3A_986 : memref<1x128xi32, #tpu.memory_space<vmem>> -> memref<128xi32, #tpu.memory_space<vmem>>
    %dma_start3A_988 = arith.constant 0 : i32
    %dma_start3A_989 = arith.constant 0 : i32
    %dma_start3A_990 = tpu.memref_slice %arg3[%dma_start3A_988, %dma_start3A_989] : memref<50000x128xf32, #tpu.memory_space<hbm>> -> memref<50000x128xf32, #tpu.memory_space<hbm>>
    tpu.enqueue_indirect_dma source(%dma_start3A_990 : memref<50000x128xf32, #tpu.memory_space<hbm>>) target(%dma_start3A_984 : memref<128x128xf32, #tpu.memory_space<vmem>>) offsets(%dma_start3A_987 : memref<128xi32, #tpu.memory_space<vmem>>) semaphore(%arg9 : memref<!tpu.dma_semaphore, #tpu.memory_space<semaphore_mem>>) {add = true}
    %dma_start3A_991 = arith.constant 83 : i32
    %dma_start3A_992 = arith.constant 128 : i32
    %dma_start3A_993 = arith.constant 0 : i32
    %dma_start3A_994 = tpu.memref_slice %arg7[%dma_start3A_992, %dma_start3A_993] : memref<256x128xf32, #tpu.memory_space<vmem>> -> memref<128x128xf32, #tpu.memory_space<vmem>>
    %dma_start3A_995 = arith.constant 0 : i32
    %dma_start3A_996 = tpu.memref_slice %arg5[%dma_start3A_991, %dma_start3A_995] : memref<130x128xi32, #tpu.memory_space<vmem>> -> memref<1x128xi32, #tpu.memory_space<vmem>>
    %dma_start3A_997 = tpu.memref_squeeze %dma_start3A_996 : memref<1x128xi32, #tpu.memory_space<vmem>> -> memref<128xi32, #tpu.memory_space<vmem>>
    %dma_start3A_998 = arith.constant 0 : i32
    %dma_start3A_999 = arith.constant 0 : i32
    %dma_start3A_1000 = tpu.memref_slice %arg3[%dma_start3A_998, %dma_start3A_999] : memref<50000x128xf32, #tpu.memory_space<hbm>> -> memref<50000x128xf32, #tpu.memory_space<hbm>>
    tpu.enqueue_indirect_dma source(%dma_start3A_1000 : memref<50000x128xf32, #tpu.memory_space<hbm>>) target(%dma_start3A_994 : memref<128x128xf32, #tpu.memory_space<vmem>>) offsets(%dma_start3A_997 : memref<128xi32, #tpu.memory_space<vmem>>) semaphore(%arg9 : memref<!tpu.dma_semaphore, #tpu.memory_space<semaphore_mem>>) {add = true}
    %dma_start3A_1001 = arith.constant 96 : i32
    %dma_start3A_1002 = arith.constant 128 : i32
    %dma_start3A_1003 = arith.constant 0 : i32
    %dma_start3A_1004 = tpu.memref_slice %arg7[%dma_start3A_1002, %dma_start3A_1003] : memref<256x128xf32, #tpu.memory_space<vmem>> -> memref<128x128xf32, #tpu.memory_space<vmem>>
    %dma_start3A_1005 = arith.constant 0 : i32
    %dma_start3A_1006 = tpu.memref_slice %arg5[%dma_start3A_1001, %dma_start3A_1005] : memref<130x128xi32, #tpu.memory_space<vmem>> -> memref<1x128xi32, #tpu.memory_space<vmem>>
    %dma_start3A_1007 = tpu.memref_squeeze %dma_start3A_1006 : memref<1x128xi32, #tpu.memory_space<vmem>> -> memref<128xi32, #tpu.memory_space<vmem>>
    %dma_start3A_1008 = arith.constant 0 : i32
    %dma_start3A_1009 = arith.constant 0 : i32
    %dma_start3A_1010 = tpu.memref_slice %arg3[%dma_start3A_1008, %dma_start3A_1009] : memref<50000x128xf32, #tpu.memory_space<hbm>> -> memref<50000x128xf32, #tpu.memory_space<hbm>>
    tpu.enqueue_indirect_dma source(%dma_start3A_1010 : memref<50000x128xf32, #tpu.memory_space<hbm>>) target(%dma_start3A_1004 : memref<128x128xf32, #tpu.memory_space<vmem>>) offsets(%dma_start3A_1007 : memref<128xi32, #tpu.memory_space<vmem>>) semaphore(%arg9 : memref<!tpu.dma_semaphore, #tpu.memory_space<semaphore_mem>>) {add = true}
    %dma_start3A_1011 = arith.constant 109 : i32
    %dma_start3A_1012 = arith.constant 128 : i32
    %dma_start3A_1013 = arith.constant 0 : i32
    %dma_start3A_1014 = tpu.memref_slice %arg7[%dma_start3A_1012, %dma_start3A_1013] : memref<256x128xf32, #tpu.memory_space<vmem>> -> memref<128x128xf32, #tpu.memory_space<vmem>>
    %dma_start3A_1015 = arith.constant 0 : i32
    %dma_start3A_1016 = tpu.memref_slice %arg5[%dma_start3A_1011, %dma_start3A_1015] : memref<130x128xi32, #tpu.memory_space<vmem>> -> memref<1x128xi32, #tpu.memory_space<vmem>>
    %dma_start3A_1017 = tpu.memref_squeeze %dma_start3A_1016 : memref<1x128xi32, #tpu.memory_space<vmem>> -> memref<128xi32, #tpu.memory_space<vmem>>
    %dma_start3A_1018 = arith.constant 0 : i32
    %dma_start3A_1019 = arith.constant 0 : i32
    %dma_start3A_1020 = tpu.memref_slice %arg3[%dma_start3A_1018, %dma_start3A_1019] : memref<50000x128xf32, #tpu.memory_space<hbm>> -> memref<50000x128xf32, #tpu.memory_space<hbm>>
    tpu.enqueue_indirect_dma source(%dma_start3A_1020 : memref<50000x128xf32, #tpu.memory_space<hbm>>) target(%dma_start3A_1014 : memref<128x128xf32, #tpu.memory_space<vmem>>) offsets(%dma_start3A_1017 : memref<128xi32, #tpu.memory_space<vmem>>) semaphore(%arg9 : memref<!tpu.dma_semaphore, #tpu.memory_space<semaphore_mem>>) {add = true}
    %dma_start3A_1021 = arith.constant 122 : i32
    %dma_start3A_1022 = arith.constant 128 : i32
    %dma_start3A_1023 = arith.constant 0 : i32
    %dma_start3A_1024 = tpu.memref_slice %arg7[%dma_start3A_1022, %dma_start3A_1023] : memref<256x128xf32, #tpu.memory_space<vmem>> -> memref<128x128xf32, #tpu.memory_space<vmem>>
    %dma_start3A_1025 = arith.constant 0 : i32
    %dma_start3A_1026 = tpu.memref_slice %arg5[%dma_start3A_1021, %dma_start3A_1025] : memref<130x128xi32, #tpu.memory_space<vmem>> -> memref<1x128xi32, #tpu.memory_space<vmem>>
    %dma_start3A_1027 = tpu.memref_squeeze %dma_start3A_1026 : memref<1x128xi32, #tpu.memory_space<vmem>> -> memref<128xi32, #tpu.memory_space<vmem>>
    %dma_start3A_1028 = arith.constant 0 : i32
    %dma_start3A_1029 = arith.constant 0 : i32
    %dma_start3A_1030 = tpu.memref_slice %arg3[%dma_start3A_1028, %dma_start3A_1029] : memref<50000x128xf32, #tpu.memory_space<hbm>> -> memref<50000x128xf32, #tpu.memory_space<hbm>>
    tpu.enqueue_indirect_dma source(%dma_start3A_1030 : memref<50000x128xf32, #tpu.memory_space<hbm>>) target(%dma_start3A_1024 : memref<128x128xf32, #tpu.memory_space<vmem>>) offsets(%dma_start3A_1027 : memref<128xi32, #tpu.memory_space<vmem>>) semaphore(%arg9 : memref<!tpu.dma_semaphore, #tpu.memory_space<semaphore_mem>>) {add = true}
    %dma_wait3A_1031 = arith.constant 4 : i32
    %dma_wait3A_1032 = arith.constant 0 : i32
    %dma_wait3A_1033 = arith.constant 0 : i32
    %dma_wait3A_1034 = tpu.memref_slice %arg7[%dma_wait3A_1032, %dma_wait3A_1033] : memref<256x128xf32, #tpu.memory_space<vmem>> -> memref<128x128xf32, #tpu.memory_space<vmem>>
    %dma_wait3A_1035 = arith.constant 0 : i32
    %dma_wait3A_1036 = tpu.memref_slice %arg5[%dma_wait3A_1031, %dma_wait3A_1035] : memref<130x128xi32, #tpu.memory_space<vmem>> -> memref<1x128xi32, #tpu.memory_space<vmem>>
    %dma_wait3A_1037 = tpu.memref_squeeze %dma_wait3A_1036 : memref<1x128xi32, #tpu.memory_space<vmem>> -> memref<128xi32, #tpu.memory_space<vmem>>
    %dma_wait3A_1038 = arith.constant 0 : i32
    %dma_wait3A_1039 = arith.constant 0 : i32
    %dma_wait3A_1040 = tpu.memref_slice %arg3[%dma_wait3A_1038, %dma_wait3A_1039] : memref<50000x128xf32, #tpu.memory_space<hbm>> -> memref<50000x128xf32, #tpu.memory_space<hbm>>
    tpu.wait_indirect_dma semaphore(%arg9 : memref<!tpu.dma_semaphore, #tpu.memory_space<semaphore_mem>>) src(%dma_wait3A_1040 : memref<50000x128xf32, #tpu.memory_space<hbm>>) dst(%dma_wait3A_1034 : memref<128x128xf32, #tpu.memory_space<vmem>>)
    %dma_wait3A_1041 = arith.constant 17 : i32
    %dma_wait3A_1042 = arith.constant 0 : i32
    %dma_wait3A_1043 = arith.constant 0 : i32
    %dma_wait3A_1044 = tpu.memref_slice %arg7[%dma_wait3A_1042, %dma_wait3A_1043] : memref<256x128xf32, #tpu.memory_space<vmem>> -> memref<128x128xf32, #tpu.memory_space<vmem>>
    %dma_wait3A_1045 = arith.constant 0 : i32
    %dma_wait3A_1046 = tpu.memref_slice %arg5[%dma_wait3A_1041, %dma_wait3A_1045] : memref<130x128xi32, #tpu.memory_space<vmem>> -> memref<1x128xi32, #tpu.memory_space<vmem>>
    %dma_wait3A_1047 = tpu.memref_squeeze %dma_wait3A_1046 : memref<1x128xi32, #tpu.memory_space<vmem>> -> memref<128xi32, #tpu.memory_space<vmem>>
    %dma_wait3A_1048 = arith.constant 0 : i32
    %dma_wait3A_1049 = arith.constant 0 : i32
    %dma_wait3A_1050 = tpu.memref_slice %arg3[%dma_wait3A_1048, %dma_wait3A_1049] : memref<50000x128xf32, #tpu.memory_space<hbm>> -> memref<50000x128xf32, #tpu.memory_space<hbm>>
    tpu.wait_indirect_dma semaphore(%arg9 : memref<!tpu.dma_semaphore, #tpu.memory_space<semaphore_mem>>) src(%dma_wait3A_1050 : memref<50000x128xf32, #tpu.memory_space<hbm>>) dst(%dma_wait3A_1044 : memref<128x128xf32, #tpu.memory_space<vmem>>)
    %dma_wait3A_1051 = arith.constant 30 : i32
    %dma_wait3A_1052 = arith.constant 0 : i32
    %dma_wait3A_1053 = arith.constant 0 : i32
    %dma_wait3A_1054 = tpu.memref_slice %arg7[%dma_wait3A_1052, %dma_wait3A_1053] : memref<256x128xf32, #tpu.memory_space<vmem>> -> memref<128x128xf32, #tpu.memory_space<vmem>>
    %dma_wait3A_1055 = arith.constant 0 : i32
    %dma_wait3A_1056 = tpu.memref_slice %arg5[%dma_wait3A_1051, %dma_wait3A_1055] : memref<130x128xi32, #tpu.memory_space<vmem>> -> memref<1x128xi32, #tpu.memory_space<vmem>>
    %dma_wait3A_1057 = tpu.memref_squeeze %dma_wait3A_1056 : memref<1x128xi32, #tpu.memory_space<vmem>> -> memref<128xi32, #tpu.memory_space<vmem>>
    %dma_wait3A_1058 = arith.constant 0 : i32
    %dma_wait3A_1059 = arith.constant 0 : i32
    %dma_wait3A_1060 = tpu.memref_slice %arg3[%dma_wait3A_1058, %dma_wait3A_1059] : memref<50000x128xf32, #tpu.memory_space<hbm>> -> memref<50000x128xf32, #tpu.memory_space<hbm>>
    tpu.wait_indirect_dma semaphore(%arg9 : memref<!tpu.dma_semaphore, #tpu.memory_space<semaphore_mem>>) src(%dma_wait3A_1060 : memref<50000x128xf32, #tpu.memory_space<hbm>>) dst(%dma_wait3A_1054 : memref<128x128xf32, #tpu.memory_space<vmem>>)
    %dma_wait3A_1061 = arith.constant 43 : i32
    %dma_wait3A_1062 = arith.constant 0 : i32
    %dma_wait3A_1063 = arith.constant 0 : i32
    %dma_wait3A_1064 = tpu.memref_slice %arg7[%dma_wait3A_1062, %dma_wait3A_1063] : memref<256x128xf32, #tpu.memory_space<vmem>> -> memref<128x128xf32, #tpu.memory_space<vmem>>
    %dma_wait3A_1065 = arith.constant 0 : i32
    %dma_wait3A_1066 = tpu.memref_slice %arg5[%dma_wait3A_1061, %dma_wait3A_1065] : memref<130x128xi32, #tpu.memory_space<vmem>> -> memref<1x128xi32, #tpu.memory_space<vmem>>
    %dma_wait3A_1067 = tpu.memref_squeeze %dma_wait3A_1066 : memref<1x128xi32, #tpu.memory_space<vmem>> -> memref<128xi32, #tpu.memory_space<vmem>>
    %dma_wait3A_1068 = arith.constant 0 : i32
    %dma_wait3A_1069 = arith.constant 0 : i32
    %dma_wait3A_1070 = tpu.memref_slice %arg3[%dma_wait3A_1068, %dma_wait3A_1069] : memref<50000x128xf32, #tpu.memory_space<hbm>> -> memref<50000x128xf32, #tpu.memory_space<hbm>>
    tpu.wait_indirect_dma semaphore(%arg9 : memref<!tpu.dma_semaphore, #tpu.memory_space<semaphore_mem>>) src(%dma_wait3A_1070 : memref<50000x128xf32, #tpu.memory_space<hbm>>) dst(%dma_wait3A_1064 : memref<128x128xf32, #tpu.memory_space<vmem>>)
    %dma_wait3A_1071 = arith.constant 56 : i32
    %dma_wait3A_1072 = arith.constant 0 : i32
    %dma_wait3A_1073 = arith.constant 0 : i32
    %dma_wait3A_1074 = tpu.memref_slice %arg7[%dma_wait3A_1072, %dma_wait3A_1073] : memref<256x128xf32, #tpu.memory_space<vmem>> -> memref<128x128xf32, #tpu.memory_space<vmem>>
    %dma_wait3A_1075 = arith.constant 0 : i32
    %dma_wait3A_1076 = tpu.memref_slice %arg5[%dma_wait3A_1071, %dma_wait3A_1075] : memref<130x128xi32, #tpu.memory_space<vmem>> -> memref<1x128xi32, #tpu.memory_space<vmem>>
    %dma_wait3A_1077 = tpu.memref_squeeze %dma_wait3A_1076 : memref<1x128xi32, #tpu.memory_space<vmem>> -> memref<128xi32, #tpu.memory_space<vmem>>
    %dma_wait3A_1078 = arith.constant 0 : i32
    %dma_wait3A_1079 = arith.constant 0 : i32
    %dma_wait3A_1080 = tpu.memref_slice %arg3[%dma_wait3A_1078, %dma_wait3A_1079] : memref<50000x128xf32, #tpu.memory_space<hbm>> -> memref<50000x128xf32, #tpu.memory_space<hbm>>
    tpu.wait_indirect_dma semaphore(%arg9 : memref<!tpu.dma_semaphore, #tpu.memory_space<semaphore_mem>>) src(%dma_wait3A_1080 : memref<50000x128xf32, #tpu.memory_space<hbm>>) dst(%dma_wait3A_1074 : memref<128x128xf32, #tpu.memory_space<vmem>>)
    %dma_wait3A_1081 = arith.constant 69 : i32
    %dma_wait3A_1082 = arith.constant 0 : i32
    %dma_wait3A_1083 = arith.constant 0 : i32
    %dma_wait3A_1084 = tpu.memref_slice %arg7[%dma_wait3A_1082, %dma_wait3A_1083] : memref<256x128xf32, #tpu.memory_space<vmem>> -> memref<128x128xf32, #tpu.memory_space<vmem>>
    %dma_wait3A_1085 = arith.constant 0 : i32
    %dma_wait3A_1086 = tpu.memref_slice %arg5[%dma_wait3A_1081, %dma_wait3A_1085] : memref<130x128xi32, #tpu.memory_space<vmem>> -> memref<1x128xi32, #tpu.memory_space<vmem>>
    %dma_wait3A_1087 = tpu.memref_squeeze %dma_wait3A_1086 : memref<1x128xi32, #tpu.memory_space<vmem>> -> memref<128xi32, #tpu.memory_space<vmem>>
    %dma_wait3A_1088 = arith.constant 0 : i32
    %dma_wait3A_1089 = arith.constant 0 : i32
    %dma_wait3A_1090 = tpu.memref_slice %arg3[%dma_wait3A_1088, %dma_wait3A_1089] : memref<50000x128xf32, #tpu.memory_space<hbm>> -> memref<50000x128xf32, #tpu.memory_space<hbm>>
    tpu.wait_indirect_dma semaphore(%arg9 : memref<!tpu.dma_semaphore, #tpu.memory_space<semaphore_mem>>) src(%dma_wait3A_1090 : memref<50000x128xf32, #tpu.memory_space<hbm>>) dst(%dma_wait3A_1084 : memref<128x128xf32, #tpu.memory_space<vmem>>)
    %dma_wait3A_1091 = arith.constant 82 : i32
    %dma_wait3A_1092 = arith.constant 0 : i32
    %dma_wait3A_1093 = arith.constant 0 : i32
    %dma_wait3A_1094 = tpu.memref_slice %arg7[%dma_wait3A_1092, %dma_wait3A_1093] : memref<256x128xf32, #tpu.memory_space<vmem>> -> memref<128x128xf32, #tpu.memory_space<vmem>>
    %dma_wait3A_1095 = arith.constant 0 : i32
    %dma_wait3A_1096 = tpu.memref_slice %arg5[%dma_wait3A_1091, %dma_wait3A_1095] : memref<130x128xi32, #tpu.memory_space<vmem>> -> memref<1x128xi32, #tpu.memory_space<vmem>>
    %dma_wait3A_1097 = tpu.memref_squeeze %dma_wait3A_1096 : memref<1x128xi32, #tpu.memory_space<vmem>> -> memref<128xi32, #tpu.memory_space<vmem>>
    %dma_wait3A_1098 = arith.constant 0 : i32
    %dma_wait3A_1099 = arith.constant 0 : i32
    %dma_wait3A_1100 = tpu.memref_slice %arg3[%dma_wait3A_1098, %dma_wait3A_1099] : memref<50000x128xf32, #tpu.memory_space<hbm>> -> memref<50000x128xf32, #tpu.memory_space<hbm>>
    tpu.wait_indirect_dma semaphore(%arg9 : memref<!tpu.dma_semaphore, #tpu.memory_space<semaphore_mem>>) src(%dma_wait3A_1100 : memref<50000x128xf32, #tpu.memory_space<hbm>>) dst(%dma_wait3A_1094 : memref<128x128xf32, #tpu.memory_space<vmem>>)
    %dma_wait3A_1101 = arith.constant 95 : i32
    %dma_wait3A_1102 = arith.constant 0 : i32
    %dma_wait3A_1103 = arith.constant 0 : i32
    %dma_wait3A_1104 = tpu.memref_slice %arg7[%dma_wait3A_1102, %dma_wait3A_1103] : memref<256x128xf32, #tpu.memory_space<vmem>> -> memref<128x128xf32, #tpu.memory_space<vmem>>
    %dma_wait3A_1105 = arith.constant 0 : i32
    %dma_wait3A_1106 = tpu.memref_slice %arg5[%dma_wait3A_1101, %dma_wait3A_1105] : memref<130x128xi32, #tpu.memory_space<vmem>> -> memref<1x128xi32, #tpu.memory_space<vmem>>
    %dma_wait3A_1107 = tpu.memref_squeeze %dma_wait3A_1106 : memref<1x128xi32, #tpu.memory_space<vmem>> -> memref<128xi32, #tpu.memory_space<vmem>>
    %dma_wait3A_1108 = arith.constant 0 : i32
    %dma_wait3A_1109 = arith.constant 0 : i32
    %dma_wait3A_1110 = tpu.memref_slice %arg3[%dma_wait3A_1108, %dma_wait3A_1109] : memref<50000x128xf32, #tpu.memory_space<hbm>> -> memref<50000x128xf32, #tpu.memory_space<hbm>>
    tpu.wait_indirect_dma semaphore(%arg9 : memref<!tpu.dma_semaphore, #tpu.memory_space<semaphore_mem>>) src(%dma_wait3A_1110 : memref<50000x128xf32, #tpu.memory_space<hbm>>) dst(%dma_wait3A_1104 : memref<128x128xf32, #tpu.memory_space<vmem>>)
    %dma_wait3A_1111 = arith.constant 108 : i32
    %dma_wait3A_1112 = arith.constant 0 : i32
    %dma_wait3A_1113 = arith.constant 0 : i32
    %dma_wait3A_1114 = tpu.memref_slice %arg7[%dma_wait3A_1112, %dma_wait3A_1113] : memref<256x128xf32, #tpu.memory_space<vmem>> -> memref<128x128xf32, #tpu.memory_space<vmem>>
    %dma_wait3A_1115 = arith.constant 0 : i32
    %dma_wait3A_1116 = tpu.memref_slice %arg5[%dma_wait3A_1111, %dma_wait3A_1115] : memref<130x128xi32, #tpu.memory_space<vmem>> -> memref<1x128xi32, #tpu.memory_space<vmem>>
    %dma_wait3A_1117 = tpu.memref_squeeze %dma_wait3A_1116 : memref<1x128xi32, #tpu.memory_space<vmem>> -> memref<128xi32, #tpu.memory_space<vmem>>
    %dma_wait3A_1118 = arith.constant 0 : i32
    %dma_wait3A_1119 = arith.constant 0 : i32
    %dma_wait3A_1120 = tpu.memref_slice %arg3[%dma_wait3A_1118, %dma_wait3A_1119] : memref<50000x128xf32, #tpu.memory_space<hbm>> -> memref<50000x128xf32, #tpu.memory_space<hbm>>
    tpu.wait_indirect_dma semaphore(%arg9 : memref<!tpu.dma_semaphore, #tpu.memory_space<semaphore_mem>>) src(%dma_wait3A_1120 : memref<50000x128xf32, #tpu.memory_space<hbm>>) dst(%dma_wait3A_1114 : memref<128x128xf32, #tpu.memory_space<vmem>>)
    %dma_wait3A_1121 = arith.constant 121 : i32
    %dma_wait3A_1122 = arith.constant 0 : i32
    %dma_wait3A_1123 = arith.constant 0 : i32
    %dma_wait3A_1124 = tpu.memref_slice %arg7[%dma_wait3A_1122, %dma_wait3A_1123] : memref<256x128xf32, #tpu.memory_space<vmem>> -> memref<128x128xf32, #tpu.memory_space<vmem>>
    %dma_wait3A_1125 = arith.constant 0 : i32
    %dma_wait3A_1126 = tpu.memref_slice %arg5[%dma_wait3A_1121, %dma_wait3A_1125] : memref<130x128xi32, #tpu.memory_space<vmem>> -> memref<1x128xi32, #tpu.memory_space<vmem>>
    %dma_wait3A_1127 = tpu.memref_squeeze %dma_wait3A_1126 : memref<1x128xi32, #tpu.memory_space<vmem>> -> memref<128xi32, #tpu.memory_space<vmem>>
    %dma_wait3A_1128 = arith.constant 0 : i32
    %dma_wait3A_1129 = arith.constant 0 : i32
    %dma_wait3A_1130 = tpu.memref_slice %arg3[%dma_wait3A_1128, %dma_wait3A_1129] : memref<50000x128xf32, #tpu.memory_space<hbm>> -> memref<50000x128xf32, #tpu.memory_space<hbm>>
    tpu.wait_indirect_dma semaphore(%arg9 : memref<!tpu.dma_semaphore, #tpu.memory_space<semaphore_mem>>) src(%dma_wait3A_1130 : memref<50000x128xf32, #tpu.memory_space<hbm>>) dst(%dma_wait3A_1124 : memref<128x128xf32, #tpu.memory_space<vmem>>)
    %dma_wait3A_1131 = arith.constant 5 : i32
    %dma_wait3A_1132 = arith.constant 128 : i32
    %dma_wait3A_1133 = arith.constant 0 : i32
    %dma_wait3A_1134 = tpu.memref_slice %arg7[%dma_wait3A_1132, %dma_wait3A_1133] : memref<256x128xf32, #tpu.memory_space<vmem>> -> memref<128x128xf32, #tpu.memory_space<vmem>>
    %dma_wait3A_1135 = arith.constant 0 : i32
    %dma_wait3A_1136 = tpu.memref_slice %arg5[%dma_wait3A_1131, %dma_wait3A_1135] : memref<130x128xi32, #tpu.memory_space<vmem>> -> memref<1x128xi32, #tpu.memory_space<vmem>>
    %dma_wait3A_1137 = tpu.memref_squeeze %dma_wait3A_1136 : memref<1x128xi32, #tpu.memory_space<vmem>> -> memref<128xi32, #tpu.memory_space<vmem>>
    %dma_wait3A_1138 = arith.constant 0 : i32
    %dma_wait3A_1139 = arith.constant 0 : i32
    %dma_wait3A_1140 = tpu.memref_slice %arg3[%dma_wait3A_1138, %dma_wait3A_1139] : memref<50000x128xf32, #tpu.memory_space<hbm>> -> memref<50000x128xf32, #tpu.memory_space<hbm>>
    tpu.wait_indirect_dma semaphore(%arg9 : memref<!tpu.dma_semaphore, #tpu.memory_space<semaphore_mem>>) src(%dma_wait3A_1140 : memref<50000x128xf32, #tpu.memory_space<hbm>>) dst(%dma_wait3A_1134 : memref<128x128xf32, #tpu.memory_space<vmem>>)
    %dma_wait3A_1141 = arith.constant 18 : i32
    %dma_wait3A_1142 = arith.constant 128 : i32
    %dma_wait3A_1143 = arith.constant 0 : i32
    %dma_wait3A_1144 = tpu.memref_slice %arg7[%dma_wait3A_1142, %dma_wait3A_1143] : memref<256x128xf32, #tpu.memory_space<vmem>> -> memref<128x128xf32, #tpu.memory_space<vmem>>
    %dma_wait3A_1145 = arith.constant 0 : i32
    %dma_wait3A_1146 = tpu.memref_slice %arg5[%dma_wait3A_1141, %dma_wait3A_1145] : memref<130x128xi32, #tpu.memory_space<vmem>> -> memref<1x128xi32, #tpu.memory_space<vmem>>
    %dma_wait3A_1147 = tpu.memref_squeeze %dma_wait3A_1146 : memref<1x128xi32, #tpu.memory_space<vmem>> -> memref<128xi32, #tpu.memory_space<vmem>>
    %dma_wait3A_1148 = arith.constant 0 : i32
    %dma_wait3A_1149 = arith.constant 0 : i32
    %dma_wait3A_1150 = tpu.memref_slice %arg3[%dma_wait3A_1148, %dma_wait3A_1149] : memref<50000x128xf32, #tpu.memory_space<hbm>> -> memref<50000x128xf32, #tpu.memory_space<hbm>>
    tpu.wait_indirect_dma semaphore(%arg9 : memref<!tpu.dma_semaphore, #tpu.memory_space<semaphore_mem>>) src(%dma_wait3A_1150 : memref<50000x128xf32, #tpu.memory_space<hbm>>) dst(%dma_wait3A_1144 : memref<128x128xf32, #tpu.memory_space<vmem>>)
    %dma_wait3A_1151 = arith.constant 31 : i32
    %dma_wait3A_1152 = arith.constant 128 : i32
    %dma_wait3A_1153 = arith.constant 0 : i32
    %dma_wait3A_1154 = tpu.memref_slice %arg7[%dma_wait3A_1152, %dma_wait3A_1153] : memref<256x128xf32, #tpu.memory_space<vmem>> -> memref<128x128xf32, #tpu.memory_space<vmem>>
    %dma_wait3A_1155 = arith.constant 0 : i32
    %dma_wait3A_1156 = tpu.memref_slice %arg5[%dma_wait3A_1151, %dma_wait3A_1155] : memref<130x128xi32, #tpu.memory_space<vmem>> -> memref<1x128xi32, #tpu.memory_space<vmem>>
    %dma_wait3A_1157 = tpu.memref_squeeze %dma_wait3A_1156 : memref<1x128xi32, #tpu.memory_space<vmem>> -> memref<128xi32, #tpu.memory_space<vmem>>
    %dma_wait3A_1158 = arith.constant 0 : i32
    %dma_wait3A_1159 = arith.constant 0 : i32
    %dma_wait3A_1160 = tpu.memref_slice %arg3[%dma_wait3A_1158, %dma_wait3A_1159] : memref<50000x128xf32, #tpu.memory_space<hbm>> -> memref<50000x128xf32, #tpu.memory_space<hbm>>
    tpu.wait_indirect_dma semaphore(%arg9 : memref<!tpu.dma_semaphore, #tpu.memory_space<semaphore_mem>>) src(%dma_wait3A_1160 : memref<50000x128xf32, #tpu.memory_space<hbm>>) dst(%dma_wait3A_1154 : memref<128x128xf32, #tpu.memory_space<vmem>>)
    %dma_wait3A_1161 = arith.constant 44 : i32
    %dma_wait3A_1162 = arith.constant 128 : i32
    %dma_wait3A_1163 = arith.constant 0 : i32
    %dma_wait3A_1164 = tpu.memref_slice %arg7[%dma_wait3A_1162, %dma_wait3A_1163] : memref<256x128xf32, #tpu.memory_space<vmem>> -> memref<128x128xf32, #tpu.memory_space<vmem>>
    %dma_wait3A_1165 = arith.constant 0 : i32
    %dma_wait3A_1166 = tpu.memref_slice %arg5[%dma_wait3A_1161, %dma_wait3A_1165] : memref<130x128xi32, #tpu.memory_space<vmem>> -> memref<1x128xi32, #tpu.memory_space<vmem>>
    %dma_wait3A_1167 = tpu.memref_squeeze %dma_wait3A_1166 : memref<1x128xi32, #tpu.memory_space<vmem>> -> memref<128xi32, #tpu.memory_space<vmem>>
    %dma_wait3A_1168 = arith.constant 0 : i32
    %dma_wait3A_1169 = arith.constant 0 : i32
    %dma_wait3A_1170 = tpu.memref_slice %arg3[%dma_wait3A_1168, %dma_wait3A_1169] : memref<50000x128xf32, #tpu.memory_space<hbm>> -> memref<50000x128xf32, #tpu.memory_space<hbm>>
    tpu.wait_indirect_dma semaphore(%arg9 : memref<!tpu.dma_semaphore, #tpu.memory_space<semaphore_mem>>) src(%dma_wait3A_1170 : memref<50000x128xf32, #tpu.memory_space<hbm>>) dst(%dma_wait3A_1164 : memref<128x128xf32, #tpu.memory_space<vmem>>)
    %dma_wait3A_1171 = arith.constant 57 : i32
    %dma_wait3A_1172 = arith.constant 128 : i32
    %dma_wait3A_1173 = arith.constant 0 : i32
    %dma_wait3A_1174 = tpu.memref_slice %arg7[%dma_wait3A_1172, %dma_wait3A_1173] : memref<256x128xf32, #tpu.memory_space<vmem>> -> memref<128x128xf32, #tpu.memory_space<vmem>>
    %dma_wait3A_1175 = arith.constant 0 : i32
    %dma_wait3A_1176 = tpu.memref_slice %arg5[%dma_wait3A_1171, %dma_wait3A_1175] : memref<130x128xi32, #tpu.memory_space<vmem>> -> memref<1x128xi32, #tpu.memory_space<vmem>>
    %dma_wait3A_1177 = tpu.memref_squeeze %dma_wait3A_1176 : memref<1x128xi32, #tpu.memory_space<vmem>> -> memref<128xi32, #tpu.memory_space<vmem>>
    %dma_wait3A_1178 = arith.constant 0 : i32
    %dma_wait3A_1179 = arith.constant 0 : i32
    %dma_wait3A_1180 = tpu.memref_slice %arg3[%dma_wait3A_1178, %dma_wait3A_1179] : memref<50000x128xf32, #tpu.memory_space<hbm>> -> memref<50000x128xf32, #tpu.memory_space<hbm>>
    tpu.wait_indirect_dma semaphore(%arg9 : memref<!tpu.dma_semaphore, #tpu.memory_space<semaphore_mem>>) src(%dma_wait3A_1180 : memref<50000x128xf32, #tpu.memory_space<hbm>>) dst(%dma_wait3A_1174 : memref<128x128xf32, #tpu.memory_space<vmem>>)
    %dma_wait3A_1181 = arith.constant 70 : i32
    %dma_wait3A_1182 = arith.constant 128 : i32
    %dma_wait3A_1183 = arith.constant 0 : i32
    %dma_wait3A_1184 = tpu.memref_slice %arg7[%dma_wait3A_1182, %dma_wait3A_1183] : memref<256x128xf32, #tpu.memory_space<vmem>> -> memref<128x128xf32, #tpu.memory_space<vmem>>
    %dma_wait3A_1185 = arith.constant 0 : i32
    %dma_wait3A_1186 = tpu.memref_slice %arg5[%dma_wait3A_1181, %dma_wait3A_1185] : memref<130x128xi32, #tpu.memory_space<vmem>> -> memref<1x128xi32, #tpu.memory_space<vmem>>
    %dma_wait3A_1187 = tpu.memref_squeeze %dma_wait3A_1186 : memref<1x128xi32, #tpu.memory_space<vmem>> -> memref<128xi32, #tpu.memory_space<vmem>>
    %dma_wait3A_1188 = arith.constant 0 : i32
    %dma_wait3A_1189 = arith.constant 0 : i32
    %dma_wait3A_1190 = tpu.memref_slice %arg3[%dma_wait3A_1188, %dma_wait3A_1189] : memref<50000x128xf32, #tpu.memory_space<hbm>> -> memref<50000x128xf32, #tpu.memory_space<hbm>>
    tpu.wait_indirect_dma semaphore(%arg9 : memref<!tpu.dma_semaphore, #tpu.memory_space<semaphore_mem>>) src(%dma_wait3A_1190 : memref<50000x128xf32, #tpu.memory_space<hbm>>) dst(%dma_wait3A_1184 : memref<128x128xf32, #tpu.memory_space<vmem>>)
    %dma_wait3A_1191 = arith.constant 83 : i32
    %dma_wait3A_1192 = arith.constant 128 : i32
    %dma_wait3A_1193 = arith.constant 0 : i32
    %dma_wait3A_1194 = tpu.memref_slice %arg7[%dma_wait3A_1192, %dma_wait3A_1193] : memref<256x128xf32, #tpu.memory_space<vmem>> -> memref<128x128xf32, #tpu.memory_space<vmem>>
    %dma_wait3A_1195 = arith.constant 0 : i32
    %dma_wait3A_1196 = tpu.memref_slice %arg5[%dma_wait3A_1191, %dma_wait3A_1195] : memref<130x128xi32, #tpu.memory_space<vmem>> -> memref<1x128xi32, #tpu.memory_space<vmem>>
    %dma_wait3A_1197 = tpu.memref_squeeze %dma_wait3A_1196 : memref<1x128xi32, #tpu.memory_space<vmem>> -> memref<128xi32, #tpu.memory_space<vmem>>
    %dma_wait3A_1198 = arith.constant 0 : i32
    %dma_wait3A_1199 = arith.constant 0 : i32
    %dma_wait3A_1200 = tpu.memref_slice %arg3[%dma_wait3A_1198, %dma_wait3A_1199] : memref<50000x128xf32, #tpu.memory_space<hbm>> -> memref<50000x128xf32, #tpu.memory_space<hbm>>
    tpu.wait_indirect_dma semaphore(%arg9 : memref<!tpu.dma_semaphore, #tpu.memory_space<semaphore_mem>>) src(%dma_wait3A_1200 : memref<50000x128xf32, #tpu.memory_space<hbm>>) dst(%dma_wait3A_1194 : memref<128x128xf32, #tpu.memory_space<vmem>>)
    %dma_wait3A_1201 = arith.constant 96 : i32
    %dma_wait3A_1202 = arith.constant 128 : i32
    %dma_wait3A_1203 = arith.constant 0 : i32
    %dma_wait3A_1204 = tpu.memref_slice %arg7[%dma_wait3A_1202, %dma_wait3A_1203] : memref<256x128xf32, #tpu.memory_space<vmem>> -> memref<128x128xf32, #tpu.memory_space<vmem>>
    %dma_wait3A_1205 = arith.constant 0 : i32
    %dma_wait3A_1206 = tpu.memref_slice %arg5[%dma_wait3A_1201, %dma_wait3A_1205] : memref<130x128xi32, #tpu.memory_space<vmem>> -> memref<1x128xi32, #tpu.memory_space<vmem>>
    %dma_wait3A_1207 = tpu.memref_squeeze %dma_wait3A_1206 : memref<1x128xi32, #tpu.memory_space<vmem>> -> memref<128xi32, #tpu.memory_space<vmem>>
    %dma_wait3A_1208 = arith.constant 0 : i32
    %dma_wait3A_1209 = arith.constant 0 : i32
    %dma_wait3A_1210 = tpu.memref_slice %arg3[%dma_wait3A_1208, %dma_wait3A_1209] : memref<50000x128xf32, #tpu.memory_space<hbm>> -> memref<50000x128xf32, #tpu.memory_space<hbm>>
    tpu.wait_indirect_dma semaphore(%arg9 : memref<!tpu.dma_semaphore, #tpu.memory_space<semaphore_mem>>) src(%dma_wait3A_1210 : memref<50000x128xf32, #tpu.memory_space<hbm>>) dst(%dma_wait3A_1204 : memref<128x128xf32, #tpu.memory_space<vmem>>)
    %dma_wait3A_1211 = arith.constant 109 : i32
    %dma_wait3A_1212 = arith.constant 128 : i32
    %dma_wait3A_1213 = arith.constant 0 : i32
    %dma_wait3A_1214 = tpu.memref_slice %arg7[%dma_wait3A_1212, %dma_wait3A_1213] : memref<256x128xf32, #tpu.memory_space<vmem>> -> memref<128x128xf32, #tpu.memory_space<vmem>>
    %dma_wait3A_1215 = arith.constant 0 : i32
    %dma_wait3A_1216 = tpu.memref_slice %arg5[%dma_wait3A_1211, %dma_wait3A_1215] : memref<130x128xi32, #tpu.memory_space<vmem>> -> memref<1x128xi32, #tpu.memory_space<vmem>>
    %dma_wait3A_1217 = tpu.memref_squeeze %dma_wait3A_1216 : memref<1x128xi32, #tpu.memory_space<vmem>> -> memref<128xi32, #tpu.memory_space<vmem>>
    %dma_wait3A_1218 = arith.constant 0 : i32
    %dma_wait3A_1219 = arith.constant 0 : i32
    %dma_wait3A_1220 = tpu.memref_slice %arg3[%dma_wait3A_1218, %dma_wait3A_1219] : memref<50000x128xf32, #tpu.memory_space<hbm>> -> memref<50000x128xf32, #tpu.memory_space<hbm>>
    tpu.wait_indirect_dma semaphore(%arg9 : memref<!tpu.dma_semaphore, #tpu.memory_space<semaphore_mem>>) src(%dma_wait3A_1220 : memref<50000x128xf32, #tpu.memory_space<hbm>>) dst(%dma_wait3A_1214 : memref<128x128xf32, #tpu.memory_space<vmem>>)
    %dma_wait3A_1221 = arith.constant 122 : i32
    %dma_wait3A_1222 = arith.constant 128 : i32
    %dma_wait3A_1223 = arith.constant 0 : i32
    %dma_wait3A_1224 = tpu.memref_slice %arg7[%dma_wait3A_1222, %dma_wait3A_1223] : memref<256x128xf32, #tpu.memory_space<vmem>> -> memref<128x128xf32, #tpu.memory_space<vmem>>
    %dma_wait3A_1225 = arith.constant 0 : i32
    %dma_wait3A_1226 = tpu.memref_slice %arg5[%dma_wait3A_1221, %dma_wait3A_1225] : memref<130x128xi32, #tpu.memory_space<vmem>> -> memref<1x128xi32, #tpu.memory_space<vmem>>
    %dma_wait3A_1227 = tpu.memref_squeeze %dma_wait3A_1226 : memref<1x128xi32, #tpu.memory_space<vmem>> -> memref<128xi32, #tpu.memory_space<vmem>>
    %dma_wait3A_1228 = arith.constant 0 : i32
    %dma_wait3A_1229 = arith.constant 0 : i32
    %dma_wait3A_1230 = tpu.memref_slice %arg3[%dma_wait3A_1228, %dma_wait3A_1229] : memref<50000x128xf32, #tpu.memory_space<hbm>> -> memref<50000x128xf32, #tpu.memory_space<hbm>>
    tpu.wait_indirect_dma semaphore(%arg9 : memref<!tpu.dma_semaphore, #tpu.memory_space<semaphore_mem>>) src(%dma_wait3A_1230 : memref<50000x128xf32, #tpu.memory_space<hbm>>) dst(%dma_wait3A_1224 : memref<128x128xf32, #tpu.memory_space<vmem>>)
    %add3A_1231 = arith.constant 4 : i32
    %add3A_1232 = arith.addi %mul3A_2, %add3A_1231 : i32
    %mul3A_1233 = arith.constant 128 : i32
    %mul3A_1234 = arith.muli %add3A_1232, %mul3A_1233 : i32
    %dma_start3A_1235 = arith.constant 0 : i32
    %dma_start3A_1236 = arith.constant 0 : i32
    %dma_start3A_1237 = tpu.memref_slice %arg7[%dma_start3A_1235, %dma_start3A_1236] : memref<256x128xf32, #tpu.memory_space<vmem>> -> memref<256x128xf32, #tpu.memory_space<vmem>>
    %dma_start3A_1238 = arith.constant 0 : i32
    %dma_start3A_1239 = tpu.memref_slice %arg4[%mul3A_1234, %dma_start3A_1238] : memref<53248x128xf32, #tpu.memory_space<hbm>> -> memref<256x128xf32, #tpu.memory_space<hbm>>
    %dma_start3A_1240 = arith.constant 0 : i32
    %dma_start3A_1241 = tpu.memref_slice %arg4[%mul3A_1234, %dma_start3A_1240] : memref<53248x128xf32, #tpu.memory_space<hbm>> -> memref<256x128xf32, #tpu.memory_space<hbm>>
    %dma_start3A_1242 = arith.constant 0 : i32
    %dma_start3A_1243 = arith.constant 0 : i32
    %dma_start3A_1244 = tpu.memref_slice %arg7[%dma_start3A_1242, %dma_start3A_1243] : memref<256x128xf32, #tpu.memory_space<vmem>> -> memref<256x128xf32, #tpu.memory_space<vmem>>
    tpu.enqueue_dma source(%dma_start3A_1244 : memref<256x128xf32, #tpu.memory_space<vmem>>) target(%dma_start3A_1241 : memref<256x128xf32, #tpu.memory_space<hbm>>) target_semaphore(%arg11 : memref<!tpu.dma_semaphore, #tpu.memory_space<semaphore_mem>>)
    %dma_wait3A_1245 = arith.constant 0 : i32
    %dma_wait3A_1246 = arith.constant 0 : i32
    %dma_wait3A_1247 = tpu.memref_slice %arg6[%dma_wait3A_1245, %dma_wait3A_1246] : memref<512x128xf32, #tpu.memory_space<vmem>> -> memref<512x128xf32, #tpu.memory_space<vmem>>
    %dma_wait3A_1248 = arith.constant 0 : i32
    %dma_wait3A_1249 = tpu.memref_slice %arg4[%mul3A_811, %dma_wait3A_1248] : memref<53248x128xf32, #tpu.memory_space<hbm>> -> memref<512x128xf32, #tpu.memory_space<hbm>>
    %dma_wait3A_1250 = arith.constant 0 : i32
    %dma_wait3A_1251 = tpu.memref_slice %arg4[%mul3A_811, %dma_wait3A_1250] : memref<53248x128xf32, #tpu.memory_space<hbm>> -> memref<512x128xf32, #tpu.memory_space<hbm>>
    %dma_wait3A_1252 = arith.constant 0 : i32
    %dma_wait3A_1253 = arith.constant 0 : i32
    %dma_wait3A_1254 = tpu.memref_slice %arg6[%dma_wait3A_1252, %dma_wait3A_1253] : memref<512x128xf32, #tpu.memory_space<vmem>> -> memref<512x128xf32, #tpu.memory_space<vmem>>
    tpu.wait_dma2 semaphore(%arg10 : memref<!tpu.dma_semaphore, #tpu.memory_space<semaphore_mem>>) src(%dma_wait3A_1254 : memref<512x128xf32, #tpu.memory_space<vmem>>) dst(%dma_wait3A_1251 : memref<512x128xf32, #tpu.memory_space<hbm>>)
    %broadcast_in_dim3A_1255 = arith.constant 0.000000e+00 : f32
    %broadcast_in_dim3A_1256 = vector.broadcast %broadcast_in_dim3A_1255 : f32 to vector<16xf32>
    %scan3A_1257 = arith.constant 0 : i32
    %scan3A_1258 = arith.constant 0 : i32
    %scan3A_1259 = arith.constant 512 : i32
    %scan3A_1260 = arith.addi %scan3A_1258, %scan3A_1259 : i32
    %scan3A_1261 = arith.constant 1 : i32
    %scan3A_1262 = scf.for %scan3A_2764 = %scan3A_1258 to %scan3A_1260 step %scan3A_1261 iter_args(%scan3A_2765 = %scan3A_1257) -> (i32)  : i32 {
      %swap3A = arith.index_cast %scan3A_2764 : i32 to index
      %swap3A_2766 = arith.constant 0 : index
      %swap3A_2767 = tpu.vector_load %arg6[%swap3A, %swap3A_2766] {strides = array<i32>} : memref<512x128xf32, #tpu.memory_space<vmem>>, vector<1x16xf32>,
      %swap3A_2768 = vector.shape_cast %swap3A_2767 : vector<1x16xf32> to vector<16xf32>
      %swap3A_2769 = vector.shape_cast %broadcast_in_dim3A_1256 : vector<16xf32> to vector<1x16xf32>
      tpu.vector_store %arg6[%swap3A, %swap3A_2766], %swap3A_2769 {strides = array<i32>} : memref<512x128xf32, #tpu.memory_space<vmem>>, vector<1x16xf32>,
      %swap3A_2770 = arith.index_cast %scan3A_2764 : i32 to index
      %swap3A_2771 = arith.constant 16 : index
      %swap3A_2772 = tpu.vector_load %arg6[%swap3A_2770, %swap3A_2771] {strides = array<i32>} : memref<512x128xf32, #tpu.memory_space<vmem>>, vector<1x16xf32>,
      %swap3A_2773 = vector.shape_cast %swap3A_2772 : vector<1x16xf32> to vector<16xf32>
      %swap3A_2774 = vector.shape_cast %broadcast_in_dim3A_1256 : vector<16xf32> to vector<1x16xf32>
      tpu.vector_store %arg6[%swap3A_2770, %swap3A_2771], %swap3A_2774 {strides = array<i32>} : memref<512x128xf32, #tpu.memory_space<vmem>>, vector<1x16xf32>,
      %swap3A_2775 = arith.index_cast %scan3A_2764 : i32 to index
      %swap3A_2776 = arith.constant 32 : index
      %swap3A_2777 = tpu.vector_load %arg6[%swap3A_2775, %swap3A_2776] {strides = array<i32>} : memref<512x128xf32, #tpu.memory_space<vmem>>, vector<1x16xf32>,
      %swap3A_2778 = vector.shape_cast %swap3A_2777 : vector<1x16xf32> to vector<16xf32>
      %swap3A_2779 = vector.shape_cast %broadcast_in_dim3A_1256 : vector<16xf32> to vector<1x16xf32>
      tpu.vector_store %arg6[%swap3A_2775, %swap3A_2776], %swap3A_2779 {strides = array<i32>} : memref<512x128xf32, #tpu.memory_space<vmem>>, vector<1x16xf32>,
      %swap3A_2780 = arith.index_cast %scan3A_2764 : i32 to index
      %swap3A_2781 = arith.constant 48 : index
      %swap3A_2782 = tpu.vector_load %arg6[%swap3A_2780, %swap3A_2781] {strides = array<i32>} : memref<512x128xf32, #tpu.memory_space<vmem>>, vector<1x16xf32>,
      %swap3A_2783 = vector.shape_cast %swap3A_2782 : vector<1x16xf32> to vector<16xf32>
      %swap3A_2784 = vector.shape_cast %broadcast_in_dim3A_1256 : vector<16xf32> to vector<1x16xf32>
      tpu.vector_store %arg6[%swap3A_2780, %swap3A_2781], %swap3A_2784 {strides = array<i32>} : memref<512x128xf32, #tpu.memory_space<vmem>>, vector<1x16xf32>,
      %swap3A_2785 = arith.index_cast %scan3A_2764 : i32 to index
      %swap3A_2786 = arith.constant 64 : index
      %swap3A_2787 = tpu.vector_load %arg6[%swap3A_2785, %swap3A_2786] {strides = array<i32>} : memref<512x128xf32, #tpu.memory_space<vmem>>, vector<1x16xf32>,
      %swap3A_2788 = vector.shape_cast %swap3A_2787 : vector<1x16xf32> to vector<16xf32>
      %swap3A_2789 = vector.shape_cast %broadcast_in_dim3A_1256 : vector<16xf32> to vector<1x16xf32>
      tpu.vector_store %arg6[%swap3A_2785, %swap3A_2786], %swap3A_2789 {strides = array<i32>} : memref<512x128xf32, #tpu.memory_space<vmem>>, vector<1x16xf32>,
      %swap3A_2790 = arith.index_cast %scan3A_2764 : i32 to index
      %swap3A_2791 = arith.constant 80 : index
      %swap3A_2792 = tpu.vector_load %arg6[%swap3A_2790, %swap3A_2791] {strides = array<i32>} : memref<512x128xf32, #tpu.memory_space<vmem>>, vector<1x16xf32>,
      %swap3A_2793 = vector.shape_cast %swap3A_2792 : vector<1x16xf32> to vector<16xf32>
      %swap3A_2794 = vector.shape_cast %broadcast_in_dim3A_1256 : vector<16xf32> to vector<1x16xf32>
      tpu.vector_store %arg6[%swap3A_2790, %swap3A_2791], %swap3A_2794 {strides = array<i32>} : memref<512x128xf32, #tpu.memory_space<vmem>>, vector<1x16xf32>,
      %swap3A_2795 = arith.index_cast %scan3A_2764 : i32 to index
      %swap3A_2796 = arith.constant 96 : index
      %swap3A_2797 = tpu.vector_load %arg6[%swap3A_2795, %swap3A_2796] {strides = array<i32>} : memref<512x128xf32, #tpu.memory_space<vmem>>, vector<1x16xf32>,
      %swap3A_2798 = vector.shape_cast %swap3A_2797 : vector<1x16xf32> to vector<16xf32>
      %swap3A_2799 = vector.shape_cast %broadcast_in_dim3A_1256 : vector<16xf32> to vector<1x16xf32>
      tpu.vector_store %arg6[%swap3A_2795, %swap3A_2796], %swap3A_2799 {strides = array<i32>} : memref<512x128xf32, #tpu.memory_space<vmem>>, vector<1x16xf32>,
      %swap3A_2800 = arith.index_cast %scan3A_2764 : i32 to index
      %swap3A_2801 = arith.constant 112 : index
      %swap3A_2802 = tpu.vector_load %arg6[%swap3A_2800, %swap3A_2801] {strides = array<i32>} : memref<512x128xf32, #tpu.memory_space<vmem>>, vector<1x16xf32>,
      %swap3A_2803 = vector.shape_cast %swap3A_2802 : vector<1x16xf32> to vector<16xf32>
      %swap3A_2804 = vector.shape_cast %broadcast_in_dim3A_1256 : vector<16xf32> to vector<1x16xf32>
      tpu.vector_store %arg6[%swap3A_2800, %swap3A_2801], %swap3A_2804 {strides = array<i32>} : memref<512x128xf32, #tpu.memory_space<vmem>>, vector<1x16xf32>,
      %scan3A_2805 = arith.constant 0 : i32
      scf.yield %scan3A_2805 : i32
    }
    %scan3A_1263 = arith.constant 512 : i32
    %dma_start3A_1264 = arith.constant 6 : i32
    %dma_start3A_1265 = arith.constant 0 : i32
    %dma_start3A_1266 = arith.constant 0 : i32
    %dma_start3A_1267 = tpu.memref_slice %arg6[%dma_start3A_1265, %dma_start3A_1266] : memref<512x128xf32, #tpu.memory_space<vmem>> -> memref<128x128xf32, #tpu.memory_space<vmem>>
    %dma_start3A_1268 = arith.constant 0 : i32
    %dma_start3A_1269 = tpu.memref_slice %arg5[%dma_start3A_1264, %dma_start3A_1268] : memref<130x128xi32, #tpu.memory_space<vmem>> -> memref<1x128xi32, #tpu.memory_space<vmem>>
    %dma_start3A_1270 = tpu.memref_squeeze %dma_start3A_1269 : memref<1x128xi32, #tpu.memory_space<vmem>> -> memref<128xi32, #tpu.memory_space<vmem>>
    %dma_start3A_1271 = arith.constant 0 : i32
    %dma_start3A_1272 = arith.constant 0 : i32
    %dma_start3A_1273 = tpu.memref_slice %arg3[%dma_start3A_1271, %dma_start3A_1272] : memref<50000x128xf32, #tpu.memory_space<hbm>> -> memref<50000x128xf32, #tpu.memory_space<hbm>>
    tpu.enqueue_indirect_dma source(%dma_start3A_1273 : memref<50000x128xf32, #tpu.memory_space<hbm>>) target(%dma_start3A_1267 : memref<128x128xf32, #tpu.memory_space<vmem>>) offsets(%dma_start3A_1270 : memref<128xi32, #tpu.memory_space<vmem>>) semaphore(%arg8 : memref<!tpu.dma_semaphore, #tpu.memory_space<semaphore_mem>>) {add = true}
    %dma_start3A_1274 = arith.constant 19 : i32
    %dma_start3A_1275 = arith.constant 0 : i32
    %dma_start3A_1276 = arith.constant 0 : i32
    %dma_start3A_1277 = tpu.memref_slice %arg6[%dma_start3A_1275, %dma_start3A_1276] : memref<512x128xf32, #tpu.memory_space<vmem>> -> memref<128x128xf32, #tpu.memory_space<vmem>>
    %dma_start3A_1278 = arith.constant 0 : i32
    %dma_start3A_1279 = tpu.memref_slice %arg5[%dma_start3A_1274, %dma_start3A_1278] : memref<130x128xi32, #tpu.memory_space<vmem>> -> memref<1x128xi32, #tpu.memory_space<vmem>>
    %dma_start3A_1280 = tpu.memref_squeeze %dma_start3A_1279 : memref<1x128xi32, #tpu.memory_space<vmem>> -> memref<128xi32, #tpu.memory_space<vmem>>
    %dma_start3A_1281 = arith.constant 0 : i32
    %dma_start3A_1282 = arith.constant 0 : i32
    %dma_start3A_1283 = tpu.memref_slice %arg3[%dma_start3A_1281, %dma_start3A_1282] : memref<50000x128xf32, #tpu.memory_space<hbm>> -> memref<50000x128xf32, #tpu.memory_space<hbm>>
    tpu.enqueue_indirect_dma source(%dma_start3A_1283 : memref<50000x128xf32, #tpu.memory_space<hbm>>) target(%dma_start3A_1277 : memref<128x128xf32, #tpu.memory_space<vmem>>) offsets(%dma_start3A_1280 : memref<128xi32, #tpu.memory_space<vmem>>) semaphore(%arg8 : memref<!tpu.dma_semaphore, #tpu.memory_space<semaphore_mem>>) {add = true}
    %dma_start3A_1284 = arith.constant 32 : i32
    %dma_start3A_1285 = arith.constant 0 : i32
    %dma_start3A_1286 = arith.constant 0 : i32
    %dma_start3A_1287 = tpu.memref_slice %arg6[%dma_start3A_1285, %dma_start3A_1286] : memref<512x128xf32, #tpu.memory_space<vmem>> -> memref<128x128xf32, #tpu.memory_space<vmem>>
    %dma_start3A_1288 = arith.constant 0 : i32
    %dma_start3A_1289 = tpu.memref_slice %arg5[%dma_start3A_1284, %dma_start3A_1288] : memref<130x128xi32, #tpu.memory_space<vmem>> -> memref<1x128xi32, #tpu.memory_space<vmem>>
    %dma_start3A_1290 = tpu.memref_squeeze %dma_start3A_1289 : memref<1x128xi32, #tpu.memory_space<vmem>> -> memref<128xi32, #tpu.memory_space<vmem>>
    %dma_start3A_1291 = arith.constant 0 : i32
    %dma_start3A_1292 = arith.constant 0 : i32
    %dma_start3A_1293 = tpu.memref_slice %arg3[%dma_start3A_1291, %dma_start3A_1292] : memref<50000x128xf32, #tpu.memory_space<hbm>> -> memref<50000x128xf32, #tpu.memory_space<hbm>>
    tpu.enqueue_indirect_dma source(%dma_start3A_1293 : memref<50000x128xf32, #tpu.memory_space<hbm>>) target(%dma_start3A_1287 : memref<128x128xf32, #tpu.memory_space<vmem>>) offsets(%dma_start3A_1290 : memref<128xi32, #tpu.memory_space<vmem>>) semaphore(%arg8 : memref<!tpu.dma_semaphore, #tpu.memory_space<semaphore_mem>>) {add = true}
    %dma_start3A_1294 = arith.constant 45 : i32
    %dma_start3A_1295 = arith.constant 0 : i32
    %dma_start3A_1296 = arith.constant 0 : i32
    %dma_start3A_1297 = tpu.memref_slice %arg6[%dma_start3A_1295, %dma_start3A_1296] : memref<512x128xf32, #tpu.memory_space<vmem>> -> memref<128x128xf32, #tpu.memory_space<vmem>>
    %dma_start3A_1298 = arith.constant 0 : i32
    %dma_start3A_1299 = tpu.memref_slice %arg5[%dma_start3A_1294, %dma_start3A_1298] : memref<130x128xi32, #tpu.memory_space<vmem>> -> memref<1x128xi32, #tpu.memory_space<vmem>>
    %dma_start3A_1300 = tpu.memref_squeeze %dma_start3A_1299 : memref<1x128xi32, #tpu.memory_space<vmem>> -> memref<128xi32, #tpu.memory_space<vmem>>
    %dma_start3A_1301 = arith.constant 0 : i32
    %dma_start3A_1302 = arith.constant 0 : i32
    %dma_start3A_1303 = tpu.memref_slice %arg3[%dma_start3A_1301, %dma_start3A_1302] : memref<50000x128xf32, #tpu.memory_space<hbm>> -> memref<50000x128xf32, #tpu.memory_space<hbm>>
    tpu.enqueue_indirect_dma source(%dma_start3A_1303 : memref<50000x128xf32, #tpu.memory_space<hbm>>) target(%dma_start3A_1297 : memref<128x128xf32, #tpu.memory_space<vmem>>) offsets(%dma_start3A_1300 : memref<128xi32, #tpu.memory_space<vmem>>) semaphore(%arg8 : memref<!tpu.dma_semaphore, #tpu.memory_space<semaphore_mem>>) {add = true}
    %dma_start3A_1304 = arith.constant 58 : i32
    %dma_start3A_1305 = arith.constant 0 : i32
    %dma_start3A_1306 = arith.constant 0 : i32
    %dma_start3A_1307 = tpu.memref_slice %arg6[%dma_start3A_1305, %dma_start3A_1306] : memref<512x128xf32, #tpu.memory_space<vmem>> -> memref<128x128xf32, #tpu.memory_space<vmem>>
    %dma_start3A_1308 = arith.constant 0 : i32
    %dma_start3A_1309 = tpu.memref_slice %arg5[%dma_start3A_1304, %dma_start3A_1308] : memref<130x128xi32, #tpu.memory_space<vmem>> -> memref<1x128xi32, #tpu.memory_space<vmem>>
    %dma_start3A_1310 = tpu.memref_squeeze %dma_start3A_1309 : memref<1x128xi32, #tpu.memory_space<vmem>> -> memref<128xi32, #tpu.memory_space<vmem>>
    %dma_start3A_1311 = arith.constant 0 : i32
    %dma_start3A_1312 = arith.constant 0 : i32
    %dma_start3A_1313 = tpu.memref_slice %arg3[%dma_start3A_1311, %dma_start3A_1312] : memref<50000x128xf32, #tpu.memory_space<hbm>> -> memref<50000x128xf32, #tpu.memory_space<hbm>>
    tpu.enqueue_indirect_dma source(%dma_start3A_1313 : memref<50000x128xf32, #tpu.memory_space<hbm>>) target(%dma_start3A_1307 : memref<128x128xf32, #tpu.memory_space<vmem>>) offsets(%dma_start3A_1310 : memref<128xi32, #tpu.memory_space<vmem>>) semaphore(%arg8 : memref<!tpu.dma_semaphore, #tpu.memory_space<semaphore_mem>>) {add = true}
    %dma_start3A_1314 = arith.constant 71 : i32
    %dma_start3A_1315 = arith.constant 0 : i32
    %dma_start3A_1316 = arith.constant 0 : i32
    %dma_start3A_1317 = tpu.memref_slice %arg6[%dma_start3A_1315, %dma_start3A_1316] : memref<512x128xf32, #tpu.memory_space<vmem>> -> memref<128x128xf32, #tpu.memory_space<vmem>>
    %dma_start3A_1318 = arith.constant 0 : i32
    %dma_start3A_1319 = tpu.memref_slice %arg5[%dma_start3A_1314, %dma_start3A_1318] : memref<130x128xi32, #tpu.memory_space<vmem>> -> memref<1x128xi32, #tpu.memory_space<vmem>>
    %dma_start3A_1320 = tpu.memref_squeeze %dma_start3A_1319 : memref<1x128xi32, #tpu.memory_space<vmem>> -> memref<128xi32, #tpu.memory_space<vmem>>
    %dma_start3A_1321 = arith.constant 0 : i32
    %dma_start3A_1322 = arith.constant 0 : i32
    %dma_start3A_1323 = tpu.memref_slice %arg3[%dma_start3A_1321, %dma_start3A_1322] : memref<50000x128xf32, #tpu.memory_space<hbm>> -> memref<50000x128xf32, #tpu.memory_space<hbm>>
    tpu.enqueue_indirect_dma source(%dma_start3A_1323 : memref<50000x128xf32, #tpu.memory_space<hbm>>) target(%dma_start3A_1317 : memref<128x128xf32, #tpu.memory_space<vmem>>) offsets(%dma_start3A_1320 : memref<128xi32, #tpu.memory_space<vmem>>) semaphore(%arg8 : memref<!tpu.dma_semaphore, #tpu.memory_space<semaphore_mem>>) {add = true}
    %dma_start3A_1324 = arith.constant 84 : i32
    %dma_start3A_1325 = arith.constant 0 : i32
    %dma_start3A_1326 = arith.constant 0 : i32
    %dma_start3A_1327 = tpu.memref_slice %arg6[%dma_start3A_1325, %dma_start3A_1326] : memref<512x128xf32, #tpu.memory_space<vmem>> -> memref<128x128xf32, #tpu.memory_space<vmem>>
    %dma_start3A_1328 = arith.constant 0 : i32
    %dma_start3A_1329 = tpu.memref_slice %arg5[%dma_start3A_1324, %dma_start3A_1328] : memref<130x128xi32, #tpu.memory_space<vmem>> -> memref<1x128xi32, #tpu.memory_space<vmem>>
    %dma_start3A_1330 = tpu.memref_squeeze %dma_start3A_1329 : memref<1x128xi32, #tpu.memory_space<vmem>> -> memref<128xi32, #tpu.memory_space<vmem>>
    %dma_start3A_1331 = arith.constant 0 : i32
    %dma_start3A_1332 = arith.constant 0 : i32
    %dma_start3A_1333 = tpu.memref_slice %arg3[%dma_start3A_1331, %dma_start3A_1332] : memref<50000x128xf32, #tpu.memory_space<hbm>> -> memref<50000x128xf32, #tpu.memory_space<hbm>>
    tpu.enqueue_indirect_dma source(%dma_start3A_1333 : memref<50000x128xf32, #tpu.memory_space<hbm>>) target(%dma_start3A_1327 : memref<128x128xf32, #tpu.memory_space<vmem>>) offsets(%dma_start3A_1330 : memref<128xi32, #tpu.memory_space<vmem>>) semaphore(%arg8 : memref<!tpu.dma_semaphore, #tpu.memory_space<semaphore_mem>>) {add = true}
    %dma_start3A_1334 = arith.constant 97 : i32
    %dma_start3A_1335 = arith.constant 0 : i32
    %dma_start3A_1336 = arith.constant 0 : i32
    %dma_start3A_1337 = tpu.memref_slice %arg6[%dma_start3A_1335, %dma_start3A_1336] : memref<512x128xf32, #tpu.memory_space<vmem>> -> memref<128x128xf32, #tpu.memory_space<vmem>>
    %dma_start3A_1338 = arith.constant 0 : i32
    %dma_start3A_1339 = tpu.memref_slice %arg5[%dma_start3A_1334, %dma_start3A_1338] : memref<130x128xi32, #tpu.memory_space<vmem>> -> memref<1x128xi32, #tpu.memory_space<vmem>>
    %dma_start3A_1340 = tpu.memref_squeeze %dma_start3A_1339 : memref<1x128xi32, #tpu.memory_space<vmem>> -> memref<128xi32, #tpu.memory_space<vmem>>
    %dma_start3A_1341 = arith.constant 0 : i32
    %dma_start3A_1342 = arith.constant 0 : i32
    %dma_start3A_1343 = tpu.memref_slice %arg3[%dma_start3A_1341, %dma_start3A_1342] : memref<50000x128xf32, #tpu.memory_space<hbm>> -> memref<50000x128xf32, #tpu.memory_space<hbm>>
    tpu.enqueue_indirect_dma source(%dma_start3A_1343 : memref<50000x128xf32, #tpu.memory_space<hbm>>) target(%dma_start3A_1337 : memref<128x128xf32, #tpu.memory_space<vmem>>) offsets(%dma_start3A_1340 : memref<128xi32, #tpu.memory_space<vmem>>) semaphore(%arg8 : memref<!tpu.dma_semaphore, #tpu.memory_space<semaphore_mem>>) {add = true}
    %dma_start3A_1344 = arith.constant 110 : i32
    %dma_start3A_1345 = arith.constant 0 : i32
    %dma_start3A_1346 = arith.constant 0 : i32
    %dma_start3A_1347 = tpu.memref_slice %arg6[%dma_start3A_1345, %dma_start3A_1346] : memref<512x128xf32, #tpu.memory_space<vmem>> -> memref<128x128xf32, #tpu.memory_space<vmem>>
    %dma_start3A_1348 = arith.constant 0 : i32
    %dma_start3A_1349 = tpu.memref_slice %arg5[%dma_start3A_1344, %dma_start3A_1348] : memref<130x128xi32, #tpu.memory_space<vmem>> -> memref<1x128xi32, #tpu.memory_space<vmem>>
    %dma_start3A_1350 = tpu.memref_squeeze %dma_start3A_1349 : memref<1x128xi32, #tpu.memory_space<vmem>> -> memref<128xi32, #tpu.memory_space<vmem>>
    %dma_start3A_1351 = arith.constant 0 : i32
    %dma_start3A_1352 = arith.constant 0 : i32
    %dma_start3A_1353 = tpu.memref_slice %arg3[%dma_start3A_1351, %dma_start3A_1352] : memref<50000x128xf32, #tpu.memory_space<hbm>> -> memref<50000x128xf32, #tpu.memory_space<hbm>>
    tpu.enqueue_indirect_dma source(%dma_start3A_1353 : memref<50000x128xf32, #tpu.memory_space<hbm>>) target(%dma_start3A_1347 : memref<128x128xf32, #tpu.memory_space<vmem>>) offsets(%dma_start3A_1350 : memref<128xi32, #tpu.memory_space<vmem>>) semaphore(%arg8 : memref<!tpu.dma_semaphore, #tpu.memory_space<semaphore_mem>>) {add = true}
    %dma_start3A_1354 = arith.constant 123 : i32
    %dma_start3A_1355 = arith.constant 0 : i32
    %dma_start3A_1356 = arith.constant 0 : i32
    %dma_start3A_1357 = tpu.memref_slice %arg6[%dma_start3A_1355, %dma_start3A_1356] : memref<512x128xf32, #tpu.memory_space<vmem>> -> memref<128x128xf32, #tpu.memory_space<vmem>>
    %dma_start3A_1358 = arith.constant 0 : i32
    %dma_start3A_1359 = tpu.memref_slice %arg5[%dma_start3A_1354, %dma_start3A_1358] : memref<130x128xi32, #tpu.memory_space<vmem>> -> memref<1x128xi32, #tpu.memory_space<vmem>>
    %dma_start3A_1360 = tpu.memref_squeeze %dma_start3A_1359 : memref<1x128xi32, #tpu.memory_space<vmem>> -> memref<128xi32, #tpu.memory_space<vmem>>
    %dma_start3A_1361 = arith.constant 0 : i32
    %dma_start3A_1362 = arith.constant 0 : i32
    %dma_start3A_1363 = tpu.memref_slice %arg3[%dma_start3A_1361, %dma_start3A_1362] : memref<50000x128xf32, #tpu.memory_space<hbm>> -> memref<50000x128xf32, #tpu.memory_space<hbm>>
    tpu.enqueue_indirect_dma source(%dma_start3A_1363 : memref<50000x128xf32, #tpu.memory_space<hbm>>) target(%dma_start3A_1357 : memref<128x128xf32, #tpu.memory_space<vmem>>) offsets(%dma_start3A_1360 : memref<128xi32, #tpu.memory_space<vmem>>) semaphore(%arg8 : memref<!tpu.dma_semaphore, #tpu.memory_space<semaphore_mem>>) {add = true}
    %dma_start3A_1364 = arith.constant 7 : i32
    %dma_start3A_1365 = arith.constant 128 : i32
    %dma_start3A_1366 = arith.constant 0 : i32
    %dma_start3A_1367 = tpu.memref_slice %arg6[%dma_start3A_1365, %dma_start3A_1366] : memref<512x128xf32, #tpu.memory_space<vmem>> -> memref<128x128xf32, #tpu.memory_space<vmem>>
    %dma_start3A_1368 = arith.constant 0 : i32
    %dma_start3A_1369 = tpu.memref_slice %arg5[%dma_start3A_1364, %dma_start3A_1368] : memref<130x128xi32, #tpu.memory_space<vmem>> -> memref<1x128xi32, #tpu.memory_space<vmem>>
    %dma_start3A_1370 = tpu.memref_squeeze %dma_start3A_1369 : memref<1x128xi32, #tpu.memory_space<vmem>> -> memref<128xi32, #tpu.memory_space<vmem>>
    %dma_start3A_1371 = arith.constant 0 : i32
    %dma_start3A_1372 = arith.constant 0 : i32
    %dma_start3A_1373 = tpu.memref_slice %arg3[%dma_start3A_1371, %dma_start3A_1372] : memref<50000x128xf32, #tpu.memory_space<hbm>> -> memref<50000x128xf32, #tpu.memory_space<hbm>>
    tpu.enqueue_indirect_dma source(%dma_start3A_1373 : memref<50000x128xf32, #tpu.memory_space<hbm>>) target(%dma_start3A_1367 : memref<128x128xf32, #tpu.memory_space<vmem>>) offsets(%dma_start3A_1370 : memref<128xi32, #tpu.memory_space<vmem>>) semaphore(%arg8 : memref<!tpu.dma_semaphore, #tpu.memory_space<semaphore_mem>>) {add = true}
    %dma_start3A_1374 = arith.constant 20 : i32
    %dma_start3A_1375 = arith.constant 128 : i32
    %dma_start3A_1376 = arith.constant 0 : i32
    %dma_start3A_1377 = tpu.memref_slice %arg6[%dma_start3A_1375, %dma_start3A_1376] : memref<512x128xf32, #tpu.memory_space<vmem>> -> memref<128x128xf32, #tpu.memory_space<vmem>>
    %dma_start3A_1378 = arith.constant 0 : i32
    %dma_start3A_1379 = tpu.memref_slice %arg5[%dma_start3A_1374, %dma_start3A_1378] : memref<130x128xi32, #tpu.memory_space<vmem>> -> memref<1x128xi32, #tpu.memory_space<vmem>>
    %dma_start3A_1380 = tpu.memref_squeeze %dma_start3A_1379 : memref<1x128xi32, #tpu.memory_space<vmem>> -> memref<128xi32, #tpu.memory_space<vmem>>
    %dma_start3A_1381 = arith.constant 0 : i32
    %dma_start3A_1382 = arith.constant 0 : i32
    %dma_start3A_1383 = tpu.memref_slice %arg3[%dma_start3A_1381, %dma_start3A_1382] : memref<50000x128xf32, #tpu.memory_space<hbm>> -> memref<50000x128xf32, #tpu.memory_space<hbm>>
    tpu.enqueue_indirect_dma source(%dma_start3A_1383 : memref<50000x128xf32, #tpu.memory_space<hbm>>) target(%dma_start3A_1377 : memref<128x128xf32, #tpu.memory_space<vmem>>) offsets(%dma_start3A_1380 : memref<128xi32, #tpu.memory_space<vmem>>) semaphore(%arg8 : memref<!tpu.dma_semaphore, #tpu.memory_space<semaphore_mem>>) {add = true}
    %dma_start3A_1384 = arith.constant 33 : i32
    %dma_start3A_1385 = arith.constant 128 : i32
    %dma_start3A_1386 = arith.constant 0 : i32
    %dma_start3A_1387 = tpu.memref_slice %arg6[%dma_start3A_1385, %dma_start3A_1386] : memref<512x128xf32, #tpu.memory_space<vmem>> -> memref<128x128xf32, #tpu.memory_space<vmem>>
    %dma_start3A_1388 = arith.constant 0 : i32
    %dma_start3A_1389 = tpu.memref_slice %arg5[%dma_start3A_1384, %dma_start3A_1388] : memref<130x128xi32, #tpu.memory_space<vmem>> -> memref<1x128xi32, #tpu.memory_space<vmem>>
    %dma_start3A_1390 = tpu.memref_squeeze %dma_start3A_1389 : memref<1x128xi32, #tpu.memory_space<vmem>> -> memref<128xi32, #tpu.memory_space<vmem>>
    %dma_start3A_1391 = arith.constant 0 : i32
    %dma_start3A_1392 = arith.constant 0 : i32
    %dma_start3A_1393 = tpu.memref_slice %arg3[%dma_start3A_1391, %dma_start3A_1392] : memref<50000x128xf32, #tpu.memory_space<hbm>> -> memref<50000x128xf32, #tpu.memory_space<hbm>>
    tpu.enqueue_indirect_dma source(%dma_start3A_1393 : memref<50000x128xf32, #tpu.memory_space<hbm>>) target(%dma_start3A_1387 : memref<128x128xf32, #tpu.memory_space<vmem>>) offsets(%dma_start3A_1390 : memref<128xi32, #tpu.memory_space<vmem>>) semaphore(%arg8 : memref<!tpu.dma_semaphore, #tpu.memory_space<semaphore_mem>>) {add = true}
    %dma_start3A_1394 = arith.constant 46 : i32
    %dma_start3A_1395 = arith.constant 128 : i32
    %dma_start3A_1396 = arith.constant 0 : i32
    %dma_start3A_1397 = tpu.memref_slice %arg6[%dma_start3A_1395, %dma_start3A_1396] : memref<512x128xf32, #tpu.memory_space<vmem>> -> memref<128x128xf32, #tpu.memory_space<vmem>>
    %dma_start3A_1398 = arith.constant 0 : i32
    %dma_start3A_1399 = tpu.memref_slice %arg5[%dma_start3A_1394, %dma_start3A_1398] : memref<130x128xi32, #tpu.memory_space<vmem>> -> memref<1x128xi32, #tpu.memory_space<vmem>>
    %dma_start3A_1400 = tpu.memref_squeeze %dma_start3A_1399 : memref<1x128xi32, #tpu.memory_space<vmem>> -> memref<128xi32, #tpu.memory_space<vmem>>
    %dma_start3A_1401 = arith.constant 0 : i32
    %dma_start3A_1402 = arith.constant 0 : i32
    %dma_start3A_1403 = tpu.memref_slice %arg3[%dma_start3A_1401, %dma_start3A_1402] : memref<50000x128xf32, #tpu.memory_space<hbm>> -> memref<50000x128xf32, #tpu.memory_space<hbm>>
    tpu.enqueue_indirect_dma source(%dma_start3A_1403 : memref<50000x128xf32, #tpu.memory_space<hbm>>) target(%dma_start3A_1397 : memref<128x128xf32, #tpu.memory_space<vmem>>) offsets(%dma_start3A_1400 : memref<128xi32, #tpu.memory_space<vmem>>) semaphore(%arg8 : memref<!tpu.dma_semaphore, #tpu.memory_space<semaphore_mem>>) {add = true}
    %dma_start3A_1404 = arith.constant 59 : i32
    %dma_start3A_1405 = arith.constant 128 : i32
    %dma_start3A_1406 = arith.constant 0 : i32
    %dma_start3A_1407 = tpu.memref_slice %arg6[%dma_start3A_1405, %dma_start3A_1406] : memref<512x128xf32, #tpu.memory_space<vmem>> -> memref<128x128xf32, #tpu.memory_space<vmem>>
    %dma_start3A_1408 = arith.constant 0 : i32
    %dma_start3A_1409 = tpu.memref_slice %arg5[%dma_start3A_1404, %dma_start3A_1408] : memref<130x128xi32, #tpu.memory_space<vmem>> -> memref<1x128xi32, #tpu.memory_space<vmem>>
    %dma_start3A_1410 = tpu.memref_squeeze %dma_start3A_1409 : memref<1x128xi32, #tpu.memory_space<vmem>> -> memref<128xi32, #tpu.memory_space<vmem>>
    %dma_start3A_1411 = arith.constant 0 : i32
    %dma_start3A_1412 = arith.constant 0 : i32
    %dma_start3A_1413 = tpu.memref_slice %arg3[%dma_start3A_1411, %dma_start3A_1412] : memref<50000x128xf32, #tpu.memory_space<hbm>> -> memref<50000x128xf32, #tpu.memory_space<hbm>>
    tpu.enqueue_indirect_dma source(%dma_start3A_1413 : memref<50000x128xf32, #tpu.memory_space<hbm>>) target(%dma_start3A_1407 : memref<128x128xf32, #tpu.memory_space<vmem>>) offsets(%dma_start3A_1410 : memref<128xi32, #tpu.memory_space<vmem>>) semaphore(%arg8 : memref<!tpu.dma_semaphore, #tpu.memory_space<semaphore_mem>>) {add = true}
    %dma_start3A_1414 = arith.constant 72 : i32
    %dma_start3A_1415 = arith.constant 128 : i32
    %dma_start3A_1416 = arith.constant 0 : i32
    %dma_start3A_1417 = tpu.memref_slice %arg6[%dma_start3A_1415, %dma_start3A_1416] : memref<512x128xf32, #tpu.memory_space<vmem>> -> memref<128x128xf32, #tpu.memory_space<vmem>>
    %dma_start3A_1418 = arith.constant 0 : i32
    %dma_start3A_1419 = tpu.memref_slice %arg5[%dma_start3A_1414, %dma_start3A_1418] : memref<130x128xi32, #tpu.memory_space<vmem>> -> memref<1x128xi32, #tpu.memory_space<vmem>>
    %dma_start3A_1420 = tpu.memref_squeeze %dma_start3A_1419 : memref<1x128xi32, #tpu.memory_space<vmem>> -> memref<128xi32, #tpu.memory_space<vmem>>
    %dma_start3A_1421 = arith.constant 0 : i32
    %dma_start3A_1422 = arith.constant 0 : i32
    %dma_start3A_1423 = tpu.memref_slice %arg3[%dma_start3A_1421, %dma_start3A_1422] : memref<50000x128xf32, #tpu.memory_space<hbm>> -> memref<50000x128xf32, #tpu.memory_space<hbm>>
    tpu.enqueue_indirect_dma source(%dma_start3A_1423 : memref<50000x128xf32, #tpu.memory_space<hbm>>) target(%dma_start3A_1417 : memref<128x128xf32, #tpu.memory_space<vmem>>) offsets(%dma_start3A_1420 : memref<128xi32, #tpu.memory_space<vmem>>) semaphore(%arg8 : memref<!tpu.dma_semaphore, #tpu.memory_space<semaphore_mem>>) {add = true}
    %dma_start3A_1424 = arith.constant 85 : i32
    %dma_start3A_1425 = arith.constant 128 : i32
    %dma_start3A_1426 = arith.constant 0 : i32
    %dma_start3A_1427 = tpu.memref_slice %arg6[%dma_start3A_1425, %dma_start3A_1426] : memref<512x128xf32, #tpu.memory_space<vmem>> -> memref<128x128xf32, #tpu.memory_space<vmem>>
    %dma_start3A_1428 = arith.constant 0 : i32
    %dma_start3A_1429 = tpu.memref_slice %arg5[%dma_start3A_1424, %dma_start3A_1428] : memref<130x128xi32, #tpu.memory_space<vmem>> -> memref<1x128xi32, #tpu.memory_space<vmem>>
    %dma_start3A_1430 = tpu.memref_squeeze %dma_start3A_1429 : memref<1x128xi32, #tpu.memory_space<vmem>> -> memref<128xi32, #tpu.memory_space<vmem>>
    %dma_start3A_1431 = arith.constant 0 : i32
    %dma_start3A_1432 = arith.constant 0 : i32
    %dma_start3A_1433 = tpu.memref_slice %arg3[%dma_start3A_1431, %dma_start3A_1432] : memref<50000x128xf32, #tpu.memory_space<hbm>> -> memref<50000x128xf32, #tpu.memory_space<hbm>>
    tpu.enqueue_indirect_dma source(%dma_start3A_1433 : memref<50000x128xf32, #tpu.memory_space<hbm>>) target(%dma_start3A_1427 : memref<128x128xf32, #tpu.memory_space<vmem>>) offsets(%dma_start3A_1430 : memref<128xi32, #tpu.memory_space<vmem>>) semaphore(%arg8 : memref<!tpu.dma_semaphore, #tpu.memory_space<semaphore_mem>>) {add = true}
    %dma_start3A_1434 = arith.constant 98 : i32
    %dma_start3A_1435 = arith.constant 128 : i32
    %dma_start3A_1436 = arith.constant 0 : i32
    %dma_start3A_1437 = tpu.memref_slice %arg6[%dma_start3A_1435, %dma_start3A_1436] : memref<512x128xf32, #tpu.memory_space<vmem>> -> memref<128x128xf32, #tpu.memory_space<vmem>>
    %dma_start3A_1438 = arith.constant 0 : i32
    %dma_start3A_1439 = tpu.memref_slice %arg5[%dma_start3A_1434, %dma_start3A_1438] : memref<130x128xi32, #tpu.memory_space<vmem>> -> memref<1x128xi32, #tpu.memory_space<vmem>>
    %dma_start3A_1440 = tpu.memref_squeeze %dma_start3A_1439 : memref<1x128xi32, #tpu.memory_space<vmem>> -> memref<128xi32, #tpu.memory_space<vmem>>
    %dma_start3A_1441 = arith.constant 0 : i32
    %dma_start3A_1442 = arith.constant 0 : i32
    %dma_start3A_1443 = tpu.memref_slice %arg3[%dma_start3A_1441, %dma_start3A_1442] : memref<50000x128xf32, #tpu.memory_space<hbm>> -> memref<50000x128xf32, #tpu.memory_space<hbm>>
    tpu.enqueue_indirect_dma source(%dma_start3A_1443 : memref<50000x128xf32, #tpu.memory_space<hbm>>) target(%dma_start3A_1437 : memref<128x128xf32, #tpu.memory_space<vmem>>) offsets(%dma_start3A_1440 : memref<128xi32, #tpu.memory_space<vmem>>) semaphore(%arg8 : memref<!tpu.dma_semaphore, #tpu.memory_space<semaphore_mem>>) {add = true}
    %dma_start3A_1444 = arith.constant 111 : i32
    %dma_start3A_1445 = arith.constant 128 : i32
    %dma_start3A_1446 = arith.constant 0 : i32
    %dma_start3A_1447 = tpu.memref_slice %arg6[%dma_start3A_1445, %dma_start3A_1446] : memref<512x128xf32, #tpu.memory_space<vmem>> -> memref<128x128xf32, #tpu.memory_space<vmem>>
    %dma_start3A_1448 = arith.constant 0 : i32
    %dma_start3A_1449 = tpu.memref_slice %arg5[%dma_start3A_1444, %dma_start3A_1448] : memref<130x128xi32, #tpu.memory_space<vmem>> -> memref<1x128xi32, #tpu.memory_space<vmem>>
    %dma_start3A_1450 = tpu.memref_squeeze %dma_start3A_1449 : memref<1x128xi32, #tpu.memory_space<vmem>> -> memref<128xi32, #tpu.memory_space<vmem>>
    %dma_start3A_1451 = arith.constant 0 : i32
    %dma_start3A_1452 = arith.constant 0 : i32
    %dma_start3A_1453 = tpu.memref_slice %arg3[%dma_start3A_1451, %dma_start3A_1452] : memref<50000x128xf32, #tpu.memory_space<hbm>> -> memref<50000x128xf32, #tpu.memory_space<hbm>>
    tpu.enqueue_indirect_dma source(%dma_start3A_1453 : memref<50000x128xf32, #tpu.memory_space<hbm>>) target(%dma_start3A_1447 : memref<128x128xf32, #tpu.memory_space<vmem>>) offsets(%dma_start3A_1450 : memref<128xi32, #tpu.memory_space<vmem>>) semaphore(%arg8 : memref<!tpu.dma_semaphore, #tpu.memory_space<semaphore_mem>>) {add = true}
    %dma_start3A_1454 = arith.constant 124 : i32
    %dma_start3A_1455 = arith.constant 128 : i32
    %dma_start3A_1456 = arith.constant 0 : i32
    %dma_start3A_1457 = tpu.memref_slice %arg6[%dma_start3A_1455, %dma_start3A_1456] : memref<512x128xf32, #tpu.memory_space<vmem>> -> memref<128x128xf32, #tpu.memory_space<vmem>>
    %dma_start3A_1458 = arith.constant 0 : i32
    %dma_start3A_1459 = tpu.memref_slice %arg5[%dma_start3A_1454, %dma_start3A_1458] : memref<130x128xi32, #tpu.memory_space<vmem>> -> memref<1x128xi32, #tpu.memory_space<vmem>>
    %dma_start3A_1460 = tpu.memref_squeeze %dma_start3A_1459 : memref<1x128xi32, #tpu.memory_space<vmem>> -> memref<128xi32, #tpu.memory_space<vmem>>
    %dma_start3A_1461 = arith.constant 0 : i32
    %dma_start3A_1462 = arith.constant 0 : i32
    %dma_start3A_1463 = tpu.memref_slice %arg3[%dma_start3A_1461, %dma_start3A_1462] : memref<50000x128xf32, #tpu.memory_space<hbm>> -> memref<50000x128xf32, #tpu.memory_space<hbm>>
    tpu.enqueue_indirect_dma source(%dma_start3A_1463 : memref<50000x128xf32, #tpu.memory_space<hbm>>) target(%dma_start3A_1457 : memref<128x128xf32, #tpu.memory_space<vmem>>) offsets(%dma_start3A_1460 : memref<128xi32, #tpu.memory_space<vmem>>) semaphore(%arg8 : memref<!tpu.dma_semaphore, #tpu.memory_space<semaphore_mem>>) {add = true}
    %dma_start3A_1464 = arith.constant 8 : i32
    %dma_start3A_1465 = arith.constant 256 : i32
    %dma_start3A_1466 = arith.constant 0 : i32
    %dma_start3A_1467 = tpu.memref_slice %arg6[%dma_start3A_1465, %dma_start3A_1466] : memref<512x128xf32, #tpu.memory_space<vmem>> -> memref<128x128xf32, #tpu.memory_space<vmem>>
    %dma_start3A_1468 = arith.constant 0 : i32
    %dma_start3A_1469 = tpu.memref_slice %arg5[%dma_start3A_1464, %dma_start3A_1468] : memref<130x128xi32, #tpu.memory_space<vmem>> -> memref<1x128xi32, #tpu.memory_space<vmem>>
    %dma_start3A_1470 = tpu.memref_squeeze %dma_start3A_1469 : memref<1x128xi32, #tpu.memory_space<vmem>> -> memref<128xi32, #tpu.memory_space<vmem>>
    %dma_start3A_1471 = arith.constant 0 : i32
    %dma_start3A_1472 = arith.constant 0 : i32
    %dma_start3A_1473 = tpu.memref_slice %arg3[%dma_start3A_1471, %dma_start3A_1472] : memref<50000x128xf32, #tpu.memory_space<hbm>> -> memref<50000x128xf32, #tpu.memory_space<hbm>>
    tpu.enqueue_indirect_dma source(%dma_start3A_1473 : memref<50000x128xf32, #tpu.memory_space<hbm>>) target(%dma_start3A_1467 : memref<128x128xf32, #tpu.memory_space<vmem>>) offsets(%dma_start3A_1470 : memref<128xi32, #tpu.memory_space<vmem>>) semaphore(%arg8 : memref<!tpu.dma_semaphore, #tpu.memory_space<semaphore_mem>>) {add = true}
    %dma_start3A_1474 = arith.constant 21 : i32
    %dma_start3A_1475 = arith.constant 256 : i32
    %dma_start3A_1476 = arith.constant 0 : i32
    %dma_start3A_1477 = tpu.memref_slice %arg6[%dma_start3A_1475, %dma_start3A_1476] : memref<512x128xf32, #tpu.memory_space<vmem>> -> memref<128x128xf32, #tpu.memory_space<vmem>>
    %dma_start3A_1478 = arith.constant 0 : i32
    %dma_start3A_1479 = tpu.memref_slice %arg5[%dma_start3A_1474, %dma_start3A_1478] : memref<130x128xi32, #tpu.memory_space<vmem>> -> memref<1x128xi32, #tpu.memory_space<vmem>>
    %dma_start3A_1480 = tpu.memref_squeeze %dma_start3A_1479 : memref<1x128xi32, #tpu.memory_space<vmem>> -> memref<128xi32, #tpu.memory_space<vmem>>
    %dma_start3A_1481 = arith.constant 0 : i32
    %dma_start3A_1482 = arith.constant 0 : i32
    %dma_start3A_1483 = tpu.memref_slice %arg3[%dma_start3A_1481, %dma_start3A_1482] : memref<50000x128xf32, #tpu.memory_space<hbm>> -> memref<50000x128xf32, #tpu.memory_space<hbm>>
    tpu.enqueue_indirect_dma source(%dma_start3A_1483 : memref<50000x128xf32, #tpu.memory_space<hbm>>) target(%dma_start3A_1477 : memref<128x128xf32, #tpu.memory_space<vmem>>) offsets(%dma_start3A_1480 : memref<128xi32, #tpu.memory_space<vmem>>) semaphore(%arg8 : memref<!tpu.dma_semaphore, #tpu.memory_space<semaphore_mem>>) {add = true}
    %dma_start3A_1484 = arith.constant 34 : i32
    %dma_start3A_1485 = arith.constant 256 : i32
    %dma_start3A_1486 = arith.constant 0 : i32
    %dma_start3A_1487 = tpu.memref_slice %arg6[%dma_start3A_1485, %dma_start3A_1486] : memref<512x128xf32, #tpu.memory_space<vmem>> -> memref<128x128xf32, #tpu.memory_space<vmem>>
    %dma_start3A_1488 = arith.constant 0 : i32
    %dma_start3A_1489 = tpu.memref_slice %arg5[%dma_start3A_1484, %dma_start3A_1488] : memref<130x128xi32, #tpu.memory_space<vmem>> -> memref<1x128xi32, #tpu.memory_space<vmem>>
    %dma_start3A_1490 = tpu.memref_squeeze %dma_start3A_1489 : memref<1x128xi32, #tpu.memory_space<vmem>> -> memref<128xi32, #tpu.memory_space<vmem>>
    %dma_start3A_1491 = arith.constant 0 : i32
    %dma_start3A_1492 = arith.constant 0 : i32
    %dma_start3A_1493 = tpu.memref_slice %arg3[%dma_start3A_1491, %dma_start3A_1492] : memref<50000x128xf32, #tpu.memory_space<hbm>> -> memref<50000x128xf32, #tpu.memory_space<hbm>>
    tpu.enqueue_indirect_dma source(%dma_start3A_1493 : memref<50000x128xf32, #tpu.memory_space<hbm>>) target(%dma_start3A_1487 : memref<128x128xf32, #tpu.memory_space<vmem>>) offsets(%dma_start3A_1490 : memref<128xi32, #tpu.memory_space<vmem>>) semaphore(%arg8 : memref<!tpu.dma_semaphore, #tpu.memory_space<semaphore_mem>>) {add = true}
    %dma_start3A_1494 = arith.constant 47 : i32
    %dma_start3A_1495 = arith.constant 256 : i32
    %dma_start3A_1496 = arith.constant 0 : i32
    %dma_start3A_1497 = tpu.memref_slice %arg6[%dma_start3A_1495, %dma_start3A_1496] : memref<512x128xf32, #tpu.memory_space<vmem>> -> memref<128x128xf32, #tpu.memory_space<vmem>>
    %dma_start3A_1498 = arith.constant 0 : i32
    %dma_start3A_1499 = tpu.memref_slice %arg5[%dma_start3A_1494, %dma_start3A_1498] : memref<130x128xi32, #tpu.memory_space<vmem>> -> memref<1x128xi32, #tpu.memory_space<vmem>>
    %dma_start3A_1500 = tpu.memref_squeeze %dma_start3A_1499 : memref<1x128xi32, #tpu.memory_space<vmem>> -> memref<128xi32, #tpu.memory_space<vmem>>
    %dma_start3A_1501 = arith.constant 0 : i32
    %dma_start3A_1502 = arith.constant 0 : i32
    %dma_start3A_1503 = tpu.memref_slice %arg3[%dma_start3A_1501, %dma_start3A_1502] : memref<50000x128xf32, #tpu.memory_space<hbm>> -> memref<50000x128xf32, #tpu.memory_space<hbm>>
    tpu.enqueue_indirect_dma source(%dma_start3A_1503 : memref<50000x128xf32, #tpu.memory_space<hbm>>) target(%dma_start3A_1497 : memref<128x128xf32, #tpu.memory_space<vmem>>) offsets(%dma_start3A_1500 : memref<128xi32, #tpu.memory_space<vmem>>) semaphore(%arg8 : memref<!tpu.dma_semaphore, #tpu.memory_space<semaphore_mem>>) {add = true}
    %dma_start3A_1504 = arith.constant 60 : i32
    %dma_start3A_1505 = arith.constant 256 : i32
    %dma_start3A_1506 = arith.constant 0 : i32
    %dma_start3A_1507 = tpu.memref_slice %arg6[%dma_start3A_1505, %dma_start3A_1506] : memref<512x128xf32, #tpu.memory_space<vmem>> -> memref<128x128xf32, #tpu.memory_space<vmem>>
    %dma_start3A_1508 = arith.constant 0 : i32
    %dma_start3A_1509 = tpu.memref_slice %arg5[%dma_start3A_1504, %dma_start3A_1508] : memref<130x128xi32, #tpu.memory_space<vmem>> -> memref<1x128xi32, #tpu.memory_space<vmem>>
    %dma_start3A_1510 = tpu.memref_squeeze %dma_start3A_1509 : memref<1x128xi32, #tpu.memory_space<vmem>> -> memref<128xi32, #tpu.memory_space<vmem>>
    %dma_start3A_1511 = arith.constant 0 : i32
    %dma_start3A_1512 = arith.constant 0 : i32
    %dma_start3A_1513 = tpu.memref_slice %arg3[%dma_start3A_1511, %dma_start3A_1512] : memref<50000x128xf32, #tpu.memory_space<hbm>> -> memref<50000x128xf32, #tpu.memory_space<hbm>>
    tpu.enqueue_indirect_dma source(%dma_start3A_1513 : memref<50000x128xf32, #tpu.memory_space<hbm>>) target(%dma_start3A_1507 : memref<128x128xf32, #tpu.memory_space<vmem>>) offsets(%dma_start3A_1510 : memref<128xi32, #tpu.memory_space<vmem>>) semaphore(%arg8 : memref<!tpu.dma_semaphore, #tpu.memory_space<semaphore_mem>>) {add = true}
    %dma_start3A_1514 = arith.constant 73 : i32
    %dma_start3A_1515 = arith.constant 256 : i32
    %dma_start3A_1516 = arith.constant 0 : i32
    %dma_start3A_1517 = tpu.memref_slice %arg6[%dma_start3A_1515, %dma_start3A_1516] : memref<512x128xf32, #tpu.memory_space<vmem>> -> memref<128x128xf32, #tpu.memory_space<vmem>>
    %dma_start3A_1518 = arith.constant 0 : i32
    %dma_start3A_1519 = tpu.memref_slice %arg5[%dma_start3A_1514, %dma_start3A_1518] : memref<130x128xi32, #tpu.memory_space<vmem>> -> memref<1x128xi32, #tpu.memory_space<vmem>>
    %dma_start3A_1520 = tpu.memref_squeeze %dma_start3A_1519 : memref<1x128xi32, #tpu.memory_space<vmem>> -> memref<128xi32, #tpu.memory_space<vmem>>
    %dma_start3A_1521 = arith.constant 0 : i32
    %dma_start3A_1522 = arith.constant 0 : i32
    %dma_start3A_1523 = tpu.memref_slice %arg3[%dma_start3A_1521, %dma_start3A_1522] : memref<50000x128xf32, #tpu.memory_space<hbm>> -> memref<50000x128xf32, #tpu.memory_space<hbm>>
    tpu.enqueue_indirect_dma source(%dma_start3A_1523 : memref<50000x128xf32, #tpu.memory_space<hbm>>) target(%dma_start3A_1517 : memref<128x128xf32, #tpu.memory_space<vmem>>) offsets(%dma_start3A_1520 : memref<128xi32, #tpu.memory_space<vmem>>) semaphore(%arg8 : memref<!tpu.dma_semaphore, #tpu.memory_space<semaphore_mem>>) {add = true}
    %dma_start3A_1524 = arith.constant 86 : i32
    %dma_start3A_1525 = arith.constant 256 : i32
    %dma_start3A_1526 = arith.constant 0 : i32
    %dma_start3A_1527 = tpu.memref_slice %arg6[%dma_start3A_1525, %dma_start3A_1526] : memref<512x128xf32, #tpu.memory_space<vmem>> -> memref<128x128xf32, #tpu.memory_space<vmem>>
    %dma_start3A_1528 = arith.constant 0 : i32
    %dma_start3A_1529 = tpu.memref_slice %arg5[%dma_start3A_1524, %dma_start3A_1528] : memref<130x128xi32, #tpu.memory_space<vmem>> -> memref<1x128xi32, #tpu.memory_space<vmem>>
    %dma_start3A_1530 = tpu.memref_squeeze %dma_start3A_1529 : memref<1x128xi32, #tpu.memory_space<vmem>> -> memref<128xi32, #tpu.memory_space<vmem>>
    %dma_start3A_1531 = arith.constant 0 : i32
    %dma_start3A_1532 = arith.constant 0 : i32
    %dma_start3A_1533 = tpu.memref_slice %arg3[%dma_start3A_1531, %dma_start3A_1532] : memref<50000x128xf32, #tpu.memory_space<hbm>> -> memref<50000x128xf32, #tpu.memory_space<hbm>>
    tpu.enqueue_indirect_dma source(%dma_start3A_1533 : memref<50000x128xf32, #tpu.memory_space<hbm>>) target(%dma_start3A_1527 : memref<128x128xf32, #tpu.memory_space<vmem>>) offsets(%dma_start3A_1530 : memref<128xi32, #tpu.memory_space<vmem>>) semaphore(%arg8 : memref<!tpu.dma_semaphore, #tpu.memory_space<semaphore_mem>>) {add = true}
    %dma_start3A_1534 = arith.constant 99 : i32
    %dma_start3A_1535 = arith.constant 256 : i32
    %dma_start3A_1536 = arith.constant 0 : i32
    %dma_start3A_1537 = tpu.memref_slice %arg6[%dma_start3A_1535, %dma_start3A_1536] : memref<512x128xf32, #tpu.memory_space<vmem>> -> memref<128x128xf32, #tpu.memory_space<vmem>>
    %dma_start3A_1538 = arith.constant 0 : i32
    %dma_start3A_1539 = tpu.memref_slice %arg5[%dma_start3A_1534, %dma_start3A_1538] : memref<130x128xi32, #tpu.memory_space<vmem>> -> memref<1x128xi32, #tpu.memory_space<vmem>>
    %dma_start3A_1540 = tpu.memref_squeeze %dma_start3A_1539 : memref<1x128xi32, #tpu.memory_space<vmem>> -> memref<128xi32, #tpu.memory_space<vmem>>
    %dma_start3A_1541 = arith.constant 0 : i32
    %dma_start3A_1542 = arith.constant 0 : i32
    %dma_start3A_1543 = tpu.memref_slice %arg3[%dma_start3A_1541, %dma_start3A_1542] : memref<50000x128xf32, #tpu.memory_space<hbm>> -> memref<50000x128xf32, #tpu.memory_space<hbm>>
    tpu.enqueue_indirect_dma source(%dma_start3A_1543 : memref<50000x128xf32, #tpu.memory_space<hbm>>) target(%dma_start3A_1537 : memref<128x128xf32, #tpu.memory_space<vmem>>) offsets(%dma_start3A_1540 : memref<128xi32, #tpu.memory_space<vmem>>) semaphore(%arg8 : memref<!tpu.dma_semaphore, #tpu.memory_space<semaphore_mem>>) {add = true}
    %dma_start3A_1544 = arith.constant 112 : i32
    %dma_start3A_1545 = arith.constant 256 : i32
    %dma_start3A_1546 = arith.constant 0 : i32
    %dma_start3A_1547 = tpu.memref_slice %arg6[%dma_start3A_1545, %dma_start3A_1546] : memref<512x128xf32, #tpu.memory_space<vmem>> -> memref<128x128xf32, #tpu.memory_space<vmem>>
    %dma_start3A_1548 = arith.constant 0 : i32
    %dma_start3A_1549 = tpu.memref_slice %arg5[%dma_start3A_1544, %dma_start3A_1548] : memref<130x128xi32, #tpu.memory_space<vmem>> -> memref<1x128xi32, #tpu.memory_space<vmem>>
    %dma_start3A_1550 = tpu.memref_squeeze %dma_start3A_1549 : memref<1x128xi32, #tpu.memory_space<vmem>> -> memref<128xi32, #tpu.memory_space<vmem>>
    %dma_start3A_1551 = arith.constant 0 : i32
    %dma_start3A_1552 = arith.constant 0 : i32
    %dma_start3A_1553 = tpu.memref_slice %arg3[%dma_start3A_1551, %dma_start3A_1552] : memref<50000x128xf32, #tpu.memory_space<hbm>> -> memref<50000x128xf32, #tpu.memory_space<hbm>>
    tpu.enqueue_indirect_dma source(%dma_start3A_1553 : memref<50000x128xf32, #tpu.memory_space<hbm>>) target(%dma_start3A_1547 : memref<128x128xf32, #tpu.memory_space<vmem>>) offsets(%dma_start3A_1550 : memref<128xi32, #tpu.memory_space<vmem>>) semaphore(%arg8 : memref<!tpu.dma_semaphore, #tpu.memory_space<semaphore_mem>>) {add = true}
    %dma_start3A_1554 = arith.constant 125 : i32
    %dma_start3A_1555 = arith.constant 256 : i32
    %dma_start3A_1556 = arith.constant 0 : i32
    %dma_start3A_1557 = tpu.memref_slice %arg6[%dma_start3A_1555, %dma_start3A_1556] : memref<512x128xf32, #tpu.memory_space<vmem>> -> memref<128x128xf32, #tpu.memory_space<vmem>>
    %dma_start3A_1558 = arith.constant 0 : i32
    %dma_start3A_1559 = tpu.memref_slice %arg5[%dma_start3A_1554, %dma_start3A_1558] : memref<130x128xi32, #tpu.memory_space<vmem>> -> memref<1x128xi32, #tpu.memory_space<vmem>>
    %dma_start3A_1560 = tpu.memref_squeeze %dma_start3A_1559 : memref<1x128xi32, #tpu.memory_space<vmem>> -> memref<128xi32, #tpu.memory_space<vmem>>
    %dma_start3A_1561 = arith.constant 0 : i32
    %dma_start3A_1562 = arith.constant 0 : i32
    %dma_start3A_1563 = tpu.memref_slice %arg3[%dma_start3A_1561, %dma_start3A_1562] : memref<50000x128xf32, #tpu.memory_space<hbm>> -> memref<50000x128xf32, #tpu.memory_space<hbm>>
    tpu.enqueue_indirect_dma source(%dma_start3A_1563 : memref<50000x128xf32, #tpu.memory_space<hbm>>) target(%dma_start3A_1557 : memref<128x128xf32, #tpu.memory_space<vmem>>) offsets(%dma_start3A_1560 : memref<128xi32, #tpu.memory_space<vmem>>) semaphore(%arg8 : memref<!tpu.dma_semaphore, #tpu.memory_space<semaphore_mem>>) {add = true}
    %dma_start3A_1564 = arith.constant 9 : i32
    %dma_start3A_1565 = arith.constant 384 : i32
    %dma_start3A_1566 = arith.constant 0 : i32
    %dma_start3A_1567 = tpu.memref_slice %arg6[%dma_start3A_1565, %dma_start3A_1566] : memref<512x128xf32, #tpu.memory_space<vmem>> -> memref<128x128xf32, #tpu.memory_space<vmem>>
    %dma_start3A_1568 = arith.constant 0 : i32
    %dma_start3A_1569 = tpu.memref_slice %arg5[%dma_start3A_1564, %dma_start3A_1568] : memref<130x128xi32, #tpu.memory_space<vmem>> -> memref<1x128xi32, #tpu.memory_space<vmem>>
    %dma_start3A_1570 = tpu.memref_squeeze %dma_start3A_1569 : memref<1x128xi32, #tpu.memory_space<vmem>> -> memref<128xi32, #tpu.memory_space<vmem>>
    %dma_start3A_1571 = arith.constant 0 : i32
    %dma_start3A_1572 = arith.constant 0 : i32
    %dma_start3A_1573 = tpu.memref_slice %arg3[%dma_start3A_1571, %dma_start3A_1572] : memref<50000x128xf32, #tpu.memory_space<hbm>> -> memref<50000x128xf32, #tpu.memory_space<hbm>>
    tpu.enqueue_indirect_dma source(%dma_start3A_1573 : memref<50000x128xf32, #tpu.memory_space<hbm>>) target(%dma_start3A_1567 : memref<128x128xf32, #tpu.memory_space<vmem>>) offsets(%dma_start3A_1570 : memref<128xi32, #tpu.memory_space<vmem>>) semaphore(%arg8 : memref<!tpu.dma_semaphore, #tpu.memory_space<semaphore_mem>>) {add = true}
    %dma_start3A_1574 = arith.constant 22 : i32
    %dma_start3A_1575 = arith.constant 384 : i32
    %dma_start3A_1576 = arith.constant 0 : i32
    %dma_start3A_1577 = tpu.memref_slice %arg6[%dma_start3A_1575, %dma_start3A_1576] : memref<512x128xf32, #tpu.memory_space<vmem>> -> memref<128x128xf32, #tpu.memory_space<vmem>>
    %dma_start3A_1578 = arith.constant 0 : i32
    %dma_start3A_1579 = tpu.memref_slice %arg5[%dma_start3A_1574, %dma_start3A_1578] : memref<130x128xi32, #tpu.memory_space<vmem>> -> memref<1x128xi32, #tpu.memory_space<vmem>>
    %dma_start3A_1580 = tpu.memref_squeeze %dma_start3A_1579 : memref<1x128xi32, #tpu.memory_space<vmem>> -> memref<128xi32, #tpu.memory_space<vmem>>
    %dma_start3A_1581 = arith.constant 0 : i32
    %dma_start3A_1582 = arith.constant 0 : i32
    %dma_start3A_1583 = tpu.memref_slice %arg3[%dma_start3A_1581, %dma_start3A_1582] : memref<50000x128xf32, #tpu.memory_space<hbm>> -> memref<50000x128xf32, #tpu.memory_space<hbm>>
    tpu.enqueue_indirect_dma source(%dma_start3A_1583 : memref<50000x128xf32, #tpu.memory_space<hbm>>) target(%dma_start3A_1577 : memref<128x128xf32, #tpu.memory_space<vmem>>) offsets(%dma_start3A_1580 : memref<128xi32, #tpu.memory_space<vmem>>) semaphore(%arg8 : memref<!tpu.dma_semaphore, #tpu.memory_space<semaphore_mem>>) {add = true}
    %dma_start3A_1584 = arith.constant 35 : i32
    %dma_start3A_1585 = arith.constant 384 : i32
    %dma_start3A_1586 = arith.constant 0 : i32
    %dma_start3A_1587 = tpu.memref_slice %arg6[%dma_start3A_1585, %dma_start3A_1586] : memref<512x128xf32, #tpu.memory_space<vmem>> -> memref<128x128xf32, #tpu.memory_space<vmem>>
    %dma_start3A_1588 = arith.constant 0 : i32
    %dma_start3A_1589 = tpu.memref_slice %arg5[%dma_start3A_1584, %dma_start3A_1588] : memref<130x128xi32, #tpu.memory_space<vmem>> -> memref<1x128xi32, #tpu.memory_space<vmem>>
    %dma_start3A_1590 = tpu.memref_squeeze %dma_start3A_1589 : memref<1x128xi32, #tpu.memory_space<vmem>> -> memref<128xi32, #tpu.memory_space<vmem>>
    %dma_start3A_1591 = arith.constant 0 : i32
    %dma_start3A_1592 = arith.constant 0 : i32
    %dma_start3A_1593 = tpu.memref_slice %arg3[%dma_start3A_1591, %dma_start3A_1592] : memref<50000x128xf32, #tpu.memory_space<hbm>> -> memref<50000x128xf32, #tpu.memory_space<hbm>>
    tpu.enqueue_indirect_dma source(%dma_start3A_1593 : memref<50000x128xf32, #tpu.memory_space<hbm>>) target(%dma_start3A_1587 : memref<128x128xf32, #tpu.memory_space<vmem>>) offsets(%dma_start3A_1590 : memref<128xi32, #tpu.memory_space<vmem>>) semaphore(%arg8 : memref<!tpu.dma_semaphore, #tpu.memory_space<semaphore_mem>>) {add = true}
    %dma_start3A_1594 = arith.constant 48 : i32
    %dma_start3A_1595 = arith.constant 384 : i32
    %dma_start3A_1596 = arith.constant 0 : i32
    %dma_start3A_1597 = tpu.memref_slice %arg6[%dma_start3A_1595, %dma_start3A_1596] : memref<512x128xf32, #tpu.memory_space<vmem>> -> memref<128x128xf32, #tpu.memory_space<vmem>>
    %dma_start3A_1598 = arith.constant 0 : i32
    %dma_start3A_1599 = tpu.memref_slice %arg5[%dma_start3A_1594, %dma_start3A_1598] : memref<130x128xi32, #tpu.memory_space<vmem>> -> memref<1x128xi32, #tpu.memory_space<vmem>>
    %dma_start3A_1600 = tpu.memref_squeeze %dma_start3A_1599 : memref<1x128xi32, #tpu.memory_space<vmem>> -> memref<128xi32, #tpu.memory_space<vmem>>
    %dma_start3A_1601 = arith.constant 0 : i32
    %dma_start3A_1602 = arith.constant 0 : i32
    %dma_start3A_1603 = tpu.memref_slice %arg3[%dma_start3A_1601, %dma_start3A_1602] : memref<50000x128xf32, #tpu.memory_space<hbm>> -> memref<50000x128xf32, #tpu.memory_space<hbm>>
    tpu.enqueue_indirect_dma source(%dma_start3A_1603 : memref<50000x128xf32, #tpu.memory_space<hbm>>) target(%dma_start3A_1597 : memref<128x128xf32, #tpu.memory_space<vmem>>) offsets(%dma_start3A_1600 : memref<128xi32, #tpu.memory_space<vmem>>) semaphore(%arg8 : memref<!tpu.dma_semaphore, #tpu.memory_space<semaphore_mem>>) {add = true}
    %dma_start3A_1604 = arith.constant 61 : i32
    %dma_start3A_1605 = arith.constant 384 : i32
    %dma_start3A_1606 = arith.constant 0 : i32
    %dma_start3A_1607 = tpu.memref_slice %arg6[%dma_start3A_1605, %dma_start3A_1606] : memref<512x128xf32, #tpu.memory_space<vmem>> -> memref<128x128xf32, #tpu.memory_space<vmem>>
    %dma_start3A_1608 = arith.constant 0 : i32
    %dma_start3A_1609 = tpu.memref_slice %arg5[%dma_start3A_1604, %dma_start3A_1608] : memref<130x128xi32, #tpu.memory_space<vmem>> -> memref<1x128xi32, #tpu.memory_space<vmem>>
    %dma_start3A_1610 = tpu.memref_squeeze %dma_start3A_1609 : memref<1x128xi32, #tpu.memory_space<vmem>> -> memref<128xi32, #tpu.memory_space<vmem>>
    %dma_start3A_1611 = arith.constant 0 : i32
    %dma_start3A_1612 = arith.constant 0 : i32
    %dma_start3A_1613 = tpu.memref_slice %arg3[%dma_start3A_1611, %dma_start3A_1612] : memref<50000x128xf32, #tpu.memory_space<hbm>> -> memref<50000x128xf32, #tpu.memory_space<hbm>>
    tpu.enqueue_indirect_dma source(%dma_start3A_1613 : memref<50000x128xf32, #tpu.memory_space<hbm>>) target(%dma_start3A_1607 : memref<128x128xf32, #tpu.memory_space<vmem>>) offsets(%dma_start3A_1610 : memref<128xi32, #tpu.memory_space<vmem>>) semaphore(%arg8 : memref<!tpu.dma_semaphore, #tpu.memory_space<semaphore_mem>>) {add = true}
    %dma_start3A_1614 = arith.constant 74 : i32
    %dma_start3A_1615 = arith.constant 384 : i32
    %dma_start3A_1616 = arith.constant 0 : i32
    %dma_start3A_1617 = tpu.memref_slice %arg6[%dma_start3A_1615, %dma_start3A_1616] : memref<512x128xf32, #tpu.memory_space<vmem>> -> memref<128x128xf32, #tpu.memory_space<vmem>>
    %dma_start3A_1618 = arith.constant 0 : i32
    %dma_start3A_1619 = tpu.memref_slice %arg5[%dma_start3A_1614, %dma_start3A_1618] : memref<130x128xi32, #tpu.memory_space<vmem>> -> memref<1x128xi32, #tpu.memory_space<vmem>>
    %dma_start3A_1620 = tpu.memref_squeeze %dma_start3A_1619 : memref<1x128xi32, #tpu.memory_space<vmem>> -> memref<128xi32, #tpu.memory_space<vmem>>
    %dma_start3A_1621 = arith.constant 0 : i32
    %dma_start3A_1622 = arith.constant 0 : i32
    %dma_start3A_1623 = tpu.memref_slice %arg3[%dma_start3A_1621, %dma_start3A_1622] : memref<50000x128xf32, #tpu.memory_space<hbm>> -> memref<50000x128xf32, #tpu.memory_space<hbm>>
    tpu.enqueue_indirect_dma source(%dma_start3A_1623 : memref<50000x128xf32, #tpu.memory_space<hbm>>) target(%dma_start3A_1617 : memref<128x128xf32, #tpu.memory_space<vmem>>) offsets(%dma_start3A_1620 : memref<128xi32, #tpu.memory_space<vmem>>) semaphore(%arg8 : memref<!tpu.dma_semaphore, #tpu.memory_space<semaphore_mem>>) {add = true}
    %dma_start3A_1624 = arith.constant 87 : i32
    %dma_start3A_1625 = arith.constant 384 : i32
    %dma_start3A_1626 = arith.constant 0 : i32
    %dma_start3A_1627 = tpu.memref_slice %arg6[%dma_start3A_1625, %dma_start3A_1626] : memref<512x128xf32, #tpu.memory_space<vmem>> -> memref<128x128xf32, #tpu.memory_space<vmem>>
    %dma_start3A_1628 = arith.constant 0 : i32
    %dma_start3A_1629 = tpu.memref_slice %arg5[%dma_start3A_1624, %dma_start3A_1628] : memref<130x128xi32, #tpu.memory_space<vmem>> -> memref<1x128xi32, #tpu.memory_space<vmem>>
    %dma_start3A_1630 = tpu.memref_squeeze %dma_start3A_1629 : memref<1x128xi32, #tpu.memory_space<vmem>> -> memref<128xi32, #tpu.memory_space<vmem>>
    %dma_start3A_1631 = arith.constant 0 : i32
    %dma_start3A_1632 = arith.constant 0 : i32
    %dma_start3A_1633 = tpu.memref_slice %arg3[%dma_start3A_1631, %dma_start3A_1632] : memref<50000x128xf32, #tpu.memory_space<hbm>> -> memref<50000x128xf32, #tpu.memory_space<hbm>>
    tpu.enqueue_indirect_dma source(%dma_start3A_1633 : memref<50000x128xf32, #tpu.memory_space<hbm>>) target(%dma_start3A_1627 : memref<128x128xf32, #tpu.memory_space<vmem>>) offsets(%dma_start3A_1630 : memref<128xi32, #tpu.memory_space<vmem>>) semaphore(%arg8 : memref<!tpu.dma_semaphore, #tpu.memory_space<semaphore_mem>>) {add = true}
    %dma_start3A_1634 = arith.constant 100 : i32
    %dma_start3A_1635 = arith.constant 384 : i32
    %dma_start3A_1636 = arith.constant 0 : i32
    %dma_start3A_1637 = tpu.memref_slice %arg6[%dma_start3A_1635, %dma_start3A_1636] : memref<512x128xf32, #tpu.memory_space<vmem>> -> memref<128x128xf32, #tpu.memory_space<vmem>>
    %dma_start3A_1638 = arith.constant 0 : i32
    %dma_start3A_1639 = tpu.memref_slice %arg5[%dma_start3A_1634, %dma_start3A_1638] : memref<130x128xi32, #tpu.memory_space<vmem>> -> memref<1x128xi32, #tpu.memory_space<vmem>>
    %dma_start3A_1640 = tpu.memref_squeeze %dma_start3A_1639 : memref<1x128xi32, #tpu.memory_space<vmem>> -> memref<128xi32, #tpu.memory_space<vmem>>
    %dma_start3A_1641 = arith.constant 0 : i32
    %dma_start3A_1642 = arith.constant 0 : i32
    %dma_start3A_1643 = tpu.memref_slice %arg3[%dma_start3A_1641, %dma_start3A_1642] : memref<50000x128xf32, #tpu.memory_space<hbm>> -> memref<50000x128xf32, #tpu.memory_space<hbm>>
    tpu.enqueue_indirect_dma source(%dma_start3A_1643 : memref<50000x128xf32, #tpu.memory_space<hbm>>) target(%dma_start3A_1637 : memref<128x128xf32, #tpu.memory_space<vmem>>) offsets(%dma_start3A_1640 : memref<128xi32, #tpu.memory_space<vmem>>) semaphore(%arg8 : memref<!tpu.dma_semaphore, #tpu.memory_space<semaphore_mem>>) {add = true}
    %dma_start3A_1644 = arith.constant 113 : i32
    %dma_start3A_1645 = arith.constant 384 : i32
    %dma_start3A_1646 = arith.constant 0 : i32
    %dma_start3A_1647 = tpu.memref_slice %arg6[%dma_start3A_1645, %dma_start3A_1646] : memref<512x128xf32, #tpu.memory_space<vmem>> -> memref<128x128xf32, #tpu.memory_space<vmem>>
    %dma_start3A_1648 = arith.constant 0 : i32
    %dma_start3A_1649 = tpu.memref_slice %arg5[%dma_start3A_1644, %dma_start3A_1648] : memref<130x128xi32, #tpu.memory_space<vmem>> -> memref<1x128xi32, #tpu.memory_space<vmem>>
    %dma_start3A_1650 = tpu.memref_squeeze %dma_start3A_1649 : memref<1x128xi32, #tpu.memory_space<vmem>> -> memref<128xi32, #tpu.memory_space<vmem>>
    %dma_start3A_1651 = arith.constant 0 : i32
    %dma_start3A_1652 = arith.constant 0 : i32
    %dma_start3A_1653 = tpu.memref_slice %arg3[%dma_start3A_1651, %dma_start3A_1652] : memref<50000x128xf32, #tpu.memory_space<hbm>> -> memref<50000x128xf32, #tpu.memory_space<hbm>>
    tpu.enqueue_indirect_dma source(%dma_start3A_1653 : memref<50000x128xf32, #tpu.memory_space<hbm>>) target(%dma_start3A_1647 : memref<128x128xf32, #tpu.memory_space<vmem>>) offsets(%dma_start3A_1650 : memref<128xi32, #tpu.memory_space<vmem>>) semaphore(%arg8 : memref<!tpu.dma_semaphore, #tpu.memory_space<semaphore_mem>>) {add = true}
    %dma_start3A_1654 = arith.constant 126 : i32
    %dma_start3A_1655 = arith.constant 384 : i32
    %dma_start3A_1656 = arith.constant 0 : i32
    %dma_start3A_1657 = tpu.memref_slice %arg6[%dma_start3A_1655, %dma_start3A_1656] : memref<512x128xf32, #tpu.memory_space<vmem>> -> memref<128x128xf32, #tpu.memory_space<vmem>>
    %dma_start3A_1658 = arith.constant 0 : i32
    %dma_start3A_1659 = tpu.memref_slice %arg5[%dma_start3A_1654, %dma_start3A_1658] : memref<130x128xi32, #tpu.memory_space<vmem>> -> memref<1x128xi32, #tpu.memory_space<vmem>>
    %dma_start3A_1660 = tpu.memref_squeeze %dma_start3A_1659 : memref<1x128xi32, #tpu.memory_space<vmem>> -> memref<128xi32, #tpu.memory_space<vmem>>
    %dma_start3A_1661 = arith.constant 0 : i32
    %dma_start3A_1662 = arith.constant 0 : i32
    %dma_start3A_1663 = tpu.memref_slice %arg3[%dma_start3A_1661, %dma_start3A_1662] : memref<50000x128xf32, #tpu.memory_space<hbm>> -> memref<50000x128xf32, #tpu.memory_space<hbm>>
    tpu.enqueue_indirect_dma source(%dma_start3A_1663 : memref<50000x128xf32, #tpu.memory_space<hbm>>) target(%dma_start3A_1657 : memref<128x128xf32, #tpu.memory_space<vmem>>) offsets(%dma_start3A_1660 : memref<128xi32, #tpu.memory_space<vmem>>) semaphore(%arg8 : memref<!tpu.dma_semaphore, #tpu.memory_space<semaphore_mem>>) {add = true}
    %dma_wait3A_1664 = arith.constant 6 : i32
    %dma_wait3A_1665 = arith.constant 0 : i32
    %dma_wait3A_1666 = arith.constant 0 : i32
    %dma_wait3A_1667 = tpu.memref_slice %arg6[%dma_wait3A_1665, %dma_wait3A_1666] : memref<512x128xf32, #tpu.memory_space<vmem>> -> memref<128x128xf32, #tpu.memory_space<vmem>>
    %dma_wait3A_1668 = arith.constant 0 : i32
    %dma_wait3A_1669 = tpu.memref_slice %arg5[%dma_wait3A_1664, %dma_wait3A_1668] : memref<130x128xi32, #tpu.memory_space<vmem>> -> memref<1x128xi32, #tpu.memory_space<vmem>>
    %dma_wait3A_1670 = tpu.memref_squeeze %dma_wait3A_1669 : memref<1x128xi32, #tpu.memory_space<vmem>> -> memref<128xi32, #tpu.memory_space<vmem>>
    %dma_wait3A_1671 = arith.constant 0 : i32
    %dma_wait3A_1672 = arith.constant 0 : i32
    %dma_wait3A_1673 = tpu.memref_slice %arg3[%dma_wait3A_1671, %dma_wait3A_1672] : memref<50000x128xf32, #tpu.memory_space<hbm>> -> memref<50000x128xf32, #tpu.memory_space<hbm>>
    tpu.wait_indirect_dma semaphore(%arg8 : memref<!tpu.dma_semaphore, #tpu.memory_space<semaphore_mem>>) src(%dma_wait3A_1673 : memref<50000x128xf32, #tpu.memory_space<hbm>>) dst(%dma_wait3A_1667 : memref<128x128xf32, #tpu.memory_space<vmem>>)
    %dma_wait3A_1674 = arith.constant 19 : i32
    %dma_wait3A_1675 = arith.constant 0 : i32
    %dma_wait3A_1676 = arith.constant 0 : i32
    %dma_wait3A_1677 = tpu.memref_slice %arg6[%dma_wait3A_1675, %dma_wait3A_1676] : memref<512x128xf32, #tpu.memory_space<vmem>> -> memref<128x128xf32, #tpu.memory_space<vmem>>
    %dma_wait3A_1678 = arith.constant 0 : i32
    %dma_wait3A_1679 = tpu.memref_slice %arg5[%dma_wait3A_1674, %dma_wait3A_1678] : memref<130x128xi32, #tpu.memory_space<vmem>> -> memref<1x128xi32, #tpu.memory_space<vmem>>
    %dma_wait3A_1680 = tpu.memref_squeeze %dma_wait3A_1679 : memref<1x128xi32, #tpu.memory_space<vmem>> -> memref<128xi32, #tpu.memory_space<vmem>>
    %dma_wait3A_1681 = arith.constant 0 : i32
    %dma_wait3A_1682 = arith.constant 0 : i32
    %dma_wait3A_1683 = tpu.memref_slice %arg3[%dma_wait3A_1681, %dma_wait3A_1682] : memref<50000x128xf32, #tpu.memory_space<hbm>> -> memref<50000x128xf32, #tpu.memory_space<hbm>>
    tpu.wait_indirect_dma semaphore(%arg8 : memref<!tpu.dma_semaphore, #tpu.memory_space<semaphore_mem>>) src(%dma_wait3A_1683 : memref<50000x128xf32, #tpu.memory_space<hbm>>) dst(%dma_wait3A_1677 : memref<128x128xf32, #tpu.memory_space<vmem>>)
    %dma_wait3A_1684 = arith.constant 32 : i32
    %dma_wait3A_1685 = arith.constant 0 : i32
    %dma_wait3A_1686 = arith.constant 0 : i32
    %dma_wait3A_1687 = tpu.memref_slice %arg6[%dma_wait3A_1685, %dma_wait3A_1686] : memref<512x128xf32, #tpu.memory_space<vmem>> -> memref<128x128xf32, #tpu.memory_space<vmem>>
    %dma_wait3A_1688 = arith.constant 0 : i32
    %dma_wait3A_1689 = tpu.memref_slice %arg5[%dma_wait3A_1684, %dma_wait3A_1688] : memref<130x128xi32, #tpu.memory_space<vmem>> -> memref<1x128xi32, #tpu.memory_space<vmem>>
    %dma_wait3A_1690 = tpu.memref_squeeze %dma_wait3A_1689 : memref<1x128xi32, #tpu.memory_space<vmem>> -> memref<128xi32, #tpu.memory_space<vmem>>
    %dma_wait3A_1691 = arith.constant 0 : i32
    %dma_wait3A_1692 = arith.constant 0 : i32
    %dma_wait3A_1693 = tpu.memref_slice %arg3[%dma_wait3A_1691, %dma_wait3A_1692] : memref<50000x128xf32, #tpu.memory_space<hbm>> -> memref<50000x128xf32, #tpu.memory_space<hbm>>
    tpu.wait_indirect_dma semaphore(%arg8 : memref<!tpu.dma_semaphore, #tpu.memory_space<semaphore_mem>>) src(%dma_wait3A_1693 : memref<50000x128xf32, #tpu.memory_space<hbm>>) dst(%dma_wait3A_1687 : memref<128x128xf32, #tpu.memory_space<vmem>>)
    %dma_wait3A_1694 = arith.constant 45 : i32
    %dma_wait3A_1695 = arith.constant 0 : i32
    %dma_wait3A_1696 = arith.constant 0 : i32
    %dma_wait3A_1697 = tpu.memref_slice %arg6[%dma_wait3A_1695, %dma_wait3A_1696] : memref<512x128xf32, #tpu.memory_space<vmem>> -> memref<128x128xf32, #tpu.memory_space<vmem>>
    %dma_wait3A_1698 = arith.constant 0 : i32
    %dma_wait3A_1699 = tpu.memref_slice %arg5[%dma_wait3A_1694, %dma_wait3A_1698] : memref<130x128xi32, #tpu.memory_space<vmem>> -> memref<1x128xi32, #tpu.memory_space<vmem>>
    %dma_wait3A_1700 = tpu.memref_squeeze %dma_wait3A_1699 : memref<1x128xi32, #tpu.memory_space<vmem>> -> memref<128xi32, #tpu.memory_space<vmem>>
    %dma_wait3A_1701 = arith.constant 0 : i32
    %dma_wait3A_1702 = arith.constant 0 : i32
    %dma_wait3A_1703 = tpu.memref_slice %arg3[%dma_wait3A_1701, %dma_wait3A_1702] : memref<50000x128xf32, #tpu.memory_space<hbm>> -> memref<50000x128xf32, #tpu.memory_space<hbm>>
    tpu.wait_indirect_dma semaphore(%arg8 : memref<!tpu.dma_semaphore, #tpu.memory_space<semaphore_mem>>) src(%dma_wait3A_1703 : memref<50000x128xf32, #tpu.memory_space<hbm>>) dst(%dma_wait3A_1697 : memref<128x128xf32, #tpu.memory_space<vmem>>)
    %dma_wait3A_1704 = arith.constant 58 : i32
    %dma_wait3A_1705 = arith.constant 0 : i32
    %dma_wait3A_1706 = arith.constant 0 : i32
    %dma_wait3A_1707 = tpu.memref_slice %arg6[%dma_wait3A_1705, %dma_wait3A_1706] : memref<512x128xf32, #tpu.memory_space<vmem>> -> memref<128x128xf32, #tpu.memory_space<vmem>>
    %dma_wait3A_1708 = arith.constant 0 : i32
    %dma_wait3A_1709 = tpu.memref_slice %arg5[%dma_wait3A_1704, %dma_wait3A_1708] : memref<130x128xi32, #tpu.memory_space<vmem>> -> memref<1x128xi32, #tpu.memory_space<vmem>>
    %dma_wait3A_1710 = tpu.memref_squeeze %dma_wait3A_1709 : memref<1x128xi32, #tpu.memory_space<vmem>> -> memref<128xi32, #tpu.memory_space<vmem>>
    %dma_wait3A_1711 = arith.constant 0 : i32
    %dma_wait3A_1712 = arith.constant 0 : i32
    %dma_wait3A_1713 = tpu.memref_slice %arg3[%dma_wait3A_1711, %dma_wait3A_1712] : memref<50000x128xf32, #tpu.memory_space<hbm>> -> memref<50000x128xf32, #tpu.memory_space<hbm>>
    tpu.wait_indirect_dma semaphore(%arg8 : memref<!tpu.dma_semaphore, #tpu.memory_space<semaphore_mem>>) src(%dma_wait3A_1713 : memref<50000x128xf32, #tpu.memory_space<hbm>>) dst(%dma_wait3A_1707 : memref<128x128xf32, #tpu.memory_space<vmem>>)
    %dma_wait3A_1714 = arith.constant 71 : i32
    %dma_wait3A_1715 = arith.constant 0 : i32
    %dma_wait3A_1716 = arith.constant 0 : i32
    %dma_wait3A_1717 = tpu.memref_slice %arg6[%dma_wait3A_1715, %dma_wait3A_1716] : memref<512x128xf32, #tpu.memory_space<vmem>> -> memref<128x128xf32, #tpu.memory_space<vmem>>
    %dma_wait3A_1718 = arith.constant 0 : i32
    %dma_wait3A_1719 = tpu.memref_slice %arg5[%dma_wait3A_1714, %dma_wait3A_1718] : memref<130x128xi32, #tpu.memory_space<vmem>> -> memref<1x128xi32, #tpu.memory_space<vmem>>
    %dma_wait3A_1720 = tpu.memref_squeeze %dma_wait3A_1719 : memref<1x128xi32, #tpu.memory_space<vmem>> -> memref<128xi32, #tpu.memory_space<vmem>>
    %dma_wait3A_1721 = arith.constant 0 : i32
    %dma_wait3A_1722 = arith.constant 0 : i32
    %dma_wait3A_1723 = tpu.memref_slice %arg3[%dma_wait3A_1721, %dma_wait3A_1722] : memref<50000x128xf32, #tpu.memory_space<hbm>> -> memref<50000x128xf32, #tpu.memory_space<hbm>>
    tpu.wait_indirect_dma semaphore(%arg8 : memref<!tpu.dma_semaphore, #tpu.memory_space<semaphore_mem>>) src(%dma_wait3A_1723 : memref<50000x128xf32, #tpu.memory_space<hbm>>) dst(%dma_wait3A_1717 : memref<128x128xf32, #tpu.memory_space<vmem>>)
    %dma_wait3A_1724 = arith.constant 84 : i32
    %dma_wait3A_1725 = arith.constant 0 : i32
    %dma_wait3A_1726 = arith.constant 0 : i32
    %dma_wait3A_1727 = tpu.memref_slice %arg6[%dma_wait3A_1725, %dma_wait3A_1726] : memref<512x128xf32, #tpu.memory_space<vmem>> -> memref<128x128xf32, #tpu.memory_space<vmem>>
    %dma_wait3A_1728 = arith.constant 0 : i32
    %dma_wait3A_1729 = tpu.memref_slice %arg5[%dma_wait3A_1724, %dma_wait3A_1728] : memref<130x128xi32, #tpu.memory_space<vmem>> -> memref<1x128xi32, #tpu.memory_space<vmem>>
    %dma_wait3A_1730 = tpu.memref_squeeze %dma_wait3A_1729 : memref<1x128xi32, #tpu.memory_space<vmem>> -> memref<128xi32, #tpu.memory_space<vmem>>
    %dma_wait3A_1731 = arith.constant 0 : i32
    %dma_wait3A_1732 = arith.constant 0 : i32
    %dma_wait3A_1733 = tpu.memref_slice %arg3[%dma_wait3A_1731, %dma_wait3A_1732] : memref<50000x128xf32, #tpu.memory_space<hbm>> -> memref<50000x128xf32, #tpu.memory_space<hbm>>
    tpu.wait_indirect_dma semaphore(%arg8 : memref<!tpu.dma_semaphore, #tpu.memory_space<semaphore_mem>>) src(%dma_wait3A_1733 : memref<50000x128xf32, #tpu.memory_space<hbm>>) dst(%dma_wait3A_1727 : memref<128x128xf32, #tpu.memory_space<vmem>>)
    %dma_wait3A_1734 = arith.constant 97 : i32
    %dma_wait3A_1735 = arith.constant 0 : i32
    %dma_wait3A_1736 = arith.constant 0 : i32
    %dma_wait3A_1737 = tpu.memref_slice %arg6[%dma_wait3A_1735, %dma_wait3A_1736] : memref<512x128xf32, #tpu.memory_space<vmem>> -> memref<128x128xf32, #tpu.memory_space<vmem>>
    %dma_wait3A_1738 = arith.constant 0 : i32
    %dma_wait3A_1739 = tpu.memref_slice %arg5[%dma_wait3A_1734, %dma_wait3A_1738] : memref<130x128xi32, #tpu.memory_space<vmem>> -> memref<1x128xi32, #tpu.memory_space<vmem>>
    %dma_wait3A_1740 = tpu.memref_squeeze %dma_wait3A_1739 : memref<1x128xi32, #tpu.memory_space<vmem>> -> memref<128xi32, #tpu.memory_space<vmem>>
    %dma_wait3A_1741 = arith.constant 0 : i32
    %dma_wait3A_1742 = arith.constant 0 : i32
    %dma_wait3A_1743 = tpu.memref_slice %arg3[%dma_wait3A_1741, %dma_wait3A_1742] : memref<50000x128xf32, #tpu.memory_space<hbm>> -> memref<50000x128xf32, #tpu.memory_space<hbm>>
    tpu.wait_indirect_dma semaphore(%arg8 : memref<!tpu.dma_semaphore, #tpu.memory_space<semaphore_mem>>) src(%dma_wait3A_1743 : memref<50000x128xf32, #tpu.memory_space<hbm>>) dst(%dma_wait3A_1737 : memref<128x128xf32, #tpu.memory_space<vmem>>)
    %dma_wait3A_1744 = arith.constant 110 : i32
    %dma_wait3A_1745 = arith.constant 0 : i32
    %dma_wait3A_1746 = arith.constant 0 : i32
    %dma_wait3A_1747 = tpu.memref_slice %arg6[%dma_wait3A_1745, %dma_wait3A_1746] : memref<512x128xf32, #tpu.memory_space<vmem>> -> memref<128x128xf32, #tpu.memory_space<vmem>>
    %dma_wait3A_1748 = arith.constant 0 : i32
    %dma_wait3A_1749 = tpu.memref_slice %arg5[%dma_wait3A_1744, %dma_wait3A_1748] : memref<130x128xi32, #tpu.memory_space<vmem>> -> memref<1x128xi32, #tpu.memory_space<vmem>>
    %dma_wait3A_1750 = tpu.memref_squeeze %dma_wait3A_1749 : memref<1x128xi32, #tpu.memory_space<vmem>> -> memref<128xi32, #tpu.memory_space<vmem>>
    %dma_wait3A_1751 = arith.constant 0 : i32
    %dma_wait3A_1752 = arith.constant 0 : i32
    %dma_wait3A_1753 = tpu.memref_slice %arg3[%dma_wait3A_1751, %dma_wait3A_1752] : memref<50000x128xf32, #tpu.memory_space<hbm>> -> memref<50000x128xf32, #tpu.memory_space<hbm>>
    tpu.wait_indirect_dma semaphore(%arg8 : memref<!tpu.dma_semaphore, #tpu.memory_space<semaphore_mem>>) src(%dma_wait3A_1753 : memref<50000x128xf32, #tpu.memory_space<hbm>>) dst(%dma_wait3A_1747 : memref<128x128xf32, #tpu.memory_space<vmem>>)
    %dma_wait3A_1754 = arith.constant 123 : i32
    %dma_wait3A_1755 = arith.constant 0 : i32
    %dma_wait3A_1756 = arith.constant 0 : i32
    %dma_wait3A_1757 = tpu.memref_slice %arg6[%dma_wait3A_1755, %dma_wait3A_1756] : memref<512x128xf32, #tpu.memory_space<vmem>> -> memref<128x128xf32, #tpu.memory_space<vmem>>
    %dma_wait3A_1758 = arith.constant 0 : i32
    %dma_wait3A_1759 = tpu.memref_slice %arg5[%dma_wait3A_1754, %dma_wait3A_1758] : memref<130x128xi32, #tpu.memory_space<vmem>> -> memref<1x128xi32, #tpu.memory_space<vmem>>
    %dma_wait3A_1760 = tpu.memref_squeeze %dma_wait3A_1759 : memref<1x128xi32, #tpu.memory_space<vmem>> -> memref<128xi32, #tpu.memory_space<vmem>>
    %dma_wait3A_1761 = arith.constant 0 : i32
    %dma_wait3A_1762 = arith.constant 0 : i32
    %dma_wait3A_1763 = tpu.memref_slice %arg3[%dma_wait3A_1761, %dma_wait3A_1762] : memref<50000x128xf32, #tpu.memory_space<hbm>> -> memref<50000x128xf32, #tpu.memory_space<hbm>>
    tpu.wait_indirect_dma semaphore(%arg8 : memref<!tpu.dma_semaphore, #tpu.memory_space<semaphore_mem>>) src(%dma_wait3A_1763 : memref<50000x128xf32, #tpu.memory_space<hbm>>) dst(%dma_wait3A_1757 : memref<128x128xf32, #tpu.memory_space<vmem>>)
    %dma_wait3A_1764 = arith.constant 7 : i32
    %dma_wait3A_1765 = arith.constant 128 : i32
    %dma_wait3A_1766 = arith.constant 0 : i32
    %dma_wait3A_1767 = tpu.memref_slice %arg6[%dma_wait3A_1765, %dma_wait3A_1766] : memref<512x128xf32, #tpu.memory_space<vmem>> -> memref<128x128xf32, #tpu.memory_space<vmem>>
    %dma_wait3A_1768 = arith.constant 0 : i32
    %dma_wait3A_1769 = tpu.memref_slice %arg5[%dma_wait3A_1764, %dma_wait3A_1768] : memref<130x128xi32, #tpu.memory_space<vmem>> -> memref<1x128xi32, #tpu.memory_space<vmem>>
    %dma_wait3A_1770 = tpu.memref_squeeze %dma_wait3A_1769 : memref<1x128xi32, #tpu.memory_space<vmem>> -> memref<128xi32, #tpu.memory_space<vmem>>
    %dma_wait3A_1771 = arith.constant 0 : i32
    %dma_wait3A_1772 = arith.constant 0 : i32
    %dma_wait3A_1773 = tpu.memref_slice %arg3[%dma_wait3A_1771, %dma_wait3A_1772] : memref<50000x128xf32, #tpu.memory_space<hbm>> -> memref<50000x128xf32, #tpu.memory_space<hbm>>
    tpu.wait_indirect_dma semaphore(%arg8 : memref<!tpu.dma_semaphore, #tpu.memory_space<semaphore_mem>>) src(%dma_wait3A_1773 : memref<50000x128xf32, #tpu.memory_space<hbm>>) dst(%dma_wait3A_1767 : memref<128x128xf32, #tpu.memory_space<vmem>>)
    %dma_wait3A_1774 = arith.constant 20 : i32
    %dma_wait3A_1775 = arith.constant 128 : i32
    %dma_wait3A_1776 = arith.constant 0 : i32
    %dma_wait3A_1777 = tpu.memref_slice %arg6[%dma_wait3A_1775, %dma_wait3A_1776] : memref<512x128xf32, #tpu.memory_space<vmem>> -> memref<128x128xf32, #tpu.memory_space<vmem>>
    %dma_wait3A_1778 = arith.constant 0 : i32
    %dma_wait3A_1779 = tpu.memref_slice %arg5[%dma_wait3A_1774, %dma_wait3A_1778] : memref<130x128xi32, #tpu.memory_space<vmem>> -> memref<1x128xi32, #tpu.memory_space<vmem>>
    %dma_wait3A_1780 = tpu.memref_squeeze %dma_wait3A_1779 : memref<1x128xi32, #tpu.memory_space<vmem>> -> memref<128xi32, #tpu.memory_space<vmem>>
    %dma_wait3A_1781 = arith.constant 0 : i32
    %dma_wait3A_1782 = arith.constant 0 : i32
    %dma_wait3A_1783 = tpu.memref_slice %arg3[%dma_wait3A_1781, %dma_wait3A_1782] : memref<50000x128xf32, #tpu.memory_space<hbm>> -> memref<50000x128xf32, #tpu.memory_space<hbm>>
    tpu.wait_indirect_dma semaphore(%arg8 : memref<!tpu.dma_semaphore, #tpu.memory_space<semaphore_mem>>) src(%dma_wait3A_1783 : memref<50000x128xf32, #tpu.memory_space<hbm>>) dst(%dma_wait3A_1777 : memref<128x128xf32, #tpu.memory_space<vmem>>)
    %dma_wait3A_1784 = arith.constant 33 : i32
    %dma_wait3A_1785 = arith.constant 128 : i32
    %dma_wait3A_1786 = arith.constant 0 : i32
    %dma_wait3A_1787 = tpu.memref_slice %arg6[%dma_wait3A_1785, %dma_wait3A_1786] : memref<512x128xf32, #tpu.memory_space<vmem>> -> memref<128x128xf32, #tpu.memory_space<vmem>>
    %dma_wait3A_1788 = arith.constant 0 : i32
    %dma_wait3A_1789 = tpu.memref_slice %arg5[%dma_wait3A_1784, %dma_wait3A_1788] : memref<130x128xi32, #tpu.memory_space<vmem>> -> memref<1x128xi32, #tpu.memory_space<vmem>>
    %dma_wait3A_1790 = tpu.memref_squeeze %dma_wait3A_1789 : memref<1x128xi32, #tpu.memory_space<vmem>> -> memref<128xi32, #tpu.memory_space<vmem>>
    %dma_wait3A_1791 = arith.constant 0 : i32
    %dma_wait3A_1792 = arith.constant 0 : i32
    %dma_wait3A_1793 = tpu.memref_slice %arg3[%dma_wait3A_1791, %dma_wait3A_1792] : memref<50000x128xf32, #tpu.memory_space<hbm>> -> memref<50000x128xf32, #tpu.memory_space<hbm>>
    tpu.wait_indirect_dma semaphore(%arg8 : memref<!tpu.dma_semaphore, #tpu.memory_space<semaphore_mem>>) src(%dma_wait3A_1793 : memref<50000x128xf32, #tpu.memory_space<hbm>>) dst(%dma_wait3A_1787 : memref<128x128xf32, #tpu.memory_space<vmem>>)
    %dma_wait3A_1794 = arith.constant 46 : i32
    %dma_wait3A_1795 = arith.constant 128 : i32
    %dma_wait3A_1796 = arith.constant 0 : i32
    %dma_wait3A_1797 = tpu.memref_slice %arg6[%dma_wait3A_1795, %dma_wait3A_1796] : memref<512x128xf32, #tpu.memory_space<vmem>> -> memref<128x128xf32, #tpu.memory_space<vmem>>
    %dma_wait3A_1798 = arith.constant 0 : i32
    %dma_wait3A_1799 = tpu.memref_slice %arg5[%dma_wait3A_1794, %dma_wait3A_1798] : memref<130x128xi32, #tpu.memory_space<vmem>> -> memref<1x128xi32, #tpu.memory_space<vmem>>
    %dma_wait3A_1800 = tpu.memref_squeeze %dma_wait3A_1799 : memref<1x128xi32, #tpu.memory_space<vmem>> -> memref<128xi32, #tpu.memory_space<vmem>>
    %dma_wait3A_1801 = arith.constant 0 : i32
    %dma_wait3A_1802 = arith.constant 0 : i32
    %dma_wait3A_1803 = tpu.memref_slice %arg3[%dma_wait3A_1801, %dma_wait3A_1802] : memref<50000x128xf32, #tpu.memory_space<hbm>> -> memref<50000x128xf32, #tpu.memory_space<hbm>>
    tpu.wait_indirect_dma semaphore(%arg8 : memref<!tpu.dma_semaphore, #tpu.memory_space<semaphore_mem>>) src(%dma_wait3A_1803 : memref<50000x128xf32, #tpu.memory_space<hbm>>) dst(%dma_wait3A_1797 : memref<128x128xf32, #tpu.memory_space<vmem>>)
    %dma_wait3A_1804 = arith.constant 59 : i32
    %dma_wait3A_1805 = arith.constant 128 : i32
    %dma_wait3A_1806 = arith.constant 0 : i32
    %dma_wait3A_1807 = tpu.memref_slice %arg6[%dma_wait3A_1805, %dma_wait3A_1806] : memref<512x128xf32, #tpu.memory_space<vmem>> -> memref<128x128xf32, #tpu.memory_space<vmem>>
    %dma_wait3A_1808 = arith.constant 0 : i32
    %dma_wait3A_1809 = tpu.memref_slice %arg5[%dma_wait3A_1804, %dma_wait3A_1808] : memref<130x128xi32, #tpu.memory_space<vmem>> -> memref<1x128xi32, #tpu.memory_space<vmem>>
    %dma_wait3A_1810 = tpu.memref_squeeze %dma_wait3A_1809 : memref<1x128xi32, #tpu.memory_space<vmem>> -> memref<128xi32, #tpu.memory_space<vmem>>
    %dma_wait3A_1811 = arith.constant 0 : i32
    %dma_wait3A_1812 = arith.constant 0 : i32
    %dma_wait3A_1813 = tpu.memref_slice %arg3[%dma_wait3A_1811, %dma_wait3A_1812] : memref<50000x128xf32, #tpu.memory_space<hbm>> -> memref<50000x128xf32, #tpu.memory_space<hbm>>
    tpu.wait_indirect_dma semaphore(%arg8 : memref<!tpu.dma_semaphore, #tpu.memory_space<semaphore_mem>>) src(%dma_wait3A_1813 : memref<50000x128xf32, #tpu.memory_space<hbm>>) dst(%dma_wait3A_1807 : memref<128x128xf32, #tpu.memory_space<vmem>>)
    %dma_wait3A_1814 = arith.constant 72 : i32
    %dma_wait3A_1815 = arith.constant 128 : i32
    %dma_wait3A_1816 = arith.constant 0 : i32
    %dma_wait3A_1817 = tpu.memref_slice %arg6[%dma_wait3A_1815, %dma_wait3A_1816] : memref<512x128xf32, #tpu.memory_space<vmem>> -> memref<128x128xf32, #tpu.memory_space<vmem>>
    %dma_wait3A_1818 = arith.constant 0 : i32
    %dma_wait3A_1819 = tpu.memref_slice %arg5[%dma_wait3A_1814, %dma_wait3A_1818] : memref<130x128xi32, #tpu.memory_space<vmem>> -> memref<1x128xi32, #tpu.memory_space<vmem>>
    %dma_wait3A_1820 = tpu.memref_squeeze %dma_wait3A_1819 : memref<1x128xi32, #tpu.memory_space<vmem>> -> memref<128xi32, #tpu.memory_space<vmem>>
    %dma_wait3A_1821 = arith.constant 0 : i32
    %dma_wait3A_1822 = arith.constant 0 : i32
    %dma_wait3A_1823 = tpu.memref_slice %arg3[%dma_wait3A_1821, %dma_wait3A_1822] : memref<50000x128xf32, #tpu.memory_space<hbm>> -> memref<50000x128xf32, #tpu.memory_space<hbm>>
    tpu.wait_indirect_dma semaphore(%arg8 : memref<!tpu.dma_semaphore, #tpu.memory_space<semaphore_mem>>) src(%dma_wait3A_1823 : memref<50000x128xf32, #tpu.memory_space<hbm>>) dst(%dma_wait3A_1817 : memref<128x128xf32, #tpu.memory_space<vmem>>)
    %dma_wait3A_1824 = arith.constant 85 : i32
    %dma_wait3A_1825 = arith.constant 128 : i32
    %dma_wait3A_1826 = arith.constant 0 : i32
    %dma_wait3A_1827 = tpu.memref_slice %arg6[%dma_wait3A_1825, %dma_wait3A_1826] : memref<512x128xf32, #tpu.memory_space<vmem>> -> memref<128x128xf32, #tpu.memory_space<vmem>>
    %dma_wait3A_1828 = arith.constant 0 : i32
    %dma_wait3A_1829 = tpu.memref_slice %arg5[%dma_wait3A_1824, %dma_wait3A_1828] : memref<130x128xi32, #tpu.memory_space<vmem>> -> memref<1x128xi32, #tpu.memory_space<vmem>>
    %dma_wait3A_1830 = tpu.memref_squeeze %dma_wait3A_1829 : memref<1x128xi32, #tpu.memory_space<vmem>> -> memref<128xi32, #tpu.memory_space<vmem>>
    %dma_wait3A_1831 = arith.constant 0 : i32
    %dma_wait3A_1832 = arith.constant 0 : i32
    %dma_wait3A_1833 = tpu.memref_slice %arg3[%dma_wait3A_1831, %dma_wait3A_1832] : memref<50000x128xf32, #tpu.memory_space<hbm>> -> memref<50000x128xf32, #tpu.memory_space<hbm>>
    tpu.wait_indirect_dma semaphore(%arg8 : memref<!tpu.dma_semaphore, #tpu.memory_space<semaphore_mem>>) src(%dma_wait3A_1833 : memref<50000x128xf32, #tpu.memory_space<hbm>>) dst(%dma_wait3A_1827 : memref<128x128xf32, #tpu.memory_space<vmem>>)
    %dma_wait3A_1834 = arith.constant 98 : i32
    %dma_wait3A_1835 = arith.constant 128 : i32
    %dma_wait3A_1836 = arith.constant 0 : i32
    %dma_wait3A_1837 = tpu.memref_slice %arg6[%dma_wait3A_1835, %dma_wait3A_1836] : memref<512x128xf32, #tpu.memory_space<vmem>> -> memref<128x128xf32, #tpu.memory_space<vmem>>
    %dma_wait3A_1838 = arith.constant 0 : i32
    %dma_wait3A_1839 = tpu.memref_slice %arg5[%dma_wait3A_1834, %dma_wait3A_1838] : memref<130x128xi32, #tpu.memory_space<vmem>> -> memref<1x128xi32, #tpu.memory_space<vmem>>
    %dma_wait3A_1840 = tpu.memref_squeeze %dma_wait3A_1839 : memref<1x128xi32, #tpu.memory_space<vmem>> -> memref<128xi32, #tpu.memory_space<vmem>>
    %dma_wait3A_1841 = arith.constant 0 : i32
    %dma_wait3A_1842 = arith.constant 0 : i32
    %dma_wait3A_1843 = tpu.memref_slice %arg3[%dma_wait3A_1841, %dma_wait3A_1842] : memref<50000x128xf32, #tpu.memory_space<hbm>> -> memref<50000x128xf32, #tpu.memory_space<hbm>>
    tpu.wait_indirect_dma semaphore(%arg8 : memref<!tpu.dma_semaphore, #tpu.memory_space<semaphore_mem>>) src(%dma_wait3A_1843 : memref<50000x128xf32, #tpu.memory_space<hbm>>) dst(%dma_wait3A_1837 : memref<128x128xf32, #tpu.memory_space<vmem>>)
    %dma_wait3A_1844 = arith.constant 111 : i32
    %dma_wait3A_1845 = arith.constant 128 : i32
    %dma_wait3A_1846 = arith.constant 0 : i32
    %dma_wait3A_1847 = tpu.memref_slice %arg6[%dma_wait3A_1845, %dma_wait3A_1846] : memref<512x128xf32, #tpu.memory_space<vmem>> -> memref<128x128xf32, #tpu.memory_space<vmem>>
    %dma_wait3A_1848 = arith.constant 0 : i32
    %dma_wait3A_1849 = tpu.memref_slice %arg5[%dma_wait3A_1844, %dma_wait3A_1848] : memref<130x128xi32, #tpu.memory_space<vmem>> -> memref<1x128xi32, #tpu.memory_space<vmem>>
    %dma_wait3A_1850 = tpu.memref_squeeze %dma_wait3A_1849 : memref<1x128xi32, #tpu.memory_space<vmem>> -> memref<128xi32, #tpu.memory_space<vmem>>
    %dma_wait3A_1851 = arith.constant 0 : i32
    %dma_wait3A_1852 = arith.constant 0 : i32
    %dma_wait3A_1853 = tpu.memref_slice %arg3[%dma_wait3A_1851, %dma_wait3A_1852] : memref<50000x128xf32, #tpu.memory_space<hbm>> -> memref<50000x128xf32, #tpu.memory_space<hbm>>
    tpu.wait_indirect_dma semaphore(%arg8 : memref<!tpu.dma_semaphore, #tpu.memory_space<semaphore_mem>>) src(%dma_wait3A_1853 : memref<50000x128xf32, #tpu.memory_space<hbm>>) dst(%dma_wait3A_1847 : memref<128x128xf32, #tpu.memory_space<vmem>>)
    %dma_wait3A_1854 = arith.constant 124 : i32
    %dma_wait3A_1855 = arith.constant 128 : i32
    %dma_wait3A_1856 = arith.constant 0 : i32
    %dma_wait3A_1857 = tpu.memref_slice %arg6[%dma_wait3A_1855, %dma_wait3A_1856] : memref<512x128xf32, #tpu.memory_space<vmem>> -> memref<128x128xf32, #tpu.memory_space<vmem>>
    %dma_wait3A_1858 = arith.constant 0 : i32
    %dma_wait3A_1859 = tpu.memref_slice %arg5[%dma_wait3A_1854, %dma_wait3A_1858] : memref<130x128xi32, #tpu.memory_space<vmem>> -> memref<1x128xi32, #tpu.memory_space<vmem>>
    %dma_wait3A_1860 = tpu.memref_squeeze %dma_wait3A_1859 : memref<1x128xi32, #tpu.memory_space<vmem>> -> memref<128xi32, #tpu.memory_space<vmem>>
    %dma_wait3A_1861 = arith.constant 0 : i32
    %dma_wait3A_1862 = arith.constant 0 : i32
    %dma_wait3A_1863 = tpu.memref_slice %arg3[%dma_wait3A_1861, %dma_wait3A_1862] : memref<50000x128xf32, #tpu.memory_space<hbm>> -> memref<50000x128xf32, #tpu.memory_space<hbm>>
    tpu.wait_indirect_dma semaphore(%arg8 : memref<!tpu.dma_semaphore, #tpu.memory_space<semaphore_mem>>) src(%dma_wait3A_1863 : memref<50000x128xf32, #tpu.memory_space<hbm>>) dst(%dma_wait3A_1857 : memref<128x128xf32, #tpu.memory_space<vmem>>)
    %dma_wait3A_1864 = arith.constant 8 : i32
    %dma_wait3A_1865 = arith.constant 256 : i32
    %dma_wait3A_1866 = arith.constant 0 : i32
    %dma_wait3A_1867 = tpu.memref_slice %arg6[%dma_wait3A_1865, %dma_wait3A_1866] : memref<512x128xf32, #tpu.memory_space<vmem>> -> memref<128x128xf32, #tpu.memory_space<vmem>>
    %dma_wait3A_1868 = arith.constant 0 : i32
    %dma_wait3A_1869 = tpu.memref_slice %arg5[%dma_wait3A_1864, %dma_wait3A_1868] : memref<130x128xi32, #tpu.memory_space<vmem>> -> memref<1x128xi32, #tpu.memory_space<vmem>>
    %dma_wait3A_1870 = tpu.memref_squeeze %dma_wait3A_1869 : memref<1x128xi32, #tpu.memory_space<vmem>> -> memref<128xi32, #tpu.memory_space<vmem>>
    %dma_wait3A_1871 = arith.constant 0 : i32
    %dma_wait3A_1872 = arith.constant 0 : i32
    %dma_wait3A_1873 = tpu.memref_slice %arg3[%dma_wait3A_1871, %dma_wait3A_1872] : memref<50000x128xf32, #tpu.memory_space<hbm>> -> memref<50000x128xf32, #tpu.memory_space<hbm>>
    tpu.wait_indirect_dma semaphore(%arg8 : memref<!tpu.dma_semaphore, #tpu.memory_space<semaphore_mem>>) src(%dma_wait3A_1873 : memref<50000x128xf32, #tpu.memory_space<hbm>>) dst(%dma_wait3A_1867 : memref<128x128xf32, #tpu.memory_space<vmem>>)
    %dma_wait3A_1874 = arith.constant 21 : i32
    %dma_wait3A_1875 = arith.constant 256 : i32
    %dma_wait3A_1876 = arith.constant 0 : i32
    %dma_wait3A_1877 = tpu.memref_slice %arg6[%dma_wait3A_1875, %dma_wait3A_1876] : memref<512x128xf32, #tpu.memory_space<vmem>> -> memref<128x128xf32, #tpu.memory_space<vmem>>
    %dma_wait3A_1878 = arith.constant 0 : i32
    %dma_wait3A_1879 = tpu.memref_slice %arg5[%dma_wait3A_1874, %dma_wait3A_1878] : memref<130x128xi32, #tpu.memory_space<vmem>> -> memref<1x128xi32, #tpu.memory_space<vmem>>
    %dma_wait3A_1880 = tpu.memref_squeeze %dma_wait3A_1879 : memref<1x128xi32, #tpu.memory_space<vmem>> -> memref<128xi32, #tpu.memory_space<vmem>>
    %dma_wait3A_1881 = arith.constant 0 : i32
    %dma_wait3A_1882 = arith.constant 0 : i32
    %dma_wait3A_1883 = tpu.memref_slice %arg3[%dma_wait3A_1881, %dma_wait3A_1882] : memref<50000x128xf32, #tpu.memory_space<hbm>> -> memref<50000x128xf32, #tpu.memory_space<hbm>>
    tpu.wait_indirect_dma semaphore(%arg8 : memref<!tpu.dma_semaphore, #tpu.memory_space<semaphore_mem>>) src(%dma_wait3A_1883 : memref<50000x128xf32, #tpu.memory_space<hbm>>) dst(%dma_wait3A_1877 : memref<128x128xf32, #tpu.memory_space<vmem>>)
    %dma_wait3A_1884 = arith.constant 34 : i32
    %dma_wait3A_1885 = arith.constant 256 : i32
    %dma_wait3A_1886 = arith.constant 0 : i32
    %dma_wait3A_1887 = tpu.memref_slice %arg6[%dma_wait3A_1885, %dma_wait3A_1886] : memref<512x128xf32, #tpu.memory_space<vmem>> -> memref<128x128xf32, #tpu.memory_space<vmem>>
    %dma_wait3A_1888 = arith.constant 0 : i32
    %dma_wait3A_1889 = tpu.memref_slice %arg5[%dma_wait3A_1884, %dma_wait3A_1888] : memref<130x128xi32, #tpu.memory_space<vmem>> -> memref<1x128xi32, #tpu.memory_space<vmem>>
    %dma_wait3A_1890 = tpu.memref_squeeze %dma_wait3A_1889 : memref<1x128xi32, #tpu.memory_space<vmem>> -> memref<128xi32, #tpu.memory_space<vmem>>
    %dma_wait3A_1891 = arith.constant 0 : i32
    %dma_wait3A_1892 = arith.constant 0 : i32
    %dma_wait3A_1893 = tpu.memref_slice %arg3[%dma_wait3A_1891, %dma_wait3A_1892] : memref<50000x128xf32, #tpu.memory_space<hbm>> -> memref<50000x128xf32, #tpu.memory_space<hbm>>
    tpu.wait_indirect_dma semaphore(%arg8 : memref<!tpu.dma_semaphore, #tpu.memory_space<semaphore_mem>>) src(%dma_wait3A_1893 : memref<50000x128xf32, #tpu.memory_space<hbm>>) dst(%dma_wait3A_1887 : memref<128x128xf32, #tpu.memory_space<vmem>>)
    %dma_wait3A_1894 = arith.constant 47 : i32
    %dma_wait3A_1895 = arith.constant 256 : i32
    %dma_wait3A_1896 = arith.constant 0 : i32
    %dma_wait3A_1897 = tpu.memref_slice %arg6[%dma_wait3A_1895, %dma_wait3A_1896] : memref<512x128xf32, #tpu.memory_space<vmem>> -> memref<128x128xf32, #tpu.memory_space<vmem>>
    %dma_wait3A_1898 = arith.constant 0 : i32
    %dma_wait3A_1899 = tpu.memref_slice %arg5[%dma_wait3A_1894, %dma_wait3A_1898] : memref<130x128xi32, #tpu.memory_space<vmem>> -> memref<1x128xi32, #tpu.memory_space<vmem>>
    %dma_wait3A_1900 = tpu.memref_squeeze %dma_wait3A_1899 : memref<1x128xi32, #tpu.memory_space<vmem>> -> memref<128xi32, #tpu.memory_space<vmem>>
    %dma_wait3A_1901 = arith.constant 0 : i32
    %dma_wait3A_1902 = arith.constant 0 : i32
    %dma_wait3A_1903 = tpu.memref_slice %arg3[%dma_wait3A_1901, %dma_wait3A_1902] : memref<50000x128xf32, #tpu.memory_space<hbm>> -> memref<50000x128xf32, #tpu.memory_space<hbm>>
    tpu.wait_indirect_dma semaphore(%arg8 : memref<!tpu.dma_semaphore, #tpu.memory_space<semaphore_mem>>) src(%dma_wait3A_1903 : memref<50000x128xf32, #tpu.memory_space<hbm>>) dst(%dma_wait3A_1897 : memref<128x128xf32, #tpu.memory_space<vmem>>)
    %dma_wait3A_1904 = arith.constant 60 : i32
    %dma_wait3A_1905 = arith.constant 256 : i32
    %dma_wait3A_1906 = arith.constant 0 : i32
    %dma_wait3A_1907 = tpu.memref_slice %arg6[%dma_wait3A_1905, %dma_wait3A_1906] : memref<512x128xf32, #tpu.memory_space<vmem>> -> memref<128x128xf32, #tpu.memory_space<vmem>>
    %dma_wait3A_1908 = arith.constant 0 : i32
    %dma_wait3A_1909 = tpu.memref_slice %arg5[%dma_wait3A_1904, %dma_wait3A_1908] : memref<130x128xi32, #tpu.memory_space<vmem>> -> memref<1x128xi32, #tpu.memory_space<vmem>>
    %dma_wait3A_1910 = tpu.memref_squeeze %dma_wait3A_1909 : memref<1x128xi32, #tpu.memory_space<vmem>> -> memref<128xi32, #tpu.memory_space<vmem>>
    %dma_wait3A_1911 = arith.constant 0 : i32
    %dma_wait3A_1912 = arith.constant 0 : i32
    %dma_wait3A_1913 = tpu.memref_slice %arg3[%dma_wait3A_1911, %dma_wait3A_1912] : memref<50000x128xf32, #tpu.memory_space<hbm>> -> memref<50000x128xf32, #tpu.memory_space<hbm>>
    tpu.wait_indirect_dma semaphore(%arg8 : memref<!tpu.dma_semaphore, #tpu.memory_space<semaphore_mem>>) src(%dma_wait3A_1913 : memref<50000x128xf32, #tpu.memory_space<hbm>>) dst(%dma_wait3A_1907 : memref<128x128xf32, #tpu.memory_space<vmem>>)
    %dma_wait3A_1914 = arith.constant 73 : i32
    %dma_wait3A_1915 = arith.constant 256 : i32
    %dma_wait3A_1916 = arith.constant 0 : i32
    %dma_wait3A_1917 = tpu.memref_slice %arg6[%dma_wait3A_1915, %dma_wait3A_1916] : memref<512x128xf32, #tpu.memory_space<vmem>> -> memref<128x128xf32, #tpu.memory_space<vmem>>
    %dma_wait3A_1918 = arith.constant 0 : i32
    %dma_wait3A_1919 = tpu.memref_slice %arg5[%dma_wait3A_1914, %dma_wait3A_1918] : memref<130x128xi32, #tpu.memory_space<vmem>> -> memref<1x128xi32, #tpu.memory_space<vmem>>
    %dma_wait3A_1920 = tpu.memref_squeeze %dma_wait3A_1919 : memref<1x128xi32, #tpu.memory_space<vmem>> -> memref<128xi32, #tpu.memory_space<vmem>>
    %dma_wait3A_1921 = arith.constant 0 : i32
    %dma_wait3A_1922 = arith.constant 0 : i32
    %dma_wait3A_1923 = tpu.memref_slice %arg3[%dma_wait3A_1921, %dma_wait3A_1922] : memref<50000x128xf32, #tpu.memory_space<hbm>> -> memref<50000x128xf32, #tpu.memory_space<hbm>>
    tpu.wait_indirect_dma semaphore(%arg8 : memref<!tpu.dma_semaphore, #tpu.memory_space<semaphore_mem>>) src(%dma_wait3A_1923 : memref<50000x128xf32, #tpu.memory_space<hbm>>) dst(%dma_wait3A_1917 : memref<128x128xf32, #tpu.memory_space<vmem>>)
    %dma_wait3A_1924 = arith.constant 86 : i32
    %dma_wait3A_1925 = arith.constant 256 : i32
    %dma_wait3A_1926 = arith.constant 0 : i32
    %dma_wait3A_1927 = tpu.memref_slice %arg6[%dma_wait3A_1925, %dma_wait3A_1926] : memref<512x128xf32, #tpu.memory_space<vmem>> -> memref<128x128xf32, #tpu.memory_space<vmem>>
    %dma_wait3A_1928 = arith.constant 0 : i32
    %dma_wait3A_1929 = tpu.memref_slice %arg5[%dma_wait3A_1924, %dma_wait3A_1928] : memref<130x128xi32, #tpu.memory_space<vmem>> -> memref<1x128xi32, #tpu.memory_space<vmem>>
    %dma_wait3A_1930 = tpu.memref_squeeze %dma_wait3A_1929 : memref<1x128xi32, #tpu.memory_space<vmem>> -> memref<128xi32, #tpu.memory_space<vmem>>
    %dma_wait3A_1931 = arith.constant 0 : i32
    %dma_wait3A_1932 = arith.constant 0 : i32
    %dma_wait3A_1933 = tpu.memref_slice %arg3[%dma_wait3A_1931, %dma_wait3A_1932] : memref<50000x128xf32, #tpu.memory_space<hbm>> -> memref<50000x128xf32, #tpu.memory_space<hbm>>
    tpu.wait_indirect_dma semaphore(%arg8 : memref<!tpu.dma_semaphore, #tpu.memory_space<semaphore_mem>>) src(%dma_wait3A_1933 : memref<50000x128xf32, #tpu.memory_space<hbm>>) dst(%dma_wait3A_1927 : memref<128x128xf32, #tpu.memory_space<vmem>>)
    %dma_wait3A_1934 = arith.constant 99 : i32
    %dma_wait3A_1935 = arith.constant 256 : i32
    %dma_wait3A_1936 = arith.constant 0 : i32
    %dma_wait3A_1937 = tpu.memref_slice %arg6[%dma_wait3A_1935, %dma_wait3A_1936] : memref<512x128xf32, #tpu.memory_space<vmem>> -> memref<128x128xf32, #tpu.memory_space<vmem>>
    %dma_wait3A_1938 = arith.constant 0 : i32
    %dma_wait3A_1939 = tpu.memref_slice %arg5[%dma_wait3A_1934, %dma_wait3A_1938] : memref<130x128xi32, #tpu.memory_space<vmem>> -> memref<1x128xi32, #tpu.memory_space<vmem>>
    %dma_wait3A_1940 = tpu.memref_squeeze %dma_wait3A_1939 : memref<1x128xi32, #tpu.memory_space<vmem>> -> memref<128xi32, #tpu.memory_space<vmem>>
    %dma_wait3A_1941 = arith.constant 0 : i32
    %dma_wait3A_1942 = arith.constant 0 : i32
    %dma_wait3A_1943 = tpu.memref_slice %arg3[%dma_wait3A_1941, %dma_wait3A_1942] : memref<50000x128xf32, #tpu.memory_space<hbm>> -> memref<50000x128xf32, #tpu.memory_space<hbm>>
    tpu.wait_indirect_dma semaphore(%arg8 : memref<!tpu.dma_semaphore, #tpu.memory_space<semaphore_mem>>) src(%dma_wait3A_1943 : memref<50000x128xf32, #tpu.memory_space<hbm>>) dst(%dma_wait3A_1937 : memref<128x128xf32, #tpu.memory_space<vmem>>)
    %dma_wait3A_1944 = arith.constant 112 : i32
    %dma_wait3A_1945 = arith.constant 256 : i32
    %dma_wait3A_1946 = arith.constant 0 : i32
    %dma_wait3A_1947 = tpu.memref_slice %arg6[%dma_wait3A_1945, %dma_wait3A_1946] : memref<512x128xf32, #tpu.memory_space<vmem>> -> memref<128x128xf32, #tpu.memory_space<vmem>>
    %dma_wait3A_1948 = arith.constant 0 : i32
    %dma_wait3A_1949 = tpu.memref_slice %arg5[%dma_wait3A_1944, %dma_wait3A_1948] : memref<130x128xi32, #tpu.memory_space<vmem>> -> memref<1x128xi32, #tpu.memory_space<vmem>>
    %dma_wait3A_1950 = tpu.memref_squeeze %dma_wait3A_1949 : memref<1x128xi32, #tpu.memory_space<vmem>> -> memref<128xi32, #tpu.memory_space<vmem>>
    %dma_wait3A_1951 = arith.constant 0 : i32
    %dma_wait3A_1952 = arith.constant 0 : i32
    %dma_wait3A_1953 = tpu.memref_slice %arg3[%dma_wait3A_1951, %dma_wait3A_1952] : memref<50000x128xf32, #tpu.memory_space<hbm>> -> memref<50000x128xf32, #tpu.memory_space<hbm>>
    tpu.wait_indirect_dma semaphore(%arg8 : memref<!tpu.dma_semaphore, #tpu.memory_space<semaphore_mem>>) src(%dma_wait3A_1953 : memref<50000x128xf32, #tpu.memory_space<hbm>>) dst(%dma_wait3A_1947 : memref<128x128xf32, #tpu.memory_space<vmem>>)
    %dma_wait3A_1954 = arith.constant 125 : i32
    %dma_wait3A_1955 = arith.constant 256 : i32
    %dma_wait3A_1956 = arith.constant 0 : i32
    %dma_wait3A_1957 = tpu.memref_slice %arg6[%dma_wait3A_1955, %dma_wait3A_1956] : memref<512x128xf32, #tpu.memory_space<vmem>> -> memref<128x128xf32, #tpu.memory_space<vmem>>
    %dma_wait3A_1958 = arith.constant 0 : i32
    %dma_wait3A_1959 = tpu.memref_slice %arg5[%dma_wait3A_1954, %dma_wait3A_1958] : memref<130x128xi32, #tpu.memory_space<vmem>> -> memref<1x128xi32, #tpu.memory_space<vmem>>
    %dma_wait3A_1960 = tpu.memref_squeeze %dma_wait3A_1959 : memref<1x128xi32, #tpu.memory_space<vmem>> -> memref<128xi32, #tpu.memory_space<vmem>>
    %dma_wait3A_1961 = arith.constant 0 : i32
    %dma_wait3A_1962 = arith.constant 0 : i32
    %dma_wait3A_1963 = tpu.memref_slice %arg3[%dma_wait3A_1961, %dma_wait3A_1962] : memref<50000x128xf32, #tpu.memory_space<hbm>> -> memref<50000x128xf32, #tpu.memory_space<hbm>>
    tpu.wait_indirect_dma semaphore(%arg8 : memref<!tpu.dma_semaphore, #tpu.memory_space<semaphore_mem>>) src(%dma_wait3A_1963 : memref<50000x128xf32, #tpu.memory_space<hbm>>) dst(%dma_wait3A_1957 : memref<128x128xf32, #tpu.memory_space<vmem>>)
    %dma_wait3A_1964 = arith.constant 9 : i32
    %dma_wait3A_1965 = arith.constant 384 : i32
    %dma_wait3A_1966 = arith.constant 0 : i32
    %dma_wait3A_1967 = tpu.memref_slice %arg6[%dma_wait3A_1965, %dma_wait3A_1966] : memref<512x128xf32, #tpu.memory_space<vmem>> -> memref<128x128xf32, #tpu.memory_space<vmem>>
    %dma_wait3A_1968 = arith.constant 0 : i32
    %dma_wait3A_1969 = tpu.memref_slice %arg5[%dma_wait3A_1964, %dma_wait3A_1968] : memref<130x128xi32, #tpu.memory_space<vmem>> -> memref<1x128xi32, #tpu.memory_space<vmem>>
    %dma_wait3A_1970 = tpu.memref_squeeze %dma_wait3A_1969 : memref<1x128xi32, #tpu.memory_space<vmem>> -> memref<128xi32, #tpu.memory_space<vmem>>
    %dma_wait3A_1971 = arith.constant 0 : i32
    %dma_wait3A_1972 = arith.constant 0 : i32
    %dma_wait3A_1973 = tpu.memref_slice %arg3[%dma_wait3A_1971, %dma_wait3A_1972] : memref<50000x128xf32, #tpu.memory_space<hbm>> -> memref<50000x128xf32, #tpu.memory_space<hbm>>
    tpu.wait_indirect_dma semaphore(%arg8 : memref<!tpu.dma_semaphore, #tpu.memory_space<semaphore_mem>>) src(%dma_wait3A_1973 : memref<50000x128xf32, #tpu.memory_space<hbm>>) dst(%dma_wait3A_1967 : memref<128x128xf32, #tpu.memory_space<vmem>>)
    %dma_wait3A_1974 = arith.constant 22 : i32
    %dma_wait3A_1975 = arith.constant 384 : i32
    %dma_wait3A_1976 = arith.constant 0 : i32
    %dma_wait3A_1977 = tpu.memref_slice %arg6[%dma_wait3A_1975, %dma_wait3A_1976] : memref<512x128xf32, #tpu.memory_space<vmem>> -> memref<128x128xf32, #tpu.memory_space<vmem>>
    %dma_wait3A_1978 = arith.constant 0 : i32
    %dma_wait3A_1979 = tpu.memref_slice %arg5[%dma_wait3A_1974, %dma_wait3A_1978] : memref<130x128xi32, #tpu.memory_space<vmem>> -> memref<1x128xi32, #tpu.memory_space<vmem>>
    %dma_wait3A_1980 = tpu.memref_squeeze %dma_wait3A_1979 : memref<1x128xi32, #tpu.memory_space<vmem>> -> memref<128xi32, #tpu.memory_space<vmem>>
    %dma_wait3A_1981 = arith.constant 0 : i32
    %dma_wait3A_1982 = arith.constant 0 : i32
    %dma_wait3A_1983 = tpu.memref_slice %arg3[%dma_wait3A_1981, %dma_wait3A_1982] : memref<50000x128xf32, #tpu.memory_space<hbm>> -> memref<50000x128xf32, #tpu.memory_space<hbm>>
    tpu.wait_indirect_dma semaphore(%arg8 : memref<!tpu.dma_semaphore, #tpu.memory_space<semaphore_mem>>) src(%dma_wait3A_1983 : memref<50000x128xf32, #tpu.memory_space<hbm>>) dst(%dma_wait3A_1977 : memref<128x128xf32, #tpu.memory_space<vmem>>)
    %dma_wait3A_1984 = arith.constant 35 : i32
    %dma_wait3A_1985 = arith.constant 384 : i32
    %dma_wait3A_1986 = arith.constant 0 : i32
    %dma_wait3A_1987 = tpu.memref_slice %arg6[%dma_wait3A_1985, %dma_wait3A_1986] : memref<512x128xf32, #tpu.memory_space<vmem>> -> memref<128x128xf32, #tpu.memory_space<vmem>>
    %dma_wait3A_1988 = arith.constant 0 : i32
    %dma_wait3A_1989 = tpu.memref_slice %arg5[%dma_wait3A_1984, %dma_wait3A_1988] : memref<130x128xi32, #tpu.memory_space<vmem>> -> memref<1x128xi32, #tpu.memory_space<vmem>>
    %dma_wait3A_1990 = tpu.memref_squeeze %dma_wait3A_1989 : memref<1x128xi32, #tpu.memory_space<vmem>> -> memref<128xi32, #tpu.memory_space<vmem>>
    %dma_wait3A_1991 = arith.constant 0 : i32
    %dma_wait3A_1992 = arith.constant 0 : i32
    %dma_wait3A_1993 = tpu.memref_slice %arg3[%dma_wait3A_1991, %dma_wait3A_1992] : memref<50000x128xf32, #tpu.memory_space<hbm>> -> memref<50000x128xf32, #tpu.memory_space<hbm>>
    tpu.wait_indirect_dma semaphore(%arg8 : memref<!tpu.dma_semaphore, #tpu.memory_space<semaphore_mem>>) src(%dma_wait3A_1993 : memref<50000x128xf32, #tpu.memory_space<hbm>>) dst(%dma_wait3A_1987 : memref<128x128xf32, #tpu.memory_space<vmem>>)
    %dma_wait3A_1994 = arith.constant 48 : i32
    %dma_wait3A_1995 = arith.constant 384 : i32
    %dma_wait3A_1996 = arith.constant 0 : i32
    %dma_wait3A_1997 = tpu.memref_slice %arg6[%dma_wait3A_1995, %dma_wait3A_1996] : memref<512x128xf32, #tpu.memory_space<vmem>> -> memref<128x128xf32, #tpu.memory_space<vmem>>
    %dma_wait3A_1998 = arith.constant 0 : i32
    %dma_wait3A_1999 = tpu.memref_slice %arg5[%dma_wait3A_1994, %dma_wait3A_1998] : memref<130x128xi32, #tpu.memory_space<vmem>> -> memref<1x128xi32, #tpu.memory_space<vmem>>
    %dma_wait3A_2000 = tpu.memref_squeeze %dma_wait3A_1999 : memref<1x128xi32, #tpu.memory_space<vmem>> -> memref<128xi32, #tpu.memory_space<vmem>>
    %dma_wait3A_2001 = arith.constant 0 : i32
    %dma_wait3A_2002 = arith.constant 0 : i32
    %dma_wait3A_2003 = tpu.memref_slice %arg3[%dma_wait3A_2001, %dma_wait3A_2002] : memref<50000x128xf32, #tpu.memory_space<hbm>> -> memref<50000x128xf32, #tpu.memory_space<hbm>>
    tpu.wait_indirect_dma semaphore(%arg8 : memref<!tpu.dma_semaphore, #tpu.memory_space<semaphore_mem>>) src(%dma_wait3A_2003 : memref<50000x128xf32, #tpu.memory_space<hbm>>) dst(%dma_wait3A_1997 : memref<128x128xf32, #tpu.memory_space<vmem>>)
    %dma_wait3A_2004 = arith.constant 61 : i32
    %dma_wait3A_2005 = arith.constant 384 : i32
    %dma_wait3A_2006 = arith.constant 0 : i32
    %dma_wait3A_2007 = tpu.memref_slice %arg6[%dma_wait3A_2005, %dma_wait3A_2006] : memref<512x128xf32, #tpu.memory_space<vmem>> -> memref<128x128xf32, #tpu.memory_space<vmem>>
    %dma_wait3A_2008 = arith.constant 0 : i32
    %dma_wait3A_2009 = tpu.memref_slice %arg5[%dma_wait3A_2004, %dma_wait3A_2008] : memref<130x128xi32, #tpu.memory_space<vmem>> -> memref<1x128xi32, #tpu.memory_space<vmem>>
    %dma_wait3A_2010 = tpu.memref_squeeze %dma_wait3A_2009 : memref<1x128xi32, #tpu.memory_space<vmem>> -> memref<128xi32, #tpu.memory_space<vmem>>
    %dma_wait3A_2011 = arith.constant 0 : i32
    %dma_wait3A_2012 = arith.constant 0 : i32
    %dma_wait3A_2013 = tpu.memref_slice %arg3[%dma_wait3A_2011, %dma_wait3A_2012] : memref<50000x128xf32, #tpu.memory_space<hbm>> -> memref<50000x128xf32, #tpu.memory_space<hbm>>
    tpu.wait_indirect_dma semaphore(%arg8 : memref<!tpu.dma_semaphore, #tpu.memory_space<semaphore_mem>>) src(%dma_wait3A_2013 : memref<50000x128xf32, #tpu.memory_space<hbm>>) dst(%dma_wait3A_2007 : memref<128x128xf32, #tpu.memory_space<vmem>>)
    %dma_wait3A_2014 = arith.constant 74 : i32
    %dma_wait3A_2015 = arith.constant 384 : i32
    %dma_wait3A_2016 = arith.constant 0 : i32
    %dma_wait3A_2017 = tpu.memref_slice %arg6[%dma_wait3A_2015, %dma_wait3A_2016] : memref<512x128xf32, #tpu.memory_space<vmem>> -> memref<128x128xf32, #tpu.memory_space<vmem>>
    %dma_wait3A_2018 = arith.constant 0 : i32
    %dma_wait3A_2019 = tpu.memref_slice %arg5[%dma_wait3A_2014, %dma_wait3A_2018] : memref<130x128xi32, #tpu.memory_space<vmem>> -> memref<1x128xi32, #tpu.memory_space<vmem>>
    %dma_wait3A_2020 = tpu.memref_squeeze %dma_wait3A_2019 : memref<1x128xi32, #tpu.memory_space<vmem>> -> memref<128xi32, #tpu.memory_space<vmem>>
    %dma_wait3A_2021 = arith.constant 0 : i32
    %dma_wait3A_2022 = arith.constant 0 : i32
    %dma_wait3A_2023 = tpu.memref_slice %arg3[%dma_wait3A_2021, %dma_wait3A_2022] : memref<50000x128xf32, #tpu.memory_space<hbm>> -> memref<50000x128xf32, #tpu.memory_space<hbm>>
    tpu.wait_indirect_dma semaphore(%arg8 : memref<!tpu.dma_semaphore, #tpu.memory_space<semaphore_mem>>) src(%dma_wait3A_2023 : memref<50000x128xf32, #tpu.memory_space<hbm>>) dst(%dma_wait3A_2017 : memref<128x128xf32, #tpu.memory_space<vmem>>)
    %dma_wait3A_2024 = arith.constant 87 : i32
    %dma_wait3A_2025 = arith.constant 384 : i32
    %dma_wait3A_2026 = arith.constant 0 : i32
    %dma_wait3A_2027 = tpu.memref_slice %arg6[%dma_wait3A_2025, %dma_wait3A_2026] : memref<512x128xf32, #tpu.memory_space<vmem>> -> memref<128x128xf32, #tpu.memory_space<vmem>>
    %dma_wait3A_2028 = arith.constant 0 : i32
    %dma_wait3A_2029 = tpu.memref_slice %arg5[%dma_wait3A_2024, %dma_wait3A_2028] : memref<130x128xi32, #tpu.memory_space<vmem>> -> memref<1x128xi32, #tpu.memory_space<vmem>>
    %dma_wait3A_2030 = tpu.memref_squeeze %dma_wait3A_2029 : memref<1x128xi32, #tpu.memory_space<vmem>> -> memref<128xi32, #tpu.memory_space<vmem>>
    %dma_wait3A_2031 = arith.constant 0 : i32
    %dma_wait3A_2032 = arith.constant 0 : i32
    %dma_wait3A_2033 = tpu.memref_slice %arg3[%dma_wait3A_2031, %dma_wait3A_2032] : memref<50000x128xf32, #tpu.memory_space<hbm>> -> memref<50000x128xf32, #tpu.memory_space<hbm>>
    tpu.wait_indirect_dma semaphore(%arg8 : memref<!tpu.dma_semaphore, #tpu.memory_space<semaphore_mem>>) src(%dma_wait3A_2033 : memref<50000x128xf32, #tpu.memory_space<hbm>>) dst(%dma_wait3A_2027 : memref<128x128xf32, #tpu.memory_space<vmem>>)
    %dma_wait3A_2034 = arith.constant 100 : i32
    %dma_wait3A_2035 = arith.constant 384 : i32
    %dma_wait3A_2036 = arith.constant 0 : i32
    %dma_wait3A_2037 = tpu.memref_slice %arg6[%dma_wait3A_2035, %dma_wait3A_2036] : memref<512x128xf32, #tpu.memory_space<vmem>> -> memref<128x128xf32, #tpu.memory_space<vmem>>
    %dma_wait3A_2038 = arith.constant 0 : i32
    %dma_wait3A_2039 = tpu.memref_slice %arg5[%dma_wait3A_2034, %dma_wait3A_2038] : memref<130x128xi32, #tpu.memory_space<vmem>> -> memref<1x128xi32, #tpu.memory_space<vmem>>
    %dma_wait3A_2040 = tpu.memref_squeeze %dma_wait3A_2039 : memref<1x128xi32, #tpu.memory_space<vmem>> -> memref<128xi32, #tpu.memory_space<vmem>>
    %dma_wait3A_2041 = arith.constant 0 : i32
    %dma_wait3A_2042 = arith.constant 0 : i32
    %dma_wait3A_2043 = tpu.memref_slice %arg3[%dma_wait3A_2041, %dma_wait3A_2042] : memref<50000x128xf32, #tpu.memory_space<hbm>> -> memref<50000x128xf32, #tpu.memory_space<hbm>>
    tpu.wait_indirect_dma semaphore(%arg8 : memref<!tpu.dma_semaphore, #tpu.memory_space<semaphore_mem>>) src(%dma_wait3A_2043 : memref<50000x128xf32, #tpu.memory_space<hbm>>) dst(%dma_wait3A_2037 : memref<128x128xf32, #tpu.memory_space<vmem>>)
    %dma_wait3A_2044 = arith.constant 113 : i32
    %dma_wait3A_2045 = arith.constant 384 : i32
    %dma_wait3A_2046 = arith.constant 0 : i32
    %dma_wait3A_2047 = tpu.memref_slice %arg6[%dma_wait3A_2045, %dma_wait3A_2046] : memref<512x128xf32, #tpu.memory_space<vmem>> -> memref<128x128xf32, #tpu.memory_space<vmem>>
    %dma_wait3A_2048 = arith.constant 0 : i32
    %dma_wait3A_2049 = tpu.memref_slice %arg5[%dma_wait3A_2044, %dma_wait3A_2048] : memref<130x128xi32, #tpu.memory_space<vmem>> -> memref<1x128xi32, #tpu.memory_space<vmem>>
    %dma_wait3A_2050 = tpu.memref_squeeze %dma_wait3A_2049 : memref<1x128xi32, #tpu.memory_space<vmem>> -> memref<128xi32, #tpu.memory_space<vmem>>
    %dma_wait3A_2051 = arith.constant 0 : i32
    %dma_wait3A_2052 = arith.constant 0 : i32
    %dma_wait3A_2053 = tpu.memref_slice %arg3[%dma_wait3A_2051, %dma_wait3A_2052] : memref<50000x128xf32, #tpu.memory_space<hbm>> -> memref<50000x128xf32, #tpu.memory_space<hbm>>
    tpu.wait_indirect_dma semaphore(%arg8 : memref<!tpu.dma_semaphore, #tpu.memory_space<semaphore_mem>>) src(%dma_wait3A_2053 : memref<50000x128xf32, #tpu.memory_space<hbm>>) dst(%dma_wait3A_2047 : memref<128x128xf32, #tpu.memory_space<vmem>>)
    %dma_wait3A_2054 = arith.constant 126 : i32
    %dma_wait3A_2055 = arith.constant 384 : i32
    %dma_wait3A_2056 = arith.constant 0 : i32
    %dma_wait3A_2057 = tpu.memref_slice %arg6[%dma_wait3A_2055, %dma_wait3A_2056] : memref<512x128xf32, #tpu.memory_space<vmem>> -> memref<128x128xf32, #tpu.memory_space<vmem>>
    %dma_wait3A_2058 = arith.constant 0 : i32
    %dma_wait3A_2059 = tpu.memref_slice %arg5[%dma_wait3A_2054, %dma_wait3A_2058] : memref<130x128xi32, #tpu.memory_space<vmem>> -> memref<1x128xi32, #tpu.memory_space<vmem>>
    %dma_wait3A_2060 = tpu.memref_squeeze %dma_wait3A_2059 : memref<1x128xi32, #tpu.memory_space<vmem>> -> memref<128xi32, #tpu.memory_space<vmem>>
    %dma_wait3A_2061 = arith.constant 0 : i32
    %dma_wait3A_2062 = arith.constant 0 : i32
    %dma_wait3A_2063 = tpu.memref_slice %arg3[%dma_wait3A_2061, %dma_wait3A_2062] : memref<50000x128xf32, #tpu.memory_space<hbm>> -> memref<50000x128xf32, #tpu.memory_space<hbm>>
    tpu.wait_indirect_dma semaphore(%arg8 : memref<!tpu.dma_semaphore, #tpu.memory_space<semaphore_mem>>) src(%dma_wait3A_2063 : memref<50000x128xf32, #tpu.memory_space<hbm>>) dst(%dma_wait3A_2057 : memref<128x128xf32, #tpu.memory_space<vmem>>)
    %add3A_2064 = arith.constant 6 : i32
    %add3A_2065 = arith.addi %mul3A_2, %add3A_2064 : i32
    %mul3A_2066 = arith.constant 128 : i32
    %mul3A_2067 = arith.muli %add3A_2065, %mul3A_2066 : i32
    %dma_start3A_2068 = arith.constant 0 : i32
    %dma_start3A_2069 = arith.constant 0 : i32
    %dma_start3A_2070 = tpu.memref_slice %arg6[%dma_start3A_2068, %dma_start3A_2069] : memref<512x128xf32, #tpu.memory_space<vmem>> -> memref<512x128xf32, #tpu.memory_space<vmem>>
    %dma_start3A_2071 = arith.constant 0 : i32
    %dma_start3A_2072 = tpu.memref_slice %arg4[%mul3A_2067, %dma_start3A_2071] : memref<53248x128xf32, #tpu.memory_space<hbm>> -> memref<512x128xf32, #tpu.memory_space<hbm>>
    %dma_start3A_2073 = arith.constant 0 : i32
    %dma_start3A_2074 = tpu.memref_slice %arg4[%mul3A_2067, %dma_start3A_2073] : memref<53248x128xf32, #tpu.memory_space<hbm>> -> memref<512x128xf32, #tpu.memory_space<hbm>>
    %dma_start3A_2075 = arith.constant 0 : i32
    %dma_start3A_2076 = arith.constant 0 : i32
    %dma_start3A_2077 = tpu.memref_slice %arg6[%dma_start3A_2075, %dma_start3A_2076] : memref<512x128xf32, #tpu.memory_space<vmem>> -> memref<512x128xf32, #tpu.memory_space<vmem>>
    tpu.enqueue_dma source(%dma_start3A_2077 : memref<512x128xf32, #tpu.memory_space<vmem>>) target(%dma_start3A_2074 : memref<512x128xf32, #tpu.memory_space<hbm>>) target_semaphore(%arg10 : memref<!tpu.dma_semaphore, #tpu.memory_space<semaphore_mem>>)
    %dma_wait3A_2078 = arith.constant 0 : i32
    %dma_wait3A_2079 = arith.constant 0 : i32
    %dma_wait3A_2080 = tpu.memref_slice %arg7[%dma_wait3A_2078, %dma_wait3A_2079] : memref<256x128xf32, #tpu.memory_space<vmem>> -> memref<256x128xf32, #tpu.memory_space<vmem>>
    %dma_wait3A_2081 = arith.constant 0 : i32
    %dma_wait3A_2082 = tpu.memref_slice %arg4[%mul3A_1234, %dma_wait3A_2081] : memref<53248x128xf32, #tpu.memory_space<hbm>> -> memref<256x128xf32, #tpu.memory_space<hbm>>
    %dma_wait3A_2083 = arith.constant 0 : i32
    %dma_wait3A_2084 = tpu.memref_slice %arg4[%mul3A_1234, %dma_wait3A_2083] : memref<53248x128xf32, #tpu.memory_space<hbm>> -> memref<256x128xf32, #tpu.memory_space<hbm>>
    %dma_wait3A_2085 = arith.constant 0 : i32
    %dma_wait3A_2086 = arith.constant 0 : i32
    %dma_wait3A_2087 = tpu.memref_slice %arg7[%dma_wait3A_2085, %dma_wait3A_2086] : memref<256x128xf32, #tpu.memory_space<vmem>> -> memref<256x128xf32, #tpu.memory_space<vmem>>
    tpu.wait_dma2 semaphore(%arg11 : memref<!tpu.dma_semaphore, #tpu.memory_space<semaphore_mem>>) src(%dma_wait3A_2087 : memref<256x128xf32, #tpu.memory_space<vmem>>) dst(%dma_wait3A_2084 : memref<256x128xf32, #tpu.memory_space<hbm>>)
    %broadcast_in_dim3A_2088 = arith.constant 0.000000e+00 : f32
    %broadcast_in_dim3A_2089 = vector.broadcast %broadcast_in_dim3A_2088 : f32 to vector<16xf32>
    %scan3A_2090 = arith.constant 0 : i32
    %scan3A_2091 = arith.constant 0 : i32
    %scan3A_2092 = arith.constant 256 : i32
    %scan3A_2093 = arith.addi %scan3A_2091, %scan3A_2092 : i32
    %scan3A_2094 = arith.constant 1 : i32
    %scan3A_2095 = scf.for %scan3A_2764 = %scan3A_2091 to %scan3A_2093 step %scan3A_2094 iter_args(%scan3A_2765 = %scan3A_2090) -> (i32)  : i32 {
      %swap3A = arith.index_cast %scan3A_2764 : i32 to index
      %swap3A_2766 = arith.constant 0 : index
      %swap3A_2767 = tpu.vector_load %arg7[%swap3A, %swap3A_2766] {strides = array<i32>} : memref<256x128xf32, #tpu.memory_space<vmem>>, vector<1x16xf32>,
      %swap3A_2768 = vector.shape_cast %swap3A_2767 : vector<1x16xf32> to vector<16xf32>
      %swap3A_2769 = vector.shape_cast %broadcast_in_dim3A_2089 : vector<16xf32> to vector<1x16xf32>
      tpu.vector_store %arg7[%swap3A, %swap3A_2766], %swap3A_2769 {strides = array<i32>} : memref<256x128xf32, #tpu.memory_space<vmem>>, vector<1x16xf32>,
      %swap3A_2770 = arith.index_cast %scan3A_2764 : i32 to index
      %swap3A_2771 = arith.constant 16 : index
      %swap3A_2772 = tpu.vector_load %arg7[%swap3A_2770, %swap3A_2771] {strides = array<i32>} : memref<256x128xf32, #tpu.memory_space<vmem>>, vector<1x16xf32>,
      %swap3A_2773 = vector.shape_cast %swap3A_2772 : vector<1x16xf32> to vector<16xf32>
      %swap3A_2774 = vector.shape_cast %broadcast_in_dim3A_2089 : vector<16xf32> to vector<1x16xf32>
      tpu.vector_store %arg7[%swap3A_2770, %swap3A_2771], %swap3A_2774 {strides = array<i32>} : memref<256x128xf32, #tpu.memory_space<vmem>>, vector<1x16xf32>,
      %swap3A_2775 = arith.index_cast %scan3A_2764 : i32 to index
      %swap3A_2776 = arith.constant 32 : index
      %swap3A_2777 = tpu.vector_load %arg7[%swap3A_2775, %swap3A_2776] {strides = array<i32>} : memref<256x128xf32, #tpu.memory_space<vmem>>, vector<1x16xf32>,
      %swap3A_2778 = vector.shape_cast %swap3A_2777 : vector<1x16xf32> to vector<16xf32>
      %swap3A_2779 = vector.shape_cast %broadcast_in_dim3A_2089 : vector<16xf32> to vector<1x16xf32>
      tpu.vector_store %arg7[%swap3A_2775, %swap3A_2776], %swap3A_2779 {strides = array<i32>} : memref<256x128xf32, #tpu.memory_space<vmem>>, vector<1x16xf32>,
      %swap3A_2780 = arith.index_cast %scan3A_2764 : i32 to index
      %swap3A_2781 = arith.constant 48 : index
      %swap3A_2782 = tpu.vector_load %arg7[%swap3A_2780, %swap3A_2781] {strides = array<i32>} : memref<256x128xf32, #tpu.memory_space<vmem>>, vector<1x16xf32>,
      %swap3A_2783 = vector.shape_cast %swap3A_2782 : vector<1x16xf32> to vector<16xf32>
      %swap3A_2784 = vector.shape_cast %broadcast_in_dim3A_2089 : vector<16xf32> to vector<1x16xf32>
      tpu.vector_store %arg7[%swap3A_2780, %swap3A_2781], %swap3A_2784 {strides = array<i32>} : memref<256x128xf32, #tpu.memory_space<vmem>>, vector<1x16xf32>,
      %swap3A_2785 = arith.index_cast %scan3A_2764 : i32 to index
      %swap3A_2786 = arith.constant 64 : index
      %swap3A_2787 = tpu.vector_load %arg7[%swap3A_2785, %swap3A_2786] {strides = array<i32>} : memref<256x128xf32, #tpu.memory_space<vmem>>, vector<1x16xf32>,
      %swap3A_2788 = vector.shape_cast %swap3A_2787 : vector<1x16xf32> to vector<16xf32>
      %swap3A_2789 = vector.shape_cast %broadcast_in_dim3A_2089 : vector<16xf32> to vector<1x16xf32>
      tpu.vector_store %arg7[%swap3A_2785, %swap3A_2786], %swap3A_2789 {strides = array<i32>} : memref<256x128xf32, #tpu.memory_space<vmem>>, vector<1x16xf32>,
      %swap3A_2790 = arith.index_cast %scan3A_2764 : i32 to index
      %swap3A_2791 = arith.constant 80 : index
      %swap3A_2792 = tpu.vector_load %arg7[%swap3A_2790, %swap3A_2791] {strides = array<i32>} : memref<256x128xf32, #tpu.memory_space<vmem>>, vector<1x16xf32>,
      %swap3A_2793 = vector.shape_cast %swap3A_2792 : vector<1x16xf32> to vector<16xf32>
      %swap3A_2794 = vector.shape_cast %broadcast_in_dim3A_2089 : vector<16xf32> to vector<1x16xf32>
      tpu.vector_store %arg7[%swap3A_2790, %swap3A_2791], %swap3A_2794 {strides = array<i32>} : memref<256x128xf32, #tpu.memory_space<vmem>>, vector<1x16xf32>,
      %swap3A_2795 = arith.index_cast %scan3A_2764 : i32 to index
      %swap3A_2796 = arith.constant 96 : index
      %swap3A_2797 = tpu.vector_load %arg7[%swap3A_2795, %swap3A_2796] {strides = array<i32>} : memref<256x128xf32, #tpu.memory_space<vmem>>, vector<1x16xf32>,
      %swap3A_2798 = vector.shape_cast %swap3A_2797 : vector<1x16xf32> to vector<16xf32>
      %swap3A_2799 = vector.shape_cast %broadcast_in_dim3A_2089 : vector<16xf32> to vector<1x16xf32>
      tpu.vector_store %arg7[%swap3A_2795, %swap3A_2796], %swap3A_2799 {strides = array<i32>} : memref<256x128xf32, #tpu.memory_space<vmem>>, vector<1x16xf32>,
      %swap3A_2800 = arith.index_cast %scan3A_2764 : i32 to index
      %swap3A_2801 = arith.constant 112 : index
      %swap3A_2802 = tpu.vector_load %arg7[%swap3A_2800, %swap3A_2801] {strides = array<i32>} : memref<256x128xf32, #tpu.memory_space<vmem>>, vector<1x16xf32>,
      %swap3A_2803 = vector.shape_cast %swap3A_2802 : vector<1x16xf32> to vector<16xf32>
      %swap3A_2804 = vector.shape_cast %broadcast_in_dim3A_2089 : vector<16xf32> to vector<1x16xf32>
      tpu.vector_store %arg7[%swap3A_2800, %swap3A_2801], %swap3A_2804 {strides = array<i32>} : memref<256x128xf32, #tpu.memory_space<vmem>>, vector<1x16xf32>,
      %scan3A_2805 = arith.constant 0 : i32
      scf.yield %scan3A_2805 : i32
    }
    %scan3A_2096 = arith.constant 256 : i32
    %dma_start3A_2097 = arith.constant 10 : i32
    %dma_start3A_2098 = arith.constant 0 : i32
    %dma_start3A_2099 = arith.constant 0 : i32
    %dma_start3A_2100 = tpu.memref_slice %arg7[%dma_start3A_2098, %dma_start3A_2099] : memref<256x128xf32, #tpu.memory_space<vmem>> -> memref<128x128xf32, #tpu.memory_space<vmem>>
    %dma_start3A_2101 = arith.constant 0 : i32
    %dma_start3A_2102 = tpu.memref_slice %arg5[%dma_start3A_2097, %dma_start3A_2101] : memref<130x128xi32, #tpu.memory_space<vmem>> -> memref<1x128xi32, #tpu.memory_space<vmem>>
    %dma_start3A_2103 = tpu.memref_squeeze %dma_start3A_2102 : memref<1x128xi32, #tpu.memory_space<vmem>> -> memref<128xi32, #tpu.memory_space<vmem>>
    %dma_start3A_2104 = arith.constant 0 : i32
    %dma_start3A_2105 = arith.constant 0 : i32
    %dma_start3A_2106 = tpu.memref_slice %arg3[%dma_start3A_2104, %dma_start3A_2105] : memref<50000x128xf32, #tpu.memory_space<hbm>> -> memref<50000x128xf32, #tpu.memory_space<hbm>>
    tpu.enqueue_indirect_dma source(%dma_start3A_2106 : memref<50000x128xf32, #tpu.memory_space<hbm>>) target(%dma_start3A_2100 : memref<128x128xf32, #tpu.memory_space<vmem>>) offsets(%dma_start3A_2103 : memref<128xi32, #tpu.memory_space<vmem>>) semaphore(%arg9 : memref<!tpu.dma_semaphore, #tpu.memory_space<semaphore_mem>>) {add = true}
    %dma_start3A_2107 = arith.constant 23 : i32
    %dma_start3A_2108 = arith.constant 0 : i32
    %dma_start3A_2109 = arith.constant 0 : i32
    %dma_start3A_2110 = tpu.memref_slice %arg7[%dma_start3A_2108, %dma_start3A_2109] : memref<256x128xf32, #tpu.memory_space<vmem>> -> memref<128x128xf32, #tpu.memory_space<vmem>>
    %dma_start3A_2111 = arith.constant 0 : i32
    %dma_start3A_2112 = tpu.memref_slice %arg5[%dma_start3A_2107, %dma_start3A_2111] : memref<130x128xi32, #tpu.memory_space<vmem>> -> memref<1x128xi32, #tpu.memory_space<vmem>>
    %dma_start3A_2113 = tpu.memref_squeeze %dma_start3A_2112 : memref<1x128xi32, #tpu.memory_space<vmem>> -> memref<128xi32, #tpu.memory_space<vmem>>
    %dma_start3A_2114 = arith.constant 0 : i32
    %dma_start3A_2115 = arith.constant 0 : i32
    %dma_start3A_2116 = tpu.memref_slice %arg3[%dma_start3A_2114, %dma_start3A_2115] : memref<50000x128xf32, #tpu.memory_space<hbm>> -> memref<50000x128xf32, #tpu.memory_space<hbm>>
    tpu.enqueue_indirect_dma source(%dma_start3A_2116 : memref<50000x128xf32, #tpu.memory_space<hbm>>) target(%dma_start3A_2110 : memref<128x128xf32, #tpu.memory_space<vmem>>) offsets(%dma_start3A_2113 : memref<128xi32, #tpu.memory_space<vmem>>) semaphore(%arg9 : memref<!tpu.dma_semaphore, #tpu.memory_space<semaphore_mem>>) {add = true}
    %dma_start3A_2117 = arith.constant 36 : i32
    %dma_start3A_2118 = arith.constant 0 : i32
    %dma_start3A_2119 = arith.constant 0 : i32
    %dma_start3A_2120 = tpu.memref_slice %arg7[%dma_start3A_2118, %dma_start3A_2119] : memref<256x128xf32, #tpu.memory_space<vmem>> -> memref<128x128xf32, #tpu.memory_space<vmem>>
    %dma_start3A_2121 = arith.constant 0 : i32
    %dma_start3A_2122 = tpu.memref_slice %arg5[%dma_start3A_2117, %dma_start3A_2121] : memref<130x128xi32, #tpu.memory_space<vmem>> -> memref<1x128xi32, #tpu.memory_space<vmem>>
    %dma_start3A_2123 = tpu.memref_squeeze %dma_start3A_2122 : memref<1x128xi32, #tpu.memory_space<vmem>> -> memref<128xi32, #tpu.memory_space<vmem>>
    %dma_start3A_2124 = arith.constant 0 : i32
    %dma_start3A_2125 = arith.constant 0 : i32
    %dma_start3A_2126 = tpu.memref_slice %arg3[%dma_start3A_2124, %dma_start3A_2125] : memref<50000x128xf32, #tpu.memory_space<hbm>> -> memref<50000x128xf32, #tpu.memory_space<hbm>>
    tpu.enqueue_indirect_dma source(%dma_start3A_2126 : memref<50000x128xf32, #tpu.memory_space<hbm>>) target(%dma_start3A_2120 : memref<128x128xf32, #tpu.memory_space<vmem>>) offsets(%dma_start3A_2123 : memref<128xi32, #tpu.memory_space<vmem>>) semaphore(%arg9 : memref<!tpu.dma_semaphore, #tpu.memory_space<semaphore_mem>>) {add = true}
    %dma_start3A_2127 = arith.constant 49 : i32
    %dma_start3A_2128 = arith.constant 0 : i32
    %dma_start3A_2129 = arith.constant 0 : i32
    %dma_start3A_2130 = tpu.memref_slice %arg7[%dma_start3A_2128, %dma_start3A_2129] : memref<256x128xf32, #tpu.memory_space<vmem>> -> memref<128x128xf32, #tpu.memory_space<vmem>>
    %dma_start3A_2131 = arith.constant 0 : i32
    %dma_start3A_2132 = tpu.memref_slice %arg5[%dma_start3A_2127, %dma_start3A_2131] : memref<130x128xi32, #tpu.memory_space<vmem>> -> memref<1x128xi32, #tpu.memory_space<vmem>>
    %dma_start3A_2133 = tpu.memref_squeeze %dma_start3A_2132 : memref<1x128xi32, #tpu.memory_space<vmem>> -> memref<128xi32, #tpu.memory_space<vmem>>
    %dma_start3A_2134 = arith.constant 0 : i32
    %dma_start3A_2135 = arith.constant 0 : i32
    %dma_start3A_2136 = tpu.memref_slice %arg3[%dma_start3A_2134, %dma_start3A_2135] : memref<50000x128xf32, #tpu.memory_space<hbm>> -> memref<50000x128xf32, #tpu.memory_space<hbm>>
    tpu.enqueue_indirect_dma source(%dma_start3A_2136 : memref<50000x128xf32, #tpu.memory_space<hbm>>) target(%dma_start3A_2130 : memref<128x128xf32, #tpu.memory_space<vmem>>) offsets(%dma_start3A_2133 : memref<128xi32, #tpu.memory_space<vmem>>) semaphore(%arg9 : memref<!tpu.dma_semaphore, #tpu.memory_space<semaphore_mem>>) {add = true}
    %dma_start3A_2137 = arith.constant 62 : i32
    %dma_start3A_2138 = arith.constant 0 : i32
    %dma_start3A_2139 = arith.constant 0 : i32
    %dma_start3A_2140 = tpu.memref_slice %arg7[%dma_start3A_2138, %dma_start3A_2139] : memref<256x128xf32, #tpu.memory_space<vmem>> -> memref<128x128xf32, #tpu.memory_space<vmem>>
    %dma_start3A_2141 = arith.constant 0 : i32
    %dma_start3A_2142 = tpu.memref_slice %arg5[%dma_start3A_2137, %dma_start3A_2141] : memref<130x128xi32, #tpu.memory_space<vmem>> -> memref<1x128xi32, #tpu.memory_space<vmem>>
    %dma_start3A_2143 = tpu.memref_squeeze %dma_start3A_2142 : memref<1x128xi32, #tpu.memory_space<vmem>> -> memref<128xi32, #tpu.memory_space<vmem>>
    %dma_start3A_2144 = arith.constant 0 : i32
    %dma_start3A_2145 = arith.constant 0 : i32
    %dma_start3A_2146 = tpu.memref_slice %arg3[%dma_start3A_2144, %dma_start3A_2145] : memref<50000x128xf32, #tpu.memory_space<hbm>> -> memref<50000x128xf32, #tpu.memory_space<hbm>>
    tpu.enqueue_indirect_dma source(%dma_start3A_2146 : memref<50000x128xf32, #tpu.memory_space<hbm>>) target(%dma_start3A_2140 : memref<128x128xf32, #tpu.memory_space<vmem>>) offsets(%dma_start3A_2143 : memref<128xi32, #tpu.memory_space<vmem>>) semaphore(%arg9 : memref<!tpu.dma_semaphore, #tpu.memory_space<semaphore_mem>>) {add = true}
    %dma_start3A_2147 = arith.constant 75 : i32
    %dma_start3A_2148 = arith.constant 0 : i32
    %dma_start3A_2149 = arith.constant 0 : i32
    %dma_start3A_2150 = tpu.memref_slice %arg7[%dma_start3A_2148, %dma_start3A_2149] : memref<256x128xf32, #tpu.memory_space<vmem>> -> memref<128x128xf32, #tpu.memory_space<vmem>>
    %dma_start3A_2151 = arith.constant 0 : i32
    %dma_start3A_2152 = tpu.memref_slice %arg5[%dma_start3A_2147, %dma_start3A_2151] : memref<130x128xi32, #tpu.memory_space<vmem>> -> memref<1x128xi32, #tpu.memory_space<vmem>>
    %dma_start3A_2153 = tpu.memref_squeeze %dma_start3A_2152 : memref<1x128xi32, #tpu.memory_space<vmem>> -> memref<128xi32, #tpu.memory_space<vmem>>
    %dma_start3A_2154 = arith.constant 0 : i32
    %dma_start3A_2155 = arith.constant 0 : i32
    %dma_start3A_2156 = tpu.memref_slice %arg3[%dma_start3A_2154, %dma_start3A_2155] : memref<50000x128xf32, #tpu.memory_space<hbm>> -> memref<50000x128xf32, #tpu.memory_space<hbm>>
    tpu.enqueue_indirect_dma source(%dma_start3A_2156 : memref<50000x128xf32, #tpu.memory_space<hbm>>) target(%dma_start3A_2150 : memref<128x128xf32, #tpu.memory_space<vmem>>) offsets(%dma_start3A_2153 : memref<128xi32, #tpu.memory_space<vmem>>) semaphore(%arg9 : memref<!tpu.dma_semaphore, #tpu.memory_space<semaphore_mem>>) {add = true}
    %dma_start3A_2157 = arith.constant 88 : i32
    %dma_start3A_2158 = arith.constant 0 : i32
    %dma_start3A_2159 = arith.constant 0 : i32
    %dma_start3A_2160 = tpu.memref_slice %arg7[%dma_start3A_2158, %dma_start3A_2159] : memref<256x128xf32, #tpu.memory_space<vmem>> -> memref<128x128xf32, #tpu.memory_space<vmem>>
    %dma_start3A_2161 = arith.constant 0 : i32
    %dma_start3A_2162 = tpu.memref_slice %arg5[%dma_start3A_2157, %dma_start3A_2161] : memref<130x128xi32, #tpu.memory_space<vmem>> -> memref<1x128xi32, #tpu.memory_space<vmem>>
    %dma_start3A_2163 = tpu.memref_squeeze %dma_start3A_2162 : memref<1x128xi32, #tpu.memory_space<vmem>> -> memref<128xi32, #tpu.memory_space<vmem>>
    %dma_start3A_2164 = arith.constant 0 : i32
    %dma_start3A_2165 = arith.constant 0 : i32
    %dma_start3A_2166 = tpu.memref_slice %arg3[%dma_start3A_2164, %dma_start3A_2165] : memref<50000x128xf32, #tpu.memory_space<hbm>> -> memref<50000x128xf32, #tpu.memory_space<hbm>>
    tpu.enqueue_indirect_dma source(%dma_start3A_2166 : memref<50000x128xf32, #tpu.memory_space<hbm>>) target(%dma_start3A_2160 : memref<128x128xf32, #tpu.memory_space<vmem>>) offsets(%dma_start3A_2163 : memref<128xi32, #tpu.memory_space<vmem>>) semaphore(%arg9 : memref<!tpu.dma_semaphore, #tpu.memory_space<semaphore_mem>>) {add = true}
    %dma_start3A_2167 = arith.constant 101 : i32
    %dma_start3A_2168 = arith.constant 0 : i32
    %dma_start3A_2169 = arith.constant 0 : i32
    %dma_start3A_2170 = tpu.memref_slice %arg7[%dma_start3A_2168, %dma_start3A_2169] : memref<256x128xf32, #tpu.memory_space<vmem>> -> memref<128x128xf32, #tpu.memory_space<vmem>>
    %dma_start3A_2171 = arith.constant 0 : i32
    %dma_start3A_2172 = tpu.memref_slice %arg5[%dma_start3A_2167, %dma_start3A_2171] : memref<130x128xi32, #tpu.memory_space<vmem>> -> memref<1x128xi32, #tpu.memory_space<vmem>>
    %dma_start3A_2173 = tpu.memref_squeeze %dma_start3A_2172 : memref<1x128xi32, #tpu.memory_space<vmem>> -> memref<128xi32, #tpu.memory_space<vmem>>
    %dma_start3A_2174 = arith.constant 0 : i32
    %dma_start3A_2175 = arith.constant 0 : i32
    %dma_start3A_2176 = tpu.memref_slice %arg3[%dma_start3A_2174, %dma_start3A_2175] : memref<50000x128xf32, #tpu.memory_space<hbm>> -> memref<50000x128xf32, #tpu.memory_space<hbm>>
    tpu.enqueue_indirect_dma source(%dma_start3A_2176 : memref<50000x128xf32, #tpu.memory_space<hbm>>) target(%dma_start3A_2170 : memref<128x128xf32, #tpu.memory_space<vmem>>) offsets(%dma_start3A_2173 : memref<128xi32, #tpu.memory_space<vmem>>) semaphore(%arg9 : memref<!tpu.dma_semaphore, #tpu.memory_space<semaphore_mem>>) {add = true}
    %dma_start3A_2177 = arith.constant 114 : i32
    %dma_start3A_2178 = arith.constant 0 : i32
    %dma_start3A_2179 = arith.constant 0 : i32
    %dma_start3A_2180 = tpu.memref_slice %arg7[%dma_start3A_2178, %dma_start3A_2179] : memref<256x128xf32, #tpu.memory_space<vmem>> -> memref<128x128xf32, #tpu.memory_space<vmem>>
    %dma_start3A_2181 = arith.constant 0 : i32
    %dma_start3A_2182 = tpu.memref_slice %arg5[%dma_start3A_2177, %dma_start3A_2181] : memref<130x128xi32, #tpu.memory_space<vmem>> -> memref<1x128xi32, #tpu.memory_space<vmem>>
    %dma_start3A_2183 = tpu.memref_squeeze %dma_start3A_2182 : memref<1x128xi32, #tpu.memory_space<vmem>> -> memref<128xi32, #tpu.memory_space<vmem>>
    %dma_start3A_2184 = arith.constant 0 : i32
    %dma_start3A_2185 = arith.constant 0 : i32
    %dma_start3A_2186 = tpu.memref_slice %arg3[%dma_start3A_2184, %dma_start3A_2185] : memref<50000x128xf32, #tpu.memory_space<hbm>> -> memref<50000x128xf32, #tpu.memory_space<hbm>>
    tpu.enqueue_indirect_dma source(%dma_start3A_2186 : memref<50000x128xf32, #tpu.memory_space<hbm>>) target(%dma_start3A_2180 : memref<128x128xf32, #tpu.memory_space<vmem>>) offsets(%dma_start3A_2183 : memref<128xi32, #tpu.memory_space<vmem>>) semaphore(%arg9 : memref<!tpu.dma_semaphore, #tpu.memory_space<semaphore_mem>>) {add = true}
    %dma_start3A_2187 = arith.constant 127 : i32
    %dma_start3A_2188 = arith.constant 0 : i32
    %dma_start3A_2189 = arith.constant 0 : i32
    %dma_start3A_2190 = tpu.memref_slice %arg7[%dma_start3A_2188, %dma_start3A_2189] : memref<256x128xf32, #tpu.memory_space<vmem>> -> memref<128x128xf32, #tpu.memory_space<vmem>>
    %dma_start3A_2191 = arith.constant 0 : i32
    %dma_start3A_2192 = tpu.memref_slice %arg5[%dma_start3A_2187, %dma_start3A_2191] : memref<130x128xi32, #tpu.memory_space<vmem>> -> memref<1x128xi32, #tpu.memory_space<vmem>>
    %dma_start3A_2193 = tpu.memref_squeeze %dma_start3A_2192 : memref<1x128xi32, #tpu.memory_space<vmem>> -> memref<128xi32, #tpu.memory_space<vmem>>
    %dma_start3A_2194 = arith.constant 0 : i32
    %dma_start3A_2195 = arith.constant 0 : i32
    %dma_start3A_2196 = tpu.memref_slice %arg3[%dma_start3A_2194, %dma_start3A_2195] : memref<50000x128xf32, #tpu.memory_space<hbm>> -> memref<50000x128xf32, #tpu.memory_space<hbm>>
    tpu.enqueue_indirect_dma source(%dma_start3A_2196 : memref<50000x128xf32, #tpu.memory_space<hbm>>) target(%dma_start3A_2190 : memref<128x128xf32, #tpu.memory_space<vmem>>) offsets(%dma_start3A_2193 : memref<128xi32, #tpu.memory_space<vmem>>) semaphore(%arg9 : memref<!tpu.dma_semaphore, #tpu.memory_space<semaphore_mem>>) {add = true}
    %dma_start3A_2197 = arith.constant 11 : i32
    %dma_start3A_2198 = arith.constant 128 : i32
    %dma_start3A_2199 = arith.constant 0 : i32
    %dma_start3A_2200 = tpu.memref_slice %arg7[%dma_start3A_2198, %dma_start3A_2199] : memref<256x128xf32, #tpu.memory_space<vmem>> -> memref<128x128xf32, #tpu.memory_space<vmem>>
    %dma_start3A_2201 = arith.constant 0 : i32
    %dma_start3A_2202 = tpu.memref_slice %arg5[%dma_start3A_2197, %dma_start3A_2201] : memref<130x128xi32, #tpu.memory_space<vmem>> -> memref<1x128xi32, #tpu.memory_space<vmem>>
    %dma_start3A_2203 = tpu.memref_squeeze %dma_start3A_2202 : memref<1x128xi32, #tpu.memory_space<vmem>> -> memref<128xi32, #tpu.memory_space<vmem>>
    %dma_start3A_2204 = arith.constant 0 : i32
    %dma_start3A_2205 = arith.constant 0 : i32
    %dma_start3A_2206 = tpu.memref_slice %arg3[%dma_start3A_2204, %dma_start3A_2205] : memref<50000x128xf32, #tpu.memory_space<hbm>> -> memref<50000x128xf32, #tpu.memory_space<hbm>>
    tpu.enqueue_indirect_dma source(%dma_start3A_2206 : memref<50000x128xf32, #tpu.memory_space<hbm>>) target(%dma_start3A_2200 : memref<128x128xf32, #tpu.memory_space<vmem>>) offsets(%dma_start3A_2203 : memref<128xi32, #tpu.memory_space<vmem>>) semaphore(%arg9 : memref<!tpu.dma_semaphore, #tpu.memory_space<semaphore_mem>>) {add = true}
    %dma_start3A_2207 = arith.constant 24 : i32
    %dma_start3A_2208 = arith.constant 128 : i32
    %dma_start3A_2209 = arith.constant 0 : i32
    %dma_start3A_2210 = tpu.memref_slice %arg7[%dma_start3A_2208, %dma_start3A_2209] : memref<256x128xf32, #tpu.memory_space<vmem>> -> memref<128x128xf32, #tpu.memory_space<vmem>>
    %dma_start3A_2211 = arith.constant 0 : i32
    %dma_start3A_2212 = tpu.memref_slice %arg5[%dma_start3A_2207, %dma_start3A_2211] : memref<130x128xi32, #tpu.memory_space<vmem>> -> memref<1x128xi32, #tpu.memory_space<vmem>>
    %dma_start3A_2213 = tpu.memref_squeeze %dma_start3A_2212 : memref<1x128xi32, #tpu.memory_space<vmem>> -> memref<128xi32, #tpu.memory_space<vmem>>
    %dma_start3A_2214 = arith.constant 0 : i32
    %dma_start3A_2215 = arith.constant 0 : i32
    %dma_start3A_2216 = tpu.memref_slice %arg3[%dma_start3A_2214, %dma_start3A_2215] : memref<50000x128xf32, #tpu.memory_space<hbm>> -> memref<50000x128xf32, #tpu.memory_space<hbm>>
    tpu.enqueue_indirect_dma source(%dma_start3A_2216 : memref<50000x128xf32, #tpu.memory_space<hbm>>) target(%dma_start3A_2210 : memref<128x128xf32, #tpu.memory_space<vmem>>) offsets(%dma_start3A_2213 : memref<128xi32, #tpu.memory_space<vmem>>) semaphore(%arg9 : memref<!tpu.dma_semaphore, #tpu.memory_space<semaphore_mem>>) {add = true}
    %dma_start3A_2217 = arith.constant 37 : i32
    %dma_start3A_2218 = arith.constant 128 : i32
    %dma_start3A_2219 = arith.constant 0 : i32
    %dma_start3A_2220 = tpu.memref_slice %arg7[%dma_start3A_2218, %dma_start3A_2219] : memref<256x128xf32, #tpu.memory_space<vmem>> -> memref<128x128xf32, #tpu.memory_space<vmem>>
    %dma_start3A_2221 = arith.constant 0 : i32
    %dma_start3A_2222 = tpu.memref_slice %arg5[%dma_start3A_2217, %dma_start3A_2221] : memref<130x128xi32, #tpu.memory_space<vmem>> -> memref<1x128xi32, #tpu.memory_space<vmem>>
    %dma_start3A_2223 = tpu.memref_squeeze %dma_start3A_2222 : memref<1x128xi32, #tpu.memory_space<vmem>> -> memref<128xi32, #tpu.memory_space<vmem>>
    %dma_start3A_2224 = arith.constant 0 : i32
    %dma_start3A_2225 = arith.constant 0 : i32
    %dma_start3A_2226 = tpu.memref_slice %arg3[%dma_start3A_2224, %dma_start3A_2225] : memref<50000x128xf32, #tpu.memory_space<hbm>> -> memref<50000x128xf32, #tpu.memory_space<hbm>>
    tpu.enqueue_indirect_dma source(%dma_start3A_2226 : memref<50000x128xf32, #tpu.memory_space<hbm>>) target(%dma_start3A_2220 : memref<128x128xf32, #tpu.memory_space<vmem>>) offsets(%dma_start3A_2223 : memref<128xi32, #tpu.memory_space<vmem>>) semaphore(%arg9 : memref<!tpu.dma_semaphore, #tpu.memory_space<semaphore_mem>>) {add = true}
    %dma_start3A_2227 = arith.constant 50 : i32
    %dma_start3A_2228 = arith.constant 128 : i32
    %dma_start3A_2229 = arith.constant 0 : i32
    %dma_start3A_2230 = tpu.memref_slice %arg7[%dma_start3A_2228, %dma_start3A_2229] : memref<256x128xf32, #tpu.memory_space<vmem>> -> memref<128x128xf32, #tpu.memory_space<vmem>>
    %dma_start3A_2231 = arith.constant 0 : i32
    %dma_start3A_2232 = tpu.memref_slice %arg5[%dma_start3A_2227, %dma_start3A_2231] : memref<130x128xi32, #tpu.memory_space<vmem>> -> memref<1x128xi32, #tpu.memory_space<vmem>>
    %dma_start3A_2233 = tpu.memref_squeeze %dma_start3A_2232 : memref<1x128xi32, #tpu.memory_space<vmem>> -> memref<128xi32, #tpu.memory_space<vmem>>
    %dma_start3A_2234 = arith.constant 0 : i32
    %dma_start3A_2235 = arith.constant 0 : i32
    %dma_start3A_2236 = tpu.memref_slice %arg3[%dma_start3A_2234, %dma_start3A_2235] : memref<50000x128xf32, #tpu.memory_space<hbm>> -> memref<50000x128xf32, #tpu.memory_space<hbm>>
    tpu.enqueue_indirect_dma source(%dma_start3A_2236 : memref<50000x128xf32, #tpu.memory_space<hbm>>) target(%dma_start3A_2230 : memref<128x128xf32, #tpu.memory_space<vmem>>) offsets(%dma_start3A_2233 : memref<128xi32, #tpu.memory_space<vmem>>) semaphore(%arg9 : memref<!tpu.dma_semaphore, #tpu.memory_space<semaphore_mem>>) {add = true}
    %dma_start3A_2237 = arith.constant 63 : i32
    %dma_start3A_2238 = arith.constant 128 : i32
    %dma_start3A_2239 = arith.constant 0 : i32
    %dma_start3A_2240 = tpu.memref_slice %arg7[%dma_start3A_2238, %dma_start3A_2239] : memref<256x128xf32, #tpu.memory_space<vmem>> -> memref<128x128xf32, #tpu.memory_space<vmem>>
    %dma_start3A_2241 = arith.constant 0 : i32
    %dma_start3A_2242 = tpu.memref_slice %arg5[%dma_start3A_2237, %dma_start3A_2241] : memref<130x128xi32, #tpu.memory_space<vmem>> -> memref<1x128xi32, #tpu.memory_space<vmem>>
    %dma_start3A_2243 = tpu.memref_squeeze %dma_start3A_2242 : memref<1x128xi32, #tpu.memory_space<vmem>> -> memref<128xi32, #tpu.memory_space<vmem>>
    %dma_start3A_2244 = arith.constant 0 : i32
    %dma_start3A_2245 = arith.constant 0 : i32
    %dma_start3A_2246 = tpu.memref_slice %arg3[%dma_start3A_2244, %dma_start3A_2245] : memref<50000x128xf32, #tpu.memory_space<hbm>> -> memref<50000x128xf32, #tpu.memory_space<hbm>>
    tpu.enqueue_indirect_dma source(%dma_start3A_2246 : memref<50000x128xf32, #tpu.memory_space<hbm>>) target(%dma_start3A_2240 : memref<128x128xf32, #tpu.memory_space<vmem>>) offsets(%dma_start3A_2243 : memref<128xi32, #tpu.memory_space<vmem>>) semaphore(%arg9 : memref<!tpu.dma_semaphore, #tpu.memory_space<semaphore_mem>>) {add = true}
    %dma_start3A_2247 = arith.constant 76 : i32
    %dma_start3A_2248 = arith.constant 128 : i32
    %dma_start3A_2249 = arith.constant 0 : i32
    %dma_start3A_2250 = tpu.memref_slice %arg7[%dma_start3A_2248, %dma_start3A_2249] : memref<256x128xf32, #tpu.memory_space<vmem>> -> memref<128x128xf32, #tpu.memory_space<vmem>>
    %dma_start3A_2251 = arith.constant 0 : i32
    %dma_start3A_2252 = tpu.memref_slice %arg5[%dma_start3A_2247, %dma_start3A_2251] : memref<130x128xi32, #tpu.memory_space<vmem>> -> memref<1x128xi32, #tpu.memory_space<vmem>>
    %dma_start3A_2253 = tpu.memref_squeeze %dma_start3A_2252 : memref<1x128xi32, #tpu.memory_space<vmem>> -> memref<128xi32, #tpu.memory_space<vmem>>
    %dma_start3A_2254 = arith.constant 0 : i32
    %dma_start3A_2255 = arith.constant 0 : i32
    %dma_start3A_2256 = tpu.memref_slice %arg3[%dma_start3A_2254, %dma_start3A_2255] : memref<50000x128xf32, #tpu.memory_space<hbm>> -> memref<50000x128xf32, #tpu.memory_space<hbm>>
    tpu.enqueue_indirect_dma source(%dma_start3A_2256 : memref<50000x128xf32, #tpu.memory_space<hbm>>) target(%dma_start3A_2250 : memref<128x128xf32, #tpu.memory_space<vmem>>) offsets(%dma_start3A_2253 : memref<128xi32, #tpu.memory_space<vmem>>) semaphore(%arg9 : memref<!tpu.dma_semaphore, #tpu.memory_space<semaphore_mem>>) {add = true}
    %dma_start3A_2257 = arith.constant 89 : i32
    %dma_start3A_2258 = arith.constant 128 : i32
    %dma_start3A_2259 = arith.constant 0 : i32
    %dma_start3A_2260 = tpu.memref_slice %arg7[%dma_start3A_2258, %dma_start3A_2259] : memref<256x128xf32, #tpu.memory_space<vmem>> -> memref<128x128xf32, #tpu.memory_space<vmem>>
    %dma_start3A_2261 = arith.constant 0 : i32
    %dma_start3A_2262 = tpu.memref_slice %arg5[%dma_start3A_2257, %dma_start3A_2261] : memref<130x128xi32, #tpu.memory_space<vmem>> -> memref<1x128xi32, #tpu.memory_space<vmem>>
    %dma_start3A_2263 = tpu.memref_squeeze %dma_start3A_2262 : memref<1x128xi32, #tpu.memory_space<vmem>> -> memref<128xi32, #tpu.memory_space<vmem>>
    %dma_start3A_2264 = arith.constant 0 : i32
    %dma_start3A_2265 = arith.constant 0 : i32
    %dma_start3A_2266 = tpu.memref_slice %arg3[%dma_start3A_2264, %dma_start3A_2265] : memref<50000x128xf32, #tpu.memory_space<hbm>> -> memref<50000x128xf32, #tpu.memory_space<hbm>>
    tpu.enqueue_indirect_dma source(%dma_start3A_2266 : memref<50000x128xf32, #tpu.memory_space<hbm>>) target(%dma_start3A_2260 : memref<128x128xf32, #tpu.memory_space<vmem>>) offsets(%dma_start3A_2263 : memref<128xi32, #tpu.memory_space<vmem>>) semaphore(%arg9 : memref<!tpu.dma_semaphore, #tpu.memory_space<semaphore_mem>>) {add = true}
    %dma_start3A_2267 = arith.constant 102 : i32
    %dma_start3A_2268 = arith.constant 128 : i32
    %dma_start3A_2269 = arith.constant 0 : i32
    %dma_start3A_2270 = tpu.memref_slice %arg7[%dma_start3A_2268, %dma_start3A_2269] : memref<256x128xf32, #tpu.memory_space<vmem>> -> memref<128x128xf32, #tpu.memory_space<vmem>>
    %dma_start3A_2271 = arith.constant 0 : i32
    %dma_start3A_2272 = tpu.memref_slice %arg5[%dma_start3A_2267, %dma_start3A_2271] : memref<130x128xi32, #tpu.memory_space<vmem>> -> memref<1x128xi32, #tpu.memory_space<vmem>>
    %dma_start3A_2273 = tpu.memref_squeeze %dma_start3A_2272 : memref<1x128xi32, #tpu.memory_space<vmem>> -> memref<128xi32, #tpu.memory_space<vmem>>
    %dma_start3A_2274 = arith.constant 0 : i32
    %dma_start3A_2275 = arith.constant 0 : i32
    %dma_start3A_2276 = tpu.memref_slice %arg3[%dma_start3A_2274, %dma_start3A_2275] : memref<50000x128xf32, #tpu.memory_space<hbm>> -> memref<50000x128xf32, #tpu.memory_space<hbm>>
    tpu.enqueue_indirect_dma source(%dma_start3A_2276 : memref<50000x128xf32, #tpu.memory_space<hbm>>) target(%dma_start3A_2270 : memref<128x128xf32, #tpu.memory_space<vmem>>) offsets(%dma_start3A_2273 : memref<128xi32, #tpu.memory_space<vmem>>) semaphore(%arg9 : memref<!tpu.dma_semaphore, #tpu.memory_space<semaphore_mem>>) {add = true}
    %dma_start3A_2277 = arith.constant 115 : i32
    %dma_start3A_2278 = arith.constant 128 : i32
    %dma_start3A_2279 = arith.constant 0 : i32
    %dma_start3A_2280 = tpu.memref_slice %arg7[%dma_start3A_2278, %dma_start3A_2279] : memref<256x128xf32, #tpu.memory_space<vmem>> -> memref<128x128xf32, #tpu.memory_space<vmem>>
    %dma_start3A_2281 = arith.constant 0 : i32
    %dma_start3A_2282 = tpu.memref_slice %arg5[%dma_start3A_2277, %dma_start3A_2281] : memref<130x128xi32, #tpu.memory_space<vmem>> -> memref<1x128xi32, #tpu.memory_space<vmem>>
    %dma_start3A_2283 = tpu.memref_squeeze %dma_start3A_2282 : memref<1x128xi32, #tpu.memory_space<vmem>> -> memref<128xi32, #tpu.memory_space<vmem>>
    %dma_start3A_2284 = arith.constant 0 : i32
    %dma_start3A_2285 = arith.constant 0 : i32
    %dma_start3A_2286 = tpu.memref_slice %arg3[%dma_start3A_2284, %dma_start3A_2285] : memref<50000x128xf32, #tpu.memory_space<hbm>> -> memref<50000x128xf32, #tpu.memory_space<hbm>>
    tpu.enqueue_indirect_dma source(%dma_start3A_2286 : memref<50000x128xf32, #tpu.memory_space<hbm>>) target(%dma_start3A_2280 : memref<128x128xf32, #tpu.memory_space<vmem>>) offsets(%dma_start3A_2283 : memref<128xi32, #tpu.memory_space<vmem>>) semaphore(%arg9 : memref<!tpu.dma_semaphore, #tpu.memory_space<semaphore_mem>>) {add = true}
    %dma_start3A_2287 = arith.constant 128 : i32
    %dma_start3A_2288 = arith.constant 128 : i32
    %dma_start3A_2289 = arith.constant 0 : i32
    %dma_start3A_2290 = tpu.memref_slice %arg7[%dma_start3A_2288, %dma_start3A_2289] : memref<256x128xf32, #tpu.memory_space<vmem>> -> memref<128x128xf32, #tpu.memory_space<vmem>>
    %dma_start3A_2291 = arith.constant 0 : i32
    %dma_start3A_2292 = tpu.memref_slice %arg5[%dma_start3A_2287, %dma_start3A_2291] : memref<130x128xi32, #tpu.memory_space<vmem>> -> memref<1x128xi32, #tpu.memory_space<vmem>>
    %dma_start3A_2293 = tpu.memref_squeeze %dma_start3A_2292 : memref<1x128xi32, #tpu.memory_space<vmem>> -> memref<128xi32, #tpu.memory_space<vmem>>
    %dma_start3A_2294 = arith.constant 0 : i32
    %dma_start3A_2295 = arith.constant 0 : i32
    %dma_start3A_2296 = tpu.memref_slice %arg3[%dma_start3A_2294, %dma_start3A_2295] : memref<50000x128xf32, #tpu.memory_space<hbm>> -> memref<50000x128xf32, #tpu.memory_space<hbm>>
    tpu.enqueue_indirect_dma source(%dma_start3A_2296 : memref<50000x128xf32, #tpu.memory_space<hbm>>) target(%dma_start3A_2290 : memref<128x128xf32, #tpu.memory_space<vmem>>) offsets(%dma_start3A_2293 : memref<128xi32, #tpu.memory_space<vmem>>) semaphore(%arg9 : memref<!tpu.dma_semaphore, #tpu.memory_space<semaphore_mem>>) {add = true}
    %dma_wait3A_2297 = arith.constant 10 : i32
    %dma_wait3A_2298 = arith.constant 0 : i32
    %dma_wait3A_2299 = arith.constant 0 : i32
    %dma_wait3A_2300 = tpu.memref_slice %arg7[%dma_wait3A_2298, %dma_wait3A_2299] : memref<256x128xf32, #tpu.memory_space<vmem>> -> memref<128x128xf32, #tpu.memory_space<vmem>>
    %dma_wait3A_2301 = arith.constant 0 : i32
    %dma_wait3A_2302 = tpu.memref_slice %arg5[%dma_wait3A_2297, %dma_wait3A_2301] : memref<130x128xi32, #tpu.memory_space<vmem>> -> memref<1x128xi32, #tpu.memory_space<vmem>>
    %dma_wait3A_2303 = tpu.memref_squeeze %dma_wait3A_2302 : memref<1x128xi32, #tpu.memory_space<vmem>> -> memref<128xi32, #tpu.memory_space<vmem>>
    %dma_wait3A_2304 = arith.constant 0 : i32
    %dma_wait3A_2305 = arith.constant 0 : i32
    %dma_wait3A_2306 = tpu.memref_slice %arg3[%dma_wait3A_2304, %dma_wait3A_2305] : memref<50000x128xf32, #tpu.memory_space<hbm>> -> memref<50000x128xf32, #tpu.memory_space<hbm>>
    tpu.wait_indirect_dma semaphore(%arg9 : memref<!tpu.dma_semaphore, #tpu.memory_space<semaphore_mem>>) src(%dma_wait3A_2306 : memref<50000x128xf32, #tpu.memory_space<hbm>>) dst(%dma_wait3A_2300 : memref<128x128xf32, #tpu.memory_space<vmem>>)
    %dma_wait3A_2307 = arith.constant 23 : i32
    %dma_wait3A_2308 = arith.constant 0 : i32
    %dma_wait3A_2309 = arith.constant 0 : i32
    %dma_wait3A_2310 = tpu.memref_slice %arg7[%dma_wait3A_2308, %dma_wait3A_2309] : memref<256x128xf32, #tpu.memory_space<vmem>> -> memref<128x128xf32, #tpu.memory_space<vmem>>
    %dma_wait3A_2311 = arith.constant 0 : i32
    %dma_wait3A_2312 = tpu.memref_slice %arg5[%dma_wait3A_2307, %dma_wait3A_2311] : memref<130x128xi32, #tpu.memory_space<vmem>> -> memref<1x128xi32, #tpu.memory_space<vmem>>
    %dma_wait3A_2313 = tpu.memref_squeeze %dma_wait3A_2312 : memref<1x128xi32, #tpu.memory_space<vmem>> -> memref<128xi32, #tpu.memory_space<vmem>>
    %dma_wait3A_2314 = arith.constant 0 : i32
    %dma_wait3A_2315 = arith.constant 0 : i32
    %dma_wait3A_2316 = tpu.memref_slice %arg3[%dma_wait3A_2314, %dma_wait3A_2315] : memref<50000x128xf32, #tpu.memory_space<hbm>> -> memref<50000x128xf32, #tpu.memory_space<hbm>>
    tpu.wait_indirect_dma semaphore(%arg9 : memref<!tpu.dma_semaphore, #tpu.memory_space<semaphore_mem>>) src(%dma_wait3A_2316 : memref<50000x128xf32, #tpu.memory_space<hbm>>) dst(%dma_wait3A_2310 : memref<128x128xf32, #tpu.memory_space<vmem>>)
    %dma_wait3A_2317 = arith.constant 36 : i32
    %dma_wait3A_2318 = arith.constant 0 : i32
    %dma_wait3A_2319 = arith.constant 0 : i32
    %dma_wait3A_2320 = tpu.memref_slice %arg7[%dma_wait3A_2318, %dma_wait3A_2319] : memref<256x128xf32, #tpu.memory_space<vmem>> -> memref<128x128xf32, #tpu.memory_space<vmem>>
    %dma_wait3A_2321 = arith.constant 0 : i32
    %dma_wait3A_2322 = tpu.memref_slice %arg5[%dma_wait3A_2317, %dma_wait3A_2321] : memref<130x128xi32, #tpu.memory_space<vmem>> -> memref<1x128xi32, #tpu.memory_space<vmem>>
    %dma_wait3A_2323 = tpu.memref_squeeze %dma_wait3A_2322 : memref<1x128xi32, #tpu.memory_space<vmem>> -> memref<128xi32, #tpu.memory_space<vmem>>
    %dma_wait3A_2324 = arith.constant 0 : i32
    %dma_wait3A_2325 = arith.constant 0 : i32
    %dma_wait3A_2326 = tpu.memref_slice %arg3[%dma_wait3A_2324, %dma_wait3A_2325] : memref<50000x128xf32, #tpu.memory_space<hbm>> -> memref<50000x128xf32, #tpu.memory_space<hbm>>
    tpu.wait_indirect_dma semaphore(%arg9 : memref<!tpu.dma_semaphore, #tpu.memory_space<semaphore_mem>>) src(%dma_wait3A_2326 : memref<50000x128xf32, #tpu.memory_space<hbm>>) dst(%dma_wait3A_2320 : memref<128x128xf32, #tpu.memory_space<vmem>>)
    %dma_wait3A_2327 = arith.constant 49 : i32
    %dma_wait3A_2328 = arith.constant 0 : i32
    %dma_wait3A_2329 = arith.constant 0 : i32
    %dma_wait3A_2330 = tpu.memref_slice %arg7[%dma_wait3A_2328, %dma_wait3A_2329] : memref<256x128xf32, #tpu.memory_space<vmem>> -> memref<128x128xf32, #tpu.memory_space<vmem>>
    %dma_wait3A_2331 = arith.constant 0 : i32
    %dma_wait3A_2332 = tpu.memref_slice %arg5[%dma_wait3A_2327, %dma_wait3A_2331] : memref<130x128xi32, #tpu.memory_space<vmem>> -> memref<1x128xi32, #tpu.memory_space<vmem>>
    %dma_wait3A_2333 = tpu.memref_squeeze %dma_wait3A_2332 : memref<1x128xi32, #tpu.memory_space<vmem>> -> memref<128xi32, #tpu.memory_space<vmem>>
    %dma_wait3A_2334 = arith.constant 0 : i32
    %dma_wait3A_2335 = arith.constant 0 : i32
    %dma_wait3A_2336 = tpu.memref_slice %arg3[%dma_wait3A_2334, %dma_wait3A_2335] : memref<50000x128xf32, #tpu.memory_space<hbm>> -> memref<50000x128xf32, #tpu.memory_space<hbm>>
    tpu.wait_indirect_dma semaphore(%arg9 : memref<!tpu.dma_semaphore, #tpu.memory_space<semaphore_mem>>) src(%dma_wait3A_2336 : memref<50000x128xf32, #tpu.memory_space<hbm>>) dst(%dma_wait3A_2330 : memref<128x128xf32, #tpu.memory_space<vmem>>)
    %dma_wait3A_2337 = arith.constant 62 : i32
    %dma_wait3A_2338 = arith.constant 0 : i32
    %dma_wait3A_2339 = arith.constant 0 : i32
    %dma_wait3A_2340 = tpu.memref_slice %arg7[%dma_wait3A_2338, %dma_wait3A_2339] : memref<256x128xf32, #tpu.memory_space<vmem>> -> memref<128x128xf32, #tpu.memory_space<vmem>>
    %dma_wait3A_2341 = arith.constant 0 : i32
    %dma_wait3A_2342 = tpu.memref_slice %arg5[%dma_wait3A_2337, %dma_wait3A_2341] : memref<130x128xi32, #tpu.memory_space<vmem>> -> memref<1x128xi32, #tpu.memory_space<vmem>>
    %dma_wait3A_2343 = tpu.memref_squeeze %dma_wait3A_2342 : memref<1x128xi32, #tpu.memory_space<vmem>> -> memref<128xi32, #tpu.memory_space<vmem>>
    %dma_wait3A_2344 = arith.constant 0 : i32
    %dma_wait3A_2345 = arith.constant 0 : i32
    %dma_wait3A_2346 = tpu.memref_slice %arg3[%dma_wait3A_2344, %dma_wait3A_2345] : memref<50000x128xf32, #tpu.memory_space<hbm>> -> memref<50000x128xf32, #tpu.memory_space<hbm>>
    tpu.wait_indirect_dma semaphore(%arg9 : memref<!tpu.dma_semaphore, #tpu.memory_space<semaphore_mem>>) src(%dma_wait3A_2346 : memref<50000x128xf32, #tpu.memory_space<hbm>>) dst(%dma_wait3A_2340 : memref<128x128xf32, #tpu.memory_space<vmem>>)
    %dma_wait3A_2347 = arith.constant 75 : i32
    %dma_wait3A_2348 = arith.constant 0 : i32
    %dma_wait3A_2349 = arith.constant 0 : i32
    %dma_wait3A_2350 = tpu.memref_slice %arg7[%dma_wait3A_2348, %dma_wait3A_2349] : memref<256x128xf32, #tpu.memory_space<vmem>> -> memref<128x128xf32, #tpu.memory_space<vmem>>
    %dma_wait3A_2351 = arith.constant 0 : i32
    %dma_wait3A_2352 = tpu.memref_slice %arg5[%dma_wait3A_2347, %dma_wait3A_2351] : memref<130x128xi32, #tpu.memory_space<vmem>> -> memref<1x128xi32, #tpu.memory_space<vmem>>
    %dma_wait3A_2353 = tpu.memref_squeeze %dma_wait3A_2352 : memref<1x128xi32, #tpu.memory_space<vmem>> -> memref<128xi32, #tpu.memory_space<vmem>>
    %dma_wait3A_2354 = arith.constant 0 : i32
    %dma_wait3A_2355 = arith.constant 0 : i32
    %dma_wait3A_2356 = tpu.memref_slice %arg3[%dma_wait3A_2354, %dma_wait3A_2355] : memref<50000x128xf32, #tpu.memory_space<hbm>> -> memref<50000x128xf32, #tpu.memory_space<hbm>>
    tpu.wait_indirect_dma semaphore(%arg9 : memref<!tpu.dma_semaphore, #tpu.memory_space<semaphore_mem>>) src(%dma_wait3A_2356 : memref<50000x128xf32, #tpu.memory_space<hbm>>) dst(%dma_wait3A_2350 : memref<128x128xf32, #tpu.memory_space<vmem>>)
    %dma_wait3A_2357 = arith.constant 88 : i32
    %dma_wait3A_2358 = arith.constant 0 : i32
    %dma_wait3A_2359 = arith.constant 0 : i32
    %dma_wait3A_2360 = tpu.memref_slice %arg7[%dma_wait3A_2358, %dma_wait3A_2359] : memref<256x128xf32, #tpu.memory_space<vmem>> -> memref<128x128xf32, #tpu.memory_space<vmem>>
    %dma_wait3A_2361 = arith.constant 0 : i32
    %dma_wait3A_2362 = tpu.memref_slice %arg5[%dma_wait3A_2357, %dma_wait3A_2361] : memref<130x128xi32, #tpu.memory_space<vmem>> -> memref<1x128xi32, #tpu.memory_space<vmem>>
    %dma_wait3A_2363 = tpu.memref_squeeze %dma_wait3A_2362 : memref<1x128xi32, #tpu.memory_space<vmem>> -> memref<128xi32, #tpu.memory_space<vmem>>
    %dma_wait3A_2364 = arith.constant 0 : i32
    %dma_wait3A_2365 = arith.constant 0 : i32
    %dma_wait3A_2366 = tpu.memref_slice %arg3[%dma_wait3A_2364, %dma_wait3A_2365] : memref<50000x128xf32, #tpu.memory_space<hbm>> -> memref<50000x128xf32, #tpu.memory_space<hbm>>
    tpu.wait_indirect_dma semaphore(%arg9 : memref<!tpu.dma_semaphore, #tpu.memory_space<semaphore_mem>>) src(%dma_wait3A_2366 : memref<50000x128xf32, #tpu.memory_space<hbm>>) dst(%dma_wait3A_2360 : memref<128x128xf32, #tpu.memory_space<vmem>>)
    %dma_wait3A_2367 = arith.constant 101 : i32
    %dma_wait3A_2368 = arith.constant 0 : i32
    %dma_wait3A_2369 = arith.constant 0 : i32
    %dma_wait3A_2370 = tpu.memref_slice %arg7[%dma_wait3A_2368, %dma_wait3A_2369] : memref<256x128xf32, #tpu.memory_space<vmem>> -> memref<128x128xf32, #tpu.memory_space<vmem>>
    %dma_wait3A_2371 = arith.constant 0 : i32
    %dma_wait3A_2372 = tpu.memref_slice %arg5[%dma_wait3A_2367, %dma_wait3A_2371] : memref<130x128xi32, #tpu.memory_space<vmem>> -> memref<1x128xi32, #tpu.memory_space<vmem>>
    %dma_wait3A_2373 = tpu.memref_squeeze %dma_wait3A_2372 : memref<1x128xi32, #tpu.memory_space<vmem>> -> memref<128xi32, #tpu.memory_space<vmem>>
    %dma_wait3A_2374 = arith.constant 0 : i32
    %dma_wait3A_2375 = arith.constant 0 : i32
    %dma_wait3A_2376 = tpu.memref_slice %arg3[%dma_wait3A_2374, %dma_wait3A_2375] : memref<50000x128xf32, #tpu.memory_space<hbm>> -> memref<50000x128xf32, #tpu.memory_space<hbm>>
    tpu.wait_indirect_dma semaphore(%arg9 : memref<!tpu.dma_semaphore, #tpu.memory_space<semaphore_mem>>) src(%dma_wait3A_2376 : memref<50000x128xf32, #tpu.memory_space<hbm>>) dst(%dma_wait3A_2370 : memref<128x128xf32, #tpu.memory_space<vmem>>)
    %dma_wait3A_2377 = arith.constant 114 : i32
    %dma_wait3A_2378 = arith.constant 0 : i32
    %dma_wait3A_2379 = arith.constant 0 : i32
    %dma_wait3A_2380 = tpu.memref_slice %arg7[%dma_wait3A_2378, %dma_wait3A_2379] : memref<256x128xf32, #tpu.memory_space<vmem>> -> memref<128x128xf32, #tpu.memory_space<vmem>>
    %dma_wait3A_2381 = arith.constant 0 : i32
    %dma_wait3A_2382 = tpu.memref_slice %arg5[%dma_wait3A_2377, %dma_wait3A_2381] : memref<130x128xi32, #tpu.memory_space<vmem>> -> memref<1x128xi32, #tpu.memory_space<vmem>>
    %dma_wait3A_2383 = tpu.memref_squeeze %dma_wait3A_2382 : memref<1x128xi32, #tpu.memory_space<vmem>> -> memref<128xi32, #tpu.memory_space<vmem>>
    %dma_wait3A_2384 = arith.constant 0 : i32
    %dma_wait3A_2385 = arith.constant 0 : i32
    %dma_wait3A_2386 = tpu.memref_slice %arg3[%dma_wait3A_2384, %dma_wait3A_2385] : memref<50000x128xf32, #tpu.memory_space<hbm>> -> memref<50000x128xf32, #tpu.memory_space<hbm>>
    tpu.wait_indirect_dma semaphore(%arg9 : memref<!tpu.dma_semaphore, #tpu.memory_space<semaphore_mem>>) src(%dma_wait3A_2386 : memref<50000x128xf32, #tpu.memory_space<hbm>>) dst(%dma_wait3A_2380 : memref<128x128xf32, #tpu.memory_space<vmem>>)
    %dma_wait3A_2387 = arith.constant 127 : i32
    %dma_wait3A_2388 = arith.constant 0 : i32
    %dma_wait3A_2389 = arith.constant 0 : i32
    %dma_wait3A_2390 = tpu.memref_slice %arg7[%dma_wait3A_2388, %dma_wait3A_2389] : memref<256x128xf32, #tpu.memory_space<vmem>> -> memref<128x128xf32, #tpu.memory_space<vmem>>
    %dma_wait3A_2391 = arith.constant 0 : i32
    %dma_wait3A_2392 = tpu.memref_slice %arg5[%dma_wait3A_2387, %dma_wait3A_2391] : memref<130x128xi32, #tpu.memory_space<vmem>> -> memref<1x128xi32, #tpu.memory_space<vmem>>
    %dma_wait3A_2393 = tpu.memref_squeeze %dma_wait3A_2392 : memref<1x128xi32, #tpu.memory_space<vmem>> -> memref<128xi32, #tpu.memory_space<vmem>>
    %dma_wait3A_2394 = arith.constant 0 : i32
    %dma_wait3A_2395 = arith.constant 0 : i32
    %dma_wait3A_2396 = tpu.memref_slice %arg3[%dma_wait3A_2394, %dma_wait3A_2395] : memref<50000x128xf32, #tpu.memory_space<hbm>> -> memref<50000x128xf32, #tpu.memory_space<hbm>>
    tpu.wait_indirect_dma semaphore(%arg9 : memref<!tpu.dma_semaphore, #tpu.memory_space<semaphore_mem>>) src(%dma_wait3A_2396 : memref<50000x128xf32, #tpu.memory_space<hbm>>) dst(%dma_wait3A_2390 : memref<128x128xf32, #tpu.memory_space<vmem>>)
    %dma_wait3A_2397 = arith.constant 11 : i32
    %dma_wait3A_2398 = arith.constant 128 : i32
    %dma_wait3A_2399 = arith.constant 0 : i32
    %dma_wait3A_2400 = tpu.memref_slice %arg7[%dma_wait3A_2398, %dma_wait3A_2399] : memref<256x128xf32, #tpu.memory_space<vmem>> -> memref<128x128xf32, #tpu.memory_space<vmem>>
    %dma_wait3A_2401 = arith.constant 0 : i32
    %dma_wait3A_2402 = tpu.memref_slice %arg5[%dma_wait3A_2397, %dma_wait3A_2401] : memref<130x128xi32, #tpu.memory_space<vmem>> -> memref<1x128xi32, #tpu.memory_space<vmem>>
    %dma_wait3A_2403 = tpu.memref_squeeze %dma_wait3A_2402 : memref<1x128xi32, #tpu.memory_space<vmem>> -> memref<128xi32, #tpu.memory_space<vmem>>
    %dma_wait3A_2404 = arith.constant 0 : i32
    %dma_wait3A_2405 = arith.constant 0 : i32
    %dma_wait3A_2406 = tpu.memref_slice %arg3[%dma_wait3A_2404, %dma_wait3A_2405] : memref<50000x128xf32, #tpu.memory_space<hbm>> -> memref<50000x128xf32, #tpu.memory_space<hbm>>
    tpu.wait_indirect_dma semaphore(%arg9 : memref<!tpu.dma_semaphore, #tpu.memory_space<semaphore_mem>>) src(%dma_wait3A_2406 : memref<50000x128xf32, #tpu.memory_space<hbm>>) dst(%dma_wait3A_2400 : memref<128x128xf32, #tpu.memory_space<vmem>>)
    %dma_wait3A_2407 = arith.constant 24 : i32
    %dma_wait3A_2408 = arith.constant 128 : i32
    %dma_wait3A_2409 = arith.constant 0 : i32
    %dma_wait3A_2410 = tpu.memref_slice %arg7[%dma_wait3A_2408, %dma_wait3A_2409] : memref<256x128xf32, #tpu.memory_space<vmem>> -> memref<128x128xf32, #tpu.memory_space<vmem>>
    %dma_wait3A_2411 = arith.constant 0 : i32
    %dma_wait3A_2412 = tpu.memref_slice %arg5[%dma_wait3A_2407, %dma_wait3A_2411] : memref<130x128xi32, #tpu.memory_space<vmem>> -> memref<1x128xi32, #tpu.memory_space<vmem>>
    %dma_wait3A_2413 = tpu.memref_squeeze %dma_wait3A_2412 : memref<1x128xi32, #tpu.memory_space<vmem>> -> memref<128xi32, #tpu.memory_space<vmem>>
    %dma_wait3A_2414 = arith.constant 0 : i32
    %dma_wait3A_2415 = arith.constant 0 : i32
    %dma_wait3A_2416 = tpu.memref_slice %arg3[%dma_wait3A_2414, %dma_wait3A_2415] : memref<50000x128xf32, #tpu.memory_space<hbm>> -> memref<50000x128xf32, #tpu.memory_space<hbm>>
    tpu.wait_indirect_dma semaphore(%arg9 : memref<!tpu.dma_semaphore, #tpu.memory_space<semaphore_mem>>) src(%dma_wait3A_2416 : memref<50000x128xf32, #tpu.memory_space<hbm>>) dst(%dma_wait3A_2410 : memref<128x128xf32, #tpu.memory_space<vmem>>)
    %dma_wait3A_2417 = arith.constant 37 : i32
    %dma_wait3A_2418 = arith.constant 128 : i32
    %dma_wait3A_2419 = arith.constant 0 : i32
    %dma_wait3A_2420 = tpu.memref_slice %arg7[%dma_wait3A_2418, %dma_wait3A_2419] : memref<256x128xf32, #tpu.memory_space<vmem>> -> memref<128x128xf32, #tpu.memory_space<vmem>>
    %dma_wait3A_2421 = arith.constant 0 : i32
    %dma_wait3A_2422 = tpu.memref_slice %arg5[%dma_wait3A_2417, %dma_wait3A_2421] : memref<130x128xi32, #tpu.memory_space<vmem>> -> memref<1x128xi32, #tpu.memory_space<vmem>>
    %dma_wait3A_2423 = tpu.memref_squeeze %dma_wait3A_2422 : memref<1x128xi32, #tpu.memory_space<vmem>> -> memref<128xi32, #tpu.memory_space<vmem>>
    %dma_wait3A_2424 = arith.constant 0 : i32
    %dma_wait3A_2425 = arith.constant 0 : i32
    %dma_wait3A_2426 = tpu.memref_slice %arg3[%dma_wait3A_2424, %dma_wait3A_2425] : memref<50000x128xf32, #tpu.memory_space<hbm>> -> memref<50000x128xf32, #tpu.memory_space<hbm>>
    tpu.wait_indirect_dma semaphore(%arg9 : memref<!tpu.dma_semaphore, #tpu.memory_space<semaphore_mem>>) src(%dma_wait3A_2426 : memref<50000x128xf32, #tpu.memory_space<hbm>>) dst(%dma_wait3A_2420 : memref<128x128xf32, #tpu.memory_space<vmem>>)
    %dma_wait3A_2427 = arith.constant 50 : i32
    %dma_wait3A_2428 = arith.constant 128 : i32
    %dma_wait3A_2429 = arith.constant 0 : i32
    %dma_wait3A_2430 = tpu.memref_slice %arg7[%dma_wait3A_2428, %dma_wait3A_2429] : memref<256x128xf32, #tpu.memory_space<vmem>> -> memref<128x128xf32, #tpu.memory_space<vmem>>
    %dma_wait3A_2431 = arith.constant 0 : i32
    %dma_wait3A_2432 = tpu.memref_slice %arg5[%dma_wait3A_2427, %dma_wait3A_2431] : memref<130x128xi32, #tpu.memory_space<vmem>> -> memref<1x128xi32, #tpu.memory_space<vmem>>
    %dma_wait3A_2433 = tpu.memref_squeeze %dma_wait3A_2432 : memref<1x128xi32, #tpu.memory_space<vmem>> -> memref<128xi32, #tpu.memory_space<vmem>>
    %dma_wait3A_2434 = arith.constant 0 : i32
    %dma_wait3A_2435 = arith.constant 0 : i32
    %dma_wait3A_2436 = tpu.memref_slice %arg3[%dma_wait3A_2434, %dma_wait3A_2435] : memref<50000x128xf32, #tpu.memory_space<hbm>> -> memref<50000x128xf32, #tpu.memory_space<hbm>>
    tpu.wait_indirect_dma semaphore(%arg9 : memref<!tpu.dma_semaphore, #tpu.memory_space<semaphore_mem>>) src(%dma_wait3A_2436 : memref<50000x128xf32, #tpu.memory_space<hbm>>) dst(%dma_wait3A_2430 : memref<128x128xf32, #tpu.memory_space<vmem>>)
    %dma_wait3A_2437 = arith.constant 63 : i32
    %dma_wait3A_2438 = arith.constant 128 : i32
    %dma_wait3A_2439 = arith.constant 0 : i32
    %dma_wait3A_2440 = tpu.memref_slice %arg7[%dma_wait3A_2438, %dma_wait3A_2439] : memref<256x128xf32, #tpu.memory_space<vmem>> -> memref<128x128xf32, #tpu.memory_space<vmem>>
    %dma_wait3A_2441 = arith.constant 0 : i32
    %dma_wait3A_2442 = tpu.memref_slice %arg5[%dma_wait3A_2437, %dma_wait3A_2441] : memref<130x128xi32, #tpu.memory_space<vmem>> -> memref<1x128xi32, #tpu.memory_space<vmem>>
    %dma_wait3A_2443 = tpu.memref_squeeze %dma_wait3A_2442 : memref<1x128xi32, #tpu.memory_space<vmem>> -> memref<128xi32, #tpu.memory_space<vmem>>
    %dma_wait3A_2444 = arith.constant 0 : i32
    %dma_wait3A_2445 = arith.constant 0 : i32
    %dma_wait3A_2446 = tpu.memref_slice %arg3[%dma_wait3A_2444, %dma_wait3A_2445] : memref<50000x128xf32, #tpu.memory_space<hbm>> -> memref<50000x128xf32, #tpu.memory_space<hbm>>
    tpu.wait_indirect_dma semaphore(%arg9 : memref<!tpu.dma_semaphore, #tpu.memory_space<semaphore_mem>>) src(%dma_wait3A_2446 : memref<50000x128xf32, #tpu.memory_space<hbm>>) dst(%dma_wait3A_2440 : memref<128x128xf32, #tpu.memory_space<vmem>>)
    %dma_wait3A_2447 = arith.constant 76 : i32
    %dma_wait3A_2448 = arith.constant 128 : i32
    %dma_wait3A_2449 = arith.constant 0 : i32
    %dma_wait3A_2450 = tpu.memref_slice %arg7[%dma_wait3A_2448, %dma_wait3A_2449] : memref<256x128xf32, #tpu.memory_space<vmem>> -> memref<128x128xf32, #tpu.memory_space<vmem>>
    %dma_wait3A_2451 = arith.constant 0 : i32
    %dma_wait3A_2452 = tpu.memref_slice %arg5[%dma_wait3A_2447, %dma_wait3A_2451] : memref<130x128xi32, #tpu.memory_space<vmem>> -> memref<1x128xi32, #tpu.memory_space<vmem>>
    %dma_wait3A_2453 = tpu.memref_squeeze %dma_wait3A_2452 : memref<1x128xi32, #tpu.memory_space<vmem>> -> memref<128xi32, #tpu.memory_space<vmem>>
    %dma_wait3A_2454 = arith.constant 0 : i32
    %dma_wait3A_2455 = arith.constant 0 : i32
    %dma_wait3A_2456 = tpu.memref_slice %arg3[%dma_wait3A_2454, %dma_wait3A_2455] : memref<50000x128xf32, #tpu.memory_space<hbm>> -> memref<50000x128xf32, #tpu.memory_space<hbm>>
    tpu.wait_indirect_dma semaphore(%arg9 : memref<!tpu.dma_semaphore, #tpu.memory_space<semaphore_mem>>) src(%dma_wait3A_2456 : memref<50000x128xf32, #tpu.memory_space<hbm>>) dst(%dma_wait3A_2450 : memref<128x128xf32, #tpu.memory_space<vmem>>)
    %dma_wait3A_2457 = arith.constant 89 : i32
    %dma_wait3A_2458 = arith.constant 128 : i32
    %dma_wait3A_2459 = arith.constant 0 : i32
    %dma_wait3A_2460 = tpu.memref_slice %arg7[%dma_wait3A_2458, %dma_wait3A_2459] : memref<256x128xf32, #tpu.memory_space<vmem>> -> memref<128x128xf32, #tpu.memory_space<vmem>>
    %dma_wait3A_2461 = arith.constant 0 : i32
    %dma_wait3A_2462 = tpu.memref_slice %arg5[%dma_wait3A_2457, %dma_wait3A_2461] : memref<130x128xi32, #tpu.memory_space<vmem>> -> memref<1x128xi32, #tpu.memory_space<vmem>>
    %dma_wait3A_2463 = tpu.memref_squeeze %dma_wait3A_2462 : memref<1x128xi32, #tpu.memory_space<vmem>> -> memref<128xi32, #tpu.memory_space<vmem>>
    %dma_wait3A_2464 = arith.constant 0 : i32
    %dma_wait3A_2465 = arith.constant 0 : i32
    %dma_wait3A_2466 = tpu.memref_slice %arg3[%dma_wait3A_2464, %dma_wait3A_2465] : memref<50000x128xf32, #tpu.memory_space<hbm>> -> memref<50000x128xf32, #tpu.memory_space<hbm>>
    tpu.wait_indirect_dma semaphore(%arg9 : memref<!tpu.dma_semaphore, #tpu.memory_space<semaphore_mem>>) src(%dma_wait3A_2466 : memref<50000x128xf32, #tpu.memory_space<hbm>>) dst(%dma_wait3A_2460 : memref<128x128xf32, #tpu.memory_space<vmem>>)
    %dma_wait3A_2467 = arith.constant 102 : i32
    %dma_wait3A_2468 = arith.constant 128 : i32
    %dma_wait3A_2469 = arith.constant 0 : i32
    %dma_wait3A_2470 = tpu.memref_slice %arg7[%dma_wait3A_2468, %dma_wait3A_2469] : memref<256x128xf32, #tpu.memory_space<vmem>> -> memref<128x128xf32, #tpu.memory_space<vmem>>
    %dma_wait3A_2471 = arith.constant 0 : i32
    %dma_wait3A_2472 = tpu.memref_slice %arg5[%dma_wait3A_2467, %dma_wait3A_2471] : memref<130x128xi32, #tpu.memory_space<vmem>> -> memref<1x128xi32, #tpu.memory_space<vmem>>
    %dma_wait3A_2473 = tpu.memref_squeeze %dma_wait3A_2472 : memref<1x128xi32, #tpu.memory_space<vmem>> -> memref<128xi32, #tpu.memory_space<vmem>>
    %dma_wait3A_2474 = arith.constant 0 : i32
    %dma_wait3A_2475 = arith.constant 0 : i32
    %dma_wait3A_2476 = tpu.memref_slice %arg3[%dma_wait3A_2474, %dma_wait3A_2475] : memref<50000x128xf32, #tpu.memory_space<hbm>> -> memref<50000x128xf32, #tpu.memory_space<hbm>>
    tpu.wait_indirect_dma semaphore(%arg9 : memref<!tpu.dma_semaphore, #tpu.memory_space<semaphore_mem>>) src(%dma_wait3A_2476 : memref<50000x128xf32, #tpu.memory_space<hbm>>) dst(%dma_wait3A_2470 : memref<128x128xf32, #tpu.memory_space<vmem>>)
    %dma_wait3A_2477 = arith.constant 115 : i32
    %dma_wait3A_2478 = arith.constant 128 : i32
    %dma_wait3A_2479 = arith.constant 0 : i32
    %dma_wait3A_2480 = tpu.memref_slice %arg7[%dma_wait3A_2478, %dma_wait3A_2479] : memref<256x128xf32, #tpu.memory_space<vmem>> -> memref<128x128xf32, #tpu.memory_space<vmem>>
    %dma_wait3A_2481 = arith.constant 0 : i32
    %dma_wait3A_2482 = tpu.memref_slice %arg5[%dma_wait3A_2477, %dma_wait3A_2481] : memref<130x128xi32, #tpu.memory_space<vmem>> -> memref<1x128xi32, #tpu.memory_space<vmem>>
    %dma_wait3A_2483 = tpu.memref_squeeze %dma_wait3A_2482 : memref<1x128xi32, #tpu.memory_space<vmem>> -> memref<128xi32, #tpu.memory_space<vmem>>
    %dma_wait3A_2484 = arith.constant 0 : i32
    %dma_wait3A_2485 = arith.constant 0 : i32
    %dma_wait3A_2486 = tpu.memref_slice %arg3[%dma_wait3A_2484, %dma_wait3A_2485] : memref<50000x128xf32, #tpu.memory_space<hbm>> -> memref<50000x128xf32, #tpu.memory_space<hbm>>
    tpu.wait_indirect_dma semaphore(%arg9 : memref<!tpu.dma_semaphore, #tpu.memory_space<semaphore_mem>>) src(%dma_wait3A_2486 : memref<50000x128xf32, #tpu.memory_space<hbm>>) dst(%dma_wait3A_2480 : memref<128x128xf32, #tpu.memory_space<vmem>>)
    %dma_wait3A_2487 = arith.constant 128 : i32
    %dma_wait3A_2488 = arith.constant 128 : i32
    %dma_wait3A_2489 = arith.constant 0 : i32
    %dma_wait3A_2490 = tpu.memref_slice %arg7[%dma_wait3A_2488, %dma_wait3A_2489] : memref<256x128xf32, #tpu.memory_space<vmem>> -> memref<128x128xf32, #tpu.memory_space<vmem>>
    %dma_wait3A_2491 = arith.constant 0 : i32
    %dma_wait3A_2492 = tpu.memref_slice %arg5[%dma_wait3A_2487, %dma_wait3A_2491] : memref<130x128xi32, #tpu.memory_space<vmem>> -> memref<1x128xi32, #tpu.memory_space<vmem>>
    %dma_wait3A_2493 = tpu.memref_squeeze %dma_wait3A_2492 : memref<1x128xi32, #tpu.memory_space<vmem>> -> memref<128xi32, #tpu.memory_space<vmem>>
    %dma_wait3A_2494 = arith.constant 0 : i32
    %dma_wait3A_2495 = arith.constant 0 : i32
    %dma_wait3A_2496 = tpu.memref_slice %arg3[%dma_wait3A_2494, %dma_wait3A_2495] : memref<50000x128xf32, #tpu.memory_space<hbm>> -> memref<50000x128xf32, #tpu.memory_space<hbm>>
    tpu.wait_indirect_dma semaphore(%arg9 : memref<!tpu.dma_semaphore, #tpu.memory_space<semaphore_mem>>) src(%dma_wait3A_2496 : memref<50000x128xf32, #tpu.memory_space<hbm>>) dst(%dma_wait3A_2490 : memref<128x128xf32, #tpu.memory_space<vmem>>)
    %add3A_2497 = arith.constant 10 : i32
    %add3A_2498 = arith.addi %mul3A_2, %add3A_2497 : i32
    %mul3A_2499 = arith.constant 128 : i32
    %mul3A_2500 = arith.muli %add3A_2498, %mul3A_2499 : i32
    %dma_start3A_2501 = arith.constant 0 : i32
    %dma_start3A_2502 = arith.constant 0 : i32
    %dma_start3A_2503 = tpu.memref_slice %arg7[%dma_start3A_2501, %dma_start3A_2502] : memref<256x128xf32, #tpu.memory_space<vmem>> -> memref<256x128xf32, #tpu.memory_space<vmem>>
    %dma_start3A_2504 = arith.constant 0 : i32
    %dma_start3A_2505 = tpu.memref_slice %arg4[%mul3A_2500, %dma_start3A_2504] : memref<53248x128xf32, #tpu.memory_space<hbm>> -> memref<256x128xf32, #tpu.memory_space<hbm>>
    %dma_start3A_2506 = arith.constant 0 : i32
    %dma_start3A_2507 = tpu.memref_slice %arg4[%mul3A_2500, %dma_start3A_2506] : memref<53248x128xf32, #tpu.memory_space<hbm>> -> memref<256x128xf32, #tpu.memory_space<hbm>>
    %dma_start3A_2508 = arith.constant 0 : i32
    %dma_start3A_2509 = arith.constant 0 : i32
    %dma_start3A_2510 = tpu.memref_slice %arg7[%dma_start3A_2508, %dma_start3A_2509] : memref<256x128xf32, #tpu.memory_space<vmem>> -> memref<256x128xf32, #tpu.memory_space<vmem>>
    tpu.enqueue_dma source(%dma_start3A_2510 : memref<256x128xf32, #tpu.memory_space<vmem>>) target(%dma_start3A_2507 : memref<256x128xf32, #tpu.memory_space<hbm>>) target_semaphore(%arg11 : memref<!tpu.dma_semaphore, #tpu.memory_space<semaphore_mem>>)
    %dma_wait3A_2511 = arith.constant 0 : i32
    %dma_wait3A_2512 = arith.constant 0 : i32
    %dma_wait3A_2513 = tpu.memref_slice %arg7[%dma_wait3A_2511, %dma_wait3A_2512] : memref<256x128xf32, #tpu.memory_space<vmem>> -> memref<256x128xf32, #tpu.memory_space<vmem>>
    %dma_wait3A_2514 = arith.constant 0 : i32
    %dma_wait3A_2515 = tpu.memref_slice %arg4[%mul3A_2500, %dma_wait3A_2514] : memref<53248x128xf32, #tpu.memory_space<hbm>> -> memref<256x128xf32, #tpu.memory_space<hbm>>
    %dma_wait3A_2516 = arith.constant 0 : i32
    %dma_wait3A_2517 = tpu.memref_slice %arg4[%mul3A_2500, %dma_wait3A_2516] : memref<53248x128xf32, #tpu.memory_space<hbm>> -> memref<256x128xf32, #tpu.memory_space<hbm>>
    %dma_wait3A_2518 = arith.constant 0 : i32
    %dma_wait3A_2519 = arith.constant 0 : i32
    %dma_wait3A_2520 = tpu.memref_slice %arg7[%dma_wait3A_2518, %dma_wait3A_2519] : memref<256x128xf32, #tpu.memory_space<vmem>> -> memref<256x128xf32, #tpu.memory_space<vmem>>
    tpu.wait_dma2 semaphore(%arg11 : memref<!tpu.dma_semaphore, #tpu.memory_space<semaphore_mem>>) src(%dma_wait3A_2520 : memref<256x128xf32, #tpu.memory_space<vmem>>) dst(%dma_wait3A_2517 : memref<256x128xf32, #tpu.memory_space<hbm>>)
    %broadcast_in_dim3A_2521 = arith.constant 0.000000e+00 : f32
    %broadcast_in_dim3A_2522 = vector.broadcast %broadcast_in_dim3A_2521 : f32 to vector<16xf32>
    %scan3A_2523 = arith.constant 0 : i32
    %scan3A_2524 = arith.constant 0 : i32
    %scan3A_2525 = arith.constant 128 : i32
    %scan3A_2526 = arith.addi %scan3A_2524, %scan3A_2525 : i32
    %scan3A_2527 = arith.constant 1 : i32
    %scan3A_2528 = scf.for %scan3A_2764 = %scan3A_2524 to %scan3A_2526 step %scan3A_2527 iter_args(%scan3A_2765 = %scan3A_2523) -> (i32)  : i32 {
      %swap3A = arith.index_cast %scan3A_2764 : i32 to index
      %swap3A_2766 = arith.constant 0 : index
      %swap3A_2767 = tpu.vector_load %arg7[%swap3A, %swap3A_2766] {strides = array<i32>} : memref<256x128xf32, #tpu.memory_space<vmem>>, vector<1x16xf32>,
      %swap3A_2768 = vector.shape_cast %swap3A_2767 : vector<1x16xf32> to vector<16xf32>
      %swap3A_2769 = vector.shape_cast %broadcast_in_dim3A_2522 : vector<16xf32> to vector<1x16xf32>
      tpu.vector_store %arg7[%swap3A, %swap3A_2766], %swap3A_2769 {strides = array<i32>} : memref<256x128xf32, #tpu.memory_space<vmem>>, vector<1x16xf32>,
      %swap3A_2770 = arith.index_cast %scan3A_2764 : i32 to index
      %swap3A_2771 = arith.constant 16 : index
      %swap3A_2772 = tpu.vector_load %arg7[%swap3A_2770, %swap3A_2771] {strides = array<i32>} : memref<256x128xf32, #tpu.memory_space<vmem>>, vector<1x16xf32>,
      %swap3A_2773 = vector.shape_cast %swap3A_2772 : vector<1x16xf32> to vector<16xf32>
      %swap3A_2774 = vector.shape_cast %broadcast_in_dim3A_2522 : vector<16xf32> to vector<1x16xf32>
      tpu.vector_store %arg7[%swap3A_2770, %swap3A_2771], %swap3A_2774 {strides = array<i32>} : memref<256x128xf32, #tpu.memory_space<vmem>>, vector<1x16xf32>,
      %swap3A_2775 = arith.index_cast %scan3A_2764 : i32 to index
      %swap3A_2776 = arith.constant 32 : index
      %swap3A_2777 = tpu.vector_load %arg7[%swap3A_2775, %swap3A_2776] {strides = array<i32>} : memref<256x128xf32, #tpu.memory_space<vmem>>, vector<1x16xf32>,
      %swap3A_2778 = vector.shape_cast %swap3A_2777 : vector<1x16xf32> to vector<16xf32>
      %swap3A_2779 = vector.shape_cast %broadcast_in_dim3A_2522 : vector<16xf32> to vector<1x16xf32>
      tpu.vector_store %arg7[%swap3A_2775, %swap3A_2776], %swap3A_2779 {strides = array<i32>} : memref<256x128xf32, #tpu.memory_space<vmem>>, vector<1x16xf32>,
      %swap3A_2780 = arith.index_cast %scan3A_2764 : i32 to index
      %swap3A_2781 = arith.constant 48 : index
      %swap3A_2782 = tpu.vector_load %arg7[%swap3A_2780, %swap3A_2781] {strides = array<i32>} : memref<256x128xf32, #tpu.memory_space<vmem>>, vector<1x16xf32>,
      %swap3A_2783 = vector.shape_cast %swap3A_2782 : vector<1x16xf32> to vector<16xf32>
      %swap3A_2784 = vector.shape_cast %broadcast_in_dim3A_2522 : vector<16xf32> to vector<1x16xf32>
      tpu.vector_store %arg7[%swap3A_2780, %swap3A_2781], %swap3A_2784 {strides = array<i32>} : memref<256x128xf32, #tpu.memory_space<vmem>>, vector<1x16xf32>,
      %swap3A_2785 = arith.index_cast %scan3A_2764 : i32 to index
      %swap3A_2786 = arith.constant 64 : index
      %swap3A_2787 = tpu.vector_load %arg7[%swap3A_2785, %swap3A_2786] {strides = array<i32>} : memref<256x128xf32, #tpu.memory_space<vmem>>, vector<1x16xf32>,
      %swap3A_2788 = vector.shape_cast %swap3A_2787 : vector<1x16xf32> to vector<16xf32>
      %swap3A_2789 = vector.shape_cast %broadcast_in_dim3A_2522 : vector<16xf32> to vector<1x16xf32>
      tpu.vector_store %arg7[%swap3A_2785, %swap3A_2786], %swap3A_2789 {strides = array<i32>} : memref<256x128xf32, #tpu.memory_space<vmem>>, vector<1x16xf32>,
      %swap3A_2790 = arith.index_cast %scan3A_2764 : i32 to index
      %swap3A_2791 = arith.constant 80 : index
      %swap3A_2792 = tpu.vector_load %arg7[%swap3A_2790, %swap3A_2791] {strides = array<i32>} : memref<256x128xf32, #tpu.memory_space<vmem>>, vector<1x16xf32>,
      %swap3A_2793 = vector.shape_cast %swap3A_2792 : vector<1x16xf32> to vector<16xf32>
      %swap3A_2794 = vector.shape_cast %broadcast_in_dim3A_2522 : vector<16xf32> to vector<1x16xf32>
      tpu.vector_store %arg7[%swap3A_2790, %swap3A_2791], %swap3A_2794 {strides = array<i32>} : memref<256x128xf32, #tpu.memory_space<vmem>>, vector<1x16xf32>,
      %swap3A_2795 = arith.index_cast %scan3A_2764 : i32 to index
      %swap3A_2796 = arith.constant 96 : index
      %swap3A_2797 = tpu.vector_load %arg7[%swap3A_2795, %swap3A_2796] {strides = array<i32>} : memref<256x128xf32, #tpu.memory_space<vmem>>, vector<1x16xf32>,
      %swap3A_2798 = vector.shape_cast %swap3A_2797 : vector<1x16xf32> to vector<16xf32>
      %swap3A_2799 = vector.shape_cast %broadcast_in_dim3A_2522 : vector<16xf32> to vector<1x16xf32>
      tpu.vector_store %arg7[%swap3A_2795, %swap3A_2796], %swap3A_2799 {strides = array<i32>} : memref<256x128xf32, #tpu.memory_space<vmem>>, vector<1x16xf32>,
      %swap3A_2800 = arith.index_cast %scan3A_2764 : i32 to index
      %swap3A_2801 = arith.constant 112 : index
      %swap3A_2802 = tpu.vector_load %arg7[%swap3A_2800, %swap3A_2801] {strides = array<i32>} : memref<256x128xf32, #tpu.memory_space<vmem>>, vector<1x16xf32>,
      %swap3A_2803 = vector.shape_cast %swap3A_2802 : vector<1x16xf32> to vector<16xf32>
      %swap3A_2804 = vector.shape_cast %broadcast_in_dim3A_2522 : vector<16xf32> to vector<1x16xf32>
      tpu.vector_store %arg7[%swap3A_2800, %swap3A_2801], %swap3A_2804 {strides = array<i32>} : memref<256x128xf32, #tpu.memory_space<vmem>>, vector<1x16xf32>,
      %scan3A_2805 = arith.constant 0 : i32
      scf.yield %scan3A_2805 : i32
    }
    %scan3A_2529 = arith.constant 128 : i32
    %dma_start3A_2530 = arith.constant 12 : i32
    %dma_start3A_2531 = arith.constant 0 : i32
    %dma_start3A_2532 = arith.constant 0 : i32
    %dma_start3A_2533 = tpu.memref_slice %arg7[%dma_start3A_2531, %dma_start3A_2532] : memref<256x128xf32, #tpu.memory_space<vmem>> -> memref<128x128xf32, #tpu.memory_space<vmem>>
    %dma_start3A_2534 = arith.constant 0 : i32
    %dma_start3A_2535 = tpu.memref_slice %arg5[%dma_start3A_2530, %dma_start3A_2534] : memref<130x128xi32, #tpu.memory_space<vmem>> -> memref<1x128xi32, #tpu.memory_space<vmem>>
    %dma_start3A_2536 = tpu.memref_squeeze %dma_start3A_2535 : memref<1x128xi32, #tpu.memory_space<vmem>> -> memref<128xi32, #tpu.memory_space<vmem>>
    %dma_start3A_2537 = arith.constant 0 : i32
    %dma_start3A_2538 = arith.constant 0 : i32
    %dma_start3A_2539 = tpu.memref_slice %arg3[%dma_start3A_2537, %dma_start3A_2538] : memref<50000x128xf32, #tpu.memory_space<hbm>> -> memref<50000x128xf32, #tpu.memory_space<hbm>>
    tpu.enqueue_indirect_dma source(%dma_start3A_2539 : memref<50000x128xf32, #tpu.memory_space<hbm>>) target(%dma_start3A_2533 : memref<128x128xf32, #tpu.memory_space<vmem>>) offsets(%dma_start3A_2536 : memref<128xi32, #tpu.memory_space<vmem>>) semaphore(%arg9 : memref<!tpu.dma_semaphore, #tpu.memory_space<semaphore_mem>>) {add = true}
    %dma_start3A_2540 = arith.constant 25 : i32
    %dma_start3A_2541 = arith.constant 0 : i32
    %dma_start3A_2542 = arith.constant 0 : i32
    %dma_start3A_2543 = tpu.memref_slice %arg7[%dma_start3A_2541, %dma_start3A_2542] : memref<256x128xf32, #tpu.memory_space<vmem>> -> memref<128x128xf32, #tpu.memory_space<vmem>>
    %dma_start3A_2544 = arith.constant 0 : i32
    %dma_start3A_2545 = tpu.memref_slice %arg5[%dma_start3A_2540, %dma_start3A_2544] : memref<130x128xi32, #tpu.memory_space<vmem>> -> memref<1x128xi32, #tpu.memory_space<vmem>>
    %dma_start3A_2546 = tpu.memref_squeeze %dma_start3A_2545 : memref<1x128xi32, #tpu.memory_space<vmem>> -> memref<128xi32, #tpu.memory_space<vmem>>
    %dma_start3A_2547 = arith.constant 0 : i32
    %dma_start3A_2548 = arith.constant 0 : i32
    %dma_start3A_2549 = tpu.memref_slice %arg3[%dma_start3A_2547, %dma_start3A_2548] : memref<50000x128xf32, #tpu.memory_space<hbm>> -> memref<50000x128xf32, #tpu.memory_space<hbm>>
    tpu.enqueue_indirect_dma source(%dma_start3A_2549 : memref<50000x128xf32, #tpu.memory_space<hbm>>) target(%dma_start3A_2543 : memref<128x128xf32, #tpu.memory_space<vmem>>) offsets(%dma_start3A_2546 : memref<128xi32, #tpu.memory_space<vmem>>) semaphore(%arg9 : memref<!tpu.dma_semaphore, #tpu.memory_space<semaphore_mem>>) {add = true}
    %dma_start3A_2550 = arith.constant 38 : i32
    %dma_start3A_2551 = arith.constant 0 : i32
    %dma_start3A_2552 = arith.constant 0 : i32
    %dma_start3A_2553 = tpu.memref_slice %arg7[%dma_start3A_2551, %dma_start3A_2552] : memref<256x128xf32, #tpu.memory_space<vmem>> -> memref<128x128xf32, #tpu.memory_space<vmem>>
    %dma_start3A_2554 = arith.constant 0 : i32
    %dma_start3A_2555 = tpu.memref_slice %arg5[%dma_start3A_2550, %dma_start3A_2554] : memref<130x128xi32, #tpu.memory_space<vmem>> -> memref<1x128xi32, #tpu.memory_space<vmem>>
    %dma_start3A_2556 = tpu.memref_squeeze %dma_start3A_2555 : memref<1x128xi32, #tpu.memory_space<vmem>> -> memref<128xi32, #tpu.memory_space<vmem>>
    %dma_start3A_2557 = arith.constant 0 : i32
    %dma_start3A_2558 = arith.constant 0 : i32
    %dma_start3A_2559 = tpu.memref_slice %arg3[%dma_start3A_2557, %dma_start3A_2558] : memref<50000x128xf32, #tpu.memory_space<hbm>> -> memref<50000x128xf32, #tpu.memory_space<hbm>>
    tpu.enqueue_indirect_dma source(%dma_start3A_2559 : memref<50000x128xf32, #tpu.memory_space<hbm>>) target(%dma_start3A_2553 : memref<128x128xf32, #tpu.memory_space<vmem>>) offsets(%dma_start3A_2556 : memref<128xi32, #tpu.memory_space<vmem>>) semaphore(%arg9 : memref<!tpu.dma_semaphore, #tpu.memory_space<semaphore_mem>>) {add = true}
    %dma_start3A_2560 = arith.constant 51 : i32
    %dma_start3A_2561 = arith.constant 0 : i32
    %dma_start3A_2562 = arith.constant 0 : i32
    %dma_start3A_2563 = tpu.memref_slice %arg7[%dma_start3A_2561, %dma_start3A_2562] : memref<256x128xf32, #tpu.memory_space<vmem>> -> memref<128x128xf32, #tpu.memory_space<vmem>>
    %dma_start3A_2564 = arith.constant 0 : i32
    %dma_start3A_2565 = tpu.memref_slice %arg5[%dma_start3A_2560, %dma_start3A_2564] : memref<130x128xi32, #tpu.memory_space<vmem>> -> memref<1x128xi32, #tpu.memory_space<vmem>>
    %dma_start3A_2566 = tpu.memref_squeeze %dma_start3A_2565 : memref<1x128xi32, #tpu.memory_space<vmem>> -> memref<128xi32, #tpu.memory_space<vmem>>
    %dma_start3A_2567 = arith.constant 0 : i32
    %dma_start3A_2568 = arith.constant 0 : i32
    %dma_start3A_2569 = tpu.memref_slice %arg3[%dma_start3A_2567, %dma_start3A_2568] : memref<50000x128xf32, #tpu.memory_space<hbm>> -> memref<50000x128xf32, #tpu.memory_space<hbm>>
    tpu.enqueue_indirect_dma source(%dma_start3A_2569 : memref<50000x128xf32, #tpu.memory_space<hbm>>) target(%dma_start3A_2563 : memref<128x128xf32, #tpu.memory_space<vmem>>) offsets(%dma_start3A_2566 : memref<128xi32, #tpu.memory_space<vmem>>) semaphore(%arg9 : memref<!tpu.dma_semaphore, #tpu.memory_space<semaphore_mem>>) {add = true}
    %dma_start3A_2570 = arith.constant 64 : i32
    %dma_start3A_2571 = arith.constant 0 : i32
    %dma_start3A_2572 = arith.constant 0 : i32
    %dma_start3A_2573 = tpu.memref_slice %arg7[%dma_start3A_2571, %dma_start3A_2572] : memref<256x128xf32, #tpu.memory_space<vmem>> -> memref<128x128xf32, #tpu.memory_space<vmem>>
    %dma_start3A_2574 = arith.constant 0 : i32
    %dma_start3A_2575 = tpu.memref_slice %arg5[%dma_start3A_2570, %dma_start3A_2574] : memref<130x128xi32, #tpu.memory_space<vmem>> -> memref<1x128xi32, #tpu.memory_space<vmem>>
    %dma_start3A_2576 = tpu.memref_squeeze %dma_start3A_2575 : memref<1x128xi32, #tpu.memory_space<vmem>> -> memref<128xi32, #tpu.memory_space<vmem>>
    %dma_start3A_2577 = arith.constant 0 : i32
    %dma_start3A_2578 = arith.constant 0 : i32
    %dma_start3A_2579 = tpu.memref_slice %arg3[%dma_start3A_2577, %dma_start3A_2578] : memref<50000x128xf32, #tpu.memory_space<hbm>> -> memref<50000x128xf32, #tpu.memory_space<hbm>>
    tpu.enqueue_indirect_dma source(%dma_start3A_2579 : memref<50000x128xf32, #tpu.memory_space<hbm>>) target(%dma_start3A_2573 : memref<128x128xf32, #tpu.memory_space<vmem>>) offsets(%dma_start3A_2576 : memref<128xi32, #tpu.memory_space<vmem>>) semaphore(%arg9 : memref<!tpu.dma_semaphore, #tpu.memory_space<semaphore_mem>>) {add = true}
    %dma_start3A_2580 = arith.constant 77 : i32
    %dma_start3A_2581 = arith.constant 0 : i32
    %dma_start3A_2582 = arith.constant 0 : i32
    %dma_start3A_2583 = tpu.memref_slice %arg7[%dma_start3A_2581, %dma_start3A_2582] : memref<256x128xf32, #tpu.memory_space<vmem>> -> memref<128x128xf32, #tpu.memory_space<vmem>>
    %dma_start3A_2584 = arith.constant 0 : i32
    %dma_start3A_2585 = tpu.memref_slice %arg5[%dma_start3A_2580, %dma_start3A_2584] : memref<130x128xi32, #tpu.memory_space<vmem>> -> memref<1x128xi32, #tpu.memory_space<vmem>>
    %dma_start3A_2586 = tpu.memref_squeeze %dma_start3A_2585 : memref<1x128xi32, #tpu.memory_space<vmem>> -> memref<128xi32, #tpu.memory_space<vmem>>
    %dma_start3A_2587 = arith.constant 0 : i32
    %dma_start3A_2588 = arith.constant 0 : i32
    %dma_start3A_2589 = tpu.memref_slice %arg3[%dma_start3A_2587, %dma_start3A_2588] : memref<50000x128xf32, #tpu.memory_space<hbm>> -> memref<50000x128xf32, #tpu.memory_space<hbm>>
    tpu.enqueue_indirect_dma source(%dma_start3A_2589 : memref<50000x128xf32, #tpu.memory_space<hbm>>) target(%dma_start3A_2583 : memref<128x128xf32, #tpu.memory_space<vmem>>) offsets(%dma_start3A_2586 : memref<128xi32, #tpu.memory_space<vmem>>) semaphore(%arg9 : memref<!tpu.dma_semaphore, #tpu.memory_space<semaphore_mem>>) {add = true}
    %dma_start3A_2590 = arith.constant 90 : i32
    %dma_start3A_2591 = arith.constant 0 : i32
    %dma_start3A_2592 = arith.constant 0 : i32
    %dma_start3A_2593 = tpu.memref_slice %arg7[%dma_start3A_2591, %dma_start3A_2592] : memref<256x128xf32, #tpu.memory_space<vmem>> -> memref<128x128xf32, #tpu.memory_space<vmem>>
    %dma_start3A_2594 = arith.constant 0 : i32
    %dma_start3A_2595 = tpu.memref_slice %arg5[%dma_start3A_2590, %dma_start3A_2594] : memref<130x128xi32, #tpu.memory_space<vmem>> -> memref<1x128xi32, #tpu.memory_space<vmem>>
    %dma_start3A_2596 = tpu.memref_squeeze %dma_start3A_2595 : memref<1x128xi32, #tpu.memory_space<vmem>> -> memref<128xi32, #tpu.memory_space<vmem>>
    %dma_start3A_2597 = arith.constant 0 : i32
    %dma_start3A_2598 = arith.constant 0 : i32
    %dma_start3A_2599 = tpu.memref_slice %arg3[%dma_start3A_2597, %dma_start3A_2598] : memref<50000x128xf32, #tpu.memory_space<hbm>> -> memref<50000x128xf32, #tpu.memory_space<hbm>>
    tpu.enqueue_indirect_dma source(%dma_start3A_2599 : memref<50000x128xf32, #tpu.memory_space<hbm>>) target(%dma_start3A_2593 : memref<128x128xf32, #tpu.memory_space<vmem>>) offsets(%dma_start3A_2596 : memref<128xi32, #tpu.memory_space<vmem>>) semaphore(%arg9 : memref<!tpu.dma_semaphore, #tpu.memory_space<semaphore_mem>>) {add = true}
    %dma_start3A_2600 = arith.constant 103 : i32
    %dma_start3A_2601 = arith.constant 0 : i32
    %dma_start3A_2602 = arith.constant 0 : i32
    %dma_start3A_2603 = tpu.memref_slice %arg7[%dma_start3A_2601, %dma_start3A_2602] : memref<256x128xf32, #tpu.memory_space<vmem>> -> memref<128x128xf32, #tpu.memory_space<vmem>>
    %dma_start3A_2604 = arith.constant 0 : i32
    %dma_start3A_2605 = tpu.memref_slice %arg5[%dma_start3A_2600, %dma_start3A_2604] : memref<130x128xi32, #tpu.memory_space<vmem>> -> memref<1x128xi32, #tpu.memory_space<vmem>>
    %dma_start3A_2606 = tpu.memref_squeeze %dma_start3A_2605 : memref<1x128xi32, #tpu.memory_space<vmem>> -> memref<128xi32, #tpu.memory_space<vmem>>
    %dma_start3A_2607 = arith.constant 0 : i32
    %dma_start3A_2608 = arith.constant 0 : i32
    %dma_start3A_2609 = tpu.memref_slice %arg3[%dma_start3A_2607, %dma_start3A_2608] : memref<50000x128xf32, #tpu.memory_space<hbm>> -> memref<50000x128xf32, #tpu.memory_space<hbm>>
    tpu.enqueue_indirect_dma source(%dma_start3A_2609 : memref<50000x128xf32, #tpu.memory_space<hbm>>) target(%dma_start3A_2603 : memref<128x128xf32, #tpu.memory_space<vmem>>) offsets(%dma_start3A_2606 : memref<128xi32, #tpu.memory_space<vmem>>) semaphore(%arg9 : memref<!tpu.dma_semaphore, #tpu.memory_space<semaphore_mem>>) {add = true}
    %dma_start3A_2610 = arith.constant 116 : i32
    %dma_start3A_2611 = arith.constant 0 : i32
    %dma_start3A_2612 = arith.constant 0 : i32
    %dma_start3A_2613 = tpu.memref_slice %arg7[%dma_start3A_2611, %dma_start3A_2612] : memref<256x128xf32, #tpu.memory_space<vmem>> -> memref<128x128xf32, #tpu.memory_space<vmem>>
    %dma_start3A_2614 = arith.constant 0 : i32
    %dma_start3A_2615 = tpu.memref_slice %arg5[%dma_start3A_2610, %dma_start3A_2614] : memref<130x128xi32, #tpu.memory_space<vmem>> -> memref<1x128xi32, #tpu.memory_space<vmem>>
    %dma_start3A_2616 = tpu.memref_squeeze %dma_start3A_2615 : memref<1x128xi32, #tpu.memory_space<vmem>> -> memref<128xi32, #tpu.memory_space<vmem>>
    %dma_start3A_2617 = arith.constant 0 : i32
    %dma_start3A_2618 = arith.constant 0 : i32
    %dma_start3A_2619 = tpu.memref_slice %arg3[%dma_start3A_2617, %dma_start3A_2618] : memref<50000x128xf32, #tpu.memory_space<hbm>> -> memref<50000x128xf32, #tpu.memory_space<hbm>>
    tpu.enqueue_indirect_dma source(%dma_start3A_2619 : memref<50000x128xf32, #tpu.memory_space<hbm>>) target(%dma_start3A_2613 : memref<128x128xf32, #tpu.memory_space<vmem>>) offsets(%dma_start3A_2616 : memref<128xi32, #tpu.memory_space<vmem>>) semaphore(%arg9 : memref<!tpu.dma_semaphore, #tpu.memory_space<semaphore_mem>>) {add = true}
    %dma_start3A_2620 = arith.constant 129 : i32
    %dma_start3A_2621 = arith.constant 0 : i32
    %dma_start3A_2622 = arith.constant 0 : i32
    %dma_start3A_2623 = tpu.memref_slice %arg7[%dma_start3A_2621, %dma_start3A_2622] : memref<256x128xf32, #tpu.memory_space<vmem>> -> memref<128x128xf32, #tpu.memory_space<vmem>>
    %dma_start3A_2624 = arith.constant 0 : i32
    %dma_start3A_2625 = tpu.memref_slice %arg5[%dma_start3A_2620, %dma_start3A_2624] : memref<130x128xi32, #tpu.memory_space<vmem>> -> memref<1x128xi32, #tpu.memory_space<vmem>>
    %dma_start3A_2626 = tpu.memref_squeeze %dma_start3A_2625 : memref<1x128xi32, #tpu.memory_space<vmem>> -> memref<128xi32, #tpu.memory_space<vmem>>
    %dma_start3A_2627 = arith.constant 0 : i32
    %dma_start3A_2628 = arith.constant 0 : i32
    %dma_start3A_2629 = tpu.memref_slice %arg3[%dma_start3A_2627, %dma_start3A_2628] : memref<50000x128xf32, #tpu.memory_space<hbm>> -> memref<50000x128xf32, #tpu.memory_space<hbm>>
    tpu.enqueue_indirect_dma source(%dma_start3A_2629 : memref<50000x128xf32, #tpu.memory_space<hbm>>) target(%dma_start3A_2623 : memref<128x128xf32, #tpu.memory_space<vmem>>) offsets(%dma_start3A_2626 : memref<128xi32, #tpu.memory_space<vmem>>) semaphore(%arg9 : memref<!tpu.dma_semaphore, #tpu.memory_space<semaphore_mem>>) {add = true}
    %dma_wait3A_2630 = arith.constant 12 : i32
    %dma_wait3A_2631 = arith.constant 0 : i32
    %dma_wait3A_2632 = arith.constant 0 : i32
    %dma_wait3A_2633 = tpu.memref_slice %arg7[%dma_wait3A_2631, %dma_wait3A_2632] : memref<256x128xf32, #tpu.memory_space<vmem>> -> memref<128x128xf32, #tpu.memory_space<vmem>>
    %dma_wait3A_2634 = arith.constant 0 : i32
    %dma_wait3A_2635 = tpu.memref_slice %arg5[%dma_wait3A_2630, %dma_wait3A_2634] : memref<130x128xi32, #tpu.memory_space<vmem>> -> memref<1x128xi32, #tpu.memory_space<vmem>>
    %dma_wait3A_2636 = tpu.memref_squeeze %dma_wait3A_2635 : memref<1x128xi32, #tpu.memory_space<vmem>> -> memref<128xi32, #tpu.memory_space<vmem>>
    %dma_wait3A_2637 = arith.constant 0 : i32
    %dma_wait3A_2638 = arith.constant 0 : i32
    %dma_wait3A_2639 = tpu.memref_slice %arg3[%dma_wait3A_2637, %dma_wait3A_2638] : memref<50000x128xf32, #tpu.memory_space<hbm>> -> memref<50000x128xf32, #tpu.memory_space<hbm>>
    tpu.wait_indirect_dma semaphore(%arg9 : memref<!tpu.dma_semaphore, #tpu.memory_space<semaphore_mem>>) src(%dma_wait3A_2639 : memref<50000x128xf32, #tpu.memory_space<hbm>>) dst(%dma_wait3A_2633 : memref<128x128xf32, #tpu.memory_space<vmem>>)
    %dma_wait3A_2640 = arith.constant 25 : i32
    %dma_wait3A_2641 = arith.constant 0 : i32
    %dma_wait3A_2642 = arith.constant 0 : i32
    %dma_wait3A_2643 = tpu.memref_slice %arg7[%dma_wait3A_2641, %dma_wait3A_2642] : memref<256x128xf32, #tpu.memory_space<vmem>> -> memref<128x128xf32, #tpu.memory_space<vmem>>
    %dma_wait3A_2644 = arith.constant 0 : i32
    %dma_wait3A_2645 = tpu.memref_slice %arg5[%dma_wait3A_2640, %dma_wait3A_2644] : memref<130x128xi32, #tpu.memory_space<vmem>> -> memref<1x128xi32, #tpu.memory_space<vmem>>
    %dma_wait3A_2646 = tpu.memref_squeeze %dma_wait3A_2645 : memref<1x128xi32, #tpu.memory_space<vmem>> -> memref<128xi32, #tpu.memory_space<vmem>>
    %dma_wait3A_2647 = arith.constant 0 : i32
    %dma_wait3A_2648 = arith.constant 0 : i32
    %dma_wait3A_2649 = tpu.memref_slice %arg3[%dma_wait3A_2647, %dma_wait3A_2648] : memref<50000x128xf32, #tpu.memory_space<hbm>> -> memref<50000x128xf32, #tpu.memory_space<hbm>>
    tpu.wait_indirect_dma semaphore(%arg9 : memref<!tpu.dma_semaphore, #tpu.memory_space<semaphore_mem>>) src(%dma_wait3A_2649 : memref<50000x128xf32, #tpu.memory_space<hbm>>) dst(%dma_wait3A_2643 : memref<128x128xf32, #tpu.memory_space<vmem>>)
    %dma_wait3A_2650 = arith.constant 38 : i32
    %dma_wait3A_2651 = arith.constant 0 : i32
    %dma_wait3A_2652 = arith.constant 0 : i32
    %dma_wait3A_2653 = tpu.memref_slice %arg7[%dma_wait3A_2651, %dma_wait3A_2652] : memref<256x128xf32, #tpu.memory_space<vmem>> -> memref<128x128xf32, #tpu.memory_space<vmem>>
    %dma_wait3A_2654 = arith.constant 0 : i32
    %dma_wait3A_2655 = tpu.memref_slice %arg5[%dma_wait3A_2650, %dma_wait3A_2654] : memref<130x128xi32, #tpu.memory_space<vmem>> -> memref<1x128xi32, #tpu.memory_space<vmem>>
    %dma_wait3A_2656 = tpu.memref_squeeze %dma_wait3A_2655 : memref<1x128xi32, #tpu.memory_space<vmem>> -> memref<128xi32, #tpu.memory_space<vmem>>
    %dma_wait3A_2657 = arith.constant 0 : i32
    %dma_wait3A_2658 = arith.constant 0 : i32
    %dma_wait3A_2659 = tpu.memref_slice %arg3[%dma_wait3A_2657, %dma_wait3A_2658] : memref<50000x128xf32, #tpu.memory_space<hbm>> -> memref<50000x128xf32, #tpu.memory_space<hbm>>
    tpu.wait_indirect_dma semaphore(%arg9 : memref<!tpu.dma_semaphore, #tpu.memory_space<semaphore_mem>>) src(%dma_wait3A_2659 : memref<50000x128xf32, #tpu.memory_space<hbm>>) dst(%dma_wait3A_2653 : memref<128x128xf32, #tpu.memory_space<vmem>>)
    %dma_wait3A_2660 = arith.constant 51 : i32
    %dma_wait3A_2661 = arith.constant 0 : i32
    %dma_wait3A_2662 = arith.constant 0 : i32
    %dma_wait3A_2663 = tpu.memref_slice %arg7[%dma_wait3A_2661, %dma_wait3A_2662] : memref<256x128xf32, #tpu.memory_space<vmem>> -> memref<128x128xf32, #tpu.memory_space<vmem>>
    %dma_wait3A_2664 = arith.constant 0 : i32
    %dma_wait3A_2665 = tpu.memref_slice %arg5[%dma_wait3A_2660, %dma_wait3A_2664] : memref<130x128xi32, #tpu.memory_space<vmem>> -> memref<1x128xi32, #tpu.memory_space<vmem>>
    %dma_wait3A_2666 = tpu.memref_squeeze %dma_wait3A_2665 : memref<1x128xi32, #tpu.memory_space<vmem>> -> memref<128xi32, #tpu.memory_space<vmem>>
    %dma_wait3A_2667 = arith.constant 0 : i32
    %dma_wait3A_2668 = arith.constant 0 : i32
    %dma_wait3A_2669 = tpu.memref_slice %arg3[%dma_wait3A_2667, %dma_wait3A_2668] : memref<50000x128xf32, #tpu.memory_space<hbm>> -> memref<50000x128xf32, #tpu.memory_space<hbm>>
    tpu.wait_indirect_dma semaphore(%arg9 : memref<!tpu.dma_semaphore, #tpu.memory_space<semaphore_mem>>) src(%dma_wait3A_2669 : memref<50000x128xf32, #tpu.memory_space<hbm>>) dst(%dma_wait3A_2663 : memref<128x128xf32, #tpu.memory_space<vmem>>)
    %dma_wait3A_2670 = arith.constant 64 : i32
    %dma_wait3A_2671 = arith.constant 0 : i32
    %dma_wait3A_2672 = arith.constant 0 : i32
    %dma_wait3A_2673 = tpu.memref_slice %arg7[%dma_wait3A_2671, %dma_wait3A_2672] : memref<256x128xf32, #tpu.memory_space<vmem>> -> memref<128x128xf32, #tpu.memory_space<vmem>>
    %dma_wait3A_2674 = arith.constant 0 : i32
    %dma_wait3A_2675 = tpu.memref_slice %arg5[%dma_wait3A_2670, %dma_wait3A_2674] : memref<130x128xi32, #tpu.memory_space<vmem>> -> memref<1x128xi32, #tpu.memory_space<vmem>>
    %dma_wait3A_2676 = tpu.memref_squeeze %dma_wait3A_2675 : memref<1x128xi32, #tpu.memory_space<vmem>> -> memref<128xi32, #tpu.memory_space<vmem>>
    %dma_wait3A_2677 = arith.constant 0 : i32
    %dma_wait3A_2678 = arith.constant 0 : i32
    %dma_wait3A_2679 = tpu.memref_slice %arg3[%dma_wait3A_2677, %dma_wait3A_2678] : memref<50000x128xf32, #tpu.memory_space<hbm>> -> memref<50000x128xf32, #tpu.memory_space<hbm>>
    tpu.wait_indirect_dma semaphore(%arg9 : memref<!tpu.dma_semaphore, #tpu.memory_space<semaphore_mem>>) src(%dma_wait3A_2679 : memref<50000x128xf32, #tpu.memory_space<hbm>>) dst(%dma_wait3A_2673 : memref<128x128xf32, #tpu.memory_space<vmem>>)
    %dma_wait3A_2680 = arith.constant 77 : i32
    %dma_wait3A_2681 = arith.constant 0 : i32
    %dma_wait3A_2682 = arith.constant 0 : i32
    %dma_wait3A_2683 = tpu.memref_slice %arg7[%dma_wait3A_2681, %dma_wait3A_2682] : memref<256x128xf32, #tpu.memory_space<vmem>> -> memref<128x128xf32, #tpu.memory_space<vmem>>
    %dma_wait3A_2684 = arith.constant 0 : i32
    %dma_wait3A_2685 = tpu.memref_slice %arg5[%dma_wait3A_2680, %dma_wait3A_2684] : memref<130x128xi32, #tpu.memory_space<vmem>> -> memref<1x128xi32, #tpu.memory_space<vmem>>
    %dma_wait3A_2686 = tpu.memref_squeeze %dma_wait3A_2685 : memref<1x128xi32, #tpu.memory_space<vmem>> -> memref<128xi32, #tpu.memory_space<vmem>>
    %dma_wait3A_2687 = arith.constant 0 : i32
    %dma_wait3A_2688 = arith.constant 0 : i32
    %dma_wait3A_2689 = tpu.memref_slice %arg3[%dma_wait3A_2687, %dma_wait3A_2688] : memref<50000x128xf32, #tpu.memory_space<hbm>> -> memref<50000x128xf32, #tpu.memory_space<hbm>>
    tpu.wait_indirect_dma semaphore(%arg9 : memref<!tpu.dma_semaphore, #tpu.memory_space<semaphore_mem>>) src(%dma_wait3A_2689 : memref<50000x128xf32, #tpu.memory_space<hbm>>) dst(%dma_wait3A_2683 : memref<128x128xf32, #tpu.memory_space<vmem>>)
    %dma_wait3A_2690 = arith.constant 90 : i32
    %dma_wait3A_2691 = arith.constant 0 : i32
    %dma_wait3A_2692 = arith.constant 0 : i32
    %dma_wait3A_2693 = tpu.memref_slice %arg7[%dma_wait3A_2691, %dma_wait3A_2692] : memref<256x128xf32, #tpu.memory_space<vmem>> -> memref<128x128xf32, #tpu.memory_space<vmem>>
    %dma_wait3A_2694 = arith.constant 0 : i32
    %dma_wait3A_2695 = tpu.memref_slice %arg5[%dma_wait3A_2690, %dma_wait3A_2694] : memref<130x128xi32, #tpu.memory_space<vmem>> -> memref<1x128xi32, #tpu.memory_space<vmem>>
    %dma_wait3A_2696 = tpu.memref_squeeze %dma_wait3A_2695 : memref<1x128xi32, #tpu.memory_space<vmem>> -> memref<128xi32, #tpu.memory_space<vmem>>
    %dma_wait3A_2697 = arith.constant 0 : i32
    %dma_wait3A_2698 = arith.constant 0 : i32
    %dma_wait3A_2699 = tpu.memref_slice %arg3[%dma_wait3A_2697, %dma_wait3A_2698] : memref<50000x128xf32, #tpu.memory_space<hbm>> -> memref<50000x128xf32, #tpu.memory_space<hbm>>
    tpu.wait_indirect_dma semaphore(%arg9 : memref<!tpu.dma_semaphore, #tpu.memory_space<semaphore_mem>>) src(%dma_wait3A_2699 : memref<50000x128xf32, #tpu.memory_space<hbm>>) dst(%dma_wait3A_2693 : memref<128x128xf32, #tpu.memory_space<vmem>>)
    %dma_wait3A_2700 = arith.constant 103 : i32
    %dma_wait3A_2701 = arith.constant 0 : i32
    %dma_wait3A_2702 = arith.constant 0 : i32
    %dma_wait3A_2703 = tpu.memref_slice %arg7[%dma_wait3A_2701, %dma_wait3A_2702] : memref<256x128xf32, #tpu.memory_space<vmem>> -> memref<128x128xf32, #tpu.memory_space<vmem>>
    %dma_wait3A_2704 = arith.constant 0 : i32
    %dma_wait3A_2705 = tpu.memref_slice %arg5[%dma_wait3A_2700, %dma_wait3A_2704] : memref<130x128xi32, #tpu.memory_space<vmem>> -> memref<1x128xi32, #tpu.memory_space<vmem>>
    %dma_wait3A_2706 = tpu.memref_squeeze %dma_wait3A_2705 : memref<1x128xi32, #tpu.memory_space<vmem>> -> memref<128xi32, #tpu.memory_space<vmem>>
    %dma_wait3A_2707 = arith.constant 0 : i32
    %dma_wait3A_2708 = arith.constant 0 : i32
    %dma_wait3A_2709 = tpu.memref_slice %arg3[%dma_wait3A_2707, %dma_wait3A_2708] : memref<50000x128xf32, #tpu.memory_space<hbm>> -> memref<50000x128xf32, #tpu.memory_space<hbm>>
    tpu.wait_indirect_dma semaphore(%arg9 : memref<!tpu.dma_semaphore, #tpu.memory_space<semaphore_mem>>) src(%dma_wait3A_2709 : memref<50000x128xf32, #tpu.memory_space<hbm>>) dst(%dma_wait3A_2703 : memref<128x128xf32, #tpu.memory_space<vmem>>)
    %dma_wait3A_2710 = arith.constant 116 : i32
    %dma_wait3A_2711 = arith.constant 0 : i32
    %dma_wait3A_2712 = arith.constant 0 : i32
    %dma_wait3A_2713 = tpu.memref_slice %arg7[%dma_wait3A_2711, %dma_wait3A_2712] : memref<256x128xf32, #tpu.memory_space<vmem>> -> memref<128x128xf32, #tpu.memory_space<vmem>>
    %dma_wait3A_2714 = arith.constant 0 : i32
    %dma_wait3A_2715 = tpu.memref_slice %arg5[%dma_wait3A_2710, %dma_wait3A_2714] : memref<130x128xi32, #tpu.memory_space<vmem>> -> memref<1x128xi32, #tpu.memory_space<vmem>>
    %dma_wait3A_2716 = tpu.memref_squeeze %dma_wait3A_2715 : memref<1x128xi32, #tpu.memory_space<vmem>> -> memref<128xi32, #tpu.memory_space<vmem>>
    %dma_wait3A_2717 = arith.constant 0 : i32
    %dma_wait3A_2718 = arith.constant 0 : i32
    %dma_wait3A_2719 = tpu.memref_slice %arg3[%dma_wait3A_2717, %dma_wait3A_2718] : memref<50000x128xf32, #tpu.memory_space<hbm>> -> memref<50000x128xf32, #tpu.memory_space<hbm>>
    tpu.wait_indirect_dma semaphore(%arg9 : memref<!tpu.dma_semaphore, #tpu.memory_space<semaphore_mem>>) src(%dma_wait3A_2719 : memref<50000x128xf32, #tpu.memory_space<hbm>>) dst(%dma_wait3A_2713 : memref<128x128xf32, #tpu.memory_space<vmem>>)
    %dma_wait3A_2720 = arith.constant 129 : i32
    %dma_wait3A_2721 = arith.constant 0 : i32
    %dma_wait3A_2722 = arith.constant 0 : i32
    %dma_wait3A_2723 = tpu.memref_slice %arg7[%dma_wait3A_2721, %dma_wait3A_2722] : memref<256x128xf32, #tpu.memory_space<vmem>> -> memref<128x128xf32, #tpu.memory_space<vmem>>
    %dma_wait3A_2724 = arith.constant 0 : i32
    %dma_wait3A_2725 = tpu.memref_slice %arg5[%dma_wait3A_2720, %dma_wait3A_2724] : memref<130x128xi32, #tpu.memory_space<vmem>> -> memref<1x128xi32, #tpu.memory_space<vmem>>
    %dma_wait3A_2726 = tpu.memref_squeeze %dma_wait3A_2725 : memref<1x128xi32, #tpu.memory_space<vmem>> -> memref<128xi32, #tpu.memory_space<vmem>>
    %dma_wait3A_2727 = arith.constant 0 : i32
    %dma_wait3A_2728 = arith.constant 0 : i32
    %dma_wait3A_2729 = tpu.memref_slice %arg3[%dma_wait3A_2727, %dma_wait3A_2728] : memref<50000x128xf32, #tpu.memory_space<hbm>> -> memref<50000x128xf32, #tpu.memory_space<hbm>>
    tpu.wait_indirect_dma semaphore(%arg9 : memref<!tpu.dma_semaphore, #tpu.memory_space<semaphore_mem>>) src(%dma_wait3A_2729 : memref<50000x128xf32, #tpu.memory_space<hbm>>) dst(%dma_wait3A_2723 : memref<128x128xf32, #tpu.memory_space<vmem>>)
    %add3A_2730 = arith.constant 12 : i32
    %add3A_2731 = arith.addi %mul3A_2, %add3A_2730 : i32
    %mul3A_2732 = arith.constant 128 : i32
    %mul3A_2733 = arith.muli %add3A_2731, %mul3A_2732 : i32
    %dma_start3A_2734 = arith.constant 0 : i32
    %dma_start3A_2735 = arith.constant 0 : i32
    %dma_start3A_2736 = tpu.memref_slice %arg7[%dma_start3A_2734, %dma_start3A_2735] : memref<256x128xf32, #tpu.memory_space<vmem>> -> memref<128x128xf32, #tpu.memory_space<vmem>>
    %dma_start3A_2737 = arith.constant 0 : i32
    %dma_start3A_2738 = tpu.memref_slice %arg4[%mul3A_2733, %dma_start3A_2737] : memref<53248x128xf32, #tpu.memory_space<hbm>> -> memref<128x128xf32, #tpu.memory_space<hbm>>
    %dma_start3A_2739 = arith.constant 0 : i32
    %dma_start3A_2740 = tpu.memref_slice %arg4[%mul3A_2733, %dma_start3A_2739] : memref<53248x128xf32, #tpu.memory_space<hbm>> -> memref<128x128xf32, #tpu.memory_space<hbm>>
    %dma_start3A_2741 = arith.constant 0 : i32
    %dma_start3A_2742 = arith.constant 0 : i32
    %dma_start3A_2743 = tpu.memref_slice %arg7[%dma_start3A_2741, %dma_start3A_2742] : memref<256x128xf32, #tpu.memory_space<vmem>> -> memref<128x128xf32, #tpu.memory_space<vmem>>
    tpu.enqueue_dma source(%dma_start3A_2743 : memref<128x128xf32, #tpu.memory_space<vmem>>) target(%dma_start3A_2740 : memref<128x128xf32, #tpu.memory_space<hbm>>) target_semaphore(%arg11 : memref<!tpu.dma_semaphore, #tpu.memory_space<semaphore_mem>>)
    %dma_wait3A_2744 = arith.constant 0 : i32
    %dma_wait3A_2745 = arith.constant 0 : i32
    %dma_wait3A_2746 = tpu.memref_slice %arg6[%dma_wait3A_2744, %dma_wait3A_2745] : memref<512x128xf32, #tpu.memory_space<vmem>> -> memref<512x128xf32, #tpu.memory_space<vmem>>
    %dma_wait3A_2747 = arith.constant 0 : i32
    %dma_wait3A_2748 = tpu.memref_slice %arg4[%mul3A_2067, %dma_wait3A_2747] : memref<53248x128xf32, #tpu.memory_space<hbm>> -> memref<512x128xf32, #tpu.memory_space<hbm>>
    %dma_wait3A_2749 = arith.constant 0 : i32
    %dma_wait3A_2750 = tpu.memref_slice %arg4[%mul3A_2067, %dma_wait3A_2749] : memref<53248x128xf32, #tpu.memory_space<hbm>> -> memref<512x128xf32, #tpu.memory_space<hbm>>
    %dma_wait3A_2751 = arith.constant 0 : i32
    %dma_wait3A_2752 = arith.constant 0 : i32
    %dma_wait3A_2753 = tpu.memref_slice %arg6[%dma_wait3A_2751, %dma_wait3A_2752] : memref<512x128xf32, #tpu.memory_space<vmem>> -> memref<512x128xf32, #tpu.memory_space<vmem>>
    tpu.wait_dma2 semaphore(%arg10 : memref<!tpu.dma_semaphore, #tpu.memory_space<semaphore_mem>>) src(%dma_wait3A_2753 : memref<512x128xf32, #tpu.memory_space<vmem>>) dst(%dma_wait3A_2750 : memref<512x128xf32, #tpu.memory_space<hbm>>)
    %dma_wait3A_2754 = arith.constant 0 : i32
    %dma_wait3A_2755 = arith.constant 0 : i32
    %dma_wait3A_2756 = tpu.memref_slice %arg7[%dma_wait3A_2754, %dma_wait3A_2755] : memref<256x128xf32, #tpu.memory_space<vmem>> -> memref<128x128xf32, #tpu.memory_space<vmem>>
    %dma_wait3A_2757 = arith.constant 0 : i32
    %dma_wait3A_2758 = tpu.memref_slice %arg4[%mul3A_2733, %dma_wait3A_2757] : memref<53248x128xf32, #tpu.memory_space<hbm>> -> memref<128x128xf32, #tpu.memory_space<hbm>>
    %dma_wait3A_2759 = arith.constant 0 : i32
    %dma_wait3A_2760 = tpu.memref_slice %arg4[%mul3A_2733, %dma_wait3A_2759] : memref<53248x128xf32, #tpu.memory_space<hbm>> -> memref<128x128xf32, #tpu.memory_space<hbm>>
    %dma_wait3A_2761 = arith.constant 0 : i32
    %dma_wait3A_2762 = arith.constant 0 : i32
    %dma_wait3A_2763 = tpu.memref_slice %arg7[%dma_wait3A_2761, %dma_wait3A_2762] : memref<256x128xf32, #tpu.memory_space<vmem>> -> memref<128x128xf32, #tpu.memory_space<vmem>>
    tpu.wait_dma2 semaphore(%arg11 : memref<!tpu.dma_semaphore, #tpu.memory_space<semaphore_mem>>) src(%dma_wait3A_2763 : memref<128x128xf32, #tpu.memory_space<vmem>>) dst(%dma_wait3A_2760 : memref<128x128xf32, #tpu.memory_space<hbm>>)
    return
  }
}

#map = affine_map<(d0, d1) -> (0, 0, 0)>
#map1 = affine_map<(d0, d1) -> (0, 0)>
module attributes {stable_mosaic.version = 14 : i64} {
  func.func @_stage2(%arg0: i32, %arg1: i32, %arg2: memref<32x13x128xi32, #tpu.memory_space<hbm>>, %arg3: memref<50000x128xf32, #tpu.memory_space<hbm>>, %arg4: memref<53248x128xf32, #tpu.memory_space<hbm>>, %arg5: memref<13x128xi32, #tpu.memory_space<vmem>>, %arg6: memref<512x128xf32, #tpu.memory_space<vmem>>, %arg7: memref<256x128xf32, #tpu.memory_space<vmem>>, %arg8: memref<!tpu.dma_semaphore, #tpu.memory_space<semaphore_mem>>, %arg9: memref<!tpu.dma_semaphore, #tpu.memory_space<semaphore_mem>>, %arg10: memref<!tpu.dma_semaphore, #tpu.memory_space<semaphore_mem>>, %arg11: memref<!tpu.dma_semaphore, #tpu.memory_space<semaphore_mem>>) attributes {dimension_semantics = [#tpu.dimension_semantics<core_parallel>, #tpu.dimension_semantics<subcore_parallel>], iteration_bounds = array<i64: 2, 16>, scalar_prefetch = 0 : i64, scratch_operands = 7 : i64, tpu.core_type = #tpu.core_type<sc_vector_subcore>, window_params = [{transform_indices = #map}, {transform_indices = #map1}, {transform_indices = #map1}]} {
    %mul3A = arith.constant 2 : i32
    %mul3A_0 = arith.muli %arg1, %mul3A : i32
    %add3A = arith.addi %mul3A_0, %arg0 : i32
    %mul3A_1 = arith.constant 13 : i32
    %mul3A_2 = arith.muli %add3A, %mul3A_1 : i32
    "tpu.region"() ({
      %run_scoped3A = tpu.sem_alloc : memref<!tpu.dma_semaphore, #tpu.memory_space<semaphore_mem>>
      %dma_start3A_381 = arith.constant 0 : i32
      %dma_start3A_382 = arith.constant 0 : i32
      %dma_start3A_383 = tpu.memref_slice %arg2[%add3A, %dma_start3A_381, %dma_start3A_382] : memref<32x13x128xi32, #tpu.memory_space<hbm>> -> memref<1x13x128xi32, #tpu.memory_space<hbm>>
      %dma_start3A_384 = tpu.memref_squeeze %dma_start3A_383 : memref<1x13x128xi32, #tpu.memory_space<hbm>> -> memref<13x128xi32, #tpu.memory_space<hbm>>
      %dma_start3A_385 = arith.constant 0 : i32
      %dma_start3A_386 = arith.constant 0 : i32
      %dma_start3A_387 = tpu.memref_slice %arg2[%add3A, %dma_start3A_385, %dma_start3A_386] : memref<32x13x128xi32, #tpu.memory_space<hbm>> -> memref<1x13x128xi32, #tpu.memory_space<hbm>>
      %dma_start3A_388 = tpu.memref_squeeze %dma_start3A_387 : memref<1x13x128xi32, #tpu.memory_space<hbm>> -> memref<13x128xi32, #tpu.memory_space<hbm>>
      tpu.enqueue_dma source(%dma_start3A_388 : memref<13x128xi32, #tpu.memory_space<hbm>>) target(%arg5 : memref<13x128xi32, #tpu.memory_space<vmem>>) target_semaphore(%run_scoped3A : memref<!tpu.dma_semaphore, #tpu.memory_space<semaphore_mem>>)
      %dma_wait3A_389 = arith.constant 0 : i32
      %dma_wait3A_390 = arith.constant 0 : i32
      %dma_wait3A_391 = tpu.memref_slice %arg2[%add3A, %dma_wait3A_389, %dma_wait3A_390] : memref<32x13x128xi32, #tpu.memory_space<hbm>> -> memref<1x13x128xi32, #tpu.memory_space<hbm>>
      %dma_wait3A_392 = tpu.memref_squeeze %dma_wait3A_391 : memref<1x13x128xi32, #tpu.memory_space<hbm>> -> memref<13x128xi32, #tpu.memory_space<hbm>>
      %dma_wait3A_393 = arith.constant 0 : i32
      %dma_wait3A_394 = arith.constant 0 : i32
      %dma_wait3A_395 = tpu.memref_slice %arg2[%add3A, %dma_wait3A_393, %dma_wait3A_394] : memref<32x13x128xi32, #tpu.memory_space<hbm>> -> memref<1x13x128xi32, #tpu.memory_space<hbm>>
      %dma_wait3A_396 = tpu.memref_squeeze %dma_wait3A_395 : memref<1x13x128xi32, #tpu.memory_space<hbm>> -> memref<13x128xi32, #tpu.memory_space<hbm>>
      tpu.wait_dma2 semaphore(%run_scoped3A : memref<!tpu.dma_semaphore, #tpu.memory_space<semaphore_mem>>) src(%dma_wait3A_396 : memref<13x128xi32, #tpu.memory_space<hbm>>) dst(%arg5 : memref<13x128xi32, #tpu.memory_space<vmem>>)
      tpu.yield
    }) : () -> ()
    %dma_start3A = arith.constant 0 : i32
    %dma_start3A_3 = arith.constant 0 : i32
    %dma_start3A_4 = arith.constant 0 : i32
    %dma_start3A_5 = tpu.memref_slice %arg6[%dma_start3A_3, %dma_start3A_4] : memref<512x128xf32, #tpu.memory_space<vmem>> -> memref<128x128xf32, #tpu.memory_space<vmem>>
    %dma_start3A_6 = arith.constant 0 : i32
    %dma_start3A_7 = tpu.memref_slice %arg5[%dma_start3A, %dma_start3A_6] : memref<13x128xi32, #tpu.memory_space<vmem>> -> memref<1x128xi32, #tpu.memory_space<vmem>>
    %dma_start3A_8 = tpu.memref_squeeze %dma_start3A_7 : memref<1x128xi32, #tpu.memory_space<vmem>> -> memref<128xi32, #tpu.memory_space<vmem>>
    %dma_start3A_9 = arith.constant 0 : i32
    %dma_start3A_10 = arith.constant 0 : i32
    %dma_start3A_11 = tpu.memref_slice %arg3[%dma_start3A_9, %dma_start3A_10] : memref<50000x128xf32, #tpu.memory_space<hbm>> -> memref<50000x128xf32, #tpu.memory_space<hbm>>
    tpu.enqueue_indirect_dma source(%dma_start3A_11 : memref<50000x128xf32, #tpu.memory_space<hbm>>) target(%dma_start3A_5 : memref<128x128xf32, #tpu.memory_space<vmem>>) offsets(%dma_start3A_8 : memref<128xi32, #tpu.memory_space<vmem>>) semaphore(%arg8 : memref<!tpu.dma_semaphore, #tpu.memory_space<semaphore_mem>>)
    %dma_start3A_12 = arith.constant 1 : i32
    %dma_start3A_13 = arith.constant 128 : i32
    %dma_start3A_14 = arith.constant 0 : i32
    %dma_start3A_15 = tpu.memref_slice %arg6[%dma_start3A_13, %dma_start3A_14] : memref<512x128xf32, #tpu.memory_space<vmem>> -> memref<128x128xf32, #tpu.memory_space<vmem>>
    %dma_start3A_16 = arith.constant 0 : i32
    %dma_start3A_17 = tpu.memref_slice %arg5[%dma_start3A_12, %dma_start3A_16] : memref<13x128xi32, #tpu.memory_space<vmem>> -> memref<1x128xi32, #tpu.memory_space<vmem>>
    %dma_start3A_18 = tpu.memref_squeeze %dma_start3A_17 : memref<1x128xi32, #tpu.memory_space<vmem>> -> memref<128xi32, #tpu.memory_space<vmem>>
    %dma_start3A_19 = arith.constant 0 : i32
    %dma_start3A_20 = arith.constant 0 : i32
    %dma_start3A_21 = tpu.memref_slice %arg3[%dma_start3A_19, %dma_start3A_20] : memref<50000x128xf32, #tpu.memory_space<hbm>> -> memref<50000x128xf32, #tpu.memory_space<hbm>>
    tpu.enqueue_indirect_dma source(%dma_start3A_21 : memref<50000x128xf32, #tpu.memory_space<hbm>>) target(%dma_start3A_15 : memref<128x128xf32, #tpu.memory_space<vmem>>) offsets(%dma_start3A_18 : memref<128xi32, #tpu.memory_space<vmem>>) semaphore(%arg8 : memref<!tpu.dma_semaphore, #tpu.memory_space<semaphore_mem>>)
    %dma_start3A_22 = arith.constant 2 : i32
    %dma_start3A_23 = arith.constant 256 : i32
    %dma_start3A_24 = arith.constant 0 : i32
    %dma_start3A_25 = tpu.memref_slice %arg6[%dma_start3A_23, %dma_start3A_24] : memref<512x128xf32, #tpu.memory_space<vmem>> -> memref<128x128xf32, #tpu.memory_space<vmem>>
    %dma_start3A_26 = arith.constant 0 : i32
    %dma_start3A_27 = tpu.memref_slice %arg5[%dma_start3A_22, %dma_start3A_26] : memref<13x128xi32, #tpu.memory_space<vmem>> -> memref<1x128xi32, #tpu.memory_space<vmem>>
    %dma_start3A_28 = tpu.memref_squeeze %dma_start3A_27 : memref<1x128xi32, #tpu.memory_space<vmem>> -> memref<128xi32, #tpu.memory_space<vmem>>
    %dma_start3A_29 = arith.constant 0 : i32
    %dma_start3A_30 = arith.constant 0 : i32
    %dma_start3A_31 = tpu.memref_slice %arg3[%dma_start3A_29, %dma_start3A_30] : memref<50000x128xf32, #tpu.memory_space<hbm>> -> memref<50000x128xf32, #tpu.memory_space<hbm>>
    tpu.enqueue_indirect_dma source(%dma_start3A_31 : memref<50000x128xf32, #tpu.memory_space<hbm>>) target(%dma_start3A_25 : memref<128x128xf32, #tpu.memory_space<vmem>>) offsets(%dma_start3A_28 : memref<128xi32, #tpu.memory_space<vmem>>) semaphore(%arg8 : memref<!tpu.dma_semaphore, #tpu.memory_space<semaphore_mem>>)
    %dma_start3A_32 = arith.constant 3 : i32
    %dma_start3A_33 = arith.constant 384 : i32
    %dma_start3A_34 = arith.constant 0 : i32
    %dma_start3A_35 = tpu.memref_slice %arg6[%dma_start3A_33, %dma_start3A_34] : memref<512x128xf32, #tpu.memory_space<vmem>> -> memref<128x128xf32, #tpu.memory_space<vmem>>
    %dma_start3A_36 = arith.constant 0 : i32
    %dma_start3A_37 = tpu.memref_slice %arg5[%dma_start3A_32, %dma_start3A_36] : memref<13x128xi32, #tpu.memory_space<vmem>> -> memref<1x128xi32, #tpu.memory_space<vmem>>
    %dma_start3A_38 = tpu.memref_squeeze %dma_start3A_37 : memref<1x128xi32, #tpu.memory_space<vmem>> -> memref<128xi32, #tpu.memory_space<vmem>>
    %dma_start3A_39 = arith.constant 0 : i32
    %dma_start3A_40 = arith.constant 0 : i32
    %dma_start3A_41 = tpu.memref_slice %arg3[%dma_start3A_39, %dma_start3A_40] : memref<50000x128xf32, #tpu.memory_space<hbm>> -> memref<50000x128xf32, #tpu.memory_space<hbm>>
    tpu.enqueue_indirect_dma source(%dma_start3A_41 : memref<50000x128xf32, #tpu.memory_space<hbm>>) target(%dma_start3A_35 : memref<128x128xf32, #tpu.memory_space<vmem>>) offsets(%dma_start3A_38 : memref<128xi32, #tpu.memory_space<vmem>>) semaphore(%arg8 : memref<!tpu.dma_semaphore, #tpu.memory_space<semaphore_mem>>)
    %dma_wait3A = arith.constant 0 : i32
    %dma_wait3A_42 = arith.constant 0 : i32
    %dma_wait3A_43 = arith.constant 0 : i32
    %dma_wait3A_44 = tpu.memref_slice %arg6[%dma_wait3A_42, %dma_wait3A_43] : memref<512x128xf32, #tpu.memory_space<vmem>> -> memref<128x128xf32, #tpu.memory_space<vmem>>
    %dma_wait3A_45 = arith.constant 0 : i32
    %dma_wait3A_46 = tpu.memref_slice %arg5[%dma_wait3A, %dma_wait3A_45] : memref<13x128xi32, #tpu.memory_space<vmem>> -> memref<1x128xi32, #tpu.memory_space<vmem>>
    %dma_wait3A_47 = tpu.memref_squeeze %dma_wait3A_46 : memref<1x128xi32, #tpu.memory_space<vmem>> -> memref<128xi32, #tpu.memory_space<vmem>>
    %dma_wait3A_48 = arith.constant 0 : i32
    %dma_wait3A_49 = arith.constant 0 : i32
    %dma_wait3A_50 = tpu.memref_slice %arg3[%dma_wait3A_48, %dma_wait3A_49] : memref<50000x128xf32, #tpu.memory_space<hbm>> -> memref<50000x128xf32, #tpu.memory_space<hbm>>
    tpu.wait_indirect_dma semaphore(%arg8 : memref<!tpu.dma_semaphore, #tpu.memory_space<semaphore_mem>>) src(%dma_wait3A_50 : memref<50000x128xf32, #tpu.memory_space<hbm>>) dst(%dma_wait3A_44 : memref<128x128xf32, #tpu.memory_space<vmem>>)
    %dma_wait3A_51 = arith.constant 1 : i32
    %dma_wait3A_52 = arith.constant 128 : i32
    %dma_wait3A_53 = arith.constant 0 : i32
    %dma_wait3A_54 = tpu.memref_slice %arg6[%dma_wait3A_52, %dma_wait3A_53] : memref<512x128xf32, #tpu.memory_space<vmem>> -> memref<128x128xf32, #tpu.memory_space<vmem>>
    %dma_wait3A_55 = arith.constant 0 : i32
    %dma_wait3A_56 = tpu.memref_slice %arg5[%dma_wait3A_51, %dma_wait3A_55] : memref<13x128xi32, #tpu.memory_space<vmem>> -> memref<1x128xi32, #tpu.memory_space<vmem>>
    %dma_wait3A_57 = tpu.memref_squeeze %dma_wait3A_56 : memref<1x128xi32, #tpu.memory_space<vmem>> -> memref<128xi32, #tpu.memory_space<vmem>>
    %dma_wait3A_58 = arith.constant 0 : i32
    %dma_wait3A_59 = arith.constant 0 : i32
    %dma_wait3A_60 = tpu.memref_slice %arg3[%dma_wait3A_58, %dma_wait3A_59] : memref<50000x128xf32, #tpu.memory_space<hbm>> -> memref<50000x128xf32, #tpu.memory_space<hbm>>
    tpu.wait_indirect_dma semaphore(%arg8 : memref<!tpu.dma_semaphore, #tpu.memory_space<semaphore_mem>>) src(%dma_wait3A_60 : memref<50000x128xf32, #tpu.memory_space<hbm>>) dst(%dma_wait3A_54 : memref<128x128xf32, #tpu.memory_space<vmem>>)
    %dma_wait3A_61 = arith.constant 2 : i32
    %dma_wait3A_62 = arith.constant 256 : i32
    %dma_wait3A_63 = arith.constant 0 : i32
    %dma_wait3A_64 = tpu.memref_slice %arg6[%dma_wait3A_62, %dma_wait3A_63] : memref<512x128xf32, #tpu.memory_space<vmem>> -> memref<128x128xf32, #tpu.memory_space<vmem>>
    %dma_wait3A_65 = arith.constant 0 : i32
    %dma_wait3A_66 = tpu.memref_slice %arg5[%dma_wait3A_61, %dma_wait3A_65] : memref<13x128xi32, #tpu.memory_space<vmem>> -> memref<1x128xi32, #tpu.memory_space<vmem>>
    %dma_wait3A_67 = tpu.memref_squeeze %dma_wait3A_66 : memref<1x128xi32, #tpu.memory_space<vmem>> -> memref<128xi32, #tpu.memory_space<vmem>>
    %dma_wait3A_68 = arith.constant 0 : i32
    %dma_wait3A_69 = arith.constant 0 : i32
    %dma_wait3A_70 = tpu.memref_slice %arg3[%dma_wait3A_68, %dma_wait3A_69] : memref<50000x128xf32, #tpu.memory_space<hbm>> -> memref<50000x128xf32, #tpu.memory_space<hbm>>
    tpu.wait_indirect_dma semaphore(%arg8 : memref<!tpu.dma_semaphore, #tpu.memory_space<semaphore_mem>>) src(%dma_wait3A_70 : memref<50000x128xf32, #tpu.memory_space<hbm>>) dst(%dma_wait3A_64 : memref<128x128xf32, #tpu.memory_space<vmem>>)
    %dma_wait3A_71 = arith.constant 3 : i32
    %dma_wait3A_72 = arith.constant 384 : i32
    %dma_wait3A_73 = arith.constant 0 : i32
    %dma_wait3A_74 = tpu.memref_slice %arg6[%dma_wait3A_72, %dma_wait3A_73] : memref<512x128xf32, #tpu.memory_space<vmem>> -> memref<128x128xf32, #tpu.memory_space<vmem>>
    %dma_wait3A_75 = arith.constant 0 : i32
    %dma_wait3A_76 = tpu.memref_slice %arg5[%dma_wait3A_71, %dma_wait3A_75] : memref<13x128xi32, #tpu.memory_space<vmem>> -> memref<1x128xi32, #tpu.memory_space<vmem>>
    %dma_wait3A_77 = tpu.memref_squeeze %dma_wait3A_76 : memref<1x128xi32, #tpu.memory_space<vmem>> -> memref<128xi32, #tpu.memory_space<vmem>>
    %dma_wait3A_78 = arith.constant 0 : i32
    %dma_wait3A_79 = arith.constant 0 : i32
    %dma_wait3A_80 = tpu.memref_slice %arg3[%dma_wait3A_78, %dma_wait3A_79] : memref<50000x128xf32, #tpu.memory_space<hbm>> -> memref<50000x128xf32, #tpu.memory_space<hbm>>
    tpu.wait_indirect_dma semaphore(%arg8 : memref<!tpu.dma_semaphore, #tpu.memory_space<semaphore_mem>>) src(%dma_wait3A_80 : memref<50000x128xf32, #tpu.memory_space<hbm>>) dst(%dma_wait3A_74 : memref<128x128xf32, #tpu.memory_space<vmem>>)
    %add3A_81 = arith.constant 0 : i32
    %add3A_82 = arith.addi %mul3A_2, %add3A_81 : i32
    %mul3A_83 = arith.constant 128 : i32
    %mul3A_84 = arith.muli %add3A_82, %mul3A_83 : i32
    %dma_start3A_85 = arith.constant 0 : i32
    %dma_start3A_86 = arith.constant 0 : i32
    %dma_start3A_87 = tpu.memref_slice %arg6[%dma_start3A_85, %dma_start3A_86] : memref<512x128xf32, #tpu.memory_space<vmem>> -> memref<512x128xf32, #tpu.memory_space<vmem>>
    %dma_start3A_88 = arith.constant 0 : i32
    %dma_start3A_89 = tpu.memref_slice %arg4[%mul3A_84, %dma_start3A_88] : memref<53248x128xf32, #tpu.memory_space<hbm>> -> memref<512x128xf32, #tpu.memory_space<hbm>>
    %dma_start3A_90 = arith.constant 0 : i32
    %dma_start3A_91 = tpu.memref_slice %arg4[%mul3A_84, %dma_start3A_90] : memref<53248x128xf32, #tpu.memory_space<hbm>> -> memref<512x128xf32, #tpu.memory_space<hbm>>
    %dma_start3A_92 = arith.constant 0 : i32
    %dma_start3A_93 = arith.constant 0 : i32
    %dma_start3A_94 = tpu.memref_slice %arg6[%dma_start3A_92, %dma_start3A_93] : memref<512x128xf32, #tpu.memory_space<vmem>> -> memref<512x128xf32, #tpu.memory_space<vmem>>
    tpu.enqueue_dma source(%dma_start3A_94 : memref<512x128xf32, #tpu.memory_space<vmem>>) target(%dma_start3A_91 : memref<512x128xf32, #tpu.memory_space<hbm>>) target_semaphore(%arg10 : memref<!tpu.dma_semaphore, #tpu.memory_space<semaphore_mem>>)
    %dma_start3A_95 = arith.constant 4 : i32
    %dma_start3A_96 = arith.constant 0 : i32
    %dma_start3A_97 = arith.constant 0 : i32
    %dma_start3A_98 = tpu.memref_slice %arg7[%dma_start3A_96, %dma_start3A_97] : memref<256x128xf32, #tpu.memory_space<vmem>> -> memref<128x128xf32, #tpu.memory_space<vmem>>
    %dma_start3A_99 = arith.constant 0 : i32
    %dma_start3A_100 = tpu.memref_slice %arg5[%dma_start3A_95, %dma_start3A_99] : memref<13x128xi32, #tpu.memory_space<vmem>> -> memref<1x128xi32, #tpu.memory_space<vmem>>
    %dma_start3A_101 = tpu.memref_squeeze %dma_start3A_100 : memref<1x128xi32, #tpu.memory_space<vmem>> -> memref<128xi32, #tpu.memory_space<vmem>>
    %dma_start3A_102 = arith.constant 0 : i32
    %dma_start3A_103 = arith.constant 0 : i32
    %dma_start3A_104 = tpu.memref_slice %arg3[%dma_start3A_102, %dma_start3A_103] : memref<50000x128xf32, #tpu.memory_space<hbm>> -> memref<50000x128xf32, #tpu.memory_space<hbm>>
    tpu.enqueue_indirect_dma source(%dma_start3A_104 : memref<50000x128xf32, #tpu.memory_space<hbm>>) target(%dma_start3A_98 : memref<128x128xf32, #tpu.memory_space<vmem>>) offsets(%dma_start3A_101 : memref<128xi32, #tpu.memory_space<vmem>>) semaphore(%arg9 : memref<!tpu.dma_semaphore, #tpu.memory_space<semaphore_mem>>)
    %dma_start3A_105 = arith.constant 5 : i32
    %dma_start3A_106 = arith.constant 128 : i32
    %dma_start3A_107 = arith.constant 0 : i32
    %dma_start3A_108 = tpu.memref_slice %arg7[%dma_start3A_106, %dma_start3A_107] : memref<256x128xf32, #tpu.memory_space<vmem>> -> memref<128x128xf32, #tpu.memory_space<vmem>>
    %dma_start3A_109 = arith.constant 0 : i32
    %dma_start3A_110 = tpu.memref_slice %arg5[%dma_start3A_105, %dma_start3A_109] : memref<13x128xi32, #tpu.memory_space<vmem>> -> memref<1x128xi32, #tpu.memory_space<vmem>>
    %dma_start3A_111 = tpu.memref_squeeze %dma_start3A_110 : memref<1x128xi32, #tpu.memory_space<vmem>> -> memref<128xi32, #tpu.memory_space<vmem>>
    %dma_start3A_112 = arith.constant 0 : i32
    %dma_start3A_113 = arith.constant 0 : i32
    %dma_start3A_114 = tpu.memref_slice %arg3[%dma_start3A_112, %dma_start3A_113] : memref<50000x128xf32, #tpu.memory_space<hbm>> -> memref<50000x128xf32, #tpu.memory_space<hbm>>
    tpu.enqueue_indirect_dma source(%dma_start3A_114 : memref<50000x128xf32, #tpu.memory_space<hbm>>) target(%dma_start3A_108 : memref<128x128xf32, #tpu.memory_space<vmem>>) offsets(%dma_start3A_111 : memref<128xi32, #tpu.memory_space<vmem>>) semaphore(%arg9 : memref<!tpu.dma_semaphore, #tpu.memory_space<semaphore_mem>>)
    %dma_wait3A_115 = arith.constant 4 : i32
    %dma_wait3A_116 = arith.constant 0 : i32
    %dma_wait3A_117 = arith.constant 0 : i32
    %dma_wait3A_118 = tpu.memref_slice %arg7[%dma_wait3A_116, %dma_wait3A_117] : memref<256x128xf32, #tpu.memory_space<vmem>> -> memref<128x128xf32, #tpu.memory_space<vmem>>
    %dma_wait3A_119 = arith.constant 0 : i32
    %dma_wait3A_120 = tpu.memref_slice %arg5[%dma_wait3A_115, %dma_wait3A_119] : memref<13x128xi32, #tpu.memory_space<vmem>> -> memref<1x128xi32, #tpu.memory_space<vmem>>
    %dma_wait3A_121 = tpu.memref_squeeze %dma_wait3A_120 : memref<1x128xi32, #tpu.memory_space<vmem>> -> memref<128xi32, #tpu.memory_space<vmem>>
    %dma_wait3A_122 = arith.constant 0 : i32
    %dma_wait3A_123 = arith.constant 0 : i32
    %dma_wait3A_124 = tpu.memref_slice %arg3[%dma_wait3A_122, %dma_wait3A_123] : memref<50000x128xf32, #tpu.memory_space<hbm>> -> memref<50000x128xf32, #tpu.memory_space<hbm>>
    tpu.wait_indirect_dma semaphore(%arg9 : memref<!tpu.dma_semaphore, #tpu.memory_space<semaphore_mem>>) src(%dma_wait3A_124 : memref<50000x128xf32, #tpu.memory_space<hbm>>) dst(%dma_wait3A_118 : memref<128x128xf32, #tpu.memory_space<vmem>>)
    %dma_wait3A_125 = arith.constant 5 : i32
    %dma_wait3A_126 = arith.constant 128 : i32
    %dma_wait3A_127 = arith.constant 0 : i32
    %dma_wait3A_128 = tpu.memref_slice %arg7[%dma_wait3A_126, %dma_wait3A_127] : memref<256x128xf32, #tpu.memory_space<vmem>> -> memref<128x128xf32, #tpu.memory_space<vmem>>
    %dma_wait3A_129 = arith.constant 0 : i32
    %dma_wait3A_130 = tpu.memref_slice %arg5[%dma_wait3A_125, %dma_wait3A_129] : memref<13x128xi32, #tpu.memory_space<vmem>> -> memref<1x128xi32, #tpu.memory_space<vmem>>
    %dma_wait3A_131 = tpu.memref_squeeze %dma_wait3A_130 : memref<1x128xi32, #tpu.memory_space<vmem>> -> memref<128xi32, #tpu.memory_space<vmem>>
    %dma_wait3A_132 = arith.constant 0 : i32
    %dma_wait3A_133 = arith.constant 0 : i32
    %dma_wait3A_134 = tpu.memref_slice %arg3[%dma_wait3A_132, %dma_wait3A_133] : memref<50000x128xf32, #tpu.memory_space<hbm>> -> memref<50000x128xf32, #tpu.memory_space<hbm>>
    tpu.wait_indirect_dma semaphore(%arg9 : memref<!tpu.dma_semaphore, #tpu.memory_space<semaphore_mem>>) src(%dma_wait3A_134 : memref<50000x128xf32, #tpu.memory_space<hbm>>) dst(%dma_wait3A_128 : memref<128x128xf32, #tpu.memory_space<vmem>>)
    %add3A_135 = arith.constant 4 : i32
    %add3A_136 = arith.addi %mul3A_2, %add3A_135 : i32
    %mul3A_137 = arith.constant 128 : i32
    %mul3A_138 = arith.muli %add3A_136, %mul3A_137 : i32
    %dma_start3A_139 = arith.constant 0 : i32
    %dma_start3A_140 = arith.constant 0 : i32
    %dma_start3A_141 = tpu.memref_slice %arg7[%dma_start3A_139, %dma_start3A_140] : memref<256x128xf32, #tpu.memory_space<vmem>> -> memref<256x128xf32, #tpu.memory_space<vmem>>
    %dma_start3A_142 = arith.constant 0 : i32
    %dma_start3A_143 = tpu.memref_slice %arg4[%mul3A_138, %dma_start3A_142] : memref<53248x128xf32, #tpu.memory_space<hbm>> -> memref<256x128xf32, #tpu.memory_space<hbm>>
    %dma_start3A_144 = arith.constant 0 : i32
    %dma_start3A_145 = tpu.memref_slice %arg4[%mul3A_138, %dma_start3A_144] : memref<53248x128xf32, #tpu.memory_space<hbm>> -> memref<256x128xf32, #tpu.memory_space<hbm>>
    %dma_start3A_146 = arith.constant 0 : i32
    %dma_start3A_147 = arith.constant 0 : i32
    %dma_start3A_148 = tpu.memref_slice %arg7[%dma_start3A_146, %dma_start3A_147] : memref<256x128xf32, #tpu.memory_space<vmem>> -> memref<256x128xf32, #tpu.memory_space<vmem>>
    tpu.enqueue_dma source(%dma_start3A_148 : memref<256x128xf32, #tpu.memory_space<vmem>>) target(%dma_start3A_145 : memref<256x128xf32, #tpu.memory_space<hbm>>) target_semaphore(%arg11 : memref<!tpu.dma_semaphore, #tpu.memory_space<semaphore_mem>>)
    %dma_wait3A_149 = arith.constant 0 : i32
    %dma_wait3A_150 = arith.constant 0 : i32
    %dma_wait3A_151 = tpu.memref_slice %arg6[%dma_wait3A_149, %dma_wait3A_150] : memref<512x128xf32, #tpu.memory_space<vmem>> -> memref<512x128xf32, #tpu.memory_space<vmem>>
    %dma_wait3A_152 = arith.constant 0 : i32
    %dma_wait3A_153 = tpu.memref_slice %arg4[%mul3A_84, %dma_wait3A_152] : memref<53248x128xf32, #tpu.memory_space<hbm>> -> memref<512x128xf32, #tpu.memory_space<hbm>>
    %dma_wait3A_154 = arith.constant 0 : i32
    %dma_wait3A_155 = tpu.memref_slice %arg4[%mul3A_84, %dma_wait3A_154] : memref<53248x128xf32, #tpu.memory_space<hbm>> -> memref<512x128xf32, #tpu.memory_space<hbm>>
    %dma_wait3A_156 = arith.constant 0 : i32
    %dma_wait3A_157 = arith.constant 0 : i32
    %dma_wait3A_158 = tpu.memref_slice %arg6[%dma_wait3A_156, %dma_wait3A_157] : memref<512x128xf32, #tpu.memory_space<vmem>> -> memref<512x128xf32, #tpu.memory_space<vmem>>
    tpu.wait_dma2 semaphore(%arg10 : memref<!tpu.dma_semaphore, #tpu.memory_space<semaphore_mem>>) src(%dma_wait3A_158 : memref<512x128xf32, #tpu.memory_space<vmem>>) dst(%dma_wait3A_155 : memref<512x128xf32, #tpu.memory_space<hbm>>)
    %dma_start3A_159 = arith.constant 6 : i32
    %dma_start3A_160 = arith.constant 0 : i32
    %dma_start3A_161 = arith.constant 0 : i32
    %dma_start3A_162 = tpu.memref_slice %arg6[%dma_start3A_160, %dma_start3A_161] : memref<512x128xf32, #tpu.memory_space<vmem>> -> memref<128x128xf32, #tpu.memory_space<vmem>>
    %dma_start3A_163 = arith.constant 0 : i32
    %dma_start3A_164 = tpu.memref_slice %arg5[%dma_start3A_159, %dma_start3A_163] : memref<13x128xi32, #tpu.memory_space<vmem>> -> memref<1x128xi32, #tpu.memory_space<vmem>>
    %dma_start3A_165 = tpu.memref_squeeze %dma_start3A_164 : memref<1x128xi32, #tpu.memory_space<vmem>> -> memref<128xi32, #tpu.memory_space<vmem>>
    %dma_start3A_166 = arith.constant 0 : i32
    %dma_start3A_167 = arith.constant 0 : i32
    %dma_start3A_168 = tpu.memref_slice %arg3[%dma_start3A_166, %dma_start3A_167] : memref<50000x128xf32, #tpu.memory_space<hbm>> -> memref<50000x128xf32, #tpu.memory_space<hbm>>
    tpu.enqueue_indirect_dma source(%dma_start3A_168 : memref<50000x128xf32, #tpu.memory_space<hbm>>) target(%dma_start3A_162 : memref<128x128xf32, #tpu.memory_space<vmem>>) offsets(%dma_start3A_165 : memref<128xi32, #tpu.memory_space<vmem>>) semaphore(%arg8 : memref<!tpu.dma_semaphore, #tpu.memory_space<semaphore_mem>>)
    %dma_start3A_169 = arith.constant 7 : i32
    %dma_start3A_170 = arith.constant 128 : i32
    %dma_start3A_171 = arith.constant 0 : i32
    %dma_start3A_172 = tpu.memref_slice %arg6[%dma_start3A_170, %dma_start3A_171] : memref<512x128xf32, #tpu.memory_space<vmem>> -> memref<128x128xf32, #tpu.memory_space<vmem>>
    %dma_start3A_173 = arith.constant 0 : i32
    %dma_start3A_174 = tpu.memref_slice %arg5[%dma_start3A_169, %dma_start3A_173] : memref<13x128xi32, #tpu.memory_space<vmem>> -> memref<1x128xi32, #tpu.memory_space<vmem>>
    %dma_start3A_175 = tpu.memref_squeeze %dma_start3A_174 : memref<1x128xi32, #tpu.memory_space<vmem>> -> memref<128xi32, #tpu.memory_space<vmem>>
    %dma_start3A_176 = arith.constant 0 : i32
    %dma_start3A_177 = arith.constant 0 : i32
    %dma_start3A_178 = tpu.memref_slice %arg3[%dma_start3A_176, %dma_start3A_177] : memref<50000x128xf32, #tpu.memory_space<hbm>> -> memref<50000x128xf32, #tpu.memory_space<hbm>>
    tpu.enqueue_indirect_dma source(%dma_start3A_178 : memref<50000x128xf32, #tpu.memory_space<hbm>>) target(%dma_start3A_172 : memref<128x128xf32, #tpu.memory_space<vmem>>) offsets(%dma_start3A_175 : memref<128xi32, #tpu.memory_space<vmem>>) semaphore(%arg8 : memref<!tpu.dma_semaphore, #tpu.memory_space<semaphore_mem>>)
    %dma_start3A_179 = arith.constant 8 : i32
    %dma_start3A_180 = arith.constant 256 : i32
    %dma_start3A_181 = arith.constant 0 : i32
    %dma_start3A_182 = tpu.memref_slice %arg6[%dma_start3A_180, %dma_start3A_181] : memref<512x128xf32, #tpu.memory_space<vmem>> -> memref<128x128xf32, #tpu.memory_space<vmem>>
    %dma_start3A_183 = arith.constant 0 : i32
    %dma_start3A_184 = tpu.memref_slice %arg5[%dma_start3A_179, %dma_start3A_183] : memref<13x128xi32, #tpu.memory_space<vmem>> -> memref<1x128xi32, #tpu.memory_space<vmem>>
    %dma_start3A_185 = tpu.memref_squeeze %dma_start3A_184 : memref<1x128xi32, #tpu.memory_space<vmem>> -> memref<128xi32, #tpu.memory_space<vmem>>
    %dma_start3A_186 = arith.constant 0 : i32
    %dma_start3A_187 = arith.constant 0 : i32
    %dma_start3A_188 = tpu.memref_slice %arg3[%dma_start3A_186, %dma_start3A_187] : memref<50000x128xf32, #tpu.memory_space<hbm>> -> memref<50000x128xf32, #tpu.memory_space<hbm>>
    tpu.enqueue_indirect_dma source(%dma_start3A_188 : memref<50000x128xf32, #tpu.memory_space<hbm>>) target(%dma_start3A_182 : memref<128x128xf32, #tpu.memory_space<vmem>>) offsets(%dma_start3A_185 : memref<128xi32, #tpu.memory_space<vmem>>) semaphore(%arg8 : memref<!tpu.dma_semaphore, #tpu.memory_space<semaphore_mem>>)
    %dma_start3A_189 = arith.constant 9 : i32
    %dma_start3A_190 = arith.constant 384 : i32
    %dma_start3A_191 = arith.constant 0 : i32
    %dma_start3A_192 = tpu.memref_slice %arg6[%dma_start3A_190, %dma_start3A_191] : memref<512x128xf32, #tpu.memory_space<vmem>> -> memref<128x128xf32, #tpu.memory_space<vmem>>
    %dma_start3A_193 = arith.constant 0 : i32
    %dma_start3A_194 = tpu.memref_slice %arg5[%dma_start3A_189, %dma_start3A_193] : memref<13x128xi32, #tpu.memory_space<vmem>> -> memref<1x128xi32, #tpu.memory_space<vmem>>
    %dma_start3A_195 = tpu.memref_squeeze %dma_start3A_194 : memref<1x128xi32, #tpu.memory_space<vmem>> -> memref<128xi32, #tpu.memory_space<vmem>>
    %dma_start3A_196 = arith.constant 0 : i32
    %dma_start3A_197 = arith.constant 0 : i32
    %dma_start3A_198 = tpu.memref_slice %arg3[%dma_start3A_196, %dma_start3A_197] : memref<50000x128xf32, #tpu.memory_space<hbm>> -> memref<50000x128xf32, #tpu.memory_space<hbm>>
    tpu.enqueue_indirect_dma source(%dma_start3A_198 : memref<50000x128xf32, #tpu.memory_space<hbm>>) target(%dma_start3A_192 : memref<128x128xf32, #tpu.memory_space<vmem>>) offsets(%dma_start3A_195 : memref<128xi32, #tpu.memory_space<vmem>>) semaphore(%arg8 : memref<!tpu.dma_semaphore, #tpu.memory_space<semaphore_mem>>)
    %dma_wait3A_199 = arith.constant 6 : i32
    %dma_wait3A_200 = arith.constant 0 : i32
    %dma_wait3A_201 = arith.constant 0 : i32
    %dma_wait3A_202 = tpu.memref_slice %arg6[%dma_wait3A_200, %dma_wait3A_201] : memref<512x128xf32, #tpu.memory_space<vmem>> -> memref<128x128xf32, #tpu.memory_space<vmem>>
    %dma_wait3A_203 = arith.constant 0 : i32
    %dma_wait3A_204 = tpu.memref_slice %arg5[%dma_wait3A_199, %dma_wait3A_203] : memref<13x128xi32, #tpu.memory_space<vmem>> -> memref<1x128xi32, #tpu.memory_space<vmem>>
    %dma_wait3A_205 = tpu.memref_squeeze %dma_wait3A_204 : memref<1x128xi32, #tpu.memory_space<vmem>> -> memref<128xi32, #tpu.memory_space<vmem>>
    %dma_wait3A_206 = arith.constant 0 : i32
    %dma_wait3A_207 = arith.constant 0 : i32
    %dma_wait3A_208 = tpu.memref_slice %arg3[%dma_wait3A_206, %dma_wait3A_207] : memref<50000x128xf32, #tpu.memory_space<hbm>> -> memref<50000x128xf32, #tpu.memory_space<hbm>>
    tpu.wait_indirect_dma semaphore(%arg8 : memref<!tpu.dma_semaphore, #tpu.memory_space<semaphore_mem>>) src(%dma_wait3A_208 : memref<50000x128xf32, #tpu.memory_space<hbm>>) dst(%dma_wait3A_202 : memref<128x128xf32, #tpu.memory_space<vmem>>)
    %dma_wait3A_209 = arith.constant 7 : i32
    %dma_wait3A_210 = arith.constant 128 : i32
    %dma_wait3A_211 = arith.constant 0 : i32
    %dma_wait3A_212 = tpu.memref_slice %arg6[%dma_wait3A_210, %dma_wait3A_211] : memref<512x128xf32, #tpu.memory_space<vmem>> -> memref<128x128xf32, #tpu.memory_space<vmem>>
    %dma_wait3A_213 = arith.constant 0 : i32
    %dma_wait3A_214 = tpu.memref_slice %arg5[%dma_wait3A_209, %dma_wait3A_213] : memref<13x128xi32, #tpu.memory_space<vmem>> -> memref<1x128xi32, #tpu.memory_space<vmem>>
    %dma_wait3A_215 = tpu.memref_squeeze %dma_wait3A_214 : memref<1x128xi32, #tpu.memory_space<vmem>> -> memref<128xi32, #tpu.memory_space<vmem>>
    %dma_wait3A_216 = arith.constant 0 : i32
    %dma_wait3A_217 = arith.constant 0 : i32
    %dma_wait3A_218 = tpu.memref_slice %arg3[%dma_wait3A_216, %dma_wait3A_217] : memref<50000x128xf32, #tpu.memory_space<hbm>> -> memref<50000x128xf32, #tpu.memory_space<hbm>>
    tpu.wait_indirect_dma semaphore(%arg8 : memref<!tpu.dma_semaphore, #tpu.memory_space<semaphore_mem>>) src(%dma_wait3A_218 : memref<50000x128xf32, #tpu.memory_space<hbm>>) dst(%dma_wait3A_212 : memref<128x128xf32, #tpu.memory_space<vmem>>)
    %dma_wait3A_219 = arith.constant 8 : i32
    %dma_wait3A_220 = arith.constant 256 : i32
    %dma_wait3A_221 = arith.constant 0 : i32
    %dma_wait3A_222 = tpu.memref_slice %arg6[%dma_wait3A_220, %dma_wait3A_221] : memref<512x128xf32, #tpu.memory_space<vmem>> -> memref<128x128xf32, #tpu.memory_space<vmem>>
    %dma_wait3A_223 = arith.constant 0 : i32
    %dma_wait3A_224 = tpu.memref_slice %arg5[%dma_wait3A_219, %dma_wait3A_223] : memref<13x128xi32, #tpu.memory_space<vmem>> -> memref<1x128xi32, #tpu.memory_space<vmem>>
    %dma_wait3A_225 = tpu.memref_squeeze %dma_wait3A_224 : memref<1x128xi32, #tpu.memory_space<vmem>> -> memref<128xi32, #tpu.memory_space<vmem>>
    %dma_wait3A_226 = arith.constant 0 : i32
    %dma_wait3A_227 = arith.constant 0 : i32
    %dma_wait3A_228 = tpu.memref_slice %arg3[%dma_wait3A_226, %dma_wait3A_227] : memref<50000x128xf32, #tpu.memory_space<hbm>> -> memref<50000x128xf32, #tpu.memory_space<hbm>>
    tpu.wait_indirect_dma semaphore(%arg8 : memref<!tpu.dma_semaphore, #tpu.memory_space<semaphore_mem>>) src(%dma_wait3A_228 : memref<50000x128xf32, #tpu.memory_space<hbm>>) dst(%dma_wait3A_222 : memref<128x128xf32, #tpu.memory_space<vmem>>)
    %dma_wait3A_229 = arith.constant 9 : i32
    %dma_wait3A_230 = arith.constant 384 : i32
    %dma_wait3A_231 = arith.constant 0 : i32
    %dma_wait3A_232 = tpu.memref_slice %arg6[%dma_wait3A_230, %dma_wait3A_231] : memref<512x128xf32, #tpu.memory_space<vmem>> -> memref<128x128xf32, #tpu.memory_space<vmem>>
    %dma_wait3A_233 = arith.constant 0 : i32
    %dma_wait3A_234 = tpu.memref_slice %arg5[%dma_wait3A_229, %dma_wait3A_233] : memref<13x128xi32, #tpu.memory_space<vmem>> -> memref<1x128xi32, #tpu.memory_space<vmem>>
    %dma_wait3A_235 = tpu.memref_squeeze %dma_wait3A_234 : memref<1x128xi32, #tpu.memory_space<vmem>> -> memref<128xi32, #tpu.memory_space<vmem>>
    %dma_wait3A_236 = arith.constant 0 : i32
    %dma_wait3A_237 = arith.constant 0 : i32
    %dma_wait3A_238 = tpu.memref_slice %arg3[%dma_wait3A_236, %dma_wait3A_237] : memref<50000x128xf32, #tpu.memory_space<hbm>> -> memref<50000x128xf32, #tpu.memory_space<hbm>>
    tpu.wait_indirect_dma semaphore(%arg8 : memref<!tpu.dma_semaphore, #tpu.memory_space<semaphore_mem>>) src(%dma_wait3A_238 : memref<50000x128xf32, #tpu.memory_space<hbm>>) dst(%dma_wait3A_232 : memref<128x128xf32, #tpu.memory_space<vmem>>)
    %add3A_239 = arith.constant 6 : i32
    %add3A_240 = arith.addi %mul3A_2, %add3A_239 : i32
    %mul3A_241 = arith.constant 128 : i32
    %mul3A_242 = arith.muli %add3A_240, %mul3A_241 : i32
    %dma_start3A_243 = arith.constant 0 : i32
    %dma_start3A_244 = arith.constant 0 : i32
    %dma_start3A_245 = tpu.memref_slice %arg6[%dma_start3A_243, %dma_start3A_244] : memref<512x128xf32, #tpu.memory_space<vmem>> -> memref<512x128xf32, #tpu.memory_space<vmem>>
    %dma_start3A_246 = arith.constant 0 : i32
    %dma_start3A_247 = tpu.memref_slice %arg4[%mul3A_242, %dma_start3A_246] : memref<53248x128xf32, #tpu.memory_space<hbm>> -> memref<512x128xf32, #tpu.memory_space<hbm>>
    %dma_start3A_248 = arith.constant 0 : i32
    %dma_start3A_249 = tpu.memref_slice %arg4[%mul3A_242, %dma_start3A_248] : memref<53248x128xf32, #tpu.memory_space<hbm>> -> memref<512x128xf32, #tpu.memory_space<hbm>>
    %dma_start3A_250 = arith.constant 0 : i32
    %dma_start3A_251 = arith.constant 0 : i32
    %dma_start3A_252 = tpu.memref_slice %arg6[%dma_start3A_250, %dma_start3A_251] : memref<512x128xf32, #tpu.memory_space<vmem>> -> memref<512x128xf32, #tpu.memory_space<vmem>>
    tpu.enqueue_dma source(%dma_start3A_252 : memref<512x128xf32, #tpu.memory_space<vmem>>) target(%dma_start3A_249 : memref<512x128xf32, #tpu.memory_space<hbm>>) target_semaphore(%arg10 : memref<!tpu.dma_semaphore, #tpu.memory_space<semaphore_mem>>)
    %dma_wait3A_253 = arith.constant 0 : i32
    %dma_wait3A_254 = arith.constant 0 : i32
    %dma_wait3A_255 = tpu.memref_slice %arg7[%dma_wait3A_253, %dma_wait3A_254] : memref<256x128xf32, #tpu.memory_space<vmem>> -> memref<256x128xf32, #tpu.memory_space<vmem>>
    %dma_wait3A_256 = arith.constant 0 : i32
    %dma_wait3A_257 = tpu.memref_slice %arg4[%mul3A_138, %dma_wait3A_256] : memref<53248x128xf32, #tpu.memory_space<hbm>> -> memref<256x128xf32, #tpu.memory_space<hbm>>
    %dma_wait3A_258 = arith.constant 0 : i32
    %dma_wait3A_259 = tpu.memref_slice %arg4[%mul3A_138, %dma_wait3A_258] : memref<53248x128xf32, #tpu.memory_space<hbm>> -> memref<256x128xf32, #tpu.memory_space<hbm>>
    %dma_wait3A_260 = arith.constant 0 : i32
    %dma_wait3A_261 = arith.constant 0 : i32
    %dma_wait3A_262 = tpu.memref_slice %arg7[%dma_wait3A_260, %dma_wait3A_261] : memref<256x128xf32, #tpu.memory_space<vmem>> -> memref<256x128xf32, #tpu.memory_space<vmem>>
    tpu.wait_dma2 semaphore(%arg11 : memref<!tpu.dma_semaphore, #tpu.memory_space<semaphore_mem>>) src(%dma_wait3A_262 : memref<256x128xf32, #tpu.memory_space<vmem>>) dst(%dma_wait3A_259 : memref<256x128xf32, #tpu.memory_space<hbm>>)
    %dma_start3A_263 = arith.constant 10 : i32
    %dma_start3A_264 = arith.constant 0 : i32
    %dma_start3A_265 = arith.constant 0 : i32
    %dma_start3A_266 = tpu.memref_slice %arg7[%dma_start3A_264, %dma_start3A_265] : memref<256x128xf32, #tpu.memory_space<vmem>> -> memref<128x128xf32, #tpu.memory_space<vmem>>
    %dma_start3A_267 = arith.constant 0 : i32
    %dma_start3A_268 = tpu.memref_slice %arg5[%dma_start3A_263, %dma_start3A_267] : memref<13x128xi32, #tpu.memory_space<vmem>> -> memref<1x128xi32, #tpu.memory_space<vmem>>
    %dma_start3A_269 = tpu.memref_squeeze %dma_start3A_268 : memref<1x128xi32, #tpu.memory_space<vmem>> -> memref<128xi32, #tpu.memory_space<vmem>>
    %dma_start3A_270 = arith.constant 0 : i32
    %dma_start3A_271 = arith.constant 0 : i32
    %dma_start3A_272 = tpu.memref_slice %arg3[%dma_start3A_270, %dma_start3A_271] : memref<50000x128xf32, #tpu.memory_space<hbm>> -> memref<50000x128xf32, #tpu.memory_space<hbm>>
    tpu.enqueue_indirect_dma source(%dma_start3A_272 : memref<50000x128xf32, #tpu.memory_space<hbm>>) target(%dma_start3A_266 : memref<128x128xf32, #tpu.memory_space<vmem>>) offsets(%dma_start3A_269 : memref<128xi32, #tpu.memory_space<vmem>>) semaphore(%arg9 : memref<!tpu.dma_semaphore, #tpu.memory_space<semaphore_mem>>)
    %dma_start3A_273 = arith.constant 11 : i32
    %dma_start3A_274 = arith.constant 128 : i32
    %dma_start3A_275 = arith.constant 0 : i32
    %dma_start3A_276 = tpu.memref_slice %arg7[%dma_start3A_274, %dma_start3A_275] : memref<256x128xf32, #tpu.memory_space<vmem>> -> memref<128x128xf32, #tpu.memory_space<vmem>>
    %dma_start3A_277 = arith.constant 0 : i32
    %dma_start3A_278 = tpu.memref_slice %arg5[%dma_start3A_273, %dma_start3A_277] : memref<13x128xi32, #tpu.memory_space<vmem>> -> memref<1x128xi32, #tpu.memory_space<vmem>>
    %dma_start3A_279 = tpu.memref_squeeze %dma_start3A_278 : memref<1x128xi32, #tpu.memory_space<vmem>> -> memref<128xi32, #tpu.memory_space<vmem>>
    %dma_start3A_280 = arith.constant 0 : i32
    %dma_start3A_281 = arith.constant 0 : i32
    %dma_start3A_282 = tpu.memref_slice %arg3[%dma_start3A_280, %dma_start3A_281] : memref<50000x128xf32, #tpu.memory_space<hbm>> -> memref<50000x128xf32, #tpu.memory_space<hbm>>
    tpu.enqueue_indirect_dma source(%dma_start3A_282 : memref<50000x128xf32, #tpu.memory_space<hbm>>) target(%dma_start3A_276 : memref<128x128xf32, #tpu.memory_space<vmem>>) offsets(%dma_start3A_279 : memref<128xi32, #tpu.memory_space<vmem>>) semaphore(%arg9 : memref<!tpu.dma_semaphore, #tpu.memory_space<semaphore_mem>>)
    %dma_wait3A_283 = arith.constant 10 : i32
    %dma_wait3A_284 = arith.constant 0 : i32
    %dma_wait3A_285 = arith.constant 0 : i32
    %dma_wait3A_286 = tpu.memref_slice %arg7[%dma_wait3A_284, %dma_wait3A_285] : memref<256x128xf32, #tpu.memory_space<vmem>> -> memref<128x128xf32, #tpu.memory_space<vmem>>
    %dma_wait3A_287 = arith.constant 0 : i32
    %dma_wait3A_288 = tpu.memref_slice %arg5[%dma_wait3A_283, %dma_wait3A_287] : memref<13x128xi32, #tpu.memory_space<vmem>> -> memref<1x128xi32, #tpu.memory_space<vmem>>
    %dma_wait3A_289 = tpu.memref_squeeze %dma_wait3A_288 : memref<1x128xi32, #tpu.memory_space<vmem>> -> memref<128xi32, #tpu.memory_space<vmem>>
    %dma_wait3A_290 = arith.constant 0 : i32
    %dma_wait3A_291 = arith.constant 0 : i32
    %dma_wait3A_292 = tpu.memref_slice %arg3[%dma_wait3A_290, %dma_wait3A_291] : memref<50000x128xf32, #tpu.memory_space<hbm>> -> memref<50000x128xf32, #tpu.memory_space<hbm>>
    tpu.wait_indirect_dma semaphore(%arg9 : memref<!tpu.dma_semaphore, #tpu.memory_space<semaphore_mem>>) src(%dma_wait3A_292 : memref<50000x128xf32, #tpu.memory_space<hbm>>) dst(%dma_wait3A_286 : memref<128x128xf32, #tpu.memory_space<vmem>>)
    %dma_wait3A_293 = arith.constant 11 : i32
    %dma_wait3A_294 = arith.constant 128 : i32
    %dma_wait3A_295 = arith.constant 0 : i32
    %dma_wait3A_296 = tpu.memref_slice %arg7[%dma_wait3A_294, %dma_wait3A_295] : memref<256x128xf32, #tpu.memory_space<vmem>> -> memref<128x128xf32, #tpu.memory_space<vmem>>
    %dma_wait3A_297 = arith.constant 0 : i32
    %dma_wait3A_298 = tpu.memref_slice %arg5[%dma_wait3A_293, %dma_wait3A_297] : memref<13x128xi32, #tpu.memory_space<vmem>> -> memref<1x128xi32, #tpu.memory_space<vmem>>
    %dma_wait3A_299 = tpu.memref_squeeze %dma_wait3A_298 : memref<1x128xi32, #tpu.memory_space<vmem>> -> memref<128xi32, #tpu.memory_space<vmem>>
    %dma_wait3A_300 = arith.constant 0 : i32
    %dma_wait3A_301 = arith.constant 0 : i32
    %dma_wait3A_302 = tpu.memref_slice %arg3[%dma_wait3A_300, %dma_wait3A_301] : memref<50000x128xf32, #tpu.memory_space<hbm>> -> memref<50000x128xf32, #tpu.memory_space<hbm>>
    tpu.wait_indirect_dma semaphore(%arg9 : memref<!tpu.dma_semaphore, #tpu.memory_space<semaphore_mem>>) src(%dma_wait3A_302 : memref<50000x128xf32, #tpu.memory_space<hbm>>) dst(%dma_wait3A_296 : memref<128x128xf32, #tpu.memory_space<vmem>>)
    %add3A_303 = arith.constant 10 : i32
    %add3A_304 = arith.addi %mul3A_2, %add3A_303 : i32
    %mul3A_305 = arith.constant 128 : i32
    %mul3A_306 = arith.muli %add3A_304, %mul3A_305 : i32
    %dma_start3A_307 = arith.constant 0 : i32
    %dma_start3A_308 = arith.constant 0 : i32
    %dma_start3A_309 = tpu.memref_slice %arg7[%dma_start3A_307, %dma_start3A_308] : memref<256x128xf32, #tpu.memory_space<vmem>> -> memref<256x128xf32, #tpu.memory_space<vmem>>
    %dma_start3A_310 = arith.constant 0 : i32
    %dma_start3A_311 = tpu.memref_slice %arg4[%mul3A_306, %dma_start3A_310] : memref<53248x128xf32, #tpu.memory_space<hbm>> -> memref<256x128xf32, #tpu.memory_space<hbm>>
    %dma_start3A_312 = arith.constant 0 : i32
    %dma_start3A_313 = tpu.memref_slice %arg4[%mul3A_306, %dma_start3A_312] : memref<53248x128xf32, #tpu.memory_space<hbm>> -> memref<256x128xf32, #tpu.memory_space<hbm>>
    %dma_start3A_314 = arith.constant 0 : i32
    %dma_start3A_315 = arith.constant 0 : i32
    %dma_start3A_316 = tpu.memref_slice %arg7[%dma_start3A_314, %dma_start3A_315] : memref<256x128xf32, #tpu.memory_space<vmem>> -> memref<256x128xf32, #tpu.memory_space<vmem>>
    tpu.enqueue_dma source(%dma_start3A_316 : memref<256x128xf32, #tpu.memory_space<vmem>>) target(%dma_start3A_313 : memref<256x128xf32, #tpu.memory_space<hbm>>) target_semaphore(%arg11 : memref<!tpu.dma_semaphore, #tpu.memory_space<semaphore_mem>>)
    %dma_wait3A_317 = arith.constant 0 : i32
    %dma_wait3A_318 = arith.constant 0 : i32
    %dma_wait3A_319 = tpu.memref_slice %arg7[%dma_wait3A_317, %dma_wait3A_318] : memref<256x128xf32, #tpu.memory_space<vmem>> -> memref<256x128xf32, #tpu.memory_space<vmem>>
    %dma_wait3A_320 = arith.constant 0 : i32
    %dma_wait3A_321 = tpu.memref_slice %arg4[%mul3A_306, %dma_wait3A_320] : memref<53248x128xf32, #tpu.memory_space<hbm>> -> memref<256x128xf32, #tpu.memory_space<hbm>>
    %dma_wait3A_322 = arith.constant 0 : i32
    %dma_wait3A_323 = tpu.memref_slice %arg4[%mul3A_306, %dma_wait3A_322] : memref<53248x128xf32, #tpu.memory_space<hbm>> -> memref<256x128xf32, #tpu.memory_space<hbm>>
    %dma_wait3A_324 = arith.constant 0 : i32
    %dma_wait3A_325 = arith.constant 0 : i32
    %dma_wait3A_326 = tpu.memref_slice %arg7[%dma_wait3A_324, %dma_wait3A_325] : memref<256x128xf32, #tpu.memory_space<vmem>> -> memref<256x128xf32, #tpu.memory_space<vmem>>
    tpu.wait_dma2 semaphore(%arg11 : memref<!tpu.dma_semaphore, #tpu.memory_space<semaphore_mem>>) src(%dma_wait3A_326 : memref<256x128xf32, #tpu.memory_space<vmem>>) dst(%dma_wait3A_323 : memref<256x128xf32, #tpu.memory_space<hbm>>)
    %dma_start3A_327 = arith.constant 12 : i32
    %dma_start3A_328 = arith.constant 0 : i32
    %dma_start3A_329 = arith.constant 0 : i32
    %dma_start3A_330 = tpu.memref_slice %arg7[%dma_start3A_328, %dma_start3A_329] : memref<256x128xf32, #tpu.memory_space<vmem>> -> memref<128x128xf32, #tpu.memory_space<vmem>>
    %dma_start3A_331 = arith.constant 0 : i32
    %dma_start3A_332 = tpu.memref_slice %arg5[%dma_start3A_327, %dma_start3A_331] : memref<13x128xi32, #tpu.memory_space<vmem>> -> memref<1x128xi32, #tpu.memory_space<vmem>>
    %dma_start3A_333 = tpu.memref_squeeze %dma_start3A_332 : memref<1x128xi32, #tpu.memory_space<vmem>> -> memref<128xi32, #tpu.memory_space<vmem>>
    %dma_start3A_334 = arith.constant 0 : i32
    %dma_start3A_335 = arith.constant 0 : i32
    %dma_start3A_336 = tpu.memref_slice %arg3[%dma_start3A_334, %dma_start3A_335] : memref<50000x128xf32, #tpu.memory_space<hbm>> -> memref<50000x128xf32, #tpu.memory_space<hbm>>
    tpu.enqueue_indirect_dma source(%dma_start3A_336 : memref<50000x128xf32, #tpu.memory_space<hbm>>) target(%dma_start3A_330 : memref<128x128xf32, #tpu.memory_space<vmem>>) offsets(%dma_start3A_333 : memref<128xi32, #tpu.memory_space<vmem>>) semaphore(%arg9 : memref<!tpu.dma_semaphore, #tpu.memory_space<semaphore_mem>>)
    %dma_wait3A_337 = arith.constant 12 : i32
    %dma_wait3A_338 = arith.constant 0 : i32
    %dma_wait3A_339 = arith.constant 0 : i32
    %dma_wait3A_340 = tpu.memref_slice %arg7[%dma_wait3A_338, %dma_wait3A_339] : memref<256x128xf32, #tpu.memory_space<vmem>> -> memref<128x128xf32, #tpu.memory_space<vmem>>
    %dma_wait3A_341 = arith.constant 0 : i32
    %dma_wait3A_342 = tpu.memref_slice %arg5[%dma_wait3A_337, %dma_wait3A_341] : memref<13x128xi32, #tpu.memory_space<vmem>> -> memref<1x128xi32, #tpu.memory_space<vmem>>
    %dma_wait3A_343 = tpu.memref_squeeze %dma_wait3A_342 : memref<1x128xi32, #tpu.memory_space<vmem>> -> memref<128xi32, #tpu.memory_space<vmem>>
    %dma_wait3A_344 = arith.constant 0 : i32
    %dma_wait3A_345 = arith.constant 0 : i32
    %dma_wait3A_346 = tpu.memref_slice %arg3[%dma_wait3A_344, %dma_wait3A_345] : memref<50000x128xf32, #tpu.memory_space<hbm>> -> memref<50000x128xf32, #tpu.memory_space<hbm>>
    tpu.wait_indirect_dma semaphore(%arg9 : memref<!tpu.dma_semaphore, #tpu.memory_space<semaphore_mem>>) src(%dma_wait3A_346 : memref<50000x128xf32, #tpu.memory_space<hbm>>) dst(%dma_wait3A_340 : memref<128x128xf32, #tpu.memory_space<vmem>>)
    %add3A_347 = arith.constant 12 : i32
    %add3A_348 = arith.addi %mul3A_2, %add3A_347 : i32
    %mul3A_349 = arith.constant 128 : i32
    %mul3A_350 = arith.muli %add3A_348, %mul3A_349 : i32
    %dma_start3A_351 = arith.constant 0 : i32
    %dma_start3A_352 = arith.constant 0 : i32
    %dma_start3A_353 = tpu.memref_slice %arg7[%dma_start3A_351, %dma_start3A_352] : memref<256x128xf32, #tpu.memory_space<vmem>> -> memref<128x128xf32, #tpu.memory_space<vmem>>
    %dma_start3A_354 = arith.constant 0 : i32
    %dma_start3A_355 = tpu.memref_slice %arg4[%mul3A_350, %dma_start3A_354] : memref<53248x128xf32, #tpu.memory_space<hbm>> -> memref<128x128xf32, #tpu.memory_space<hbm>>
    %dma_start3A_356 = arith.constant 0 : i32
    %dma_start3A_357 = tpu.memref_slice %arg4[%mul3A_350, %dma_start3A_356] : memref<53248x128xf32, #tpu.memory_space<hbm>> -> memref<128x128xf32, #tpu.memory_space<hbm>>
    %dma_start3A_358 = arith.constant 0 : i32
    %dma_start3A_359 = arith.constant 0 : i32
    %dma_start3A_360 = tpu.memref_slice %arg7[%dma_start3A_358, %dma_start3A_359] : memref<256x128xf32, #tpu.memory_space<vmem>> -> memref<128x128xf32, #tpu.memory_space<vmem>>
    tpu.enqueue_dma source(%dma_start3A_360 : memref<128x128xf32, #tpu.memory_space<vmem>>) target(%dma_start3A_357 : memref<128x128xf32, #tpu.memory_space<hbm>>) target_semaphore(%arg11 : memref<!tpu.dma_semaphore, #tpu.memory_space<semaphore_mem>>)
    %dma_wait3A_361 = arith.constant 0 : i32
    %dma_wait3A_362 = arith.constant 0 : i32
    %dma_wait3A_363 = tpu.memref_slice %arg6[%dma_wait3A_361, %dma_wait3A_362] : memref<512x128xf32, #tpu.memory_space<vmem>> -> memref<512x128xf32, #tpu.memory_space<vmem>>
    %dma_wait3A_364 = arith.constant 0 : i32
    %dma_wait3A_365 = tpu.memref_slice %arg4[%mul3A_242, %dma_wait3A_364] : memref<53248x128xf32, #tpu.memory_space<hbm>> -> memref<512x128xf32, #tpu.memory_space<hbm>>
    %dma_wait3A_366 = arith.constant 0 : i32
    %dma_wait3A_367 = tpu.memref_slice %arg4[%mul3A_242, %dma_wait3A_366] : memref<53248x128xf32, #tpu.memory_space<hbm>> -> memref<512x128xf32, #tpu.memory_space<hbm>>
    %dma_wait3A_368 = arith.constant 0 : i32
    %dma_wait3A_369 = arith.constant 0 : i32
    %dma_wait3A_370 = tpu.memref_slice %arg6[%dma_wait3A_368, %dma_wait3A_369] : memref<512x128xf32, #tpu.memory_space<vmem>> -> memref<512x128xf32, #tpu.memory_space<vmem>>
    tpu.wait_dma2 semaphore(%arg10 : memref<!tpu.dma_semaphore, #tpu.memory_space<semaphore_mem>>) src(%dma_wait3A_370 : memref<512x128xf32, #tpu.memory_space<vmem>>) dst(%dma_wait3A_367 : memref<512x128xf32, #tpu.memory_space<hbm>>)
    %dma_wait3A_371 = arith.constant 0 : i32
    %dma_wait3A_372 = arith.constant 0 : i32
    %dma_wait3A_373 = tpu.memref_slice %arg7[%dma_wait3A_371, %dma_wait3A_372] : memref<256x128xf32, #tpu.memory_space<vmem>> -> memref<128x128xf32, #tpu.memory_space<vmem>>
    %dma_wait3A_374 = arith.constant 0 : i32
    %dma_wait3A_375 = tpu.memref_slice %arg4[%mul3A_350, %dma_wait3A_374] : memref<53248x128xf32, #tpu.memory_space<hbm>> -> memref<128x128xf32, #tpu.memory_space<hbm>>
    %dma_wait3A_376 = arith.constant 0 : i32
    %dma_wait3A_377 = tpu.memref_slice %arg4[%mul3A_350, %dma_wait3A_376] : memref<53248x128xf32, #tpu.memory_space<hbm>> -> memref<128x128xf32, #tpu.memory_space<hbm>>
    %dma_wait3A_378 = arith.constant 0 : i32
    %dma_wait3A_379 = arith.constant 0 : i32
    %dma_wait3A_380 = tpu.memref_slice %arg7[%dma_wait3A_378, %dma_wait3A_379] : memref<256x128xf32, #tpu.memory_space<vmem>> -> memref<128x128xf32, #tpu.memory_space<vmem>>
    tpu.wait_dma2 semaphore(%arg11 : memref<!tpu.dma_semaphore, #tpu.memory_space<semaphore_mem>>) src(%dma_wait3A_380 : memref<128x128xf32, #tpu.memory_space<vmem>>) dst(%dma_wait3A_377 : memref<128x128xf32, #tpu.memory_space<hbm>>)
    return
  }
}

module attributes {stable_mosaic.version = 14 : i64} {
  func.func @_mm_body(%arg0: i32, %arg1: memref<2000x128xf32, #tpu.memory_space<vmem>>, %arg2: memref<2000x128xf32, #tpu.memory_space<vmem>>, %arg3: memref<128x128xf32, #tpu.memory_space<vmem>>, %arg4: memref<128x128xf32, #tpu.memory_space<vmem>>, %arg5: memref<1x128xf32, #tpu.memory_space<vmem>>, %arg6: memref<2000x128xf32, #tpu.memory_space<vmem>>) attributes {dimension_semantics = [#tpu.dimension_semantics<arbitrary>], iteration_bounds = array<i64: 25>, scalar_prefetch = 0 : i64, scratch_operands = 0 : i64, tpu.core_type = #tpu.core_type<tc>, window_params = [{transform_indices = @transform_0, window_bounds = array<i64: 2000, 128>}, {transform_indices = @transform_1, window_bounds = array<i64: 2000, 128>}, {pipeline_mode = #tpu.pipeline_mode<synchronous>, transform_indices = @transform_2, window_bounds = array<i64: 128, 128>}, {pipeline_mode = #tpu.pipeline_mode<synchronous>, transform_indices = @transform_3, window_bounds = array<i64: 128, 128>}, {pipeline_mode = #tpu.pipeline_mode<synchronous>, transform_indices = @transform_4, window_bounds = array<i64: 1, 128>}, {transform_indices = @transform_5, window_bounds = array<i64: 2000, 128>}]} {
    %get3A = arith.constant 0 : index
    %get3A_0 = arith.constant 0 : index
    %get3A_1 = vector.load %arg1[%get3A, %get3A_0] : memref<2000x128xf32, #tpu.memory_space<vmem>>, vector<2000x128xf32>
    %get3A_2 = arith.constant 0 : index
    %get3A_3 = arith.constant 0 : index
    %get3A_4 = vector.load %arg3[%get3A_2, %get3A_3] : memref<128x128xf32, #tpu.memory_space<vmem>>, vector<128x128xf32>
    %dot_general3A = arith.constant dense<0.000000e+00> : vector<2000x128xf32>
    %dot_general3A_5 = tpu.matmul %get3A_1, %get3A_4, %dot_general3A {dimension_numbers = #tpu.dot_dimension_numbers<[1], [0], [0], [1], [0, 0, 1, 1], [], []>, transpose_lhs_hint = false} : vector<2000x128xf32>, vector<128x128xf32>, vector<2000x128xf32> -> vector<2000x128xf32>
    %get3A_6 = arith.constant 0 : index
    %get3A_7 = arith.constant 0 : index
    %get3A_8 = vector.load %arg2[%get3A_6, %get3A_7] : memref<2000x128xf32, #tpu.memory_space<vmem>>, vector<2000x128xf32>
    %get3A_9 = arith.constant 0 : index
    %get3A_10 = arith.constant 0 : index
    %get3A_11 = vector.load %arg4[%get3A_9, %get3A_10] : memref<128x128xf32, #tpu.memory_space<vmem>>, vector<128x128xf32>
    %dot_general3A_12 = arith.constant dense<0.000000e+00> : vector<2000x128xf32>
    %dot_general3A_13 = tpu.matmul %get3A_8, %get3A_11, %dot_general3A_12 {dimension_numbers = #tpu.dot_dimension_numbers<[1], [0], [0], [1], [0, 0, 1, 1], [], []>, transpose_lhs_hint = false} : vector<2000x128xf32>, vector<128x128xf32>, vector<2000x128xf32> -> vector<2000x128xf32>
    %add3A = arith.addf %dot_general3A_5, %dot_general3A_13 : vector<2000x128xf32>
    %get3A_14 = arith.constant 0 : index
    %get3A_15 = arith.constant 0 : index
    %get3A_16 = vector.load %arg5[%get3A_14, %get3A_15] : memref<1x128xf32, #tpu.memory_space<vmem>>, vector<1x128xf32>
    %add3A_17 = vector.broadcast %get3A_16 : vector<1x128xf32> to vector<2000x128xf32>
    %add3A_18 = arith.addf %add3A, %add3A_17 : vector<2000x128xf32>
    %neg3A = arith.constant 0.000000e+00 : f32
    %neg3A_19 = vector.broadcast %neg3A : f32 to vector<2000x128xf32>
    %neg3A_20 = arith.subf %neg3A_19, %add3A_18 : vector<2000x128xf32>
    %exp3A = math.exp %neg3A_20 : vector<2000x128xf32>
    %add3A_21 = arith.constant 1.000000e+00 : f32
    %add3A_22 = vector.broadcast %add3A_21 : f32 to vector<2000x128xf32>
    %add3A_23 = arith.addf %add3A_22, %exp3A : vector<2000x128xf32>
    %div3A = arith.constant 1.000000e+00 : f32
    %div3A_24 = vector.broadcast %div3A : f32 to vector<2000x128xf32>
    %div3A_25 = arith.divf %div3A_24, %add3A_23 : vector<2000x128xf32>
    %mul3A = arith.mulf %add3A_18, %div3A_25 : vector<2000x128xf32>
    %swap3A = arith.constant 0 : index
    %swap3A_26 = arith.constant 0 : index
    %swap3A_27 = vector.load %arg6[%swap3A, %swap3A_26] : memref<2000x128xf32, #tpu.memory_space<vmem>>, vector<2000x128xf32>
    tpu.vector_store %arg6[%swap3A, %swap3A_26], %mul3A {strides = array<i32>} : memref<2000x128xf32, #tpu.memory_space<vmem>>, vector<2000x128xf32>,
    return
  }
  func.func @transform_0(%arg0: i32) -> (i32, i32) {
    %c0_i32 = arith.constant 0 : i32
    %c0_i32_0 = arith.constant 0 : i32
    return %arg0, %c0_i32 : i32, i32
  }
  func.func @transform_1(%arg0: i32) -> (i32, i32) {
    %c0_i32 = arith.constant 0 : i32
    %c0_i32_0 = arith.constant 0 : i32
    return %arg0, %c0_i32 : i32, i32
  }
  func.func @transform_2(%arg0: i32) -> (i32, i32) {
    %c0_i32 = arith.constant 0 : i32
    %c0_i32_0 = arith.constant 0 : i32
    %c0_i32_1 = arith.constant 0 : i32
    return %c0_i32, %c0_i32_0 : i32, i32
  }
  func.func @transform_3(%arg0: i32) -> (i32, i32) {
    %c0_i32 = arith.constant 0 : i32
    %c0_i32_0 = arith.constant 0 : i32
    %c0_i32_1 = arith.constant 0 : i32
    return %c0_i32, %c0_i32_0 : i32, i32
  }
  func.func @transform_4(%arg0: i32) -> (i32, i32) {
    %c0_i32 = arith.constant 0 : i32
    %c0_i32_0 = arith.constant 0 : i32
    %c0_i32_1 = arith.constant 0 : i32
    return %c0_i32, %c0_i32_0 : i32, i32
  }
  func.func @transform_5(%arg0: i32) -> (i32, i32) {
    %c0_i32 = arith.constant 0 : i32
    %c0_i32_0 = arith.constant 0 : i32
    return %arg0, %c0_i32 : i32, i32
  }
}

module attributes {stable_mosaic.version = 14 : i64} {
  func.func @_prep_body(%arg0: memref<128x128xf32, #tpu.memory_space<vmem>>, %arg1: memref<256x128xf32, #tpu.memory_space<vmem>>, %arg2: memref<1x128xf32, #tpu.memory_space<vmem>>, %arg3: memref<1x128xf32, #tpu.memory_space<vmem>>, %arg4: memref<128x128xf32, #tpu.memory_space<vmem>>, %arg5: memref<128x128xf32, #tpu.memory_space<vmem>>, %arg6: memref<1x128xf32, #tpu.memory_space<vmem>>) attributes {dimension_semantics = [], scalar_prefetch = 0 : i64, scratch_operands = 0 : i64, tpu.core_type = #tpu.core_type<tc>} {
    %get3A = arith.constant 0 : index
    %get3A_0 = arith.constant 0 : index
    %get3A_1 = vector.load %arg0[%get3A, %get3A_0] : memref<128x128xf32, #tpu.memory_space<vmem>>, vector<128x128xf32>
    %get3A_2 = arith.constant 0 : index
    %get3A_3 = arith.constant 0 : index
    %get3A_4 = vector.load %arg1[%get3A_2, %get3A_3] : memref<256x128xf32, #tpu.memory_space<vmem>>, vector<128x128xf32>
    %get3A_5 = arith.constant 128 : index
    %get3A_6 = arith.constant 0 : index
    %get3A_7 = vector.load %arg1[%get3A_5, %get3A_6] : memref<256x128xf32, #tpu.memory_space<vmem>>, vector<128x128xf32>
    %dot_general3A = arith.constant dense<0.000000e+00> : vector<128x128xf32>
    %dot_general3A_8 = tpu.matmul %get3A_1, %get3A_4, %dot_general3A {dimension_numbers = #tpu.dot_dimension_numbers<[1], [0], [0], [1], [0, 0, 1, 1], [], []>, transpose_lhs_hint = false} : vector<128x128xf32>, vector<128x128xf32>, vector<128x128xf32> -> vector<128x128xf32>
    %swap3A = arith.constant 0 : index
    %swap3A_9 = arith.constant 0 : index
    %swap3A_10 = vector.load %arg4[%swap3A, %swap3A_9] : memref<128x128xf32, #tpu.memory_space<vmem>>, vector<128x128xf32>
    tpu.vector_store %arg4[%swap3A, %swap3A_9], %dot_general3A_8 {strides = array<i32>} : memref<128x128xf32, #tpu.memory_space<vmem>>, vector<128x128xf32>,
    %dot_general3A_11 = arith.constant dense<0.000000e+00> : vector<128x128xf32>
    %dot_general3A_12 = tpu.matmul %get3A_1, %get3A_7, %dot_general3A_11 {dimension_numbers = #tpu.dot_dimension_numbers<[1], [0], [0], [1], [0, 0, 1, 1], [], []>, transpose_lhs_hint = false} : vector<128x128xf32>, vector<128x128xf32>, vector<128x128xf32> -> vector<128x128xf32>
    %mul3A = arith.constant 1.000000e-01 : f32
    %mul3A_13 = vector.broadcast %mul3A : f32 to vector<128x128xf32>
    %mul3A_14 = arith.mulf %dot_general3A_12, %mul3A_13 : vector<128x128xf32>
    %swap3A_15 = arith.constant 0 : index
    %swap3A_16 = arith.constant 0 : index
    %swap3A_17 = vector.load %arg5[%swap3A_15, %swap3A_16] : memref<128x128xf32, #tpu.memory_space<vmem>>, vector<128x128xf32>
    tpu.vector_store %arg5[%swap3A_15, %swap3A_16], %mul3A_14 {strides = array<i32>} : memref<128x128xf32, #tpu.memory_space<vmem>>, vector<128x128xf32>,
    %get3A_18 = arith.constant 0 : index
    %get3A_19 = arith.constant 0 : index
    %get3A_20 = vector.load %arg2[%get3A_18, %get3A_19] : memref<1x128xf32, #tpu.memory_space<vmem>>, vector<1x128xf32>
    %add3A = arith.addf %get3A_4, %get3A_7 : vector<128x128xf32>
    %dot_general3A_21 = arith.constant dense<0.000000e+00> : vector<1x128xf32>
    %dot_general3A_22 = tpu.matmul %get3A_20, %add3A, %dot_general3A_21 {dimension_numbers = #tpu.dot_dimension_numbers<[1], [0], [0], [1], [0, 0, 1, 1], [], []>, transpose_lhs_hint = false} : vector<1x128xf32>, vector<128x128xf32>, vector<1x128xf32> -> vector<1x128xf32>
    %get3A_23 = arith.constant 0 : index
    %get3A_24 = arith.constant 0 : index
    %get3A_25 = vector.load %arg3[%get3A_23, %get3A_24] : memref<1x128xf32, #tpu.memory_space<vmem>>, vector<1x128xf32>
    %add3A_26 = arith.addf %dot_general3A_22, %get3A_25 : vector<1x128xf32>
    %swap3A_27 = arith.constant 0 : index
    %swap3A_28 = arith.constant 0 : index
    %swap3A_29 = vector.load %arg6[%swap3A_27, %swap3A_28] : memref<1x128xf32, #tpu.memory_space<vmem>>, vector<1x128xf32>
    tpu.vector_store %arg6[%swap3A_27, %swap3A_28], %add3A_26 {strides = array<i32>} : memref<1x128xf32, #tpu.memory_space<vmem>>, vector<1x128xf32>,
    return
  }
}

</mosaic_0001>

<sc_bundles>
// kernel: kernel.6.cloned.1.call-start
scs
__scs_entry_jumppad:
0x0: {  	(pc) =	sbr.rel $0x88, $3  }
0x1: {  	(tag) =	ssettag $0x0;
	lr =	simm.s32 $0x1  }
0x2: {  	[smem:$0x3F9A] =	sst lr;
	_ =	strace $0xD0000000  }
0x3: {  	_ = 	snop  }
0x4: {  	_ = 	snop  }
0x5: {  	_ = 	snop  }
0x6: {  	_ = 	snop  }
0x7: {  	_ = 	snop  }
__scs_overlays_trampoline_lowered:
0x8: {  	[smem:$0x3FA9] =	sst s0  }
0x9: {  	[smem:$0x3FAA] =	sst s1  }
0xa: {  	[smem:$0x3FAB] =	sst s2  }
0xb: {  	[smem:$0x3FAC] =	sst s3  }
0xc: {  	[smem:$0x3FAD] =	sst s4  }
0xd: {  	[smem:$0x3FAE] =	sst s5  }
0xe: {  	[smem:$0x3FAF] =	sst s6  }
0xf: {  	[smem:$0x3FB0] =	sst s7  }
0x10: {  	[smem:$0x3FB1] =	sst s8  }
0x11: {  	[smem:$0x3FB2] =	sst s9;
	s0 =	simm.s32 @!p0 $0x0  }
0x12: {  	s1 =	sld [smem:$0x3F98];
	s0 =	simm.s32 @p0 $0x1  }
0x13: {  	[smem:$0x3FB3] =	sst s0;
	s0 =	simm.s32 @!p1 $0x0  }
0x14: {  	s2 =	sld [smem:$0x3F97];
	s0 =	simm.s32 @p1 $0x1  }
0x15: {  	[smem:$0x3FB4] =	sst s0;
	s0 =	simm.s32 @!p2 $0x0  }
0x16: {  	s3 =	sld [smem:$0x3FDB];
	s0 =	simm.s32 @p2 $0x1  }
0x17: {  	s4 =	simm.s32 $0x1BF5;
	[smem:$0x3FB6] =	sst s0  }
0x18: {  	s0 =	sld [smem:$0x3F99];
	_ =	swait.ge [sflag:s4], $0x0  }
0x19: {  	s7 =	sld [smem:$0x3F9A]  }
0x1a: {  	s8 =	sadd.s32 $0xFFFFE003, lr  }
0x1b: {  	s9 =	sadd.s32 $0xFFFFFEF7, lr;
	s5 =	simm.s32 $0xFFFFFFFF;
	p2 =	slt.u32 s8, $0xFFFFF086  }
0x1c: {  	p1 =	slt.u32 s9, $0xF7A;
	s5 =	simm.s32 @!p2 $0x0  }
0x1d: {  	s5 =	simm.s32 @p1 $0x1;
	p0 =	seq.s32 s7, s2  }
0x1e: {  	s7 =	smul.u32 @!p0 $0xF7A, s2;
	p2 =	seq.s32 @!p0 s5, $0x0  }
0x1f: {  	s9 =	smul.u32 $0xF7A, s1;
	s8 =	simm.s32 @!p0 $0x1BF5;
	p2 =	por !p2, p0  }
0x20: {  	[sflag:s8] =	ssyncset.s32 @!p0 $0xFFFFF086;
	s6 =	sadd.s32 @!p0 s3, s7;
	s7 =	simm.s32 @!p0 $0x108  }
0x21: {  	s3 =	sadd.s32 s3, s9;
	s6 =	sadd.s32 @!p0 $0x88, s6;
	s7 =	simm.s32 @p2 $0x1082  }
0x22: {  	[simem:s7], [sflag:s8] =	dma.local @!p0 [hbm:s6], $0xF7A  }
0x23: {  	s9 =	sor.u32 $0xD0000000, s2;
	s6 =	simm.s32 $0x108;
	_ =	swait.ge @!p0 [sflag:s8], $0x0  }
0x24: {  	s3 =	sadd.s32 $0x88, s3;
	s6 =	simm.s32 @!p1 $0x1082;
	[sflag:s4] =	ssyncset.s32 $0xFFFFF086  }
0x25: {  	[simem:s6], [sflag:s4] =	dma.local [hbm:s3], $0xF7A  }
0x26: {  	[smem:$0x3F9A] =	sst s1;
	(tag) =	ssettag s2;
	_ =	strace s9  }
0x27: {  	s1 =	sld [smem:$0x3FAA]  }
0x28: {  	s2 =	sld [smem:$0x3FAB]  }
0x29: {  	s4 =	sld [smem:$0x3FAD]  }
0x2a: {  	p0 =	seq.s32 s5, $0x0;
	s5 =	sld [smem:$0x3FAE]  }
0x2b: {  	s6 =	sld [smem:$0x3FAF]  }
0x2c: {  	s7 =	sld [smem:$0x3FB0]  }
0x2d: {  	s3 =	simm.s32 $0x108;
	s8 =	sld [smem:$0x3FB1]  }
0x2e: {  	s3 =	simm.s32 @!p0 $0x1082;
	s9 =	sld [smem:$0x3FB2]  }
0x2f: {  	lr =	sadd.s32 s0, s3;
	s0 =	sld [smem:$0x3FA9]  }
0x30: {  	s3 =	sld [smem:$0x3FAC]  }
0x31: {  	[smem:$0x3FB5] =	sst s10  }
0x32: {  	s10 =	sld [smem:$0x3FB3];
	_ =	sdelay $0x3  }
0x33: {  	p0 =	seq.s32 s10, $0x1;
	s10 =	sld [smem:$0x3FB5];
	_ =	sdelay $0x3  }
0x34: {  	[smem:$0x3FB5] =	sst s10  }
0x35: {  	s10 =	sld [smem:$0x3FB4];
	_ =	sdelay $0x3  }
0x36: {  	p1 =	seq.s32 s10, $0x1;
	s10 =	sld [smem:$0x3FB5];
	_ =	sdelay $0x3  }
0x37: {  	[smem:$0x3FB5] =	sst s10  }
0x38: {  	s10 =	sld [smem:$0x3FB6]  }
0x39: {  	_ = 	snop;
	(pc) =	sbr.ind lr, $3  }
0x3a: {  	_ = 	snop  }
0x3b: {  	_ = 	snop  }
0x3c: {  	p2 =	seq.s32 s10, $0x1;
	s10 =	sld [smem:$0x3FB5]  }
0x3d: {  	_ =	shalt  }
0x3e: {  	_ =	shalt  }
0x3f: {  	_ =	shalt  }
0x40: {  	_ =	shalt  }
0x41: {  	_ =	shalt  }
0x42: {  	_ =	shalt  }
0x43: {  	_ =	shalt  }
0x44: {  	_ =	shalt  }
0x45: {  	_ =	shalt  }
0x46: {  	_ =	shalt  }
0x47: {  	_ =	shalt  }
0x48: {  	_ =	shalt  }
0x49: {  	_ =	shalt  }
0x4a: {  	_ =	shalt  }
0x4b: {  	_ =	shalt  }
0x4c: {  	_ =	shalt  }
0x4d: {  	_ =	shalt  }
0x4e: {  	_ =	shalt  }
0x4f: {  	_ =	shalt  }
0x50: {  	_ =	shalt  }
0x51: {  	_ =	shalt  }
0x52: {  	_ =	shalt  }
0x53: {  	_ =	shalt  }
0x54: {  	_ =	shalt  }
0x55: {  	_ =	shalt  }
0x56: {  	_ =	shalt  }
0x57: {  	_ =	shalt  }
0x58: {  	_ =	shalt  }
0x59: {  	_ =	shalt  }
0x5a: {  	_ =	shalt  }
0x5b: {  	_ =	shalt  }
0x5c: {  	_ =	shalt  }
0x5d: {  	_ =	shalt  }
0x5e: {  	_ =	shalt  }
0x5f: {  	_ =	shalt  }
0x60: {  	_ =	shalt  }
0x61: {  	_ =	shalt  }
0x62: {  	_ =	shalt  }
0x63: {  	_ =	shalt  }
0x64: {  	_ =	shalt  }
0x65: {  	_ =	shalt  }
0x66: {  	_ =	shalt  }
0x67: {  	_ =	shalt  }
0x68: {  	_ =	shalt  }
0x69: {  	_ =	shalt  }
0x6a: {  	_ =	shalt  }
0x6b: {  	_ =	shalt  }
0x6c: {  	_ =	shalt  }
0x6d: {  	_ =	shalt  }
0x6e: {  	_ =	shalt  }
0x6f: {  	_ =	shalt  }
0x70: {  	_ =	shalt  }
0x71: {  	_ =	shalt  }
0x72: {  	_ =	shalt  }
0x73: {  	_ =	shalt  }
0x74: {  	_ =	shalt  }
0x75: {  	_ =	shalt  }
0x76: {  	_ =	shalt  }
0x77: {  	_ =	shalt  }
0x78: {  	_ =	shalt  }
0x79: {  	_ =	shalt  }
0x7a: {  	_ =	shalt  }
0x7b: {  	_ =	shalt  }
0x7c: {  	_ =	shalt  }
0x7d: {  	_ =	shalt  }
0x7e: {  	_ =	shalt  }
0x7f: {  	_ =	shalt  }
0x80: {  	_ =	shalt  }
0x81: {  	_ =	shalt  }
0x82: {  	_ =	shalt  }
0x83: {  	_ =	shalt  }
0x84: {  	_ =	shalt  }
0x85: {  	_ =	shalt  }
0x86: {  	_ =	shalt  }
0x87: {  	_ =	shalt  }
.Lfunc_end0:
.L_simem_size_0:
called_computation_lowered:
.L_overlay_start_0:
0x88: {  	s2 =	sld [smem:$0x3FD9]  }
0x89: {  	s3 =	sld [smem:$0x3FFE];
	_ =	sdelay $0x1  }
0x8a: {  	s1 =	srdreg.scid  }
0x8b: {  	s0 =	sand.u32 $0x1, s1  }
0x8c: {  	s17 =	sshll.u32 s0, $0xA;
	s2 =	sadd.s32 s3, s2  }
0x8d: {  	s2 =	sadd.s32 s2, s17  }
0x8e: {  	[smem:$0x3FC1] =	sst s2  }
0x8f: {  	_ = 	snop  }
0x90: {  	s2 =	sld [smem:$0x3FC7]  }
0x91: {  	s18 =	sld [smem:$0x3FD0];
	(tm) =	ssettm $0x1  }
0x92: {  	s4 =	sld [smem:$0x3FFB];
	_ =	sdelay $0x3  }
0x93: {  	_ =	strace s4  }
0x94: {  	s4 =	sld [smem:$0x3FFC];
	_ =	sdelay $0x3  }
0x95: {  	_ =	strace s4  }
0x96: {  	s4 =	sld [smem:$0x3FFD];
	_ =	sdelay $0x3  }
0x97: {  	_ =	strace s4  }
0x98: {  	_ =	strace $0x8FFFFFFF  }
0x99: {  	s19 =	sld [smem:$0x3FDB];
	_ =	sdelay $0x1  }
0x9a: {  	s5 =	simm.s32 $_scs_section_size  }
0x9b: {  	s6 =	simm.s32 $_size__tile_overlayer_lowered;
	s7 =	simm.s32 $_tile_overlayer_lowered  }
0x9c: {  	s22 =	simm.s32 $0x1BFF;
	s21 =	sshll.u32 s7, $0x1;
	s4 =	sadd.s32 s5, s19  }
0x9d: {  	s8 =	simm.s32 $0x0;
	s20 =	sshll.u32 s6, $0x1;
	s6 =	sadd.s32 s21, s4  }
0x9e: {  	[timem:s8], [sflag:s22] =	dma.local [hbm:s6], s20  }
0x9f: {  	_ =	swait.ge [sflag:s22], s20  }
0xa0: {  	s5 =	ssub.s32 $0x0, s20;
	[sflag:s22] =	ssyncset.done $0x0  }
0xa1: {  	[sflag:s22] =	ssyncadd.s32 s5;
	_ =	sdelay $0x1  }
0xa2: {  	s23 =	simm.s32 $0x1B8B  }
0xa3: {  	_ =	swait.ge [sflag:s23], $0x1  }
0xa4: {  	[sflag:s23] =	ssyncset.done $0x0  }
0xa5: {  	s25 =	simm.s32 $0x1B8E;
	s24 =	sld [smem:$0x3FFE];
	[sflag:s23] =	ssyncadd.s32 $0xFFFFFFFF  }
0xa6: {  	s26 =	simm.s32 $execute0_lowered;
	[smem:$0x3FD2] =	sst s25  }
0xa7: {  	s6 =	sshll.u32 s26, $0x1;
	_ =	strace $0x80000046;
	[dreg:$0x1] =	wrdreg $0xFFFFFFFF  }
0xa8: {  	s28 =	simm.s32 $_size_execute0_lowered;
	s4 =	sadd.s32 s4, s6;
	[dreg:$0x0] =	wrdreg $0x0  }
0xa9: {  	s6 =	sshll.u32 s28, $0x1;
	[dreg:$0x2] =	wrdreg s4  }
0xaa: {  	[dreg:$0x3] =	wrdreg s6  }
0xab: {  	[dreg:$0x4] =	wrdreg $0xC0  }
0xac: {  	_ =	task [dreg:s8], $0x5FFFF  }
0xad: {  	[dreg:$0x1] =	wrdreg $0xFFFFFFFF  }
0xae: {  	[dreg:$0x0] =	wrdreg $0x60  }
0xaf: {  	[dreg:$0x2] =	wrdreg s18  }
0xb0: {  	[dreg:$0x3] =	wrdreg s2  }
0xb1: {  	[dreg:$0x4] =	wrdreg s24  }
0xb2: {  	[dreg:$0x5] =	wrdreg $0x9  }
0xb3: {  	_ =	task.clear_ibuf [dreg:s8], $0x6FFFF;
	_ =	strace $0x90000046  }
0xb4: {  	s29 =	simm.s32 $0x9;
	_ =	strace $0x80000048  }
0xb5: {  	_ =	swait.ge [sflag:s29], $0x1  }
0xb6: {  	[sflag:s29] =	ssyncadd.s32 $0xFFFFFFFF  }
0xb7: {  	_ =	strace $0x90000048  }
0xb8: {  	_ =	sfence  }
0xb9: {  	s30 =	sld [smem:$0x0];
	_ =	sdelay $0x2  }
0xba: {  	s31 =	sshll.u32 s1, $0xD;
	s1 =	sshrl.u32 s1, $0x2  }
0xbb: {  	s3 =	sand.u32 $0x4000, s31;
	s1 =	sadd.s32 s1, s30  }
0xbc: {  	s0 =	sor.u32 s3, s0;
	s1 =	sshll.u32 s1, $0x11  }
0xbd: {  	s0 =	sor.u32 s1, s0  }
0xbe: {  	s0 =	sadd.s32 $0x8F2B, s0  }
0xbf: {  	[sflag:s0] =	ssyncadd.remote.s32 $0x1  }
0xc0: {  	_ =	sfence.sel $0xFFFF  }
0xc1: {  	[dreg:$0x0] =	wrdreg $0xFFFFFFFF;
	(pc) =	sbr.abs _section_cstart, $3  }
0xc2: {  	[dreg:$0x1] =	wrdreg $0xFFFFFFFF  }
0xc3: {  	_ =	task.clear_ibuf [dreg:s8], $0x2FFFF;
	_ =	strace $0x9FFFFFFF  }
0xc4: {  	(tm) =	ssettm $0x7FFFFFFF  }
0xc5: {  	_ =	shalt  }
tec
execute0_lowered:
.L_overlay_start_1:
0x0: {  	(tag) =	ssettag $0x1  }
0x1: {  	s0 =	rddreg [dreg:$0x0]  }
0x2: {  	s2 =	rddreg [dreg:$0x1]  }
0x3: {  	s1 =	rddreg [dreg:$0x2]  }
0x4: {  	s4 =	srdreg.scid;
	s5 =	stileid.u32  }
0x5: {  	s3 =	simm.s32 $0x0;
	s11 =	simm.s32 $0x5;
	s12 =	simm.s32 $0x80  }
0x6: {  	s13 =	simm.s32 $0x4400;
	s23 =	simm.s32 $0x8400;
	s15 =	simm.s32 $0xC400  }
0x7: {  	s28 =	simm.s32 $0x10400;
	s19 =	simm.s32 $0x1;
	s21 =	simm.s32 $0x14400  }
0x8: {  	s16 =	simm.s32 $0x18400;
	s31 =	simm.s32 $0x2;
	s25 =	simm.s32 $0x4  }
0x9: {  	s14 =	simm.s32 $0x2000;
	s17 =	simm.s32 $0x2680;
	s18 =	simm.s32 $0x2D00  }
0xa: {  	s20 =	simm.s32 $0x3380;
	s4 =	sand.u32 $0x1, s4;
	s5 =	sshll.u32 s5, $0x1  }
0xb: {  	s22 =	simm.s32 $0x3A00;
	s24 =	simm.s32 $0x4080;
	s5 =	sor.u32 s4, s5  }
0xc: {  	s26 =	simm.s32 $0x0;
	[smem:$0x7FF] =	sst s3;
	s6 =	smul.u32 $0x34000, s5  }
0xd: {  	s1 =	sadd.s32 $0x1400, s1;
	s4 =	ssub.s32 $0x2, s4;
	s7 =	smul.u32 $0x880, s5  }
0xe: {  	_ =	strace $0x80000047;
	s8 =	sshrl.u32 s4, $0x1;
	s5 =	smul.u32 $0x6800, s5  }
0xf: {  	s10 =	ssub.s32 s4, s8;
	s6 =	sshrl.u32 s6, $0x3;
	s4 =	sadd.s32 s0, s7  }
0x10: {  	s5 =	sadd.s32 s1, s5;
	s10 =	smax.u32 s10, $0x1;
	s30 =	sadd.s32 s1, s6  }
0x11: {  	s0 =	simm.s32 $0x3;
	s1 =	simm.s32 $0x1980;
	s6 =	sadd.s32 $0x2000, s30  }
0x12: {  	v0 =	vimm.f32 $0.0e+00;
	s7 =	sadd.s32 $0x3000, s30;
	s8 =	sadd.s32 $0x5000, s30;
	s9 =	sadd.s32 $0x6000, s30  }
.LBB2_1:
0x13: {  	[tilespmem:s3], [sflag:$0x5] =	stream.linear.gather [hbm4b:s4+s3], $0x4100, $0x38;
	[tilespmem:$0x1C400] =	vst v63  }
0x14: {  	_ =	swait.ge [sflag:s11], $0x4100  }
0x15: {  	[sflag:s11] =	ssyncset.done $0x0  }
0x16: {  	s29 =	simm.s32 $0x0;
	s30 =	simm.s32 $0x200;
	[sflag:s11] =	ssyncadd.s32 $0xFFFFBF00  }
.LBB2_2:
0x17: {  	p0 =	sne.s32 s30, $0x3FE00;
	[tilespmem:s29+$0x4470] =	vst v0  }
0x18: {  	[tilespmem:s29+$0x4400] =	vst v0  }
0x19: {  	[tilespmem:s29+$0x4410] =	vst v0  }
.Ltmp0:
0x1a: {  	[tilespmem:s29+$0x4420] =	vst v0;
	(pc) =	sbr.rel @p0 .LBB2_2-.Ltmp0, $4  }
0x1b: {  	[tilespmem:s29+$0x4430] =	vst v0  }
0x1c: {  	[tilespmem:s29+$0x4440] =	vst v0  }
0x1d: {  	[tilespmem:s29+$0x4450] =	vst v0  }
0x1e: {  	[tilespmem:s29+$0x4460] =	vst v0;
	s29 =	sshra.s32 s30, $0x2;
	s30 =	sadd.s32 $0x200, s30  }
0x1f: {  	[tilespmem:s29+$0x4470] =	vst v0  }
0x20: {  	[tilespmem:s29+$0x4400] =	vst v0  }
0x21: {  	[tilespmem:s29+$0x4410] =	vst v0  }
0x22: {  	[tilespmem:s29+$0x4420] =	vst v0  }
0x23: {  	[tilespmem:s29+$0x4430] =	vst v0  }
0x24: {  	[tilespmem:s29+$0x4440] =	vst v0  }
0x25: {  	[tilespmem:s29+$0x4450] =	vst v0  }
0x26: {  	[tilespmem:s29+$0x4460] =	vst v0;
	s29 =	simm.s32 $0x0  }
0x27: {  	[tilespmem:s13], [sflag:$0x1] =	stream.indirect.gather.add.f32 [hbm:s2], $0x80, s29, s12, $0xb8;
	[tilespmem:$0x1C400] =	vst v63  }
0x28: {  	s30 =	simm.s32 $0x680  }
0x29: {  	[tilespmem:s13], [sflag:$0x1] =	stream.indirect.gather.add.f32 [hbm:s2], $0x80, s30, s12, $0xb8;
	[tilespmem:$0x1C400] =	vst v63  }
0x2a: {  	s30 =	simm.s32 $0xD00  }
0x2b: {  	[tilespmem:s13], [sflag:$0x1] =	stream.indirect.gather.add.f32 [hbm:s2], $0x80, s30, s12, $0xb8;
	[tilespmem:$0x1C400] =	vst v63  }
0x2c: {  	s30 =	simm.s32 $0x1380  }
0x2d: {  	[tilespmem:s13], [sflag:$0x1] =	stream.indirect.gather.add.f32 [hbm:s2], $0x80, s30, s12, $0xb8;
	[tilespmem:$0x1C400] =	vst v63  }
0x2e: {  	s30 =	simm.s32 $0x1A00  }
0x2f: {  	[tilespmem:s13], [sflag:$0x1] =	stream.indirect.gather.add.f32 [hbm:s2], $0x80, s30, s12, $0xb8;
	[tilespmem:$0x1C400] =	vst v63  }
0x30: {  	s30 =	simm.s32 $0x2080  }
0x31: {  	[tilespmem:s13], [sflag:$0x1] =	stream.indirect.gather.add.f32 [hbm:s2], $0x80, s30, s12, $0xb8;
	[tilespmem:$0x1C400] =	vst v63  }
0x32: {  	s30 =	simm.s32 $0x2700  }
0x33: {  	[tilespmem:s13], [sflag:$0x1] =	stream.indirect.gather.add.f32 [hbm:s2], $0x80, s30, s12, $0xb8;
	[tilespmem:$0x1C400] =	vst v63  }
0x34: {  	s30 =	simm.s32 $0x2D80  }
0x35: {  	[tilespmem:s13], [sflag:$0x1] =	stream.indirect.gather.add.f32 [hbm:s2], $0x80, s30, s12, $0xb8;
	[tilespmem:$0x1C400] =	vst v63  }
0x36: {  	s30 =	simm.s32 $0x3400  }
0x37: {  	[tilespmem:s13], [sflag:$0x1] =	stream.indirect.gather.add.f32 [hbm:s2], $0x80, s30, s12, $0xb8;
	[tilespmem:$0x1C400] =	vst v63  }
0x38: {  	s30 =	simm.s32 $0x3A80  }
0x39: {  	[tilespmem:s13], [sflag:$0x1] =	stream.indirect.gather.add.f32 [hbm:s2], $0x80, s30, s12, $0xb8;
	[tilespmem:$0x1C400] =	vst v63  }
0x3a: {  	_ = 	snop  }
0x3b: {  	[tilespmem:s23], [sflag:$0x1] =	stream.indirect.gather.add.f32 [hbm:s2], $0x80, s12, s12, $0xb8;
	[tilespmem:$0x1C400] =	vst v63  }
0x3c: {  	s30 =	simm.s32 $0x700  }
0x3d: {  	[tilespmem:s23], [sflag:$0x1] =	stream.indirect.gather.add.f32 [hbm:s2], $0x80, s30, s12, $0xb8;
	[tilespmem:$0x1C400] =	vst v63  }
0x3e: {  	s30 =	simm.s32 $0xD80  }
0x3f: {  	[tilespmem:s23], [sflag:$0x1] =	stream.indirect.gather.add.f32 [hbm:s2], $0x80, s30, s12, $0xb8;
	[tilespmem:$0x1C400] =	vst v63  }
0x40: {  	s30 =	simm.s32 $0x1400  }
0x41: {  	[tilespmem:s23], [sflag:$0x1] =	stream.indirect.gather.add.f32 [hbm:s2], $0x80, s30, s12, $0xb8;
	[tilespmem:$0x1C400] =	vst v63  }
0x42: {  	s30 =	simm.s32 $0x1A80  }
0x43: {  	[tilespmem:s23], [sflag:$0x1] =	stream.indirect.gather.add.f32 [hbm:s2], $0x80, s30, s12, $0xb8;
	[tilespmem:$0x1C400] =	vst v63  }
0x44: {  	s30 =	simm.s32 $0x2100  }
0x45: {  	[tilespmem:s23], [sflag:$0x1] =	stream.indirect.gather.add.f32 [hbm:s2], $0x80, s30, s12, $0xb8;
	[tilespmem:$0x1C400] =	vst v63  }
0x46: {  	s30 =	simm.s32 $0x2780  }
0x47: {  	[tilespmem:s23], [sflag:$0x1] =	stream.indirect.gather.add.f32 [hbm:s2], $0x80, s30, s12, $0xb8;
	[tilespmem:$0x1C400] =	vst v63  }
0x48: {  	s30 =	simm.s32 $0x2E00  }
0x49: {  	[tilespmem:s23], [sflag:$0x1] =	stream.indirect.gather.add.f32 [hbm:s2], $0x80, s30, s12, $0xb8;
	[tilespmem:$0x1C400] =	vst v63  }
0x4a: {  	s30 =	simm.s32 $0x3480  }
0x4b: {  	[tilespmem:s23], [sflag:$0x1] =	stream.indirect.gather.add.f32 [hbm:s2], $0x80, s30, s12, $0xb8;
	[tilespmem:$0x1C400] =	vst v63  }
0x4c: {  	s30 =	simm.s32 $0x3B00  }
0x4d: {  	[tilespmem:s23], [sflag:$0x1] =	stream.indirect.gather.add.f32 [hbm:s2], $0x80, s30, s12, $0xb8;
	[tilespmem:$0x1C400] =	vst v63  }
0x4e: {  	s30 =	simm.s32 $0x100  }
0x4f: {  	[tilespmem:s15], [sflag:$0x1] =	stream.indirect.gather.add.f32 [hbm:s2], $0x80, s30, s12, $0xb8;
	[tilespmem:$0x1C400] =	vst v63  }
0x50: {  	s30 =	simm.s32 $0x780  }
0x51: {  	[tilespmem:s15], [sflag:$0x1] =	stream.indirect.gather.add.f32 [hbm:s2], $0x80, s30, s12, $0xb8;
	[tilespmem:$0x1C400] =	vst v63  }
0x52: {  	s30 =	simm.s32 $0xE00  }
0x53: {  	[tilespmem:s15], [sflag:$0x1] =	stream.indirect.gather.add.f32 [hbm:s2], $0x80, s30, s12, $0xb8;
	[tilespmem:$0x1C400] =	vst v63  }
0x54: {  	s30 =	simm.s32 $0x1480  }
0x55: {  	[tilespmem:s15], [sflag:$0x1] =	stream.indirect.gather.add.f32 [hbm:s2], $0x80, s30, s12, $0xb8;
	[tilespmem:$0x1C400] =	vst v63  }
0x56: {  	s30 =	simm.s32 $0x1B00  }
0x57: {  	[tilespmem:s15], [sflag:$0x1] =	stream.indirect.gather.add.f32 [hbm:s2], $0x80, s30, s12, $0xb8;
	[tilespmem:$0x1C400] =	vst v63  }
0x58: {  	s30 =	simm.s32 $0x2180  }
0x59: {  	[tilespmem:s15], [sflag:$0x1] =	stream.indirect.gather.add.f32 [hbm:s2], $0x80, s30, s12, $0xb8;
	[tilespmem:$0x1C400] =	vst v63  }
0x5a: {  	s30 =	simm.s32 $0x2800  }
0x5b: {  	[tilespmem:s15], [sflag:$0x1] =	stream.indirect.gather.add.f32 [hbm:s2], $0x80, s30, s12, $0xb8;
	[tilespmem:$0x1C400] =	vst v63  }
0x5c: {  	s30 =	simm.s32 $0x2E80  }
0x5d: {  	[tilespmem:s15], [sflag:$0x1] =	stream.indirect.gather.add.f32 [hbm:s2], $0x80, s30, s12, $0xb8;
	[tilespmem:$0x1C400] =	vst v63  }
0x5e: {  	s30 =	simm.s32 $0x3500  }
0x5f: {  	[tilespmem:s15], [sflag:$0x1] =	stream.indirect.gather.add.f32 [hbm:s2], $0x80, s30, s12, $0xb8;
	[tilespmem:$0x1C400] =	vst v63  }
0x60: {  	s30 =	simm.s32 $0x3B80  }
0x61: {  	[tilespmem:s15], [sflag:$0x1] =	stream.indirect.gather.add.f32 [hbm:s2], $0x80, s30, s12, $0xb8;
	[tilespmem:$0x1C400] =	vst v63  }
0x62: {  	s30 =	simm.s32 $0x180  }
0x63: {  	[tilespmem:s28], [sflag:$0x1] =	stream.indirect.gather.add.f32 [hbm:s2], $0x80, s30, s12, $0xb8;
	[tilespmem:$0x1C400] =	vst v63  }
0x64: {  	s30 =	simm.s32 $0x800  }
0x65: {  	[tilespmem:s28], [sflag:$0x1] =	stream.indirect.gather.add.f32 [hbm:s2], $0x80, s30, s12, $0xb8;
	[tilespmem:$0x1C400] =	vst v63  }
0x66: {  	s30 =	simm.s32 $0xE80  }
0x67: {  	[tilespmem:s28], [sflag:$0x1] =	stream.indirect.gather.add.f32 [hbm:s2], $0x80, s30, s12, $0xb8;
	[tilespmem:$0x1C400] =	vst v63  }
0x68: {  	s30 =	simm.s32 $0x1500  }
0x69: {  	[tilespmem:s28], [sflag:$0x1] =	stream.indirect.gather.add.f32 [hbm:s2], $0x80, s30, s12, $0xb8;
	[tilespmem:$0x1C400] =	vst v63  }
0x6a: {  	s30 =	simm.s32 $0x1B80  }
0x6b: {  	[tilespmem:s28], [sflag:$0x1] =	stream.indirect.gather.add.f32 [hbm:s2], $0x80, s30, s12, $0xb8;
	[tilespmem:$0x1C400] =	vst v63  }
0x6c: {  	s30 =	simm.s32 $0x2200  }
0x6d: {  	[tilespmem:s28], [sflag:$0x1] =	stream.indirect.gather.add.f32 [hbm:s2], $0x80, s30, s12, $0xb8;
	[tilespmem:$0x1C400] =	vst v63  }
0x6e: {  	s30 =	simm.s32 $0x2880  }
0x6f: {  	[tilespmem:s28], [sflag:$0x1] =	stream.indirect.gather.add.f32 [hbm:s2], $0x80, s30, s12, $0xb8;
	[tilespmem:$0x1C400] =	vst v63  }
0x70: {  	s30 =	simm.s32 $0x2F00  }
0x71: {  	[tilespmem:s28], [sflag:$0x1] =	stream.indirect.gather.add.f32 [hbm:s2], $0x80, s30, s12, $0xb8;
	[tilespmem:$0x1C400] =	vst v63  }
0x72: {  	s30 =	simm.s32 $0x3580  }
0x73: {  	[tilespmem:s28], [sflag:$0x1] =	stream.indirect.gather.add.f32 [hbm:s2], $0x80, s30, s12, $0xb8;
	[tilespmem:$0x1C400] =	vst v63  }
0x74: {  	s30 =	simm.s32 $0x3C00  }
0x75: {  	[tilespmem:s28], [sflag:$0x1] =	stream.indirect.gather.add.f32 [hbm:s2], $0x80, s30, s12, $0xb8;
	[tilespmem:$0x1C400] =	vst v63  }
0x76: {  	_ =	swait.ge [sflag:s19], $0x4000  }
0x77: {  	[sflag:s19] =	ssyncset.done $0x0  }
0x78: {  	[sflag:s19] =	ssyncadd.s32 $0xFFFFC000  }
0x79: {  	_ =	swait.ge [sflag:s19], $0x4000  }
0x7a: {  	[sflag:s19] =	ssyncset.done $0x0  }
0x7b: {  	[sflag:s19] =	ssyncadd.s32 $0xFFFFC000  }
0x7c: {  	_ =	swait.ge [sflag:s19], $0x4000  }
0x7d: {  	[sflag:s19] =	ssyncset.done $0x0  }
0x7e: {  	[sflag:s19] =	ssyncadd.s32 $0xFFFFC000  }
0x7f: {  	_ =	swait.ge [sflag:s19], $0x4000  }
0x80: {  	[sflag:s19] =	ssyncset.done $0x0  }
0x81: {  	[sflag:s19] =	ssyncadd.s32 $0xFFFFC000  }
0x82: {  	_ =	swait.ge [sflag:s19], $0x4000  }
0x83: {  	[sflag:s19] =	ssyncset.done $0x0  }
0x84: {  	[sflag:s19] =	ssyncadd.s32 $0xFFFFC000  }
0x85: {  	_ =	swait.ge [sflag:s19], $0x4000  }
0x86: {  	[sflag:s19] =	ssyncset.done $0x0  }
0x87: {  	[sflag:s19] =	ssyncadd.s32 $0xFFFFC000  }
0x88: {  	_ =	swait.ge [sflag:s19], $0x4000  }
0x89: {  	[sflag:s19] =	ssyncset.done $0x0  }
0x8a: {  	[sflag:s19] =	ssyncadd.s32 $0xFFFFC000  }
0x8b: {  	_ =	swait.ge [sflag:s19], $0x4000  }
0x8c: {  	[sflag:s19] =	ssyncset.done $0x0  }
0x8d: {  	[sflag:s19] =	ssyncadd.s32 $0xFFFFC000  }
0x8e: {  	_ =	swait.ge [sflag:s19], $0x4000  }
0x8f: {  	[sflag:s19] =	ssyncset.done $0x0  }
0x90: {  	[sflag:s19] =	ssyncadd.s32 $0xFFFFC000  }
0x91: {  	_ =	swait.ge [sflag:s19], $0x4000  }
0x92: {  	[sflag:s19] =	ssyncset.done $0x0  }
0x93: {  	[sflag:s19] =	ssyncadd.s32 $0xFFFFC000  }
0x94: {  	_ =	swait.ge [sflag:s19], $0x4000  }
0x95: {  	[sflag:s19] =	ssyncset.done $0x0  }
0x96: {  	[sflag:s19] =	ssyncadd.s32 $0xFFFFC000  }
0x97: {  	_ =	swait.ge [sflag:s19], $0x4000  }
0x98: {  	[sflag:s19] =	ssyncset.done $0x0  }
0x99: {  	[sflag:s19] =	ssyncadd.s32 $0xFFFFC000  }
0x9a: {  	_ =	swait.ge [sflag:s19], $0x4000  }
0x9b: {  	[sflag:s19] =	ssyncset.done $0x0  }
0x9c: {  	[sflag:s19] =	ssyncadd.s32 $0xFFFFC000  }
0x9d: {  	_ =	swait.ge [sflag:s19], $0x4000  }
0x9e: {  	[sflag:s19] =	ssyncset.done $0x0  }
0x9f: {  	[sflag:s19] =	ssyncadd.s32 $0xFFFFC000  }
0xa0: {  	_ =	swait.ge [sflag:s19], $0x4000  }
0xa1: {  	[sflag:s19] =	ssyncset.done $0x0  }
0xa2: {  	[sflag:s19] =	ssyncadd.s32 $0xFFFFC000  }
0xa3: {  	_ =	swait.ge [sflag:s19], $0x4000  }
0xa4: {  	[sflag:s19] =	ssyncset.done $0x0  }
0xa5: {  	[sflag:s19] =	ssyncadd.s32 $0xFFFFC000  }
0xa6: {  	_ =	swait.ge [sflag:s19], $0x4000  }
0xa7: {  	[sflag:s19] =	ssyncset.done $0x0  }
0xa8: {  	[sflag:s19] =	ssyncadd.s32 $0xFFFFC000  }
0xa9: {  	_ =	swait.ge [sflag:s19], $0x4000  }
0xaa: {  	[sflag:s19] =	ssyncset.done $0x0  }
0xab: {  	[sflag:s19] =	ssyncadd.s32 $0xFFFFC000  }
0xac: {  	_ =	swait.ge [sflag:s19], $0x4000  }
0xad: {  	[sflag:s19] =	ssyncset.done $0x0  }
0xae: {  	[sflag:s19] =	ssyncadd.s32 $0xFFFFC000  }
0xaf: {  	_ =	swait.ge [sflag:s19], $0x4000  }
0xb0: {  	[sflag:s19] =	ssyncset.done $0x0  }
0xb1: {  	[sflag:s19] =	ssyncadd.s32 $0xFFFFC000  }
0xb2: {  	_ =	swait.ge [sflag:s19], $0x4000  }
0xb3: {  	[sflag:s19] =	ssyncset.done $0x0  }
0xb4: {  	[sflag:s19] =	ssyncadd.s32 $0xFFFFC000  }
0xb5: {  	_ =	swait.ge [sflag:s19], $0x4000  }
0xb6: {  	[sflag:s19] =	ssyncset.done $0x0  }
0xb7: {  	[sflag:s19] =	ssyncadd.s32 $0xFFFFC000  }
0xb8: {  	_ =	swait.ge [sflag:s19], $0x4000  }
0xb9: {  	[sflag:s19] =	ssyncset.done $0x0  }
0xba: {  	[sflag:s19] =	ssyncadd.s32 $0xFFFFC000  }
0xbb: {  	_ =	swait.ge [sflag:s19], $0x4000  }
0xbc: {  	[sflag:s19] =	ssyncset.done $0x0  }
0xbd: {  	[sflag:s19] =	ssyncadd.s32 $0xFFFFC000  }
0xbe: {  	_ =	swait.ge [sflag:s19], $0x4000  }
0xbf: {  	[sflag:s19] =	ssyncset.done $0x0  }
0xc0: {  	[sflag:s19] =	ssyncadd.s32 $0xFFFFC000  }
0xc1: {  	_ =	swait.ge [sflag:s19], $0x4000  }
0xc2: {  	[sflag:s19] =	ssyncset.done $0x0  }
0xc3: {  	[sflag:s19] =	ssyncadd.s32 $0xFFFFC000  }
0xc4: {  	_ =	swait.ge [sflag:s19], $0x4000  }
0xc5: {  	[sflag:s19] =	ssyncset.done $0x0  }
0xc6: {  	[sflag:s19] =	ssyncadd.s32 $0xFFFFC000  }
0xc7: {  	_ =	swait.ge [sflag:s19], $0x4000  }
0xc8: {  	[sflag:s19] =	ssyncset.done $0x0  }
0xc9: {  	[sflag:s19] =	ssyncadd.s32 $0xFFFFC000  }
0xca: {  	_ =	swait.ge [sflag:s19], $0x4000  }
0xcb: {  	[sflag:s19] =	ssyncset.done $0x0  }
0xcc: {  	[sflag:s19] =	ssyncadd.s32 $0xFFFFC000  }
0xcd: {  	_ =	swait.ge [sflag:s19], $0x4000  }
0xce: {  	[sflag:s19] =	ssyncset.done $0x0  }
0xcf: {  	[sflag:s19] =	ssyncadd.s32 $0xFFFFC000  }
0xd0: {  	_ =	swait.ge [sflag:s19], $0x4000  }
0xd1: {  	[sflag:s19] =	ssyncset.done $0x0  }
0xd2: {  	[sflag:s19] =	ssyncadd.s32 $0xFFFFC000  }
0xd3: {  	_ =	swait.ge [sflag:s19], $0x4000  }
0xd4: {  	[sflag:s19] =	ssyncset.done $0x0  }
0xd5: {  	[sflag:s19] =	ssyncadd.s32 $0xFFFFC000  }
0xd6: {  	_ =	swait.ge [sflag:s19], $0x4000  }
0xd7: {  	[sflag:s19] =	ssyncset.done $0x0  }
0xd8: {  	[sflag:s19] =	ssyncadd.s32 $0xFFFFC000  }
0xd9: {  	_ =	swait.ge [sflag:s19], $0x4000  }
0xda: {  	[sflag:s19] =	ssyncset.done $0x0  }
0xdb: {  	[sflag:s19] =	ssyncadd.s32 $0xFFFFC000  }
0xdc: {  	_ =	swait.ge [sflag:s19], $0x4000  }
0xdd: {  	[sflag:s19] =	ssyncset.done $0x0  }
0xde: {  	[sflag:s19] =	ssyncadd.s32 $0xFFFFC000  }
0xdf: {  	_ =	swait.ge [sflag:s19], $0x4000  }
0xe0: {  	[sflag:s19] =	ssyncset.done $0x0  }
0xe1: {  	[sflag:s19] =	ssyncadd.s32 $0xFFFFC000  }
0xe2: {  	_ =	swait.ge [sflag:s19], $0x4000  }
0xe3: {  	[sflag:s19] =	ssyncset.done $0x0  }
0xe4: {  	[sflag:s19] =	ssyncadd.s32 $0xFFFFC000  }
0xe5: {  	_ =	swait.ge [sflag:s19], $0x4000  }
0xe6: {  	[sflag:s19] =	ssyncset.done $0x0  }
0xe7: {  	[sflag:s19] =	ssyncadd.s32 $0xFFFFC000  }
0xe8: {  	_ =	swait.ge [sflag:s19], $0x4000  }
0xe9: {  	[sflag:s19] =	ssyncset.done $0x0  }
0xea: {  	[sflag:s19] =	ssyncadd.s32 $0xFFFFC000  }
0xeb: {  	_ =	swait.ge [sflag:s19], $0x4000  }
0xec: {  	[sflag:s19] =	ssyncset.done $0x0  }
0xed: {  	[sflag:s19] =	ssyncadd.s32 $0xFFFFC000  }
0xee: {  	[hbm4b:s5+s29] =	stream.linear.scatter [tilespmem:s13], [sflag:$0x3], $0x10000, $0x38;
	[tilespmem:$0x1C400] =	vst v63  }
0xef: {  	s30 =	simm.s32 $0x200;
	s29 =	simm.s32 $0x0  }
.LBB2_4:
0xf0: {  	p0 =	sne.s32 s30, $0x1FE00;
	[tilespmem:s29+$0x14470] =	vst v0  }
0xf1: {  	[tilespmem:s29+$0x14400] =	vst v0  }
0xf2: {  	[tilespmem:s29+$0x14410] =	vst v0  }
.Ltmp1:
0xf3: {  	[tilespmem:s29+$0x14420] =	vst v0;
	(pc) =	sbr.rel @p0 .LBB2_4-.Ltmp1, $4  }
0xf4: {  	[tilespmem:s29+$0x14430] =	vst v0  }
0xf5: {  	[tilespmem:s29+$0x14440] =	vst v0  }
0xf6: {  	[tilespmem:s29+$0x14450] =	vst v0  }
0xf7: {  	[tilespmem:s29+$0x14460] =	vst v0;
	s29 =	sshra.s32 s30, $0x2;
	s30 =	sadd.s32 $0x200, s30  }
0xf8: {  	[tilespmem:s29+$0x14470] =	vst v0  }
0xf9: {  	[tilespmem:s29+$0x14400] =	vst v0  }
0xfa: {  	[tilespmem:s29+$0x14410] =	vst v0  }
0xfb: {  	[tilespmem:s29+$0x14420] =	vst v0  }
0xfc: {  	[tilespmem:s29+$0x14430] =	vst v0  }
0xfd: {  	[tilespmem:s29+$0x14440] =	vst v0  }
0xfe: {  	[tilespmem:s29+$0x14450] =	vst v0  }
0xff: {  	[tilespmem:s29+$0x14460] =	vst v0;
	s29 =	simm.s32 $0x200  }
0x100: {  	[tilespmem:s21], [sflag:$0x2] =	stream.indirect.gather.add.f32 [hbm:s2], $0x80, s29, s12, $0xb8;
	[tilespmem:$0x1C400] =	vst v63  }
0x101: {  	s29 =	simm.s32 $0x880  }
0x102: {  	[tilespmem:s21], [sflag:$0x2] =	stream.indirect.gather.add.f32 [hbm:s2], $0x80, s29, s12, $0xb8;
	[tilespmem:$0x1C400] =	vst v63  }
0x103: {  	s29 =	simm.s32 $0xF00  }
0x104: {  	[tilespmem:s21], [sflag:$0x2] =	stream.indirect.gather.add.f32 [hbm:s2], $0x80, s29, s12, $0xb8;
	[tilespmem:$0x1C400] =	vst v63  }
0x105: {  	s29 =	simm.s32 $0x1580  }
0x106: {  	[tilespmem:s21], [sflag:$0x2] =	stream.indirect.gather.add.f32 [hbm:s2], $0x80, s29, s12, $0xb8;
	[tilespmem:$0x1C400] =	vst v63  }
0x107: {  	s29 =	simm.s32 $0x1C00  }
0x108: {  	[tilespmem:s21], [sflag:$0x2] =	stream.indirect.gather.add.f32 [hbm:s2], $0x80, s29, s12, $0xb8;
	[tilespmem:$0x1C400] =	vst v63  }
0x109: {  	s29 =	simm.s32 $0x2280  }
0x10a: {  	[tilespmem:s21], [sflag:$0x2] =	stream.indirect.gather.add.f32 [hbm:s2], $0x80, s29, s12, $0xb8;
	[tilespmem:$0x1C400] =	vst v63  }
0x10b: {  	s29 =	simm.s32 $0x2900  }
0x10c: {  	[tilespmem:s21], [sflag:$0x2] =	stream.indirect.gather.add.f32 [hbm:s2], $0x80, s29, s12, $0xb8;
	[tilespmem:$0x1C400] =	vst v63  }
0x10d: {  	s29 =	simm.s32 $0x2F80  }
0x10e: {  	[tilespmem:s21], [sflag:$0x2] =	stream.indirect.gather.add.f32 [hbm:s2], $0x80, s29, s12, $0xb8;
	[tilespmem:$0x1C400] =	vst v63  }
0x10f: {  	s29 =	simm.s32 $0x3600  }
0x110: {  	[tilespmem:s21], [sflag:$0x2] =	stream.indirect.gather.add.f32 [hbm:s2], $0x80, s29, s12, $0xb8;
	[tilespmem:$0x1C400] =	vst v63  }
0x111: {  	s29 =	simm.s32 $0x3C80  }
0x112: {  	[tilespmem:s21], [sflag:$0x2] =	stream.indirect.gather.add.f32 [hbm:s2], $0x80, s29, s12, $0xb8;
	[tilespmem:$0x1C400] =	vst v63  }
0x113: {  	s29 =	simm.s32 $0x280  }
0x114: {  	[tilespmem:s16], [sflag:$0x2] =	stream.indirect.gather.add.f32 [hbm:s2], $0x80, s29, s12, $0xb8;
	[tilespmem:$0x1C400] =	vst v63  }
0x115: {  	s29 =	simm.s32 $0x900  }
0x116: {  	[tilespmem:s16], [sflag:$0x2] =	stream.indirect.gather.add.f32 [hbm:s2], $0x80, s29, s12, $0xb8;
	[tilespmem:$0x1C400] =	vst v63  }
0x117: {  	s29 =	simm.s32 $0xF80  }
0x118: {  	[tilespmem:s16], [sflag:$0x2] =	stream.indirect.gather.add.f32 [hbm:s2], $0x80, s29, s12, $0xb8;
	[tilespmem:$0x1C400] =	vst v63  }
0x119: {  	s29 =	simm.s32 $0x1600  }
0x11a: {  	[tilespmem:s16], [sflag:$0x2] =	stream.indirect.gather.add.f32 [hbm:s2], $0x80, s29, s12, $0xb8;
	[tilespmem:$0x1C400] =	vst v63  }
0x11b: {  	s29 =	simm.s32 $0x1C80  }
0x11c: {  	[tilespmem:s16], [sflag:$0x2] =	stream.indirect.gather.add.f32 [hbm:s2], $0x80, s29, s12, $0xb8;
	[tilespmem:$0x1C400] =	vst v63  }
0x11d: {  	s29 =	simm.s32 $0x2300  }
0x11e: {  	[tilespmem:s16], [sflag:$0x2] =	stream.indirect.gather.add.f32 [hbm:s2], $0x80, s29, s12, $0xb8;
	[tilespmem:$0x1C400] =	vst v63  }
0x11f: {  	s29 =	simm.s32 $0x2980  }
0x120: {  	[tilespmem:s16], [sflag:$0x2] =	stream.indirect.gather.add.f32 [hbm:s2], $0x80, s29, s12, $0xb8;
	[tilespmem:$0x1C400] =	vst v63  }
0x121: {  	s29 =	simm.s32 $0x3000  }
0x122: {  	[tilespmem:s16], [sflag:$0x2] =	stream.indirect.gather.add.f32 [hbm:s2], $0x80, s29, s12, $0xb8;
	[tilespmem:$0x1C400] =	vst v63  }
0x123: {  	s29 =	simm.s32 $0x3680  }
0x124: {  	[tilespmem:s16], [sflag:$0x2] =	stream.indirect.gather.add.f32 [hbm:s2], $0x80, s29, s12, $0xb8;
	[tilespmem:$0x1C400] =	vst v63  }
0x125: {  	s29 =	simm.s32 $0x3D00  }
0x126: {  	[tilespmem:s16], [sflag:$0x2] =	stream.indirect.gather.add.f32 [hbm:s2], $0x80, s29, s12, $0xb8;
	[tilespmem:$0x1C400] =	vst v63  }
0x127: {  	_ =	swait.ge [sflag:s31], $0x4000  }
0x128: {  	[sflag:s31] =	ssyncset.done $0x0  }
0x129: {  	[sflag:s31] =	ssyncadd.s32 $0xFFFFC000  }
0x12a: {  	_ =	swait.ge [sflag:s31], $0x4000  }
0x12b: {  	[sflag:s31] =	ssyncset.done $0x0  }
0x12c: {  	[sflag:s31] =	ssyncadd.s32 $0xFFFFC000  }
0x12d: {  	_ =	swait.ge [sflag:s31], $0x4000  }
0x12e: {  	[sflag:s31] =	ssyncset.done $0x0  }
0x12f: {  	[sflag:s31] =	ssyncadd.s32 $0xFFFFC000  }
0x130: {  	_ =	swait.ge [sflag:s31], $0x4000  }
0x131: {  	[sflag:s31] =	ssyncset.done $0x0  }
0x132: {  	[sflag:s31] =	ssyncadd.s32 $0xFFFFC000  }
0x133: {  	_ =	swait.ge [sflag:s31], $0x4000  }
0x134: {  	[sflag:s31] =	ssyncset.done $0x0  }
0x135: {  	[sflag:s31] =	ssyncadd.s32 $0xFFFFC000  }
0x136: {  	_ =	swait.ge [sflag:s31], $0x4000  }
0x137: {  	[sflag:s31] =	ssyncset.done $0x0  }
0x138: {  	[sflag:s31] =	ssyncadd.s32 $0xFFFFC000  }
0x139: {  	_ =	swait.ge [sflag:s31], $0x4000  }
0x13a: {  	[sflag:s31] =	ssyncset.done $0x0  }
0x13b: {  	[sflag:s31] =	ssyncadd.s32 $0xFFFFC000  }
0x13c: {  	_ =	swait.ge [sflag:s31], $0x4000  }
0x13d: {  	[sflag:s31] =	ssyncset.done $0x0  }
0x13e: {  	[sflag:s31] =	ssyncadd.s32 $0xFFFFC000  }
0x13f: {  	_ =	swait.ge [sflag:s31], $0x4000  }
0x140: {  	[sflag:s31] =	ssyncset.done $0x0  }
0x141: {  	[sflag:s31] =	ssyncadd.s32 $0xFFFFC000  }
0x142: {  	_ =	swait.ge [sflag:s31], $0x4000  }
0x143: {  	[sflag:s31] =	ssyncset.done $0x0  }
0x144: {  	[sflag:s31] =	ssyncadd.s32 $0xFFFFC000  }
0x145: {  	_ =	swait.ge [sflag:s31], $0x4000  }
0x146: {  	[sflag:s31] =	ssyncset.done $0x0  }
0x147: {  	[sflag:s31] =	ssyncadd.s32 $0xFFFFC000  }
0x148: {  	_ =	swait.ge [sflag:s31], $0x4000  }
0x149: {  	[sflag:s31] =	ssyncset.done $0x0  }
0x14a: {  	[sflag:s31] =	ssyncadd.s32 $0xFFFFC000  }
0x14b: {  	_ =	swait.ge [sflag:s31], $0x4000  }
0x14c: {  	[sflag:s31] =	ssyncset.done $0x0  }
0x14d: {  	[sflag:s31] =	ssyncadd.s32 $0xFFFFC000  }
0x14e: {  	_ =	swait.ge [sflag:s31], $0x4000  }
0x14f: {  	[sflag:s31] =	ssyncset.done $0x0  }
0x150: {  	[sflag:s31] =	ssyncadd.s32 $0xFFFFC000  }
0x151: {  	_ =	swait.ge [sflag:s31], $0x4000  }
0x152: {  	[sflag:s31] =	ssyncset.done $0x0  }
0x153: {  	[sflag:s31] =	ssyncadd.s32 $0xFFFFC000  }
0x154: {  	_ =	swait.ge [sflag:s31], $0x4000  }
0x155: {  	[sflag:s31] =	ssyncset.done $0x0  }
0x156: {  	[sflag:s31] =	ssyncadd.s32 $0xFFFFC000  }
0x157: {  	_ =	swait.ge [sflag:s31], $0x4000  }
0x158: {  	[sflag:s31] =	ssyncset.done $0x0  }
0x159: {  	[sflag:s31] =	ssyncadd.s32 $0xFFFFC000  }
0x15a: {  	_ =	swait.ge [sflag:s31], $0x4000  }
0x15b: {  	[sflag:s31] =	ssyncset.done $0x0  }
0x15c: {  	[sflag:s31] =	ssyncadd.s32 $0xFFFFC000  }
0x15d: {  	_ =	swait.ge [sflag:s31], $0x4000  }
0x15e: {  	[sflag:s31] =	ssyncset.done $0x0  }
0x15f: {  	[sflag:s31] =	ssyncadd.s32 $0xFFFFC000  }
0x160: {  	_ =	swait.ge [sflag:s31], $0x4000  }
0x161: {  	[sflag:s31] =	ssyncset.done $0x0  }
0x162: {  	s29 =	simm.s32 $0x0;
	[sflag:s31] =	ssyncadd.s32 $0xFFFFC000  }
0x163: {  	[hbm4b:s6+s29] =	stream.linear.scatter [tilespmem:s21], [sflag:$0x4], $0x8000, $0x38;
	[tilespmem:$0x1C400] =	vst v63  }
0x164: {  	_ =	swait.ge [sflag:s0], $0x10000  }
0x165: {  	[sflag:s0] =	ssyncset.done $0x0  }
0x166: {  	s30 =	simm.s32 $0x200;
	s29 =	simm.s32 $0x0;
	[sflag:s0] =	ssyncadd.s32 $0xFFFF0000  }
.LBB2_6:
0x167: {  	p0 =	sne.s32 s30, $0x3FE00;
	[tilespmem:s29+$0x4470] =	vst v0  }
0x168: {  	[tilespmem:s29+$0x4400] =	vst v0  }
0x169: {  	[tilespmem:s29+$0x4410] =	vst v0  }
.Ltmp2:
0x16a: {  	[tilespmem:s29+$0x4420] =	vst v0;
	(pc) =	sbr.rel @p0 .LBB2_6-.Ltmp2, $4  }
0x16b: {  	[tilespmem:s29+$0x4430] =	vst v0  }
0x16c: {  	[tilespmem:s29+$0x4440] =	vst v0  }
0x16d: {  	[tilespmem:s29+$0x4450] =	vst v0  }
0x16e: {  	[tilespmem:s29+$0x4460] =	vst v0;
	s29 =	sshra.s32 s30, $0x2;
	s30 =	sadd.s32 $0x200, s30  }
0x16f: {  	[tilespmem:s29+$0x4470] =	vst v0  }
0x170: {  	[tilespmem:s29+$0x4400] =	vst v0  }
0x171: {  	[tilespmem:s29+$0x4410] =	vst v0  }
0x172: {  	[tilespmem:s29+$0x4420] =	vst v0  }
0x173: {  	[tilespmem:s29+$0x4430] =	vst v0  }
0x174: {  	[tilespmem:s29+$0x4440] =	vst v0  }
0x175: {  	[tilespmem:s29+$0x4450] =	vst v0  }
0x176: {  	[tilespmem:s29+$0x4460] =	vst v0;
	s29 =	simm.s32 $0x300  }
0x177: {  	[tilespmem:s13], [sflag:$0x1] =	stream.indirect.gather.add.f32 [hbm:s2], $0x80, s29, s12, $0xb8;
	[tilespmem:$0x1C400] =	vst v63  }
0x178: {  	s29 =	simm.s32 $0x980  }
0x179: {  	[tilespmem:s13], [sflag:$0x1] =	stream.indirect.gather.add.f32 [hbm:s2], $0x80, s29, s12, $0xb8;
	[tilespmem:$0x1C400] =	vst v63  }
0x17a: {  	s29 =	simm.s32 $0x1000  }
0x17b: {  	[tilespmem:s13], [sflag:$0x1] =	stream.indirect.gather.add.f32 [hbm:s2], $0x80, s29, s12, $0xb8;
	[tilespmem:$0x1C400] =	vst v63  }
0x17c: {  	s29 =	simm.s32 $0x1680  }
0x17d: {  	[tilespmem:s13], [sflag:$0x1] =	stream.indirect.gather.add.f32 [hbm:s2], $0x80, s29, s12, $0xb8;
	[tilespmem:$0x1C400] =	vst v63  }
0x17e: {  	s29 =	simm.s32 $0x1D00  }
0x17f: {  	[tilespmem:s13], [sflag:$0x1] =	stream.indirect.gather.add.f32 [hbm:s2], $0x80, s29, s12, $0xb8;
	[tilespmem:$0x1C400] =	vst v63  }
0x180: {  	s29 =	simm.s32 $0x2380  }
0x181: {  	[tilespmem:s13], [sflag:$0x1] =	stream.indirect.gather.add.f32 [hbm:s2], $0x80, s29, s12, $0xb8;
	[tilespmem:$0x1C400] =	vst v63  }
0x182: {  	s29 =	simm.s32 $0x2A00  }
0x183: {  	[tilespmem:s13], [sflag:$0x1] =	stream.indirect.gather.add.f32 [hbm:s2], $0x80, s29, s12, $0xb8;
	[tilespmem:$0x1C400] =	vst v63  }
0x184: {  	s29 =	simm.s32 $0x3080  }
0x185: {  	[tilespmem:s13], [sflag:$0x1] =	stream.indirect.gather.add.f32 [hbm:s2], $0x80, s29, s12, $0xb8;
	[tilespmem:$0x1C400] =	vst v63  }
0x186: {  	s29 =	simm.s32 $0x3700  }
0x187: {  	[tilespmem:s13], [sflag:$0x1] =	stream.indirect.gather.add.f32 [hbm:s2], $0x80, s29, s12, $0xb8;
	[tilespmem:$0x1C400] =	vst v63  }
0x188: {  	s29 =	simm.s32 $0x3D80  }
0x189: {  	[tilespmem:s13], [sflag:$0x1] =	stream.indirect.gather.add.f32 [hbm:s2], $0x80, s29, s12, $0xb8;
	[tilespmem:$0x1C400] =	vst v63  }
0x18a: {  	s29 =	simm.s32 $0x380  }
0x18b: {  	[tilespmem:s23], [sflag:$0x1] =	stream.indirect.gather.add.f32 [hbm:s2], $0x80, s29, s12, $0xb8;
	[tilespmem:$0x1C400] =	vst v63  }
0x18c: {  	s29 =	simm.s32 $0xA00  }
0x18d: {  	[tilespmem:s23], [sflag:$0x1] =	stream.indirect.gather.add.f32 [hbm:s2], $0x80, s29, s12, $0xb8;
	[tilespmem:$0x1C400] =	vst v63  }
0x18e: {  	s29 =	simm.s32 $0x1080  }
0x18f: {  	[tilespmem:s23], [sflag:$0x1] =	stream.indirect.gather.add.f32 [hbm:s2], $0x80, s29, s12, $0xb8;
	[tilespmem:$0x1C400] =	vst v63  }
0x190: {  	s29 =	simm.s32 $0x1700  }
0x191: {  	[tilespmem:s23], [sflag:$0x1] =	stream.indirect.gather.add.f32 [hbm:s2], $0x80, s29, s12, $0xb8;
	[tilespmem:$0x1C400] =	vst v63  }
0x192: {  	s29 =	simm.s32 $0x1D80  }
0x193: {  	[tilespmem:s23], [sflag:$0x1] =	stream.indirect.gather.add.f32 [hbm:s2], $0x80, s29, s12, $0xb8;
	[tilespmem:$0x1C400] =	vst v63  }
0x194: {  	s29 =	simm.s32 $0x2400  }
0x195: {  	[tilespmem:s23], [sflag:$0x1] =	stream.indirect.gather.add.f32 [hbm:s2], $0x80, s29, s12, $0xb8;
	[tilespmem:$0x1C400] =	vst v63  }
0x196: {  	s29 =	simm.s32 $0x2A80  }
0x197: {  	[tilespmem:s23], [sflag:$0x1] =	stream.indirect.gather.add.f32 [hbm:s2], $0x80, s29, s12, $0xb8;
	[tilespmem:$0x1C400] =	vst v63  }
0x198: {  	s29 =	simm.s32 $0x3100  }
0x199: {  	[tilespmem:s23], [sflag:$0x1] =	stream.indirect.gather.add.f32 [hbm:s2], $0x80, s29, s12, $0xb8;
	[tilespmem:$0x1C400] =	vst v63  }
0x19a: {  	s29 =	simm.s32 $0x3780  }
0x19b: {  	[tilespmem:s23], [sflag:$0x1] =	stream.indirect.gather.add.f32 [hbm:s2], $0x80, s29, s12, $0xb8;
	[tilespmem:$0x1C400] =	vst v63  }
0x19c: {  	s29 =	simm.s32 $0x3E00  }
0x19d: {  	[tilespmem:s23], [sflag:$0x1] =	stream.indirect.gather.add.f32 [hbm:s2], $0x80, s29, s12, $0xb8;
	[tilespmem:$0x1C400] =	vst v63  }
0x19e: {  	s29 =	simm.s32 $0x400  }
0x19f: {  	[tilespmem:s15], [sflag:$0x1] =	stream.indirect.gather.add.f32 [hbm:s2], $0x80, s29, s12, $0xb8;
	[tilespmem:$0x1C400] =	vst v63  }
0x1a0: {  	s29 =	simm.s32 $0xA80  }
0x1a1: {  	[tilespmem:s15], [sflag:$0x1] =	stream.indirect.gather.add.f32 [hbm:s2], $0x80, s29, s12, $0xb8;
	[tilespmem:$0x1C400] =	vst v63  }
0x1a2: {  	s29 =	simm.s32 $0x1100  }
0x1a3: {  	[tilespmem:s15], [sflag:$0x1] =	stream.indirect.gather.add.f32 [hbm:s2], $0x80, s29, s12, $0xb8;
	[tilespmem:$0x1C400] =	vst v63  }
0x1a4: {  	s29 =	simm.s32 $0x1780  }
0x1a5: {  	[tilespmem:s15], [sflag:$0x1] =	stream.indirect.gather.add.f32 [hbm:s2], $0x80, s29, s12, $0xb8;
	[tilespmem:$0x1C400] =	vst v63  }
0x1a6: {  	s29 =	simm.s32 $0x1E00  }
0x1a7: {  	[tilespmem:s15], [sflag:$0x1] =	stream.indirect.gather.add.f32 [hbm:s2], $0x80, s29, s12, $0xb8;
	[tilespmem:$0x1C400] =	vst v63  }
0x1a8: {  	s29 =	simm.s32 $0x2480  }
0x1a9: {  	[tilespmem:s15], [sflag:$0x1] =	stream.indirect.gather.add.f32 [hbm:s2], $0x80, s29, s12, $0xb8;
	[tilespmem:$0x1C400] =	vst v63  }
0x1aa: {  	s29 =	simm.s32 $0x2B00  }
0x1ab: {  	[tilespmem:s15], [sflag:$0x1] =	stream.indirect.gather.add.f32 [hbm:s2], $0x80, s29, s12, $0xb8;
	[tilespmem:$0x1C400] =	vst v63  }
0x1ac: {  	s29 =	simm.s32 $0x3180  }
0x1ad: {  	[tilespmem:s15], [sflag:$0x1] =	stream.indirect.gather.add.f32 [hbm:s2], $0x80, s29, s12, $0xb8;
	[tilespmem:$0x1C400] =	vst v63  }
0x1ae: {  	s29 =	simm.s32 $0x3800  }
0x1af: {  	[tilespmem:s15], [sflag:$0x1] =	stream.indirect.gather.add.f32 [hbm:s2], $0x80, s29, s12, $0xb8;
	[tilespmem:$0x1C400] =	vst v63  }
0x1b0: {  	s29 =	simm.s32 $0x3E80  }
0x1b1: {  	[tilespmem:s15], [sflag:$0x1] =	stream.indirect.gather.add.f32 [hbm:s2], $0x80, s29, s12, $0xb8;
	[tilespmem:$0x1C400] =	vst v63  }
0x1b2: {  	s29 =	simm.s32 $0x480  }
0x1b3: {  	[tilespmem:s28], [sflag:$0x1] =	stream.indirect.gather.add.f32 [hbm:s2], $0x80, s29, s12, $0xb8;
	[tilespmem:$0x1C400] =	vst v63  }
0x1b4: {  	s29 =	simm.s32 $0xB00  }
0x1b5: {  	[tilespmem:s28], [sflag:$0x1] =	stream.indirect.gather.add.f32 [hbm:s2], $0x80, s29, s12, $0xb8;
	[tilespmem:$0x1C400] =	vst v63  }
0x1b6: {  	s29 =	simm.s32 $0x1180  }
0x1b7: {  	[tilespmem:s28], [sflag:$0x1] =	stream.indirect.gather.add.f32 [hbm:s2], $0x80, s29, s12, $0xb8;
	[tilespmem:$0x1C400] =	vst v63  }
0x1b8: {  	s29 =	simm.s32 $0x1800  }
0x1b9: {  	[tilespmem:s28], [sflag:$0x1] =	stream.indirect.gather.add.f32 [hbm:s2], $0x80, s29, s12, $0xb8;
	[tilespmem:$0x1C400] =	vst v63  }
0x1ba: {  	s29 =	simm.s32 $0x1E80  }
0x1bb: {  	[tilespmem:s28], [sflag:$0x1] =	stream.indirect.gather.add.f32 [hbm:s2], $0x80, s29, s12, $0xb8;
	[tilespmem:$0x1C400] =	vst v63  }
0x1bc: {  	s29 =	simm.s32 $0x2500  }
0x1bd: {  	[tilespmem:s28], [sflag:$0x1] =	stream.indirect.gather.add.f32 [hbm:s2], $0x80, s29, s12, $0xb8;
	[tilespmem:$0x1C400] =	vst v63  }
0x1be: {  	s29 =	simm.s32 $0x2B80  }
0x1bf: {  	[tilespmem:s28], [sflag:$0x1] =	stream.indirect.gather.add.f32 [hbm:s2], $0x80, s29, s12, $0xb8;
	[tilespmem:$0x1C400] =	vst v63  }
0x1c0: {  	s29 =	simm.s32 $0x3200  }
0x1c1: {  	[tilespmem:s28], [sflag:$0x1] =	stream.indirect.gather.add.f32 [hbm:s2], $0x80, s29, s12, $0xb8;
	[tilespmem:$0x1C400] =	vst v63  }
0x1c2: {  	s29 =	simm.s32 $0x3880  }
0x1c3: {  	[tilespmem:s28], [sflag:$0x1] =	stream.indirect.gather.add.f32 [hbm:s2], $0x80, s29, s12, $0xb8;
	[tilespmem:$0x1C400] =	vst v63  }
0x1c4: {  	s29 =	simm.s32 $0x3F00  }
0x1c5: {  	[tilespmem:s28], [sflag:$0x1] =	stream.indirect.gather.add.f32 [hbm:s2], $0x80, s29, s12, $0xb8;
	[tilespmem:$0x1C400] =	vst v63  }
0x1c6: {  	_ =	swait.ge [sflag:s19], $0x4000  }
0x1c7: {  	[sflag:s19] =	ssyncset.done $0x0  }
0x1c8: {  	[sflag:s19] =	ssyncadd.s32 $0xFFFFC000  }
0x1c9: {  	_ =	swait.ge [sflag:s19], $0x4000  }
0x1ca: {  	[sflag:s19] =	ssyncset.done $0x0  }
0x1cb: {  	[sflag:s19] =	ssyncadd.s32 $0xFFFFC000  }
0x1cc: {  	_ =	swait.ge [sflag:s19], $0x4000  }
0x1cd: {  	[sflag:s19] =	ssyncset.done $0x0  }
0x1ce: {  	[sflag:s19] =	ssyncadd.s32 $0xFFFFC000  }
0x1cf: {  	_ =	swait.ge [sflag:s19], $0x4000  }
0x1d0: {  	[sflag:s19] =	ssyncset.done $0x0  }
0x1d1: {  	[sflag:s19] =	ssyncadd.s32 $0xFFFFC000  }
0x1d2: {  	_ =	swait.ge [sflag:s19], $0x4000  }
0x1d3: {  	[sflag:s19] =	ssyncset.done $0x0  }
0x1d4: {  	[sflag:s19] =	ssyncadd.s32 $0xFFFFC000  }
0x1d5: {  	_ =	swait.ge [sflag:s19], $0x4000  }
0x1d6: {  	[sflag:s19] =	ssyncset.done $0x0  }
0x1d7: {  	[sflag:s19] =	ssyncadd.s32 $0xFFFFC000  }
0x1d8: {  	_ =	swait.ge [sflag:s19], $0x4000  }
0x1d9: {  	[sflag:s19] =	ssyncset.done $0x0  }
0x1da: {  	[sflag:s19] =	ssyncadd.s32 $0xFFFFC000  }
0x1db: {  	_ =	swait.ge [sflag:s19], $0x4000  }
0x1dc: {  	[sflag:s19] =	ssyncset.done $0x0  }
0x1dd: {  	[sflag:s19] =	ssyncadd.s32 $0xFFFFC000  }
0x1de: {  	_ =	swait.ge [sflag:s19], $0x4000  }
0x1df: {  	[sflag:s19] =	ssyncset.done $0x0  }
0x1e0: {  	[sflag:s19] =	ssyncadd.s32 $0xFFFFC000  }
0x1e1: {  	_ =	swait.ge [sflag:s19], $0x4000  }
0x1e2: {  	[sflag:s19] =	ssyncset.done $0x0  }
0x1e3: {  	[sflag:s19] =	ssyncadd.s32 $0xFFFFC000  }
0x1e4: {  	_ =	swait.ge [sflag:s19], $0x4000  }
0x1e5: {  	[sflag:s19] =	ssyncset.done $0x0  }
0x1e6: {  	[sflag:s19] =	ssyncadd.s32 $0xFFFFC000  }
0x1e7: {  	_ =	swait.ge [sflag:s19], $0x4000  }
0x1e8: {  	[sflag:s19] =	ssyncset.done $0x0  }
0x1e9: {  	[sflag:s19] =	ssyncadd.s32 $0xFFFFC000  }
0x1ea: {  	_ =	swait.ge [sflag:s19], $0x4000  }
0x1eb: {  	[sflag:s19] =	ssyncset.done $0x0  }
0x1ec: {  	[sflag:s19] =	ssyncadd.s32 $0xFFFFC000  }
0x1ed: {  	_ =	swait.ge [sflag:s19], $0x4000  }
0x1ee: {  	[sflag:s19] =	ssyncset.done $0x0  }
0x1ef: {  	[sflag:s19] =	ssyncadd.s32 $0xFFFFC000  }
0x1f0: {  	_ =	swait.ge [sflag:s19], $0x4000  }
0x1f1: {  	[sflag:s19] =	ssyncset.done $0x0  }
0x1f2: {  	[sflag:s19] =	ssyncadd.s32 $0xFFFFC000  }
0x1f3: {  	_ =	swait.ge [sflag:s19], $0x4000  }
0x1f4: {  	[sflag:s19] =	ssyncset.done $0x0  }
0x1f5: {  	[sflag:s19] =	ssyncadd.s32 $0xFFFFC000  }
0x1f6: {  	_ =	swait.ge [sflag:s19], $0x4000  }
0x1f7: {  	[sflag:s19] =	ssyncset.done $0x0  }
0x1f8: {  	[sflag:s19] =	ssyncadd.s32 $0xFFFFC000  }
0x1f9: {  	_ =	swait.ge [sflag:s19], $0x4000  }
0x1fa: {  	[sflag:s19] =	ssyncset.done $0x0  }
0x1fb: {  	[sflag:s19] =	ssyncadd.s32 $0xFFFFC000  }
0x1fc: {  	_ =	swait.ge [sflag:s19], $0x4000  }
0x1fd: {  	[sflag:s19] =	ssyncset.done $0x0  }
0x1fe: {  	[sflag:s19] =	ssyncadd.s32 $0xFFFFC000  }
0x1ff: {  	_ =	swait.ge [sflag:s19], $0x4000  }
0x200: {  	[sflag:s19] =	ssyncset.done $0x0  }
0x201: {  	[sflag:s19] =	ssyncadd.s32 $0xFFFFC000  }
0x202: {  	_ =	swait.ge [sflag:s19], $0x4000  }
0x203: {  	[sflag:s19] =	ssyncset.done $0x0  }
0x204: {  	[sflag:s19] =	ssyncadd.s32 $0xFFFFC000  }
0x205: {  	_ =	swait.ge [sflag:s19], $0x4000  }
0x206: {  	[sflag:s19] =	ssyncset.done $0x0  }
0x207: {  	[sflag:s19] =	ssyncadd.s32 $0xFFFFC000  }
0x208: {  	_ =	swait.ge [sflag:s19], $0x4000  }
0x209: {  	[sflag:s19] =	ssyncset.done $0x0  }
0x20a: {  	[sflag:s19] =	ssyncadd.s32 $0xFFFFC000  }
0x20b: {  	_ =	swait.ge [sflag:s19], $0x4000  }
0x20c: {  	[sflag:s19] =	ssyncset.done $0x0  }
0x20d: {  	[sflag:s19] =	ssyncadd.s32 $0xFFFFC000  }
0x20e: {  	_ =	swait.ge [sflag:s19], $0x4000  }
0x20f: {  	[sflag:s19] =	ssyncset.done $0x0  }
0x210: {  	[sflag:s19] =	ssyncadd.s32 $0xFFFFC000  }
0x211: {  	_ =	swait.ge [sflag:s19], $0x4000  }
0x212: {  	[sflag:s19] =	ssyncset.done $0x0  }
0x213: {  	[sflag:s19] =	ssyncadd.s32 $0xFFFFC000  }
0x214: {  	_ =	swait.ge [sflag:s19], $0x4000  }
0x215: {  	[sflag:s19] =	ssyncset.done $0x0  }
0x216: {  	[sflag:s19] =	ssyncadd.s32 $0xFFFFC000  }
0x217: {  	_ =	swait.ge [sflag:s19], $0x4000  }
0x218: {  	[sflag:s19] =	ssyncset.done $0x0  }
0x219: {  	[sflag:s19] =	ssyncadd.s32 $0xFFFFC000  }
0x21a: {  	_ =	swait.ge [sflag:s19], $0x4000  }
0x21b: {  	[sflag:s19] =	ssyncset.done $0x0  }
0x21c: {  	[sflag:s19] =	ssyncadd.s32 $0xFFFFC000  }
0x21d: {  	_ =	swait.ge [sflag:s19], $0x4000  }
0x21e: {  	[sflag:s19] =	ssyncset.done $0x0  }
0x21f: {  	[sflag:s19] =	ssyncadd.s32 $0xFFFFC000  }
0x220: {  	_ =	swait.ge [sflag:s19], $0x4000  }
0x221: {  	[sflag:s19] =	ssyncset.done $0x0  }
0x222: {  	[sflag:s19] =	ssyncadd.s32 $0xFFFFC000  }
0x223: {  	_ =	swait.ge [sflag:s19], $0x4000  }
0x224: {  	[sflag:s19] =	ssyncset.done $0x0  }
0x225: {  	[sflag:s19] =	ssyncadd.s32 $0xFFFFC000  }
0x226: {  	_ =	swait.ge [sflag:s19], $0x4000  }
0x227: {  	[sflag:s19] =	ssyncset.done $0x0  }
0x228: {  	[sflag:s19] =	ssyncadd.s32 $0xFFFFC000  }
0x229: {  	_ =	swait.ge [sflag:s19], $0x4000  }
0x22a: {  	[sflag:s19] =	ssyncset.done $0x0  }
0x22b: {  	[sflag:s19] =	ssyncadd.s32 $0xFFFFC000  }
0x22c: {  	_ =	swait.ge [sflag:s19], $0x4000  }
0x22d: {  	[sflag:s19] =	ssyncset.done $0x0  }
0x22e: {  	[sflag:s19] =	ssyncadd.s32 $0xFFFFC000  }
0x22f: {  	_ =	swait.ge [sflag:s19], $0x4000  }
0x230: {  	[sflag:s19] =	ssyncset.done $0x0  }
0x231: {  	[sflag:s19] =	ssyncadd.s32 $0xFFFFC000  }
0x232: {  	_ =	swait.ge [sflag:s19], $0x4000  }
0x233: {  	[sflag:s19] =	ssyncset.done $0x0  }
0x234: {  	[sflag:s19] =	ssyncadd.s32 $0xFFFFC000  }
0x235: {  	_ =	swait.ge [sflag:s19], $0x4000  }
0x236: {  	[sflag:s19] =	ssyncset.done $0x0  }
0x237: {  	[sflag:s19] =	ssyncadd.s32 $0xFFFFC000  }
0x238: {  	_ =	swait.ge [sflag:s19], $0x4000  }
0x239: {  	[sflag:s19] =	ssyncset.done $0x0  }
0x23a: {  	[sflag:s19] =	ssyncadd.s32 $0xFFFFC000  }
0x23b: {  	_ =	swait.ge [sflag:s19], $0x4000  }
0x23c: {  	[sflag:s19] =	ssyncset.done $0x0  }
0x23d: {  	s29 =	simm.s32 $0x0;
	[sflag:s19] =	ssyncadd.s32 $0xFFFFC000  }
0x23e: {  	[hbm4b:s7+s29] =	stream.linear.scatter [tilespmem:s13], [sflag:$0x3], $0x10000, $0x38;
	[tilespmem:$0x1C400] =	vst v63  }
0x23f: {  	_ =	swait.ge [sflag:s25], $0x8000  }
0x240: {  	[sflag:s25] =	ssyncset.done $0x0  }
0x241: {  	s30 =	simm.s32 $0x200;
	s29 =	simm.s32 $0x0;
	[sflag:s25] =	ssyncadd.s32 $0xFFFF8000  }
.LBB2_8:
0x242: {  	p0 =	sne.s32 s30, $0x1FE00;
	[tilespmem:s29+$0x14470] =	vst v0  }
0x243: {  	[tilespmem:s29+$0x14400] =	vst v0  }
0x244: {  	[tilespmem:s29+$0x14410] =	vst v0  }
.Ltmp3:
0x245: {  	[tilespmem:s29+$0x14420] =	vst v0;
	(pc) =	sbr.rel @p0 .LBB2_8-.Ltmp3, $4  }
0x246: {  	[tilespmem:s29+$0x14430] =	vst v0  }
0x247: {  	[tilespmem:s29+$0x14440] =	vst v0  }
0x248: {  	[tilespmem:s29+$0x14450] =	vst v0  }
0x249: {  	[tilespmem:s29+$0x14460] =	vst v0;
	s29 =	sshra.s32 s30, $0x2;
	s30 =	sadd.s32 $0x200, s30  }
0x24a: {  	[tilespmem:s29+$0x14470] =	vst v0  }
0x24b: {  	[tilespmem:s29+$0x14400] =	vst v0  }
0x24c: {  	[tilespmem:s29+$0x14410] =	vst v0  }
0x24d: {  	[tilespmem:s29+$0x14420] =	vst v0  }
0x24e: {  	[tilespmem:s29+$0x14430] =	vst v0  }
0x24f: {  	[tilespmem:s29+$0x14440] =	vst v0  }
0x250: {  	[tilespmem:s29+$0x14450] =	vst v0  }
0x251: {  	[tilespmem:s29+$0x14460] =	vst v0;
	s29 =	simm.s32 $0x500  }
0x252: {  	[tilespmem:s21], [sflag:$0x2] =	stream.indirect.gather.add.f32 [hbm:s2], $0x80, s29, s12, $0xb8;
	[tilespmem:$0x1C400] =	vst v63  }
0x253: {  	s29 =	simm.s32 $0xB80  }
0x254: {  	[tilespmem:s21], [sflag:$0x2] =	stream.indirect.gather.add.f32 [hbm:s2], $0x80, s29, s12, $0xb8;
	[tilespmem:$0x1C400] =	vst v63  }
0x255: {  	s29 =	simm.s32 $0x1200  }
0x256: {  	[tilespmem:s21], [sflag:$0x2] =	stream.indirect.gather.add.f32 [hbm:s2], $0x80, s29, s12, $0xb8;
	[tilespmem:$0x1C400] =	vst v63  }
0x257: {  	s29 =	simm.s32 $0x1880  }
0x258: {  	[tilespmem:s21], [sflag:$0x2] =	stream.indirect.gather.add.f32 [hbm:s2], $0x80, s29, s12, $0xb8;
	[tilespmem:$0x1C400] =	vst v63  }
0x259: {  	s29 =	simm.s32 $0x1F00  }
0x25a: {  	[tilespmem:s21], [sflag:$0x2] =	stream.indirect.gather.add.f32 [hbm:s2], $0x80, s29, s12, $0xb8;
	[tilespmem:$0x1C400] =	vst v63  }
0x25b: {  	s29 =	simm.s32 $0x2580  }
0x25c: {  	[tilespmem:s21], [sflag:$0x2] =	stream.indirect.gather.add.f32 [hbm:s2], $0x80, s29, s12, $0xb8;
	[tilespmem:$0x1C400] =	vst v63  }
0x25d: {  	s29 =	simm.s32 $0x2C00  }
0x25e: {  	[tilespmem:s21], [sflag:$0x2] =	stream.indirect.gather.add.f32 [hbm:s2], $0x80, s29, s12, $0xb8;
	[tilespmem:$0x1C400] =	vst v63  }
0x25f: {  	s29 =	simm.s32 $0x3280  }
0x260: {  	[tilespmem:s21], [sflag:$0x2] =	stream.indirect.gather.add.f32 [hbm:s2], $0x80, s29, s12, $0xb8;
	[tilespmem:$0x1C400] =	vst v63  }
0x261: {  	s29 =	simm.s32 $0x3900  }
0x262: {  	[tilespmem:s21], [sflag:$0x2] =	stream.indirect.gather.add.f32 [hbm:s2], $0x80, s29, s12, $0xb8;
	[tilespmem:$0x1C400] =	vst v63  }
0x263: {  	s29 =	simm.s32 $0x3F80  }
0x264: {  	[tilespmem:s21], [sflag:$0x2] =	stream.indirect.gather.add.f32 [hbm:s2], $0x80, s29, s12, $0xb8;
	[tilespmem:$0x1C400] =	vst v63  }
0x265: {  	s29 =	simm.s32 $0x580  }
0x266: {  	[tilespmem:s16], [sflag:$0x2] =	stream.indirect.gather.add.f32 [hbm:s2], $0x80, s29, s12, $0xb8;
	[tilespmem:$0x1C400] =	vst v63  }
0x267: {  	s29 =	simm.s32 $0xC00  }
0x268: {  	[tilespmem:s16], [sflag:$0x2] =	stream.indirect.gather.add.f32 [hbm:s2], $0x80, s29, s12, $0xb8;
	[tilespmem:$0x1C400] =	vst v63  }
0x269: {  	s29 =	simm.s32 $0x1280  }
0x26a: {  	[tilespmem:s16], [sflag:$0x2] =	stream.indirect.gather.add.f32 [hbm:s2], $0x80, s29, s12, $0xb8;
	[tilespmem:$0x1C400] =	vst v63  }
0x26b: {  	s29 =	simm.s32 $0x1900  }
0x26c: {  	[tilespmem:s16], [sflag:$0x2] =	stream.indirect.gather.add.f32 [hbm:s2], $0x80, s29, s12, $0xb8;
	[tilespmem:$0x1C400] =	vst v63  }
0x26d: {  	s29 =	simm.s32 $0x1F80  }
0x26e: {  	[tilespmem:s16], [sflag:$0x2] =	stream.indirect.gather.add.f32 [hbm:s2], $0x80, s29, s12, $0xb8;
	[tilespmem:$0x1C400] =	vst v63  }
0x26f: {  	s29 =	simm.s32 $0x2600  }
0x270: {  	[tilespmem:s16], [sflag:$0x2] =	stream.indirect.gather.add.f32 [hbm:s2], $0x80, s29, s12, $0xb8;
	[tilespmem:$0x1C400] =	vst v63  }
0x271: {  	s29 =	simm.s32 $0x2C80  }
0x272: {  	[tilespmem:s16], [sflag:$0x2] =	stream.indirect.gather.add.f32 [hbm:s2], $0x80, s29, s12, $0xb8;
	[tilespmem:$0x1C400] =	vst v63  }
0x273: {  	s29 =	simm.s32 $0x3300  }
0x274: {  	[tilespmem:s16], [sflag:$0x2] =	stream.indirect.gather.add.f32 [hbm:s2], $0x80, s29, s12, $0xb8;
	[tilespmem:$0x1C400] =	vst v63  }
0x275: {  	s29 =	simm.s32 $0x3980  }
0x276: {  	[tilespmem:s16], [sflag:$0x2] =	stream.indirect.gather.add.f32 [hbm:s2], $0x80, s29, s12, $0xb8;
	[tilespmem:$0x1C400] =	vst v63  }
0x277: {  	s29 =	simm.s32 $0x4000  }
0x278: {  	[tilespmem:s16], [sflag:$0x2] =	stream.indirect.gather.add.f32 [hbm:s2], $0x80, s29, s12, $0xb8;
	[tilespmem:$0x1C400] =	vst v63  }
0x279: {  	_ =	swait.ge [sflag:s31], $0x4000  }
0x27a: {  	[sflag:s31] =	ssyncset.done $0x0  }
0x27b: {  	[sflag:s31] =	ssyncadd.s32 $0xFFFFC000  }
0x27c: {  	_ =	swait.ge [sflag:s31], $0x4000  }
0x27d: {  	[sflag:s31] =	ssyncset.done $0x0  }
0x27e: {  	[sflag:s31] =	ssyncadd.s32 $0xFFFFC000  }
0x27f: {  	_ =	swait.ge [sflag:s31], $0x4000  }
0x280: {  	[sflag:s31] =	ssyncset.done $0x0  }
0x281: {  	[sflag:s31] =	ssyncadd.s32 $0xFFFFC000  }
0x282: {  	_ =	swait.ge [sflag:s31], $0x4000  }
0x283: {  	[sflag:s31] =	ssyncset.done $0x0  }
0x284: {  	[sflag:s31] =	ssyncadd.s32 $0xFFFFC000  }
0x285: {  	_ =	swait.ge [sflag:s31], $0x4000  }
0x286: {  	[sflag:s31] =	ssyncset.done $0x0  }
0x287: {  	[sflag:s31] =	ssyncadd.s32 $0xFFFFC000  }
0x288: {  	_ =	swait.ge [sflag:s31], $0x4000  }
0x289: {  	[sflag:s31] =	ssyncset.done $0x0  }
0x28a: {  	[sflag:s31] =	ssyncadd.s32 $0xFFFFC000  }
0x28b: {  	_ =	swait.ge [sflag:s31], $0x4000  }
0x28c: {  	[sflag:s31] =	ssyncset.done $0x0  }
0x28d: {  	[sflag:s31] =	ssyncadd.s32 $0xFFFFC000  }
0x28e: {  	_ =	swait.ge [sflag:s31], $0x4000  }
0x28f: {  	[sflag:s31] =	ssyncset.done $0x0  }
0x290: {  	[sflag:s31] =	ssyncadd.s32 $0xFFFFC000  }
0x291: {  	_ =	swait.ge [sflag:s31], $0x4000  }
0x292: {  	[sflag:s31] =	ssyncset.done $0x0  }
0x293: {  	[sflag:s31] =	ssyncadd.s32 $0xFFFFC000  }
0x294: {  	_ =	swait.ge [sflag:s31], $0x4000  }
0x295: {  	[sflag:s31] =	ssyncset.done $0x0  }
0x296: {  	[sflag:s31] =	ssyncadd.s32 $0xFFFFC000  }
0x297: {  	_ =	swait.ge [sflag:s31], $0x4000  }
0x298: {  	[sflag:s31] =	ssyncset.done $0x0  }
0x299: {  	[sflag:s31] =	ssyncadd.s32 $0xFFFFC000  }
0x29a: {  	_ =	swait.ge [sflag:s31], $0x4000  }
0x29b: {  	[sflag:s31] =	ssyncset.done $0x0  }
0x29c: {  	[sflag:s31] =	ssyncadd.s32 $0xFFFFC000  }
0x29d: {  	_ =	swait.ge [sflag:s31], $0x4000  }
0x29e: {  	[sflag:s31] =	ssyncset.done $0x0  }
0x29f: {  	[sflag:s31] =	ssyncadd.s32 $0xFFFFC000  }
0x2a0: {  	_ =	swait.ge [sflag:s31], $0x4000  }
0x2a1: {  	[sflag:s31] =	ssyncset.done $0x0  }
0x2a2: {  	[sflag:s31] =	ssyncadd.s32 $0xFFFFC000  }
0x2a3: {  	_ =	swait.ge [sflag:s31], $0x4000  }
0x2a4: {  	[sflag:s31] =	ssyncset.done $0x0  }
0x2a5: {  	[sflag:s31] =	ssyncadd.s32 $0xFFFFC000  }
0x2a6: {  	_ =	swait.ge [sflag:s31], $0x4000  }
0x2a7: {  	[sflag:s31] =	ssyncset.done $0x0  }
0x2a8: {  	[sflag:s31] =	ssyncadd.s32 $0xFFFFC000  }
0x2a9: {  	_ =	swait.ge [sflag:s31], $0x4000  }
0x2aa: {  	[sflag:s31] =	ssyncset.done $0x0  }
0x2ab: {  	[sflag:s31] =	ssyncadd.s32 $0xFFFFC000  }
0x2ac: {  	_ =	swait.ge [sflag:s31], $0x4000  }
0x2ad: {  	[sflag:s31] =	ssyncset.done $0x0  }
0x2ae: {  	[sflag:s31] =	ssyncadd.s32 $0xFFFFC000  }
0x2af: {  	_ =	swait.ge [sflag:s31], $0x4000  }
0x2b0: {  	[sflag:s31] =	ssyncset.done $0x0  }
0x2b1: {  	[sflag:s31] =	ssyncadd.s32 $0xFFFFC000  }
0x2b2: {  	_ =	swait.ge [sflag:s31], $0x4000  }
0x2b3: {  	[sflag:s31] =	ssyncset.done $0x0  }
0x2b4: {  	s29 =	simm.s32 $0x0;
	[sflag:s31] =	ssyncadd.s32 $0xFFFFC000  }
0x2b5: {  	[hbm4b:s8+s29] =	stream.linear.scatter [tilespmem:s21], [sflag:$0x4], $0x8000, $0x38;
	[tilespmem:$0x1C400] =	vst v63  }
0x2b6: {  	_ =	swait.ge [sflag:s25], $0x8000  }
0x2b7: {  	[sflag:s25] =	ssyncset.done $0x0  }
0x2b8: {  	s30 =	simm.s32 $0x200;
	s29 =	simm.s32 $0x0;
	[sflag:s25] =	ssyncadd.s32 $0xFFFF8000  }
.LBB2_10:
0x2b9: {  	p0 =	sne.s32 s30, $0xFE00;
	[tilespmem:s29+$0x14470] =	vst v0  }
0x2ba: {  	[tilespmem:s29+$0x14400] =	vst v0  }
0x2bb: {  	[tilespmem:s29+$0x14410] =	vst v0  }
.Ltmp4:
0x2bc: {  	[tilespmem:s29+$0x14420] =	vst v0;
	(pc) =	sbr.rel @p0 .LBB2_10-.Ltmp4, $4  }
0x2bd: {  	[tilespmem:s29+$0x14430] =	vst v0  }
0x2be: {  	[tilespmem:s29+$0x14440] =	vst v0  }
0x2bf: {  	[tilespmem:s29+$0x14450] =	vst v0  }
0x2c0: {  	[tilespmem:s29+$0x14460] =	vst v0;
	s29 =	sshra.s32 s30, $0x2;
	s30 =	sadd.s32 $0x200, s30  }
0x2c1: {  	[tilespmem:s29+$0x14470] =	vst v0  }
0x2c2: {  	[tilespmem:s29+$0x14400] =	vst v0  }
0x2c3: {  	[tilespmem:s29+$0x14410] =	vst v0  }
0x2c4: {  	[tilespmem:s29+$0x14420] =	vst v0  }
0x2c5: {  	[tilespmem:s29+$0x14430] =	vst v0  }
0x2c6: {  	[tilespmem:s29+$0x14440] =	vst v0  }
0x2c7: {  	[tilespmem:s29+$0x14450] =	vst v0  }
0x2c8: {  	[tilespmem:s29+$0x14460] =	vst v0;
	s30 =	simm.s32 $0x600  }
0x2c9: {  	[tilespmem:s21], [sflag:$0x2] =	stream.indirect.gather.add.f32 [hbm:s2], $0x80, s30, s12, $0xb8;
	[tilespmem:$0x1C400] =	vst v63  }
0x2ca: {  	s30 =	simm.s32 $0xC80  }
0x2cb: {  	[tilespmem:s21], [sflag:$0x2] =	stream.indirect.gather.add.f32 [hbm:s2], $0x80, s30, s12, $0xb8;
	[tilespmem:$0x1C400] =	vst v63  }
0x2cc: {  	s30 =	simm.s32 $0x1300  }
0x2cd: {  	[tilespmem:s21], [sflag:$0x2] =	stream.indirect.gather.add.f32 [hbm:s2], $0x80, s30, s12, $0xb8;
	[tilespmem:$0x1C400] =	vst v63  }
0x2ce: {  	_ = 	snop  }
0x2cf: {  	[tilespmem:s21], [sflag:$0x2] =	stream.indirect.gather.add.f32 [hbm:s2], $0x80, s1, s12, $0xb8;
	[tilespmem:$0x1C400] =	vst v63  }
0x2d0: {  	_ = 	snop  }
0x2d1: {  	[tilespmem:s21], [sflag:$0x2] =	stream.indirect.gather.add.f32 [hbm:s2], $0x80, s14, s12, $0xb8;
	[tilespmem:$0x1C400] =	vst v63  }
0x2d2: {  	_ = 	snop  }
0x2d3: {  	[tilespmem:s21], [sflag:$0x2] =	stream.indirect.gather.add.f32 [hbm:s2], $0x80, s17, s12, $0xb8;
	[tilespmem:$0x1C400] =	vst v63  }
0x2d4: {  	_ = 	snop  }
0x2d5: {  	[tilespmem:s21], [sflag:$0x2] =	stream.indirect.gather.add.f32 [hbm:s2], $0x80, s18, s12, $0xb8;
	[tilespmem:$0x1C400] =	vst v63  }
0x2d6: {  	_ = 	snop  }
0x2d7: {  	[tilespmem:s21], [sflag:$0x2] =	stream.indirect.gather.add.f32 [hbm:s2], $0x80, s20, s12, $0xb8;
	[tilespmem:$0x1C400] =	vst v63  }
0x2d8: {  	_ = 	snop  }
0x2d9: {  	[tilespmem:s21], [sflag:$0x2] =	stream.indirect.gather.add.f32 [hbm:s2], $0x80, s22, s12, $0xb8;
	[tilespmem:$0x1C400] =	vst v63  }
0x2da: {  	_ = 	snop  }
0x2db: {  	[tilespmem:s21], [sflag:$0x2] =	stream.indirect.gather.add.f32 [hbm:s2], $0x80, s24, s12, $0xb8;
	[tilespmem:$0x1C400] =	vst v63  }
0x2dc: {  	_ =	swait.ge [sflag:s31], $0x4000  }
0x2dd: {  	[sflag:s31] =	ssyncset.done $0x0  }
0x2de: {  	[sflag:s31] =	ssyncadd.s32 $0xFFFFC000  }
0x2df: {  	_ =	swait.ge [sflag:s31], $0x4000  }
0x2e0: {  	[sflag:s31] =	ssyncset.done $0x0  }
0x2e1: {  	[sflag:s31] =	ssyncadd.s32 $0xFFFFC000  }
0x2e2: {  	_ =	swait.ge [sflag:s31], $0x4000  }
0x2e3: {  	[sflag:s31] =	ssyncset.done $0x0  }
0x2e4: {  	[sflag:s31] =	ssyncadd.s32 $0xFFFFC000  }
0x2e5: {  	_ =	swait.ge [sflag:s31], $0x4000  }
0x2e6: {  	[sflag:s31] =	ssyncset.done $0x0  }
0x2e7: {  	[sflag:s31] =	ssyncadd.s32 $0xFFFFC000  }
0x2e8: {  	_ =	swait.ge [sflag:s31], $0x4000  }
0x2e9: {  	[sflag:s31] =	ssyncset.done $0x0  }
0x2ea: {  	[sflag:s31] =	ssyncadd.s32 $0xFFFFC000  }
0x2eb: {  	_ =	swait.ge [sflag:s31], $0x4000  }
0x2ec: {  	[sflag:s31] =	ssyncset.done $0x0  }
0x2ed: {  	[sflag:s31] =	ssyncadd.s32 $0xFFFFC000  }
0x2ee: {  	_ =	swait.ge [sflag:s31], $0x4000  }
0x2ef: {  	[sflag:s31] =	ssyncset.done $0x0  }
0x2f0: {  	[sflag:s31] =	ssyncadd.s32 $0xFFFFC000  }
0x2f1: {  	_ =	swait.ge [sflag:s31], $0x4000  }
0x2f2: {  	[sflag:s31] =	ssyncset.done $0x0  }
0x2f3: {  	[sflag:s31] =	ssyncadd.s32 $0xFFFFC000  }
0x2f4: {  	_ =	swait.ge [sflag:s31], $0x4000  }
0x2f5: {  	[sflag:s31] =	ssyncset.done $0x0  }
0x2f6: {  	[sflag:s31] =	ssyncadd.s32 $0xFFFFC000  }
0x2f7: {  	_ =	swait.ge [sflag:s31], $0x4000  }
0x2f8: {  	[sflag:s31] =	ssyncset.done $0x0  }
0x2f9: {  	s26 =	sadd.s32 $0x1, s26;
	[sflag:s31] =	ssyncadd.s32 $0xFFFFC000  }
0x2fa: {  	[hbm4b:s9+s3] =	stream.linear.scatter [tilespmem:s21], [sflag:$0x4], $0x4000, $0x38;
	[tilespmem:$0x1C400] =	vst v63  }
0x2fb: {  	p0 =	sne.s32 s26, s10;
	_ =	swait.ge [sflag:s0], $0x10000  }
.Ltmp5:
0x2fc: {  	[sflag:s0] =	ssyncset.done $0x0;
	(pc) =	sbr.rel @p0 .LBB2_1-.Ltmp5, $4  }
0x2fd: {  	[sflag:s0] =	ssyncadd.s32 $0xFFFF0000  }
0x2fe: {  	_ =	swait.ge [sflag:s25], $0x4000  }
0x2ff: {  	[sflag:s25] =	ssyncset.done $0x0  }
0x300: {  	[sflag:s25] =	ssyncadd.s32 $0xFFFFC000  }
0x301: {  	_ =	sfence.sel $0x180000  }
0x302: {  	[bflag:$0x0] =	sbarrier.arrive $0xFFFF  }
0x303: {  	_ =	strace $0x90000047  }
0x304: {  	s0 =	stileid.u32;
	[bflag:$0x2] =	sbarrier.arrive $0xFFFF  }
0x305: {  	p0 =	sne.s32 s0, $0x0;
	s0 =	rddreg [dreg:$0x3]  }
0x306: {  	s0 =	sadd.s32 @!p0 $0x100000, s0  }
0x307: {  	[sflag:s0] =	ssyncadd.tile.s32 @!p0 $0x1;
	_ =	shalt  }
.Lfunc_end2:
_tile_overlayer_lowered:
.L_overlay_start_2:
0x308: {  	(tag) =	ssettag $0x2  }
0x309: {  	s0 =	rddreg [dreg:$0x0];
	s2 =	stileid.u32  }
0x30a: {  	s1 =	rddreg [dreg:$0x1];
	p0 =	sne.s32 s2, $0x0  }
0x30b: {  	s3 =	rddreg [dreg:$0x2];
	[bflag:$0x3] =	sbarrier.arrive $0xFFFF;
	s2 =	simm.s32 @!p0 $0x1C05  }
0x30c: {  	[timem:s3], [sflag:s2] =	dma.local @!p0 [hbm:s0], s1  }
0x30d: {  	s0 =	simm.s32 @!p0 $0x5  }
0x30e: {  	_ =	swait.ge @!p0 [sflag:s0], s1  }
0x30f: {  	s1 =	ssub.s32 @!p0 $0x0, s1;
	[sflag:s0] =	ssyncset.done @!p0 $0x0  }
0x310: {  	[sflag:s0] =	ssyncadd.s32 @!p0 s1  }
0x311: {  	[bflag:$0x3] =	sbarrier.arrive $0xFFFF  }
0x312: {  	_ =	shalt  }

// kernel: kernel.9.cloned.1.call-start
scs
__scs_entry_jumppad:
0x0: {  	(pc) =	sbr.rel $0x88, $3  }
0x1: {  	(tag) =	ssettag $0x0;
	lr =	simm.s32 $0x1  }
0x2: {  	[smem:$0x3F9A] =	sst lr;
	_ =	strace $0xD0000000  }
0x3: {  	_ = 	snop  }
0x4: {  	_ = 	snop  }
0x5: {  	_ = 	snop  }
0x6: {  	_ = 	snop  }
0x7: {  	_ = 	snop  }
__scs_overlays_trampoline_lowered:
0x8: {  	[smem:$0x3FA9] =	sst s0  }
0x9: {  	[smem:$0x3FAA] =	sst s1  }
0xa: {  	[smem:$0x3FAB] =	sst s2  }
0xb: {  	[smem:$0x3FAC] =	sst s3  }
0xc: {  	[smem:$0x3FAD] =	sst s4  }
0xd: {  	[smem:$0x3FAE] =	sst s5  }
0xe: {  	[smem:$0x3FAF] =	sst s6  }
0xf: {  	[smem:$0x3FB0] =	sst s7  }
0x10: {  	[smem:$0x3FB1] =	sst s8  }
0x11: {  	[smem:$0x3FB2] =	sst s9;
	s0 =	simm.s32 @!p0 $0x0  }
0x12: {  	s1 =	sld [smem:$0x3F98];
	s0 =	simm.s32 @p0 $0x1  }
0x13: {  	[smem:$0x3FB3] =	sst s0;
	s0 =	simm.s32 @!p1 $0x0  }
0x14: {  	s2 =	sld [smem:$0x3F97];
	s0 =	simm.s32 @p1 $0x1  }
0x15: {  	[smem:$0x3FB4] =	sst s0;
	s0 =	simm.s32 @!p2 $0x0  }
0x16: {  	s3 =	sld [smem:$0x3FDB];
	s0 =	simm.s32 @p2 $0x1  }
0x17: {  	s4 =	simm.s32 $0x1BF5;
	[smem:$0x3FB6] =	sst s0  }
0x18: {  	s0 =	sld [smem:$0x3F99];
	_ =	swait.ge [sflag:s4], $0x0  }
0x19: {  	s7 =	sld [smem:$0x3F9A]  }
0x1a: {  	s8 =	sadd.s32 $0xFFFFE003, lr  }
0x1b: {  	s9 =	sadd.s32 $0xFFFFFEF7, lr;
	s5 =	simm.s32 $0xFFFFFFFF;
	p2 =	slt.u32 s8, $0xFFFFF086  }
0x1c: {  	p1 =	slt.u32 s9, $0xF7A;
	s5 =	simm.s32 @!p2 $0x0  }
0x1d: {  	s5 =	simm.s32 @p1 $0x1;
	p0 =	seq.s32 s7, s2  }
0x1e: {  	s7 =	smul.u32 @!p0 $0xF7A, s2;
	p2 =	seq.s32 @!p0 s5, $0x0  }
0x1f: {  	s9 =	smul.u32 $0xF7A, s1;
	s8 =	simm.s32 @!p0 $0x1BF5;
	p2 =	por !p2, p0  }
0x20: {  	[sflag:s8] =	ssyncset.s32 @!p0 $0xFFFFF086;
	s6 =	sadd.s32 @!p0 s3, s7;
	s7 =	simm.s32 @!p0 $0x108  }
0x21: {  	s3 =	sadd.s32 s3, s9;
	s6 =	sadd.s32 @!p0 $0x88, s6;
	s7 =	simm.s32 @p2 $0x1082  }
0x22: {  	[simem:s7], [sflag:s8] =	dma.local @!p0 [hbm:s6], $0xF7A  }
0x23: {  	s9 =	sor.u32 $0xD0000000, s2;
	s6 =	simm.s32 $0x108;
	_ =	swait.ge @!p0 [sflag:s8], $0x0  }
0x24: {  	s3 =	sadd.s32 $0x88, s3;
	s6 =	simm.s32 @!p1 $0x1082;
	[sflag:s4] =	ssyncset.s32 $0xFFFFF086  }
0x25: {  	[simem:s6], [sflag:s4] =	dma.local [hbm:s3], $0xF7A  }
0x26: {  	[smem:$0x3F9A] =	sst s1;
	(tag) =	ssettag s2;
	_ =	strace s9  }
0x27: {  	s1 =	sld [smem:$0x3FAA]  }
0x28: {  	s2 =	sld [smem:$0x3FAB]  }
0x29: {  	s4 =	sld [smem:$0x3FAD]  }
0x2a: {  	p0 =	seq.s32 s5, $0x0;
	s5 =	sld [smem:$0x3FAE]  }
0x2b: {  	s6 =	sld [smem:$0x3FAF]  }
0x2c: {  	s7 =	sld [smem:$0x3FB0]  }
0x2d: {  	s3 =	simm.s32 $0x108;
	s8 =	sld [smem:$0x3FB1]  }
0x2e: {  	s3 =	simm.s32 @!p0 $0x1082;
	s9 =	sld [smem:$0x3FB2]  }
0x2f: {  	lr =	sadd.s32 s0, s3;
	s0 =	sld [smem:$0x3FA9]  }
0x30: {  	s3 =	sld [smem:$0x3FAC]  }
0x31: {  	[smem:$0x3FB5] =	sst s10  }
0x32: {  	s10 =	sld [smem:$0x3FB3];
	_ =	sdelay $0x3  }
0x33: {  	p0 =	seq.s32 s10, $0x1;
	s10 =	sld [smem:$0x3FB5];
	_ =	sdelay $0x3  }
0x34: {  	[smem:$0x3FB5] =	sst s10  }
0x35: {  	s10 =	sld [smem:$0x3FB4];
	_ =	sdelay $0x3  }
0x36: {  	p1 =	seq.s32 s10, $0x1;
	s10 =	sld [smem:$0x3FB5];
	_ =	sdelay $0x3  }
0x37: {  	[smem:$0x3FB5] =	sst s10  }
0x38: {  	s10 =	sld [smem:$0x3FB6]  }
0x39: {  	_ = 	snop;
	(pc) =	sbr.ind lr, $3  }
0x3a: {  	_ = 	snop  }
0x3b: {  	_ = 	snop  }
0x3c: {  	p2 =	seq.s32 s10, $0x1;
	s10 =	sld [smem:$0x3FB5]  }
0x3d: {  	_ =	shalt  }
0x3e: {  	_ =	shalt  }
0x3f: {  	_ =	shalt  }
0x40: {  	_ =	shalt  }
0x41: {  	_ =	shalt  }
0x42: {  	_ =	shalt  }
0x43: {  	_ =	shalt  }
0x44: {  	_ =	shalt  }
0x45: {  	_ =	shalt  }
0x46: {  	_ =	shalt  }
0x47: {  	_ =	shalt  }
0x48: {  	_ =	shalt  }
0x49: {  	_ =	shalt  }
0x4a: {  	_ =	shalt  }
0x4b: {  	_ =	shalt  }
0x4c: {  	_ =	shalt  }
0x4d: {  	_ =	shalt  }
0x4e: {  	_ =	shalt  }
0x4f: {  	_ =	shalt  }
0x50: {  	_ =	shalt  }
0x51: {  	_ =	shalt  }
0x52: {  	_ =	shalt  }
0x53: {  	_ =	shalt  }
0x54: {  	_ =	shalt  }
0x55: {  	_ =	shalt  }
0x56: {  	_ =	shalt  }
0x57: {  	_ =	shalt  }
0x58: {  	_ =	shalt  }
0x59: {  	_ =	shalt  }
0x5a: {  	_ =	shalt  }
0x5b: {  	_ =	shalt  }
0x5c: {  	_ =	shalt  }
0x5d: {  	_ =	shalt  }
0x5e: {  	_ =	shalt  }
0x5f: {  	_ =	shalt  }
0x60: {  	_ =	shalt  }
0x61: {  	_ =	shalt  }
0x62: {  	_ =	shalt  }
0x63: {  	_ =	shalt  }
0x64: {  	_ =	shalt  }
0x65: {  	_ =	shalt  }
0x66: {  	_ =	shalt  }
0x67: {  	_ =	shalt  }
0x68: {  	_ =	shalt  }
0x69: {  	_ =	shalt  }
0x6a: {  	_ =	shalt  }
0x6b: {  	_ =	shalt  }
0x6c: {  	_ =	shalt  }
0x6d: {  	_ =	shalt  }
0x6e: {  	_ =	shalt  }
0x6f: {  	_ =	shalt  }
0x70: {  	_ =	shalt  }
0x71: {  	_ =	shalt  }
0x72: {  	_ =	shalt  }
0x73: {  	_ =	shalt  }
0x74: {  	_ =	shalt  }
0x75: {  	_ =	shalt  }
0x76: {  	_ =	shalt  }
0x77: {  	_ =	shalt  }
0x78: {  	_ =	shalt  }
0x79: {  	_ =	shalt  }
0x7a: {  	_ =	shalt  }
0x7b: {  	_ =	shalt  }
0x7c: {  	_ =	shalt  }
0x7d: {  	_ =	shalt  }
0x7e: {  	_ =	shalt  }
0x7f: {  	_ =	shalt  }
0x80: {  	_ =	shalt  }
0x81: {  	_ =	shalt  }
0x82: {  	_ =	shalt  }
0x83: {  	_ =	shalt  }
0x84: {  	_ =	shalt  }
0x85: {  	_ =	shalt  }
0x86: {  	_ =	shalt  }
0x87: {  	_ =	shalt  }
.Lfunc_end0:
.L_simem_size_0:
called_computation.1_lowered:
.L_overlay_start_0:
0x88: {  	s2 =	sld [smem:$0x3FD9]  }
0x89: {  	s3 =	sld [smem:$0x3FFE];
	_ =	sdelay $0x1  }
0x8a: {  	s1 =	srdreg.scid  }
0x8b: {  	s0 =	sand.u32 $0x1, s1  }
0x8c: {  	s17 =	sshll.u32 s0, $0xA;
	s2 =	sadd.s32 s3, s2  }
0x8d: {  	s2 =	sadd.s32 s2, s17  }
0x8e: {  	[smem:$0x3FC1] =	sst s2  }
0x8f: {  	_ = 	snop  }
0x90: {  	s2 =	sld [smem:$0x3FD0];
	(tm) =	ssettm $0x1  }
0x91: {  	s18 =	sld [smem:$0x3FFB];
	_ =	sdelay $0x3  }
0x92: {  	_ =	strace s18  }
0x93: {  	s3 =	sld [smem:$0x3FFC];
	_ =	sdelay $0x3  }
0x94: {  	_ =	strace s3  }
0x95: {  	s3 =	sld [smem:$0x3FFD];
	_ =	sdelay $0x3  }
0x96: {  	_ =	strace s3  }
0x97: {  	_ =	strace $0x8FFFFFFF  }
0x98: {  	s19 =	sld [smem:$0x3FDB];
	_ =	sdelay $0x1  }
0x99: {  	s4 =	simm.s32 $_scs_section_size  }
0x9a: {  	s5 =	simm.s32 $_size__tile_overlayer_lowered;
	s6 =	simm.s32 $_tile_overlayer_lowered  }
0x9b: {  	s22 =	simm.s32 $0x1BFF;
	s21 =	sshll.u32 s6, $0x1;
	s3 =	sadd.s32 s4, s19  }
0x9c: {  	s7 =	simm.s32 $0x0;
	s20 =	sshll.u32 s5, $0x1;
	s5 =	sadd.s32 s21, s3  }
0x9d: {  	[timem:s7], [sflag:s22] =	dma.local [hbm:s5], s20  }
0x9e: {  	_ =	swait.ge [sflag:s22], s20  }
0x9f: {  	s4 =	ssub.s32 $0x0, s20;
	[sflag:s22] =	ssyncset.done $0x0  }
0xa0: {  	[sflag:s22] =	ssyncadd.s32 s4;
	_ =	sdelay $0x1  }
0xa1: {  	s23 =	simm.s32 $0x1B8B  }
0xa2: {  	_ =	swait.ge [sflag:s23], $0x1  }
0xa3: {  	[sflag:s23] =	ssyncset.done $0x0  }
0xa4: {  	s25 =	simm.s32 $0x1B8E;
	s24 =	sld [smem:$0x3FFE];
	[sflag:s23] =	ssyncadd.s32 $0xFFFFFFFF  }
0xa5: {  	s26 =	simm.s32 $execute0_lowered;
	[smem:$0x3FD2] =	sst s25  }
0xa6: {  	s5 =	sshll.u32 s26, $0x1;
	_ =	strace $0x80000049;
	[dreg:$0x1] =	wrdreg $0xFFFFFFFF  }
0xa7: {  	s28 =	simm.s32 $_size_execute0_lowered;
	s3 =	sadd.s32 s3, s5;
	[dreg:$0x0] =	wrdreg $0x0  }
0xa8: {  	s5 =	sshll.u32 s28, $0x1;
	[dreg:$0x2] =	wrdreg s3  }
0xa9: {  	[dreg:$0x3] =	wrdreg s5  }
0xaa: {  	[dreg:$0x4] =	wrdreg $0xC0  }
0xab: {  	_ =	task [dreg:s7], $0x5FFFF  }
0xac: {  	[dreg:$0x1] =	wrdreg $0xFFFFFFFF  }
0xad: {  	[dreg:$0x0] =	wrdreg $0x60  }
0xae: {  	[dreg:$0x2] =	wrdreg s24  }
0xaf: {  	[dreg:$0x3] =	wrdreg s2  }
0xb0: {  	[dreg:$0x4] =	wrdreg $0x9  }
0xb1: {  	_ =	task.clear_ibuf [dreg:s7], $0x5FFFF;
	_ =	strace $0x90000049  }
0xb2: {  	s29 =	simm.s32 $0x9;
	_ =	strace $0x8000004B  }
0xb3: {  	_ =	swait.ge [sflag:s29], $0x1  }
0xb4: {  	[sflag:s29] =	ssyncadd.s32 $0xFFFFFFFF  }
0xb5: {  	_ =	strace $0x9000004B  }
0xb6: {  	_ =	sfence  }
0xb7: {  	s30 =	sld [smem:$0x0];
	_ =	sdelay $0x2  }
0xb8: {  	s31 =	sshll.u32 s1, $0xD;
	s1 =	sshrl.u32 s1, $0x2  }
0xb9: {  	s3 =	sand.u32 $0x4000, s31;
	s1 =	sadd.s32 s1, s30  }
0xba: {  	s0 =	sor.u32 s3, s0;
	s1 =	sshll.u32 s1, $0x11  }
0xbb: {  	s0 =	sor.u32 s1, s0  }
0xbc: {  	s0 =	sadd.s32 $0x8F2B, s0  }
0xbd: {  	[sflag:s0] =	ssyncadd.remote.s32 $0x1  }
0xbe: {  	_ =	sfence.sel $0xFFFF  }
0xbf: {  	[dreg:$0x0] =	wrdreg $0xFFFFFFFF;
	(pc) =	sbr.abs _section_cstart, $3  }
0xc0: {  	[dreg:$0x1] =	wrdreg $0xFFFFFFFF  }
0xc1: {  	_ =	task.clear_ibuf [dreg:s7], $0x2FFFF;
	_ =	strace $0x9FFFFFFF  }
0xc2: {  	(tm) =	ssettm $0x7FFFFFFF  }
0xc3: {  	_ =	shalt  }
tec
execute0_lowered:
.L_overlay_start_1:
0x0: {  	(tag) =	ssettag $0x1  }
0x1: {  	s0 =	rddreg [dreg:$0x0]  }
0x2: {  	s2 =	rddreg [dreg:$0x1];
	s1 =	srdreg.scid  }
0x3: {  	s4 =	stileid.u32;
	s3 =	simm.s32 $0x0;
	s29 =	simm.s32 $0x5  }
0x4: {  	s12 =	simm.s32 $0x800;
	s17 =	simm.s32 $0x4800;
	s30 =	simm.s32 $0x100  }
0x5: {  	s18 =	simm.s32 $0x8800;
	s31 =	simm.s32 $0x180;
	s21 =	simm.s32 $0xC800  }
0x6: {  	s14 =	simm.s32 $0x1;
	s26 =	simm.s32 $0x200;
	s28 =	simm.s32 $0x280  }
0x7: {  	s13 =	simm.s32 $0x14800;
	s9 =	simm.s32 $0x2;
	s8 =	simm.s32 $0x3  }
0x8: {  	s22 =	simm.s32 $0x300;
	s23 =	simm.s32 $0x380;
	p0 =	por $0x0, $0x0  }
0x9: {  	s24 =	simm.s32 $0x400;
	s11 =	simm.s32 $0x4;
	s19 =	simm.s32 $0x500  }
0xa: {  	s20 =	simm.s32 $0x580;
	s1 =	sand.u32 $0x1, s1;
	s4 =	sshll.u32 s4, $0x1  }
0xb: {  	[smem:$0x7FF] =	sst s3;
	s4 =	sor.u32 s1, s4;
	s1 =	ssub.s32 $0x2, s1  }
0xc: {  	s15 =	simm.s32 $0x600;
	_ =	strace $0x8000004A;
	s7 =	sshrl.u32 s1, $0x1  }
0xd: {  	s5 =	sshll.u32 s4, $0x8;
	s6 =	smul.u32 $0x34000, s4;
	s1 =	ssub.s32 s1, s7  }
0xe: {  	s4 =	smul.u32 $0x6800, s4;
	s5 =	sadd.s32 s5, s0;
	s25 =	smax.u32 s1, $0x1  }
0xf: {  	s0 =	sadd.s32 $0x1400, s0;
	s7 =	simm.s32 $0x10800;
	p1 =	sne.s32 s25, $0x1  }
.Ltmp0:
0x10: {  	s5 =	sadd.s32 $0xD1400, s5;
	s6 =	sshrl.u32 s6, $0x3;
	(pc) =	sbr.rel @!p1 .LBB2_3-.Ltmp0, $4  }
0x11: {  	s4 =	sadd.s32 s0, s4;
	[dreg:$0x3] =	wrdreg s5;
	s0 =	sadd.s32 s0, s6  }
0x12: {  	[dreg:$0x4] =	wrdreg s4;
	s6 =	simm.s32 $0x80;
	s16 =	sadd.s32 $0x2000, s0  }
0x13: {  	s10 =	sadd.s32 $0x3000, s0;
	s5 =	sadd.s32 $0x5000, s0;
	s4 =	sadd.s32 $0x6000, s0  }
0x14: {  	s0 =	sadd.s32 $0xFFFFFFFF, s25;
	s25 =	simm.s32 $0x480;
	s1 =	rddreg [dreg:$0x3]  }
0x15: {  	[tilespmem:s3], [sflag:$0x5] =	stream.linear.gather [hbm4b:s1+s3], $0x680, $0x38;
	[tilespmem:$0x18800] =	vst v63  }
0x16: {  	_ =	swait.ge [sflag:s29], $0x680  }
0x17: {  	[sflag:s29] =	ssyncset.done $0x0  }
0x18: {  	[sflag:s29] =	ssyncadd.s32 $0xFFFFF980  }
0x19: {  	[tilespmem:s12], [sflag:$0x1] =	stream.indirect.gather [hbm4b:s2+s6], $0x80, s3, s6, $0xb8;
	[tilespmem:$0x18800] =	vst v63  }
0x1a: {  	_ = 	snop  }
0x1b: {  	[tilespmem:s17], [sflag:$0x1] =	stream.indirect.gather [hbm4b:s2+s6], $0x80, s6, s6, $0xb8;
	[tilespmem:$0x18800] =	vst v63  }
0x1c: {  	_ = 	snop  }
0x1d: {  	[tilespmem:s18], [sflag:$0x1] =	stream.indirect.gather [hbm4b:s2+s6], $0x80, s30, s6, $0xb8;
	[tilespmem:$0x18800] =	vst v63  }
0x1e: {  	_ = 	snop  }
0x1f: {  	[tilespmem:s21], [sflag:$0x1] =	stream.indirect.gather [hbm4b:s2+s6], $0x80, s31, s6, $0xb8;
	[tilespmem:$0x18800] =	vst v63  }
0x20: {  	_ =	swait.ge [sflag:s14], $0x4000  }
0x21: {  	[sflag:s14] =	ssyncset.done $0x0  }
0x22: {  	[sflag:s14] =	ssyncadd.s32 $0xFFFFC000  }
0x23: {  	_ =	swait.ge [sflag:s14], $0x4000  }
0x24: {  	[sflag:s14] =	ssyncset.done $0x0  }
0x25: {  	[sflag:s14] =	ssyncadd.s32 $0xFFFFC000  }
0x26: {  	_ =	swait.ge [sflag:s14], $0x4000  }
0x27: {  	[sflag:s14] =	ssyncset.done $0x0  }
0x28: {  	[sflag:s14] =	ssyncadd.s32 $0xFFFFC000  }
0x29: {  	_ =	swait.ge [sflag:s14], $0x4000  }
0x2a: {  	[sflag:s14] =	ssyncset.done $0x0  }
0x2b: {  	s1 =	rddreg [dreg:$0x4];
	[sflag:s14] =	ssyncadd.s32 $0xFFFFC000  }
0x2c: {  	[hbm4b:s1+s3] =	stream.linear.scatter [tilespmem:s12], [sflag:$0x3], $0x10000, $0x38;
	[tilespmem:$0x18800] =	vst v63  }
0x2d: {  	_ = 	snop  }
0x2e: {  	[tilespmem:s7], [sflag:$0x2] =	stream.indirect.gather [hbm4b:s2+s6], $0x80, s26, s6, $0xb8;
	[tilespmem:$0x18800] =	vst v63  }
0x2f: {  	_ = 	snop  }
0x30: {  	[tilespmem:s13], [sflag:$0x2] =	stream.indirect.gather [hbm4b:s2+s6], $0x80, s28, s6, $0xb8;
	[tilespmem:$0x18800] =	vst v63  }
0x31: {  	_ =	swait.ge [sflag:s9], $0x4000  }
0x32: {  	[sflag:s9] =	ssyncset.done $0x0  }
0x33: {  	[sflag:s9] =	ssyncadd.s32 $0xFFFFC000  }
0x34: {  	_ =	swait.ge [sflag:s9], $0x4000  }
0x35: {  	[sflag:s9] =	ssyncset.done $0x0  }
0x36: {  	[sflag:s9] =	ssyncadd.s32 $0xFFFFC000  }
0x37: {  	[hbm4b:s16+s3] =	stream.linear.scatter [tilespmem:s7], [sflag:$0x4], $0x8000, $0x38;
	[tilespmem:$0x18800] =	vst v63  }
0x38: {  	_ =	swait.ge [sflag:s8], $0x10000  }
0x39: {  	[sflag:s8] =	ssyncset.done $0x0  }
0x3a: {  	[sflag:s8] =	ssyncadd.s32 $0xFFFF0000  }
0x3b: {  	[tilespmem:s12], [sflag:$0x1] =	stream.indirect.gather [hbm4b:s2+s6], $0x80, s22, s6, $0xb8;
	[tilespmem:$0x18800] =	vst v63  }
0x3c: {  	_ = 	snop  }
0x3d: {  	[tilespmem:s17], [sflag:$0x1] =	stream.indirect.gather [hbm4b:s2+s6], $0x80, s23, s6, $0xb8;
	[tilespmem:$0x18800] =	vst v63  }
0x3e: {  	_ = 	snop  }
0x3f: {  	[tilespmem:s18], [sflag:$0x1] =	stream.indirect.gather [hbm4b:s2+s6], $0x80, s24, s6, $0xb8;
	[tilespmem:$0x18800] =	vst v63  }
0x40: {  	_ = 	snop  }
0x41: {  	[tilespmem:s21], [sflag:$0x1] =	stream.indirect.gather [hbm4b:s2+s6], $0x80, s25, s6, $0xb8;
	[tilespmem:$0x18800] =	vst v63  }
0x42: {  	_ =	swait.ge [sflag:s14], $0x4000  }
0x43: {  	[sflag:s14] =	ssyncset.done $0x0  }
0x44: {  	[sflag:s14] =	ssyncadd.s32 $0xFFFFC000  }
0x45: {  	_ =	swait.ge [sflag:s14], $0x4000  }
0x46: {  	[sflag:s14] =	ssyncset.done $0x0  }
0x47: {  	[sflag:s14] =	ssyncadd.s32 $0xFFFFC000  }
0x48: {  	_ =	swait.ge [sflag:s14], $0x4000  }
0x49: {  	[sflag:s14] =	ssyncset.done $0x0  }
0x4a: {  	[sflag:s14] =	ssyncadd.s32 $0xFFFFC000  }
0x4b: {  	_ =	swait.ge [sflag:s14], $0x4000  }
0x4c: {  	[sflag:s14] =	ssyncset.done $0x0  }
0x4d: {  	[sflag:s14] =	ssyncadd.s32 $0xFFFFC000  }
0x4e: {  	[hbm4b:s10+s3] =	stream.linear.scatter [tilespmem:s12], [sflag:$0x3], $0x10000, $0x38;
	[tilespmem:$0x18800] =	vst v63  }
0x4f: {  	_ =	swait.ge [sflag:s11], $0x8000  }
0x50: {  	[sflag:s11] =	ssyncset.done $0x0  }
0x51: {  	[sflag:s11] =	ssyncadd.s32 $0xFFFF8000  }
0x52: {  	[tilespmem:s7], [sflag:$0x2] =	stream.indirect.gather [hbm4b:s2+s6], $0x80, s19, s6, $0xb8;
	[tilespmem:$0x18800] =	vst v63  }
0x53: {  	_ = 	snop  }
0x54: {  	[tilespmem:s13], [sflag:$0x2] =	stream.indirect.gather [hbm4b:s2+s6], $0x80, s20, s6, $0xb8;
	[tilespmem:$0x18800] =	vst v63  }
0x55: {  	_ =	swait.ge [sflag:s9], $0x4000  }
0x56: {  	[sflag:s9] =	ssyncset.done $0x0  }
0x57: {  	[sflag:s9] =	ssyncadd.s32 $0xFFFFC000  }
0x58: {  	_ =	swait.ge [sflag:s9], $0x4000  }
0x59: {  	[sflag:s9] =	ssyncset.done $0x0  }
0x5a: {  	[sflag:s9] =	ssyncadd.s32 $0xFFFFC000  }
0x5b: {  	[hbm4b:s5+s3] =	stream.linear.scatter [tilespmem:s7], [sflag:$0x4], $0x8000, $0x38;
	[tilespmem:$0x18800] =	vst v63  }
0x5c: {  	_ =	swait.ge [sflag:s11], $0x8000  }
0x5d: {  	[sflag:s11] =	ssyncset.done $0x0  }
0x5e: {  	[sflag:s11] =	ssyncadd.s32 $0xFFFF8000  }
0x5f: {  	[tilespmem:s7], [sflag:$0x2] =	stream.indirect.gather [hbm4b:s2+s6], $0x80, s15, s6, $0xb8;
	[tilespmem:$0x18800] =	vst v63  }
0x60: {  	_ =	swait.ge [sflag:s9], $0x4000  }
0x61: {  	[sflag:s9] =	ssyncset.done $0x0  }
0x62: {  	p1 =	sne.s32 s0, $0x1;
	[sflag:s9] =	ssyncadd.s32 $0xFFFFC000  }
0x63: {  	[hbm4b:s4+s3] =	stream.linear.scatter [tilespmem:s7], [sflag:$0x4], $0x4000, $0x38;
	[tilespmem:$0x18800] =	vst v63  }
.Ltmp1:
0x64: {  	_ =	swait.ge [sflag:s8], $0x10000;
	(pc) =	sbr.rel @!p1 .LBB2_3-.Ltmp1, $4  }
0x65: {  	[sflag:s8] =	ssyncset.done $0x0  }
0x66: {  	[sflag:s8] =	ssyncadd.s32 $0xFFFF0000  }
0x67: {  	s0 =	sadd.s32 $0xFFFFFFFF, s0;
	_ =	swait.ge [sflag:s11], $0x4000  }
0x68: {  	p0 =	por $0x1, $0x1;
	s1 =	rddreg [dreg:$0x3];
	[sflag:s11] =	ssyncset.done $0x0  }
.LBB2_2:
0x69: {  	[sflag:s11] =	ssyncadd.s32 $0xFFFFC000  }
0x6a: {  	[tilespmem:s3], [sflag:$0x5] =	stream.linear.gather [hbm4b:s1+s3], $0x680, $0x38;
	[tilespmem:$0x18800] =	vst v63  }
0x6b: {  	_ =	swait.ge [sflag:s29], $0x680  }
0x6c: {  	[sflag:s29] =	ssyncset.done $0x0  }
0x6d: {  	[sflag:s29] =	ssyncadd.s32 $0xFFFFF980  }
0x6e: {  	[tilespmem:s12], [sflag:$0x1] =	stream.indirect.gather [hbm4b:s2+s6], $0x80, s3, s6, $0xb8;
	[tilespmem:$0x18800] =	vst v63  }
0x6f: {  	_ = 	snop  }
0x70: {  	[tilespmem:s17], [sflag:$0x1] =	stream.indirect.gather [hbm4b:s2+s6], $0x80, s6, s6, $0xb8;
	[tilespmem:$0x18800] =	vst v63  }
0x71: {  	_ = 	snop  }
0x72: {  	[tilespmem:s18], [sflag:$0x1] =	stream.indirect.gather [hbm4b:s2+s6], $0x80, s30, s6, $0xb8;
	[tilespmem:$0x18800] =	vst v63  }
0x73: {  	_ = 	snop  }
0x74: {  	[tilespmem:s21], [sflag:$0x1] =	stream.indirect.gather [hbm4b:s2+s6], $0x80, s31, s6, $0xb8;
	[tilespmem:$0x18800] =	vst v63  }
0x75: {  	_ =	swait.ge [sflag:s14], $0x4000  }
0x76: {  	[sflag:s14] =	ssyncset.done $0x0  }
0x77: {  	[sflag:s14] =	ssyncadd.s32 $0xFFFFC000  }
0x78: {  	_ =	swait.ge [sflag:s14], $0x4000  }
0x79: {  	[sflag:s14] =	ssyncset.done $0x0  }
0x7a: {  	[sflag:s14] =	ssyncadd.s32 $0xFFFFC000  }
0x7b: {  	_ =	swait.ge [sflag:s14], $0x4000  }
0x7c: {  	[sflag:s14] =	ssyncset.done $0x0  }
0x7d: {  	[sflag:s14] =	ssyncadd.s32 $0xFFFFC000  }
0x7e: {  	_ =	swait.ge [sflag:s14], $0x4000  }
0x7f: {  	[sflag:s14] =	ssyncset.done $0x0  }
0x80: {  	s1 =	rddreg [dreg:$0x4];
	[sflag:s14] =	ssyncadd.s32 $0xFFFFC000  }
0x81: {  	[hbm4b:s1+s3] =	stream.linear.scatter [tilespmem:s12], [sflag:$0x3], $0x10000, $0x38;
	[tilespmem:$0x18800] =	vst v63  }
0x82: {  	_ = 	snop  }
0x83: {  	[tilespmem:s7], [sflag:$0x2] =	stream.indirect.gather [hbm4b:s2+s6], $0x80, s26, s6, $0xb8;
	[tilespmem:$0x18800] =	vst v63  }
0x84: {  	_ = 	snop  }
0x85: {  	[tilespmem:s13], [sflag:$0x2] =	stream.indirect.gather [hbm4b:s2+s6], $0x80, s28, s6, $0xb8;
	[tilespmem:$0x18800] =	vst v63  }
0x86: {  	_ =	swait.ge [sflag:s9], $0x4000  }
0x87: {  	[sflag:s9] =	ssyncset.done $0x0  }
0x88: {  	[sflag:s9] =	ssyncadd.s32 $0xFFFFC000  }
0x89: {  	_ =	swait.ge [sflag:s9], $0x4000  }
0x8a: {  	[sflag:s9] =	ssyncset.done $0x0  }
0x8b: {  	[sflag:s9] =	ssyncadd.s32 $0xFFFFC000  }
0x8c: {  	[hbm4b:s16+s3] =	stream.linear.scatter [tilespmem:s7], [sflag:$0x4], $0x8000, $0x38;
	[tilespmem:$0x18800] =	vst v63  }
0x8d: {  	_ =	swait.ge [sflag:s8], $0x10000  }
0x8e: {  	[sflag:s8] =	ssyncset.done $0x0  }
0x8f: {  	[sflag:s8] =	ssyncadd.s32 $0xFFFF0000  }
0x90: {  	[tilespmem:s12], [sflag:$0x1] =	stream.indirect.gather [hbm4b:s2+s6], $0x80, s22, s6, $0xb8;
	[tilespmem:$0x18800] =	vst v63  }
0x91: {  	_ = 	snop  }
0x92: {  	[tilespmem:s17], [sflag:$0x1] =	stream.indirect.gather [hbm4b:s2+s6], $0x80, s23, s6, $0xb8;
	[tilespmem:$0x18800] =	vst v63  }
0x93: {  	_ = 	snop  }
0x94: {  	[tilespmem:s18], [sflag:$0x1] =	stream.indirect.gather [hbm4b:s2+s6], $0x80, s24, s6, $0xb8;
	[tilespmem:$0x18800] =	vst v63  }
0x95: {  	_ = 	snop  }
0x96: {  	[tilespmem:s21], [sflag:$0x1] =	stream.indirect.gather [hbm4b:s2+s6], $0x80, s25, s6, $0xb8;
	[tilespmem:$0x18800] =	vst v63  }
0x97: {  	_ =	swait.ge [sflag:s14], $0x4000  }
0x98: {  	[sflag:s14] =	ssyncset.done $0x0  }
0x99: {  	[sflag:s14] =	ssyncadd.s32 $0xFFFFC000  }
0x9a: {  	_ =	swait.ge [sflag:s14], $0x4000  }
0x9b: {  	[sflag:s14] =	ssyncset.done $0x0  }
0x9c: {  	[sflag:s14] =	ssyncadd.s32 $0xFFFFC000  }
0x9d: {  	_ =	swait.ge [sflag:s14], $0x4000  }
0x9e: {  	[sflag:s14] =	ssyncset.done $0x0  }
0x9f: {  	[sflag:s14] =	ssyncadd.s32 $0xFFFFC000  }
0xa0: {  	_ =	swait.ge [sflag:s14], $0x4000  }
0xa1: {  	[sflag:s14] =	ssyncset.done $0x0  }
0xa2: {  	[sflag:s14] =	ssyncadd.s32 $0xFFFFC000  }
0xa3: {  	[hbm4b:s10+s3] =	stream.linear.scatter [tilespmem:s12], [sflag:$0x3], $0x10000, $0x38;
	[tilespmem:$0x18800] =	vst v63  }
0xa4: {  	_ =	swait.ge [sflag:s11], $0x8000  }
0xa5: {  	[sflag:s11] =	ssyncset.done $0x0  }
0xa6: {  	[sflag:s11] =	ssyncadd.s32 $0xFFFF8000  }
0xa7: {  	[tilespmem:s7], [sflag:$0x2] =	stream.indirect.gather [hbm4b:s2+s6], $0x80, s19, s6, $0xb8;
	[tilespmem:$0x18800] =	vst v63  }
0xa8: {  	_ = 	snop  }
0xa9: {  	[tilespmem:s13], [sflag:$0x2] =	stream.indirect.gather [hbm4b:s2+s6], $0x80, s20, s6, $0xb8;
	[tilespmem:$0x18800] =	vst v63  }
0xaa: {  	_ =	swait.ge [sflag:s9], $0x4000  }
0xab: {  	[sflag:s9] =	ssyncset.done $0x0  }
0xac: {  	[sflag:s9] =	ssyncadd.s32 $0xFFFFC000  }
0xad: {  	_ =	swait.ge [sflag:s9], $0x4000  }
0xae: {  	[sflag:s9] =	ssyncset.done $0x0  }
0xaf: {  	[sflag:s9] =	ssyncadd.s32 $0xFFFFC000  }
0xb0: {  	[hbm4b:s5+s3] =	stream.linear.scatter [tilespmem:s7], [sflag:$0x4], $0x8000, $0x38;
	[tilespmem:$0x18800] =	vst v63  }
0xb1: {  	_ =	swait.ge [sflag:s11], $0x8000  }
0xb2: {  	[sflag:s11] =	ssyncset.done $0x0  }
0xb3: {  	[sflag:s11] =	ssyncadd.s32 $0xFFFF8000  }
0xb4: {  	[tilespmem:s7], [sflag:$0x2] =	stream.indirect.gather [hbm4b:s2+s6], $0x80, s15, s6, $0xb8;
	[tilespmem:$0x18800] =	vst v63  }
0xb5: {  	_ =	swait.ge [sflag:s9], $0x4000  }
0xb6: {  	[sflag:s9] =	ssyncset.done $0x0  }
0xb7: {  	p1 =	sne.s32 s0, $0x1;
	[sflag:s9] =	ssyncadd.s32 $0xFFFFC000  }
0xb8: {  	[hbm4b:s4+s3] =	stream.linear.scatter [tilespmem:s7], [sflag:$0x4], $0x4000, $0x38;
	[tilespmem:$0x18800] =	vst v63  }
.Ltmp2:
0xb9: {  	_ =	swait.ge [sflag:s8], $0x10000;
	(pc) =	sbr.rel @p1 .LBB2_2-.Ltmp2, $4  }
0xba: {  	[sflag:s8] =	ssyncset.done $0x0  }
0xbb: {  	[sflag:s8] =	ssyncadd.s32 $0xFFFF0000  }
0xbc: {  	_ =	swait.ge [sflag:s11], $0x4000  }
0xbd: {  	s0 =	sadd.s32 $0xFFFFFFFF, s0;
	s1 =	rddreg [dreg:$0x3];
	[sflag:s11] =	ssyncset.done $0x0  }
.LBB2_3:
0xbe: {  	[sflag:s11] =	ssyncadd.s32 @p0 $0xFFFFC000  }
0xbf: {  	[tilespmem:s3], [sflag:$0x5] =	stream.linear.gather [hbm4b:s1+s3], $0x680, $0x38;
	[tilespmem:$0x18800] =	vst v63  }
0xc0: {  	_ =	swait.ge [sflag:s29], $0x680  }
0xc1: {  	[sflag:s29] =	ssyncset.done $0x0  }
0xc2: {  	[sflag:s29] =	ssyncadd.s32 $0xFFFFF980  }
0xc3: {  	[tilespmem:s12], [sflag:$0x1] =	stream.indirect.gather [hbm4b:s2+s6], $0x80, s3, s6, $0xb8;
	[tilespmem:$0x18800] =	vst v63  }
0xc4: {  	_ = 	snop  }
0xc5: {  	[tilespmem:s17], [sflag:$0x1] =	stream.indirect.gather [hbm4b:s2+s6], $0x80, s6, s6, $0xb8;
	[tilespmem:$0x18800] =	vst v63  }
0xc6: {  	_ = 	snop  }
0xc7: {  	[tilespmem:s18], [sflag:$0x1] =	stream.indirect.gather [hbm4b:s2+s6], $0x80, s30, s6, $0xb8;
	[tilespmem:$0x18800] =	vst v63  }
0xc8: {  	_ = 	snop  }
0xc9: {  	[tilespmem:s21], [sflag:$0x1] =	stream.indirect.gather [hbm4b:s2+s6], $0x80, s31, s6, $0xb8;
	[tilespmem:$0x18800] =	vst v63  }
0xca: {  	_ =	swait.ge [sflag:s14], $0x4000  }
0xcb: {  	[sflag:s14] =	ssyncset.done $0x0  }
0xcc: {  	[sflag:s14] =	ssyncadd.s32 $0xFFFFC000  }
0xcd: {  	_ =	swait.ge [sflag:s14], $0x4000  }
0xce: {  	[sflag:s14] =	ssyncset.done $0x0  }
0xcf: {  	[sflag:s14] =	ssyncadd.s32 $0xFFFFC000  }
0xd0: {  	_ =	swait.ge [sflag:s14], $0x4000  }
0xd1: {  	[sflag:s14] =	ssyncset.done $0x0  }
0xd2: {  	[sflag:s14] =	ssyncadd.s32 $0xFFFFC000  }
0xd3: {  	_ =	swait.ge [sflag:s14], $0x4000  }
0xd4: {  	[sflag:s14] =	ssyncset.done $0x0  }
0xd5: {  	s0 =	rddreg [dreg:$0x4];
	[sflag:s14] =	ssyncadd.s32 $0xFFFFC000  }
0xd6: {  	[hbm4b:s0+s3] =	stream.linear.scatter [tilespmem:s12], [sflag:$0x3], $0x10000, $0x38;
	[tilespmem:$0x18800] =	vst v63  }
0xd7: {  	_ = 	snop  }
0xd8: {  	[tilespmem:s7], [sflag:$0x2] =	stream.indirect.gather [hbm4b:s2+s6], $0x80, s26, s6, $0xb8;
	[tilespmem:$0x18800] =	vst v63  }
0xd9: {  	_ = 	snop  }
0xda: {  	[tilespmem:s13], [sflag:$0x2] =	stream.indirect.gather [hbm4b:s2+s6], $0x80, s28, s6, $0xb8;
	[tilespmem:$0x18800] =	vst v63  }
0xdb: {  	_ =	swait.ge [sflag:s9], $0x4000  }
0xdc: {  	[sflag:s9] =	ssyncset.done $0x0  }
0xdd: {  	[sflag:s9] =	ssyncadd.s32 $0xFFFFC000  }
0xde: {  	_ =	swait.ge [sflag:s9], $0x4000  }
0xdf: {  	[sflag:s9] =	ssyncset.done $0x0  }
0xe0: {  	[sflag:s9] =	ssyncadd.s32 $0xFFFFC000  }
0xe1: {  	[hbm4b:s16+s3] =	stream.linear.scatter [tilespmem:s7], [sflag:$0x4], $0x8000, $0x38;
	[tilespmem:$0x18800] =	vst v63  }
0xe2: {  	_ =	swait.ge [sflag:s8], $0x10000  }
0xe3: {  	[sflag:s8] =	ssyncset.done $0x0  }
0xe4: {  	[sflag:s8] =	ssyncadd.s32 $0xFFFF0000  }
0xe5: {  	[tilespmem:s12], [sflag:$0x1] =	stream.indirect.gather [hbm4b:s2+s6], $0x80, s22, s6, $0xb8;
	[tilespmem:$0x18800] =	vst v63  }
0xe6: {  	_ = 	snop  }
0xe7: {  	[tilespmem:s17], [sflag:$0x1] =	stream.indirect.gather [hbm4b:s2+s6], $0x80, s23, s6, $0xb8;
	[tilespmem:$0x18800] =	vst v63  }
0xe8: {  	_ = 	snop  }
0xe9: {  	[tilespmem:s18], [sflag:$0x1] =	stream.indirect.gather [hbm4b:s2+s6], $0x80, s24, s6, $0xb8;
	[tilespmem:$0x18800] =	vst v63  }
0xea: {  	_ = 	snop  }
0xeb: {  	[tilespmem:s21], [sflag:$0x1] =	stream.indirect.gather [hbm4b:s2+s6], $0x80, s25, s6, $0xb8;
	[tilespmem:$0x18800] =	vst v63  }
0xec: {  	_ =	swait.ge [sflag:s14], $0x4000  }
0xed: {  	[sflag:s14] =	ssyncset.done $0x0  }
0xee: {  	[sflag:s14] =	ssyncadd.s32 $0xFFFFC000  }
0xef: {  	_ =	swait.ge [sflag:s14], $0x4000  }
0xf0: {  	[sflag:s14] =	ssyncset.done $0x0  }
0xf1: {  	[sflag:s14] =	ssyncadd.s32 $0xFFFFC000  }
0xf2: {  	_ =	swait.ge [sflag:s14], $0x4000  }
0xf3: {  	[sflag:s14] =	ssyncset.done $0x0  }
0xf4: {  	[sflag:s14] =	ssyncadd.s32 $0xFFFFC000  }
0xf5: {  	_ =	swait.ge [sflag:s14], $0x4000  }
0xf6: {  	[sflag:s14] =	ssyncset.done $0x0  }
0xf7: {  	[sflag:s14] =	ssyncadd.s32 $0xFFFFC000  }
0xf8: {  	[hbm4b:s10+s3] =	stream.linear.scatter [tilespmem:s12], [sflag:$0x3], $0x10000, $0x38;
	[tilespmem:$0x18800] =	vst v63  }
0xf9: {  	_ =	swait.ge [sflag:s11], $0x8000  }
0xfa: {  	[sflag:s11] =	ssyncset.done $0x0  }
0xfb: {  	[sflag:s11] =	ssyncadd.s32 $0xFFFF8000  }
0xfc: {  	[tilespmem:s7], [sflag:$0x2] =	stream.indirect.gather [hbm4b:s2+s6], $0x80, s19, s6, $0xb8;
	[tilespmem:$0x18800] =	vst v63  }
0xfd: {  	_ = 	snop  }
0xfe: {  	[tilespmem:s13], [sflag:$0x2] =	stream.indirect.gather [hbm4b:s2+s6], $0x80, s20, s6, $0xb8;
	[tilespmem:$0x18800] =	vst v63  }
0xff: {  	_ =	swait.ge [sflag:s9], $0x4000  }
0x100: {  	[sflag:s9] =	ssyncset.done $0x0  }
0x101: {  	[sflag:s9] =	ssyncadd.s32 $0xFFFFC000  }
0x102: {  	_ =	swait.ge [sflag:s9], $0x4000  }
0x103: {  	[sflag:s9] =	ssyncset.done $0x0  }
0x104: {  	[sflag:s9] =	ssyncadd.s32 $0xFFFFC000  }
0x105: {  	[hbm4b:s5+s3] =	stream.linear.scatter [tilespmem:s7], [sflag:$0x4], $0x8000, $0x38;
	[tilespmem:$0x18800] =	vst v63  }
0x106: {  	_ =	swait.ge [sflag:s11], $0x8000  }
0x107: {  	[sflag:s11] =	ssyncset.done $0x0  }
0x108: {  	[sflag:s11] =	ssyncadd.s32 $0xFFFF8000  }
0x109: {  	[tilespmem:s7], [sflag:$0x2] =	stream.indirect.gather [hbm4b:s2+s6], $0x80, s15, s6, $0xb8;
	[tilespmem:$0x18800] =	vst v63  }
0x10a: {  	_ =	swait.ge [sflag:s9], $0x4000  }
0x10b: {  	[sflag:s9] =	ssyncset.done $0x0  }
0x10c: {  	[sflag:s9] =	ssyncadd.s32 $0xFFFFC000  }
0x10d: {  	[hbm4b:s4+s3] =	stream.linear.scatter [tilespmem:s7], [sflag:$0x4], $0x4000, $0x38;
	[tilespmem:$0x18800] =	vst v63  }
0x10e: {  	_ =	swait.ge [sflag:s8], $0x10000  }
0x10f: {  	[sflag:s8] =	ssyncset.done $0x0  }
0x110: {  	[sflag:s8] =	ssyncadd.s32 $0xFFFF0000  }
0x111: {  	_ =	swait.ge [sflag:s11], $0x4000  }
0x112: {  	[sflag:s11] =	ssyncset.done $0x0  }
0x113: {  	[sflag:s11] =	ssyncadd.s32 $0xFFFFC000  }
0x114: {  	_ =	sfence.sel $0x180000  }
0x115: {  	[bflag:$0x0] =	sbarrier.arrive $0xFFFF  }
0x116: {  	_ =	strace $0x9000004A  }
0x117: {  	s31 =	stileid.u32;
	[bflag:$0x2] =	sbarrier.arrive $0xFFFF  }
0x118: {  	p0 =	sne.s32 s31, $0x0;
	s0 =	rddreg [dreg:$0x2]  }
0x119: {  	s0 =	sadd.s32 @!p0 $0x100000, s0  }
0x11a: {  	[sflag:s0] =	ssyncadd.tile.s32 @!p0 $0x1;
	_ =	shalt  }
.Lfunc_end2:
_tile_overlayer_lowered:
.L_overlay_start_2:
0x11b: {  	(tag) =	ssettag $0x2  }
0x11c: {  	s0 =	rddreg [dreg:$0x0];
	s2 =	stileid.u32  }
0x11d: {  	s1 =	rddreg [dreg:$0x1];
	p0 =	sne.s32 s2, $0x0  }
0x11e: {  	s3 =	rddreg [dreg:$0x2];
	[bflag:$0x3] =	sbarrier.arrive $0xFFFF;
	s2 =	simm.s32 @!p0 $0x1C05  }
0x11f: {  	[timem:s3], [sflag:s2] =	dma.local @!p0 [hbm:s0], s1  }
0x120: {  	s0 =	simm.s32 @!p0 $0x5  }
0x121: {  	_ =	swait.ge @!p0 [sflag:s0], s1  }
0x122: {  	s1 =	ssub.s32 @!p0 $0x0, s1;
	[sflag:s0] =	ssyncset.done @!p0 $0x0  }
0x123: {  	[sflag:s0] =	ssyncadd.s32 @!p0 s1  }
0x124: {  	[bflag:$0x3] =	sbarrier.arrive $0xFFFF  }
0x125: {  	_ =	shalt  }

</sc_bundles>
